<compile_context>
chip_gen: v7x
topology: tpu7x:2x2x1
jax: 0.10.2.dev20260603
libtpu: 0.0.44.dev20260713+nightly
codegen_flags: <defaults>
</compile_context>

<pallas_src>
import jax
import jax.numpy as jnp
from jax import lax
from jax.experimental import pallas as pl
from jax.experimental.pallas import tpu as pltpu
from jax.experimental.pallas import tpu_sc as plsc

NC = 2
NS = 16
NW = NC * NS

ROWS, COLS = 16384, 200
EMBED = 32
B = ROWS * COLS
B_PER_W = B // NW
CHUNK = 512
STEPS = B_PER_W // CHUNK
NBUF = 4
CPR = ROWS // CHUNK

BW = ROWS // NW
QW = BW // 4


VPAD = 1000064
NBLK = VPAD // 128
BLK_PER_W = 245


def _table_kernel(tabt_hbm, out_hbm, in_t, out_t, sem_l, sem_w):
    wid = lax.axis_index("s") * NC + lax.axis_index("c")
    lanes = jnp.arange(16, dtype=jnp.int32)
    lo = wid * BLK_PER_W
    hi = jnp.minimum(lo + BLK_PER_W, NBLK)
    nk = hi - lo
    nk2 = (nk // 2) * 2

    def base(k):
        return jnp.minimum(128 * k, 999936)

    def load(k, b):
        return pltpu.make_async_copy(
            tabt_hbm.at[:, pl.ds(pl.multiple_of(base(k), 128), 128)],
            in_t.at[b], sem_l.at[b])

    def wb(k, b):
        return pltpu.make_async_copy(
            out_t.at[b],
            out_hbm.at[pl.ds(pl.multiple_of(base(k) // 4, 32), 32), :],
            sem_w.at[b])

    def transpose(b):
        for f0 in (0, 16):
            @pl.loop(0, 16)
            def _d(d):
                f = f0 + ((lanes + d) & 15)

                @plsc.parallel_loop(0, 128, 16, unroll=8)
                def _e(e0):
                    ev = e0 + lanes
                    v = plsc.load_gather(in_t.at[b], [f, ev])
                    flat = ev * 32 + f
                    plsc.store_scatter(
                        out_t.at[b], [flat >> 7, flat & 127], v)

    load(lo, 0).start()
    load(lo + 1, 1).start()

    @pl.loop(0, nk2, step=2)
    def _outer(g):
        for b in range(2):
            i = g + b

            @pl.when(i < nk)
            def _work():
                k = lo + i
                load(k, b).wait()

                @pl.when(i >= 2)
                def _drain():
                    wb(k - 2, b).wait()

                transpose(b)
                nxt = i + 2

                @pl.when(nxt < nk)
                def _next():
                    load(lo + nxt, b).start()
                wb(k, b).start()

    @pl.when(nk2 < nk)
    def _tail():
        k = lo + nk2
        load(k, 0).wait()
        wb(k - 2, 0).wait()
        transpose(0)
        wb(k, 0).start()

    for b in range(2):
        wb(lo, b).wait()


def _gather_kernel(idx_hbm, table_hbm, out_hbm, idx_v, rows_v,
                   sem_i, sem_g, sem_w):
    wid = lax.axis_index("s") * NC + lax.axis_index("c")
    base = wid * B_PER_W

    def idx_copy(i, b):
        c = wid * STEPS + i
        return pltpu.make_async_copy(
            idx_hbm.at[c // CPR, pl.ds((c % CPR) * CHUNK, CHUNK)],
            idx_v.at[b], sem_i.at[b])

    def gather(b):
        return pltpu.make_async_copy(
            table_hbm.at[idx_v.at[b]], rows_v.at[b], sem_g.at[b])

    def writeback(i, b):
        return pltpu.make_async_copy(
            rows_v.at[b], out_hbm.at[pl.ds(base + i * CHUNK, CHUNK)],
            sem_w.at[b])

    for b in range(NBUF):
        idx_copy(b, b).start()
    for b in range(NBUF):
        idx_copy(b, b).wait()
        gather(b).start()

    @pl.loop(0, STEPS, step=NBUF)
    def _outer(g):
        for b in range(NBUF):
            i = g + b
            gather(b).wait()
            writeback(i, b).start()
            j = i + NBUF

            @pl.when(j < STEPS)
            def _refill():
                idx_copy(j, b).start()
                idx_copy(j, b).wait()
                writeback(i, b).wait()
                gather(b).start()

    for b in range(NBUF):
        writeback(STEPS - NBUF + b, b).wait()


def _transpose_kernel(inter_hbm, out_hbm, in_v, t_v, sem_l, sem_w):
    wid = lax.axis_index("s") * NC + lax.axis_index("c")
    lanes = jnp.arange(16, dtype=jnp.int32)

    def load(s, b):
        return pltpu.make_async_copy(
            inter_hbm.at[pl.ds(s * (ROWS // 4) + wid * QW, QW), :],
            in_v.at[b], sem_l.at[b])

    def wb(s, b, fb):
        return pltpu.make_async_copy(
            t_v.at[b, fb],
            out_hbm.at[s, pl.ds(8 * fb, 8), pl.ds(wid * BW, BW)],
            sem_w.at[b])

    def transpose(b):
        in2 = in_v.at[b]
        t2 = t_v.at[b].reshape(EMBED, BW)
        rowl = lanes >> 2
        for f0 in (0, 16):
            @pl.loop(0, 16)
            def _d(d):
                f = f0 + ((lanes + d) & 15)
                col = (lanes & 3) * 32 + f

                @plsc.parallel_loop(0, BW, 16, unroll=8)
                def _j(j0):
                    v = plsc.load_gather(in2, [rowl + (j0 >> 2), col])
                    plsc.store_scatter(t2, [f, j0 + lanes], v)

    load(0, 0).start()
    load(1, 1).start()

    @pl.loop(0, COLS, step=2)
    def _outer(g):
        for b in range(2):
            s = g + b
            load(s, b).wait()

            @pl.when(s >= 2)
            def _drain():
                for fb in range(4):
                    wb(s - 2, b, fb).wait()

            transpose(b)

            @pl.when(s + 2 < COLS)
            def _next():
                load(s + 2, b).start()
            for fb in range(4):
                wb(s, b, fb).start()

    for b in range(2):
        for fb in range(4):
            wb(COLS - 2 + b, b, fb).wait()


@jax.jit
def _embed(idx_t, table):
    table_lin = pl.kernel(
        _table_kernel,
        out_type=jax.ShapeDtypeStruct((VPAD // 4, 128), jnp.float32),
        mesh=plsc.VectorSubcoreMesh(
            core_axis_name="c", subcore_axis_name="s", num_cores=NC,
            num_subcores=NS,
        ),
        scratch_types=[
            pltpu.VMEM((2, EMBED, 128), jnp.float32),
            pltpu.VMEM((2, EMBED, 128), jnp.float32),
            pltpu.SemaphoreType.DMA((2,)),
            pltpu.SemaphoreType.DMA((2,)),
        ],
        compiler_params=pltpu.CompilerParams(
            use_tc_tiling_on_sc=True, needs_layout_passes=False,
            disable_bounds_checks=True),
    )(jnp.swapaxes(table, 0, 1))

    inter = pl.kernel(
        _gather_kernel,
        out_type=jax.ShapeDtypeStruct((B, EMBED), jnp.float32),
        mesh=plsc.VectorSubcoreMesh(
            core_axis_name="c", subcore_axis_name="s", num_cores=NC,
            num_subcores=NS,
        ),
        scratch_types=[
            pltpu.VMEM((NBUF, CHUNK), jnp.int32),
            pltpu.VMEM((NBUF, CHUNK, EMBED), jnp.float32),
            pltpu.SemaphoreType.DMA((NBUF,)),
            pltpu.SemaphoreType.DMA((NBUF,)),
            pltpu.SemaphoreType.DMA((NBUF,)),
        ],
        compiler_params=pltpu.CompilerParams(use_tc_tiling_on_sc=False),
    )(idx_t, table_lin.reshape(VPAD, EMBED))

    raw = pl.kernel(
        _transpose_kernel,
        out_type=jax.ShapeDtypeStruct((COLS, EMBED, ROWS), jnp.float32),
        mesh=plsc.VectorSubcoreMesh(
            core_axis_name="c", subcore_axis_name="s", num_cores=NC,
            num_subcores=NS,
        ),
        scratch_types=[
            pltpu.VMEM((2, QW, 128), jnp.float32),
            pltpu.VMEM((2, 4, 8, BW), jnp.float32),
            pltpu.SemaphoreType.DMA((2,)),
            pltpu.SemaphoreType.DMA((2,)),
        ],
        compiler_params=pltpu.CompilerParams(
            use_tc_tiling_on_sc=True, needs_layout_passes=False),
    )(inter.reshape(B // 4, 128))
    return raw


def kernel(id, table):
    idx_t = id.T.astype(jnp.int32)
    raw = _embed(idx_t, table)
    return jnp.transpose(raw, (2, 0, 1))

# --- scband reference (transcript-rebuilt; emitter-appended) ---
"""Pipeline reference for scband-embedding-net-38740605009950 (READ-ONLY COPY).

The authoritative reference and input builder live on the scoring server;
editing this copy changes nothing except your own understanding.
"""

import jax, jax.numpy as jnp
import numpy as np

VOCAB = 1000000  # consensus_builder_dim + 1
EMBED_DIM = 32   # consensus_builder_embedding_dim


def setup_inputs(seed: int = 0) -> dict:
    key = jax.random.key(seed)
    k_idx, k_tab = jax.random.split(key)
    idx = jax.random.randint(k_idx, (16384, 200), 0, VOCAB, dtype=jnp.int64 if jax.config.jax_enable_x64 else jnp.int32)
    table = jax.random.normal(k_tab, (VOCAB, EMBED_DIM), dtype=jnp.float32)
    return {"id": idx, "table": table}


def reference(id, table):
    # nn.Embedding forward: row gather from the embedding table
    return jnp.take(table, id, axis=0)

if __name__ == "__main__":
    import jax
    _d = setup_inputs()
    print(jax.jit(kernel)(*tuple(_d.values())))

</pallas_src>

<mosaic_0001>
#map = affine_map<(d0, d1) -> (0, 0)>
module attributes {stable_mosaic.version = 14 : i64} {
  func.func @_gather_kernel(%arg0: i32, %arg1: i32, %arg2: memref<200x16384xi32, #tpu.memory_space<hbm>>, %arg3: memref<1000064x32xf32, #tpu.memory_space<hbm>>, %arg4: memref<3276800x32xf32, #tpu.memory_space<hbm>>, %arg5: memref<4x512xi32, #tpu.memory_space<vmem>>, %arg6: memref<4x512x32xf32, #tpu.memory_space<vmem>>, %arg7: memref<4x!tpu.dma_semaphore, #tpu.memory_space<semaphore_mem>>, %arg8: memref<4x!tpu.dma_semaphore, #tpu.memory_space<semaphore_mem>>, %arg9: memref<4x!tpu.dma_semaphore, #tpu.memory_space<semaphore_mem>>) attributes {dimension_semantics = [#tpu.dimension_semantics<core_parallel>, #tpu.dimension_semantics<subcore_parallel>], iteration_bounds = array<i64: 2, 16>, scalar_prefetch = 0 : i64, scratch_operands = 5 : i64, tpu.core_type = #tpu.core_type<sc_vector_subcore>, window_params = [{transform_indices = #map}, {transform_indices = #map}, {transform_indices = #map}]} {
    %mul3A = arith.constant 2 : i32
    %mul3A_0 = arith.muli %arg1, %mul3A : i32
    %add3A = arith.addi %mul3A_0, %arg0 : i32
    %mul3A_1 = arith.constant 102400 : i32
    %mul3A_2 = arith.muli %add3A, %mul3A_1 : i32
    %mul3A_3 = arith.constant 200 : i32
    %mul3A_4 = arith.muli %add3A, %mul3A_3 : i32
    %add3A_5 = arith.constant 0 : i32
    %add3A_6 = arith.addi %mul3A_4, %add3A_5 : i32
    %jit3A = arith.constant 32 : i32
    %div3A = arith.divsi %add3A_6, %jit3A : i32
    %sign3A = arith.constant 0 : i32
    %sign3A_7 = arith.cmpi sgt, %add3A_6, %sign3A : i32
    %sign3A_8 = arith.extui %sign3A_7 : i1 to i32
    %sign3A_9 = arith.constant 0 : i32
    %sign3A_10 = arith.cmpi slt, %add3A_6, %sign3A_9 : i32
    %sign3A_11 = arith.extui %sign3A_10 : i1 to i32
    %sign3A_12 = arith.subi %sign3A_8, %sign3A_11 : i32
    %sign3A_13 = arith.constant 0 : i32
    %sign3A_14 = arith.cmpi sgt, %jit3A, %sign3A_13 : i32
    %sign3A_15 = arith.extui %sign3A_14 : i1 to i32
    %sign3A_16 = arith.constant 0 : i32
    %sign3A_17 = arith.cmpi slt, %jit3A, %sign3A_16 : i32
    %sign3A_18 = arith.extui %sign3A_17 : i1 to i32
    %sign3A_19 = arith.subi %sign3A_15, %sign3A_18 : i32
    %ne3A = arith.cmpi ne, %sign3A_12, %sign3A_19 : i32
    %rem3A = arith.remsi %add3A_6, %jit3A : i32
    %ne3A_20 = arith.constant 0 : i32
    %ne3A_21 = arith.cmpi ne, %rem3A, %ne3A_20 : i32
    %and3A = arith.andi %ne3A, %ne3A_21 : i1
    %sub3A = arith.constant 1 : i32
    %sub3A_22 = arith.subi %div3A, %sub3A : i32
    %select_n3A = arith.select %and3A, %sub3A_22, %div3A : i32
    %jit3A_23 = arith.constant 32 : i32
    %eq3A = arith.constant 0 : i32
    %eq3A_24 = arith.cmpi eq, %jit3A_23, %eq3A : i32
    %jit3A_25 = arith.constant 1 : i32
    %select_n3A_26 = arith.select %eq3A_24, %jit3A_25, %jit3A_23 : i32
    %rem3A_27 = arith.remsi %add3A_6, %select_n3A_26 : i32
    %ne3A_28 = arith.constant 0 : i32
    %ne3A_29 = arith.cmpi ne, %rem3A_27, %ne3A_28 : i32
    %lt3A = arith.constant 0 : i32
    %lt3A_30 = arith.cmpi slt, %rem3A_27, %lt3A : i32
    %lt3A_31 = arith.constant 0 : i32
    %lt3A_32 = arith.cmpi slt, %select_n3A_26, %lt3A_31 : i32
    %ne3A_33 = arith.xori %lt3A_30, %lt3A_32 : i1
    %and3A_34 = arith.andi %ne3A_33, %ne3A_29 : i1
    %add3A_35 = arith.addi %rem3A_27, %select_n3A_26 : i32
    %select_n3A_36 = arith.select %and3A_34, %add3A_35, %rem3A_27 : i32
    %mul3A_37 = arith.constant 512 : i32
    %mul3A_38 = arith.muli %select_n3A_36, %mul3A_37 : i32
    %dma_start3A = arith.constant 0 : i32
    %dma_start3A_39 = arith.constant 0 : i32
    %dma_start3A_40 = arith.constant 0 : i32
    %dma_start3A_41 = tpu.memref_slice %arg5[%dma_start3A, %dma_start3A_40] : memref<4x512xi32, #tpu.memory_space<vmem>> -> memref<1x512xi32, #tpu.memory_space<vmem>>
    %dma_start3A_42 = tpu.memref_squeeze %dma_start3A_41 : memref<1x512xi32, #tpu.memory_space<vmem>> -> memref<512xi32, #tpu.memory_space<vmem>>
    %dma_start3A_43 = tpu.memref_slice %arg2[%select_n3A, %mul3A_38] : memref<200x16384xi32, #tpu.memory_space<hbm>> -> memref<1x512xi32, #tpu.memory_space<hbm>>
    %dma_start3A_44 = tpu.memref_squeeze %dma_start3A_43 : memref<1x512xi32, #tpu.memory_space<hbm>> -> memref<512xi32, #tpu.memory_space<hbm>>
    %dma_start3A_45 = tpu.memref_slice %arg7[%dma_start3A_39] : memref<4x!tpu.dma_semaphore, #tpu.memory_space<semaphore_mem>> -> memref<1x!tpu.dma_semaphore, #tpu.memory_space<semaphore_mem>>
    %dma_start3A_46 = tpu.memref_squeeze %dma_start3A_45 : memref<1x!tpu.dma_semaphore, #tpu.memory_space<semaphore_mem>> -> memref<!tpu.dma_semaphore, #tpu.memory_space<semaphore_mem>>
    %dma_start3A_47 = arith.constant 0 : i32
    %dma_start3A_48 = tpu.memref_slice %arg5[%dma_start3A, %dma_start3A_47] : memref<4x512xi32, #tpu.memory_space<vmem>> -> memref<1x512xi32, #tpu.memory_space<vmem>>
    %dma_start3A_49 = tpu.memref_squeeze %dma_start3A_48 : memref<1x512xi32, #tpu.memory_space<vmem>> -> memref<512xi32, #tpu.memory_space<vmem>>
    %dma_start3A_50 = tpu.memref_slice %arg2[%select_n3A, %mul3A_38] : memref<200x16384xi32, #tpu.memory_space<hbm>> -> memref<1x512xi32, #tpu.memory_space<hbm>>
    %dma_start3A_51 = tpu.memref_squeeze %dma_start3A_50 : memref<1x512xi32, #tpu.memory_space<hbm>> -> memref<512xi32, #tpu.memory_space<hbm>>
    tpu.enqueue_dma source(%dma_start3A_51 : memref<512xi32, #tpu.memory_space<hbm>>) target(%dma_start3A_49 : memref<512xi32, #tpu.memory_space<vmem>>) target_semaphore(%dma_start3A_46 : memref<!tpu.dma_semaphore, #tpu.memory_space<semaphore_mem>>)
    %mul3A_52 = arith.constant 200 : i32
    %mul3A_53 = arith.muli %add3A, %mul3A_52 : i32
    %add3A_54 = arith.constant 1 : i32
    %add3A_55 = arith.addi %mul3A_53, %add3A_54 : i32
    %jit3A_56 = arith.constant 32 : i32
    %div3A_57 = arith.divsi %add3A_55, %jit3A_56 : i32
    %sign3A_58 = arith.constant 0 : i32
    %sign3A_59 = arith.cmpi sgt, %add3A_55, %sign3A_58 : i32
    %sign3A_60 = arith.extui %sign3A_59 : i1 to i32
    %sign3A_61 = arith.constant 0 : i32
    %sign3A_62 = arith.cmpi slt, %add3A_55, %sign3A_61 : i32
    %sign3A_63 = arith.extui %sign3A_62 : i1 to i32
    %sign3A_64 = arith.subi %sign3A_60, %sign3A_63 : i32
    %sign3A_65 = arith.constant 0 : i32
    %sign3A_66 = arith.cmpi sgt, %jit3A_56, %sign3A_65 : i32
    %sign3A_67 = arith.extui %sign3A_66 : i1 to i32
    %sign3A_68 = arith.constant 0 : i32
    %sign3A_69 = arith.cmpi slt, %jit3A_56, %sign3A_68 : i32
    %sign3A_70 = arith.extui %sign3A_69 : i1 to i32
    %sign3A_71 = arith.subi %sign3A_67, %sign3A_70 : i32
    %ne3A_72 = arith.cmpi ne, %sign3A_64, %sign3A_71 : i32
    %rem3A_73 = arith.remsi %add3A_55, %jit3A_56 : i32
    %ne3A_74 = arith.constant 0 : i32
    %ne3A_75 = arith.cmpi ne, %rem3A_73, %ne3A_74 : i32
    %and3A_76 = arith.andi %ne3A_72, %ne3A_75 : i1
    %sub3A_77 = arith.constant 1 : i32
    %sub3A_78 = arith.subi %div3A_57, %sub3A_77 : i32
    %select_n3A_79 = arith.select %and3A_76, %sub3A_78, %div3A_57 : i32
    %jit3A_80 = arith.constant 32 : i32
    %eq3A_81 = arith.constant 0 : i32
    %eq3A_82 = arith.cmpi eq, %jit3A_80, %eq3A_81 : i32
    %jit3A_83 = arith.constant 1 : i32
    %select_n3A_84 = arith.select %eq3A_82, %jit3A_83, %jit3A_80 : i32
    %rem3A_85 = arith.remsi %add3A_55, %select_n3A_84 : i32
    %ne3A_86 = arith.constant 0 : i32
    %ne3A_87 = arith.cmpi ne, %rem3A_85, %ne3A_86 : i32
    %lt3A_88 = arith.constant 0 : i32
    %lt3A_89 = arith.cmpi slt, %rem3A_85, %lt3A_88 : i32
    %lt3A_90 = arith.constant 0 : i32
    %lt3A_91 = arith.cmpi slt, %select_n3A_84, %lt3A_90 : i32
    %ne3A_92 = arith.xori %lt3A_89, %lt3A_91 : i1
    %and3A_93 = arith.andi %ne3A_92, %ne3A_87 : i1
    %add3A_94 = arith.addi %rem3A_85, %select_n3A_84 : i32
    %select_n3A_95 = arith.select %and3A_93, %add3A_94, %rem3A_85 : i32
    %mul3A_96 = arith.constant 512 : i32
    %mul3A_97 = arith.muli %select_n3A_95, %mul3A_96 : i32
    %dma_start3A_98 = arith.constant 1 : i32
    %dma_start3A_99 = arith.constant 1 : i32
    %dma_start3A_100 = arith.constant 0 : i32
    %dma_start3A_101 = tpu.memref_slice %arg5[%dma_start3A_98, %dma_start3A_100] : memref<4x512xi32, #tpu.memory_space<vmem>> -> memref<1x512xi32, #tpu.memory_space<vmem>>
    %dma_start3A_102 = tpu.memref_squeeze %dma_start3A_101 : memref<1x512xi32, #tpu.memory_space<vmem>> -> memref<512xi32, #tpu.memory_space<vmem>>
    %dma_start3A_103 = tpu.memref_slice %arg2[%select_n3A_79, %mul3A_97] : memref<200x16384xi32, #tpu.memory_space<hbm>> -> memref<1x512xi32, #tpu.memory_space<hbm>>
    %dma_start3A_104 = tpu.memref_squeeze %dma_start3A_103 : memref<1x512xi32, #tpu.memory_space<hbm>> -> memref<512xi32, #tpu.memory_space<hbm>>
    %dma_start3A_105 = tpu.memref_slice %arg7[%dma_start3A_99] : memref<4x!tpu.dma_semaphore, #tpu.memory_space<semaphore_mem>> -> memref<1x!tpu.dma_semaphore, #tpu.memory_space<semaphore_mem>>
    %dma_start3A_106 = tpu.memref_squeeze %dma_start3A_105 : memref<1x!tpu.dma_semaphore, #tpu.memory_space<semaphore_mem>> -> memref<!tpu.dma_semaphore, #tpu.memory_space<semaphore_mem>>
    %dma_start3A_107 = arith.constant 0 : i32
    %dma_start3A_108 = tpu.memref_slice %arg5[%dma_start3A_98, %dma_start3A_107] : memref<4x512xi32, #tpu.memory_space<vmem>> -> memref<1x512xi32, #tpu.memory_space<vmem>>
    %dma_start3A_109 = tpu.memref_squeeze %dma_start3A_108 : memref<1x512xi32, #tpu.memory_space<vmem>> -> memref<512xi32, #tpu.memory_space<vmem>>
    %dma_start3A_110 = tpu.memref_slice %arg2[%select_n3A_79, %mul3A_97] : memref<200x16384xi32, #tpu.memory_space<hbm>> -> memref<1x512xi32, #tpu.memory_space<hbm>>
    %dma_start3A_111 = tpu.memref_squeeze %dma_start3A_110 : memref<1x512xi32, #tpu.memory_space<hbm>> -> memref<512xi32, #tpu.memory_space<hbm>>
    tpu.enqueue_dma source(%dma_start3A_111 : memref<512xi32, #tpu.memory_space<hbm>>) target(%dma_start3A_109 : memref<512xi32, #tpu.memory_space<vmem>>) target_semaphore(%dma_start3A_106 : memref<!tpu.dma_semaphore, #tpu.memory_space<semaphore_mem>>)
    %mul3A_112 = arith.constant 200 : i32
    %mul3A_113 = arith.muli %add3A, %mul3A_112 : i32
    %add3A_114 = arith.constant 2 : i32
    %add3A_115 = arith.addi %mul3A_113, %add3A_114 : i32
    %jit3A_116 = arith.constant 32 : i32
    %div3A_117 = arith.divsi %add3A_115, %jit3A_116 : i32
    %sign3A_118 = arith.constant 0 : i32
    %sign3A_119 = arith.cmpi sgt, %add3A_115, %sign3A_118 : i32
    %sign3A_120 = arith.extui %sign3A_119 : i1 to i32
    %sign3A_121 = arith.constant 0 : i32
    %sign3A_122 = arith.cmpi slt, %add3A_115, %sign3A_121 : i32
    %sign3A_123 = arith.extui %sign3A_122 : i1 to i32
    %sign3A_124 = arith.subi %sign3A_120, %sign3A_123 : i32
    %sign3A_125 = arith.constant 0 : i32
    %sign3A_126 = arith.cmpi sgt, %jit3A_116, %sign3A_125 : i32
    %sign3A_127 = arith.extui %sign3A_126 : i1 to i32
    %sign3A_128 = arith.constant 0 : i32
    %sign3A_129 = arith.cmpi slt, %jit3A_116, %sign3A_128 : i32
    %sign3A_130 = arith.extui %sign3A_129 : i1 to i32
    %sign3A_131 = arith.subi %sign3A_127, %sign3A_130 : i32
    %ne3A_132 = arith.cmpi ne, %sign3A_124, %sign3A_131 : i32
    %rem3A_133 = arith.remsi %add3A_115, %jit3A_116 : i32
    %ne3A_134 = arith.constant 0 : i32
    %ne3A_135 = arith.cmpi ne, %rem3A_133, %ne3A_134 : i32
    %and3A_136 = arith.andi %ne3A_132, %ne3A_135 : i1
    %sub3A_137 = arith.constant 1 : i32
    %sub3A_138 = arith.subi %div3A_117, %sub3A_137 : i32
    %select_n3A_139 = arith.select %and3A_136, %sub3A_138, %div3A_117 : i32
    %jit3A_140 = arith.constant 32 : i32
    %eq3A_141 = arith.constant 0 : i32
    %eq3A_142 = arith.cmpi eq, %jit3A_140, %eq3A_141 : i32
    %jit3A_143 = arith.constant 1 : i32
    %select_n3A_144 = arith.select %eq3A_142, %jit3A_143, %jit3A_140 : i32
    %rem3A_145 = arith.remsi %add3A_115, %select_n3A_144 : i32
    %ne3A_146 = arith.constant 0 : i32
    %ne3A_147 = arith.cmpi ne, %rem3A_145, %ne3A_146 : i32
    %lt3A_148 = arith.constant 0 : i32
    %lt3A_149 = arith.cmpi slt, %rem3A_145, %lt3A_148 : i32
    %lt3A_150 = arith.constant 0 : i32
    %lt3A_151 = arith.cmpi slt, %select_n3A_144, %lt3A_150 : i32
    %ne3A_152 = arith.xori %lt3A_149, %lt3A_151 : i1
    %and3A_153 = arith.andi %ne3A_152, %ne3A_147 : i1
    %add3A_154 = arith.addi %rem3A_145, %select_n3A_144 : i32
    %select_n3A_155 = arith.select %and3A_153, %add3A_154, %rem3A_145 : i32
    %mul3A_156 = arith.constant 512 : i32
    %mul3A_157 = arith.muli %select_n3A_155, %mul3A_156 : i32
    %dma_start3A_158 = arith.constant 2 : i32
    %dma_start3A_159 = arith.constant 2 : i32
    %dma_start3A_160 = arith.constant 0 : i32
    %dma_start3A_161 = tpu.memref_slice %arg5[%dma_start3A_158, %dma_start3A_160] : memref<4x512xi32, #tpu.memory_space<vmem>> -> memref<1x512xi32, #tpu.memory_space<vmem>>
    %dma_start3A_162 = tpu.memref_squeeze %dma_start3A_161 : memref<1x512xi32, #tpu.memory_space<vmem>> -> memref<512xi32, #tpu.memory_space<vmem>>
    %dma_start3A_163 = tpu.memref_slice %arg2[%select_n3A_139, %mul3A_157] : memref<200x16384xi32, #tpu.memory_space<hbm>> -> memref<1x512xi32, #tpu.memory_space<hbm>>
    %dma_start3A_164 = tpu.memref_squeeze %dma_start3A_163 : memref<1x512xi32, #tpu.memory_space<hbm>> -> memref<512xi32, #tpu.memory_space<hbm>>
    %dma_start3A_165 = tpu.memref_slice %arg7[%dma_start3A_159] : memref<4x!tpu.dma_semaphore, #tpu.memory_space<semaphore_mem>> -> memref<1x!tpu.dma_semaphore, #tpu.memory_space<semaphore_mem>>
    %dma_start3A_166 = tpu.memref_squeeze %dma_start3A_165 : memref<1x!tpu.dma_semaphore, #tpu.memory_space<semaphore_mem>> -> memref<!tpu.dma_semaphore, #tpu.memory_space<semaphore_mem>>
    %dma_start3A_167 = arith.constant 0 : i32
    %dma_start3A_168 = tpu.memref_slice %arg5[%dma_start3A_158, %dma_start3A_167] : memref<4x512xi32, #tpu.memory_space<vmem>> -> memref<1x512xi32, #tpu.memory_space<vmem>>
    %dma_start3A_169 = tpu.memref_squeeze %dma_start3A_168 : memref<1x512xi32, #tpu.memory_space<vmem>> -> memref<512xi32, #tpu.memory_space<vmem>>
    %dma_start3A_170 = tpu.memref_slice %arg2[%select_n3A_139, %mul3A_157] : memref<200x16384xi32, #tpu.memory_space<hbm>> -> memref<1x512xi32, #tpu.memory_space<hbm>>
    %dma_start3A_171 = tpu.memref_squeeze %dma_start3A_170 : memref<1x512xi32, #tpu.memory_space<hbm>> -> memref<512xi32, #tpu.memory_space<hbm>>
    tpu.enqueue_dma source(%dma_start3A_171 : memref<512xi32, #tpu.memory_space<hbm>>) target(%dma_start3A_169 : memref<512xi32, #tpu.memory_space<vmem>>) target_semaphore(%dma_start3A_166 : memref<!tpu.dma_semaphore, #tpu.memory_space<semaphore_mem>>)
    %mul3A_172 = arith.constant 200 : i32
    %mul3A_173 = arith.muli %add3A, %mul3A_172 : i32
    %add3A_174 = arith.constant 3 : i32
    %add3A_175 = arith.addi %mul3A_173, %add3A_174 : i32
    %jit3A_176 = arith.constant 32 : i32
    %div3A_177 = arith.divsi %add3A_175, %jit3A_176 : i32
    %sign3A_178 = arith.constant 0 : i32
    %sign3A_179 = arith.cmpi sgt, %add3A_175, %sign3A_178 : i32
    %sign3A_180 = arith.extui %sign3A_179 : i1 to i32
    %sign3A_181 = arith.constant 0 : i32
    %sign3A_182 = arith.cmpi slt, %add3A_175, %sign3A_181 : i32
    %sign3A_183 = arith.extui %sign3A_182 : i1 to i32
    %sign3A_184 = arith.subi %sign3A_180, %sign3A_183 : i32
    %sign3A_185 = arith.constant 0 : i32
    %sign3A_186 = arith.cmpi sgt, %jit3A_176, %sign3A_185 : i32
    %sign3A_187 = arith.extui %sign3A_186 : i1 to i32
    %sign3A_188 = arith.constant 0 : i32
    %sign3A_189 = arith.cmpi slt, %jit3A_176, %sign3A_188 : i32
    %sign3A_190 = arith.extui %sign3A_189 : i1 to i32
    %sign3A_191 = arith.subi %sign3A_187, %sign3A_190 : i32
    %ne3A_192 = arith.cmpi ne, %sign3A_184, %sign3A_191 : i32
    %rem3A_193 = arith.remsi %add3A_175, %jit3A_176 : i32
    %ne3A_194 = arith.constant 0 : i32
    %ne3A_195 = arith.cmpi ne, %rem3A_193, %ne3A_194 : i32
    %and3A_196 = arith.andi %ne3A_192, %ne3A_195 : i1
    %sub3A_197 = arith.constant 1 : i32
    %sub3A_198 = arith.subi %div3A_177, %sub3A_197 : i32
    %select_n3A_199 = arith.select %and3A_196, %sub3A_198, %div3A_177 : i32
    %jit3A_200 = arith.constant 32 : i32
    %eq3A_201 = arith.constant 0 : i32
    %eq3A_202 = arith.cmpi eq, %jit3A_200, %eq3A_201 : i32
    %jit3A_203 = arith.constant 1 : i32
    %select_n3A_204 = arith.select %eq3A_202, %jit3A_203, %jit3A_200 : i32
    %rem3A_205 = arith.remsi %add3A_175, %select_n3A_204 : i32
    %ne3A_206 = arith.constant 0 : i32
    %ne3A_207 = arith.cmpi ne, %rem3A_205, %ne3A_206 : i32
    %lt3A_208 = arith.constant 0 : i32
    %lt3A_209 = arith.cmpi slt, %rem3A_205, %lt3A_208 : i32
    %lt3A_210 = arith.constant 0 : i32
    %lt3A_211 = arith.cmpi slt, %select_n3A_204, %lt3A_210 : i32
    %ne3A_212 = arith.xori %lt3A_209, %lt3A_211 : i1
    %and3A_213 = arith.andi %ne3A_212, %ne3A_207 : i1
    %add3A_214 = arith.addi %rem3A_205, %select_n3A_204 : i32
    %select_n3A_215 = arith.select %and3A_213, %add3A_214, %rem3A_205 : i32
    %mul3A_216 = arith.constant 512 : i32
    %mul3A_217 = arith.muli %select_n3A_215, %mul3A_216 : i32
    %dma_start3A_218 = arith.constant 3 : i32
    %dma_start3A_219 = arith.constant 3 : i32
    %dma_start3A_220 = arith.constant 0 : i32
    %dma_start3A_221 = tpu.memref_slice %arg5[%dma_start3A_218, %dma_start3A_220] : memref<4x512xi32, #tpu.memory_space<vmem>> -> memref<1x512xi32, #tpu.memory_space<vmem>>
    %dma_start3A_222 = tpu.memref_squeeze %dma_start3A_221 : memref<1x512xi32, #tpu.memory_space<vmem>> -> memref<512xi32, #tpu.memory_space<vmem>>
    %dma_start3A_223 = tpu.memref_slice %arg2[%select_n3A_199, %mul3A_217] : memref<200x16384xi32, #tpu.memory_space<hbm>> -> memref<1x512xi32, #tpu.memory_space<hbm>>
    %dma_start3A_224 = tpu.memref_squeeze %dma_start3A_223 : memref<1x512xi32, #tpu.memory_space<hbm>> -> memref<512xi32, #tpu.memory_space<hbm>>
    %dma_start3A_225 = tpu.memref_slice %arg7[%dma_start3A_219] : memref<4x!tpu.dma_semaphore, #tpu.memory_space<semaphore_mem>> -> memref<1x!tpu.dma_semaphore, #tpu.memory_space<semaphore_mem>>
    %dma_start3A_226 = tpu.memref_squeeze %dma_start3A_225 : memref<1x!tpu.dma_semaphore, #tpu.memory_space<semaphore_mem>> -> memref<!tpu.dma_semaphore, #tpu.memory_space<semaphore_mem>>
    %dma_start3A_227 = arith.constant 0 : i32
    %dma_start3A_228 = tpu.memref_slice %arg5[%dma_start3A_218, %dma_start3A_227] : memref<4x512xi32, #tpu.memory_space<vmem>> -> memref<1x512xi32, #tpu.memory_space<vmem>>
    %dma_start3A_229 = tpu.memref_squeeze %dma_start3A_228 : memref<1x512xi32, #tpu.memory_space<vmem>> -> memref<512xi32, #tpu.memory_space<vmem>>
    %dma_start3A_230 = tpu.memref_slice %arg2[%select_n3A_199, %mul3A_217] : memref<200x16384xi32, #tpu.memory_space<hbm>> -> memref<1x512xi32, #tpu.memory_space<hbm>>
    %dma_start3A_231 = tpu.memref_squeeze %dma_start3A_230 : memref<1x512xi32, #tpu.memory_space<hbm>> -> memref<512xi32, #tpu.memory_space<hbm>>
    tpu.enqueue_dma source(%dma_start3A_231 : memref<512xi32, #tpu.memory_space<hbm>>) target(%dma_start3A_229 : memref<512xi32, #tpu.memory_space<vmem>>) target_semaphore(%dma_start3A_226 : memref<!tpu.dma_semaphore, #tpu.memory_space<semaphore_mem>>)
    %mul3A_232 = arith.constant 200 : i32
    %mul3A_233 = arith.muli %add3A, %mul3A_232 : i32
    %add3A_234 = arith.constant 0 : i32
    %add3A_235 = arith.addi %mul3A_233, %add3A_234 : i32
    %jit3A_236 = arith.constant 32 : i32
    %div3A_237 = arith.divsi %add3A_235, %jit3A_236 : i32
    %sign3A_238 = arith.constant 0 : i32
    %sign3A_239 = arith.cmpi sgt, %add3A_235, %sign3A_238 : i32
    %sign3A_240 = arith.extui %sign3A_239 : i1 to i32
    %sign3A_241 = arith.constant 0 : i32
    %sign3A_242 = arith.cmpi slt, %add3A_235, %sign3A_241 : i32
    %sign3A_243 = arith.extui %sign3A_242 : i1 to i32
    %sign3A_244 = arith.subi %sign3A_240, %sign3A_243 : i32
    %sign3A_245 = arith.constant 0 : i32
    %sign3A_246 = arith.cmpi sgt, %jit3A_236, %sign3A_245 : i32
    %sign3A_247 = arith.extui %sign3A_246 : i1 to i32
    %sign3A_248 = arith.constant 0 : i32
    %sign3A_249 = arith.cmpi slt, %jit3A_236, %sign3A_248 : i32
    %sign3A_250 = arith.extui %sign3A_249 : i1 to i32
    %sign3A_251 = arith.subi %sign3A_247, %sign3A_250 : i32
    %ne3A_252 = arith.cmpi ne, %sign3A_244, %sign3A_251 : i32
    %rem3A_253 = arith.remsi %add3A_235, %jit3A_236 : i32
    %ne3A_254 = arith.constant 0 : i32
    %ne3A_255 = arith.cmpi ne, %rem3A_253, %ne3A_254 : i32
    %and3A_256 = arith.andi %ne3A_252, %ne3A_255 : i1
    %sub3A_257 = arith.constant 1 : i32
    %sub3A_258 = arith.subi %div3A_237, %sub3A_257 : i32
    %select_n3A_259 = arith.select %and3A_256, %sub3A_258, %div3A_237 : i32
    %jit3A_260 = arith.constant 32 : i32
    %eq3A_261 = arith.constant 0 : i32
    %eq3A_262 = arith.cmpi eq, %jit3A_260, %eq3A_261 : i32
    %jit3A_263 = arith.constant 1 : i32
    %select_n3A_264 = arith.select %eq3A_262, %jit3A_263, %jit3A_260 : i32
    %rem3A_265 = arith.remsi %add3A_235, %select_n3A_264 : i32
    %ne3A_266 = arith.constant 0 : i32
    %ne3A_267 = arith.cmpi ne, %rem3A_265, %ne3A_266 : i32
    %lt3A_268 = arith.constant 0 : i32
    %lt3A_269 = arith.cmpi slt, %rem3A_265, %lt3A_268 : i32
    %lt3A_270 = arith.constant 0 : i32
    %lt3A_271 = arith.cmpi slt, %select_n3A_264, %lt3A_270 : i32
    %ne3A_272 = arith.xori %lt3A_269, %lt3A_271 : i1
    %and3A_273 = arith.andi %ne3A_272, %ne3A_267 : i1
    %add3A_274 = arith.addi %rem3A_265, %select_n3A_264 : i32
    %select_n3A_275 = arith.select %and3A_273, %add3A_274, %rem3A_265 : i32
    %mul3A_276 = arith.constant 512 : i32
    %mul3A_277 = arith.muli %select_n3A_275, %mul3A_276 : i32
    %dma_wait3A = arith.constant 0 : i32
    %dma_wait3A_278 = arith.constant 0 : i32
    %dma_wait3A_279 = arith.constant 0 : i32
    %dma_wait3A_280 = tpu.memref_slice %arg5[%dma_wait3A, %dma_wait3A_279] : memref<4x512xi32, #tpu.memory_space<vmem>> -> memref<1x512xi32, #tpu.memory_space<vmem>>
    %dma_wait3A_281 = tpu.memref_squeeze %dma_wait3A_280 : memref<1x512xi32, #tpu.memory_space<vmem>> -> memref<512xi32, #tpu.memory_space<vmem>>
    %dma_wait3A_282 = tpu.memref_slice %arg2[%select_n3A_259, %mul3A_277] : memref<200x16384xi32, #tpu.memory_space<hbm>> -> memref<1x512xi32, #tpu.memory_space<hbm>>
    %dma_wait3A_283 = tpu.memref_squeeze %dma_wait3A_282 : memref<1x512xi32, #tpu.memory_space<hbm>> -> memref<512xi32, #tpu.memory_space<hbm>>
    %dma_wait3A_284 = tpu.memref_slice %arg7[%dma_wait3A_278] : memref<4x!tpu.dma_semaphore, #tpu.memory_space<semaphore_mem>> -> memref<1x!tpu.dma_semaphore, #tpu.memory_space<semaphore_mem>>
    %dma_wait3A_285 = tpu.memref_squeeze %dma_wait3A_284 : memref<1x!tpu.dma_semaphore, #tpu.memory_space<semaphore_mem>> -> memref<!tpu.dma_semaphore, #tpu.memory_space<semaphore_mem>>
    %dma_wait3A_286 = arith.constant 0 : i32
    %dma_wait3A_287 = tpu.memref_slice %arg5[%dma_wait3A, %dma_wait3A_286] : memref<4x512xi32, #tpu.memory_space<vmem>> -> memref<1x512xi32, #tpu.memory_space<vmem>>
    %dma_wait3A_288 = tpu.memref_squeeze %dma_wait3A_287 : memref<1x512xi32, #tpu.memory_space<vmem>> -> memref<512xi32, #tpu.memory_space<vmem>>
    %dma_wait3A_289 = tpu.memref_slice %arg2[%select_n3A_259, %mul3A_277] : memref<200x16384xi32, #tpu.memory_space<hbm>> -> memref<1x512xi32, #tpu.memory_space<hbm>>
    %dma_wait3A_290 = tpu.memref_squeeze %dma_wait3A_289 : memref<1x512xi32, #tpu.memory_space<hbm>> -> memref<512xi32, #tpu.memory_space<hbm>>
    tpu.wait_dma2 semaphore(%dma_wait3A_285 : memref<!tpu.dma_semaphore, #tpu.memory_space<semaphore_mem>>) src(%dma_wait3A_290 : memref<512xi32, #tpu.memory_space<hbm>>) dst(%dma_wait3A_288 : memref<512xi32, #tpu.memory_space<vmem>>)
    %dma_start3A_291 = arith.constant 0 : i32
    %dma_start3A_292 = arith.constant 0 : i32
    %dma_start3A_293 = arith.constant 0 : i32
    %dma_start3A_294 = arith.constant 0 : i32
    %dma_start3A_295 = arith.constant 0 : i32
    %dma_start3A_296 = tpu.memref_slice %arg6[%dma_start3A_292, %dma_start3A_294, %dma_start3A_295] : memref<4x512x32xf32, #tpu.memory_space<vmem>> -> memref<1x512x32xf32, #tpu.memory_space<vmem>>
    %dma_start3A_297 = tpu.memref_squeeze %dma_start3A_296 : memref<1x512x32xf32, #tpu.memory_space<vmem>> -> memref<512x32xf32, #tpu.memory_space<vmem>>
    %dma_start3A_298 = arith.constant 0 : i32
    %dma_start3A_299 = tpu.memref_slice %arg5[%dma_start3A_291, %dma_start3A_298] : memref<4x512xi32, #tpu.memory_space<vmem>> -> memref<1x512xi32, #tpu.memory_space<vmem>>
    %dma_start3A_300 = tpu.memref_squeeze %dma_start3A_299 : memref<1x512xi32, #tpu.memory_space<vmem>> -> memref<512xi32, #tpu.memory_space<vmem>>
    %dma_start3A_301 = arith.constant 0 : i32
    %dma_start3A_302 = arith.constant 0 : i32
    %dma_start3A_303 = tpu.memref_slice %arg3[%dma_start3A_301, %dma_start3A_302] : memref<1000064x32xf32, #tpu.memory_space<hbm>> -> memref<1000064x32xf32, #tpu.memory_space<hbm>>
    %dma_start3A_304 = tpu.memref_slice %arg8[%dma_start3A_293] : memref<4x!tpu.dma_semaphore, #tpu.memory_space<semaphore_mem>> -> memref<1x!tpu.dma_semaphore, #tpu.memory_space<semaphore_mem>>
    %dma_start3A_305 = tpu.memref_squeeze %dma_start3A_304 : memref<1x!tpu.dma_semaphore, #tpu.memory_space<semaphore_mem>> -> memref<!tpu.dma_semaphore, #tpu.memory_space<semaphore_mem>>
    tpu.enqueue_indirect_dma source(%dma_start3A_303 : memref<1000064x32xf32, #tpu.memory_space<hbm>>) target(%dma_start3A_297 : memref<512x32xf32, #tpu.memory_space<vmem>>) offsets(%dma_start3A_300 : memref<512xi32, #tpu.memory_space<vmem>>) semaphore(%dma_start3A_305 : memref<!tpu.dma_semaphore, #tpu.memory_space<semaphore_mem>>)
    %mul3A_306 = arith.constant 200 : i32
    %mul3A_307 = arith.muli %add3A, %mul3A_306 : i32
    %add3A_308 = arith.constant 1 : i32
    %add3A_309 = arith.addi %mul3A_307, %add3A_308 : i32
    %jit3A_310 = arith.constant 32 : i32
    %div3A_311 = arith.divsi %add3A_309, %jit3A_310 : i32
    %sign3A_312 = arith.constant 0 : i32
    %sign3A_313 = arith.cmpi sgt, %add3A_309, %sign3A_312 : i32
    %sign3A_314 = arith.extui %sign3A_313 : i1 to i32
    %sign3A_315 = arith.constant 0 : i32
    %sign3A_316 = arith.cmpi slt, %add3A_309, %sign3A_315 : i32
    %sign3A_317 = arith.extui %sign3A_316 : i1 to i32
    %sign3A_318 = arith.subi %sign3A_314, %sign3A_317 : i32
    %sign3A_319 = arith.constant 0 : i32
    %sign3A_320 = arith.cmpi sgt, %jit3A_310, %sign3A_319 : i32
    %sign3A_321 = arith.extui %sign3A_320 : i1 to i32
    %sign3A_322 = arith.constant 0 : i32
    %sign3A_323 = arith.cmpi slt, %jit3A_310, %sign3A_322 : i32
    %sign3A_324 = arith.extui %sign3A_323 : i1 to i32
    %sign3A_325 = arith.subi %sign3A_321, %sign3A_324 : i32
    %ne3A_326 = arith.cmpi ne, %sign3A_318, %sign3A_325 : i32
    %rem3A_327 = arith.remsi %add3A_309, %jit3A_310 : i32
    %ne3A_328 = arith.constant 0 : i32
    %ne3A_329 = arith.cmpi ne, %rem3A_327, %ne3A_328 : i32
    %and3A_330 = arith.andi %ne3A_326, %ne3A_329 : i1
    %sub3A_331 = arith.constant 1 : i32
    %sub3A_332 = arith.subi %div3A_311, %sub3A_331 : i32
    %select_n3A_333 = arith.select %and3A_330, %sub3A_332, %div3A_311 : i32
    %jit3A_334 = arith.constant 32 : i32
    %eq3A_335 = arith.constant 0 : i32
    %eq3A_336 = arith.cmpi eq, %jit3A_334, %eq3A_335 : i32
    %jit3A_337 = arith.constant 1 : i32
    %select_n3A_338 = arith.select %eq3A_336, %jit3A_337, %jit3A_334 : i32
    %rem3A_339 = arith.remsi %add3A_309, %select_n3A_338 : i32
    %ne3A_340 = arith.constant 0 : i32
    %ne3A_341 = arith.cmpi ne, %rem3A_339, %ne3A_340 : i32
    %lt3A_342 = arith.constant 0 : i32
    %lt3A_343 = arith.cmpi slt, %rem3A_339, %lt3A_342 : i32
    %lt3A_344 = arith.constant 0 : i32
    %lt3A_345 = arith.cmpi slt, %select_n3A_338, %lt3A_344 : i32
    %ne3A_346 = arith.xori %lt3A_343, %lt3A_345 : i1
    %and3A_347 = arith.andi %ne3A_346, %ne3A_341 : i1
    %add3A_348 = arith.addi %rem3A_339, %select_n3A_338 : i32
    %select_n3A_349 = arith.select %and3A_347, %add3A_348, %rem3A_339 : i32
    %mul3A_350 = arith.constant 512 : i32
    %mul3A_351 = arith.muli %select_n3A_349, %mul3A_350 : i32
    %dma_wait3A_352 = arith.constant 1 : i32
    %dma_wait3A_353 = arith.constant 1 : i32
    %dma_wait3A_354 = arith.constant 0 : i32
    %dma_wait3A_355 = tpu.memref_slice %arg5[%dma_wait3A_352, %dma_wait3A_354] : memref<4x512xi32, #tpu.memory_space<vmem>> -> memref<1x512xi32, #tpu.memory_space<vmem>>
    %dma_wait3A_356 = tpu.memref_squeeze %dma_wait3A_355 : memref<1x512xi32, #tpu.memory_space<vmem>> -> memref<512xi32, #tpu.memory_space<vmem>>
    %dma_wait3A_357 = tpu.memref_slice %arg2[%select_n3A_333, %mul3A_351] : memref<200x16384xi32, #tpu.memory_space<hbm>> -> memref<1x512xi32, #tpu.memory_space<hbm>>
    %dma_wait3A_358 = tpu.memref_squeeze %dma_wait3A_357 : memref<1x512xi32, #tpu.memory_space<hbm>> -> memref<512xi32, #tpu.memory_space<hbm>>
    %dma_wait3A_359 = tpu.memref_slice %arg7[%dma_wait3A_353] : memref<4x!tpu.dma_semaphore, #tpu.memory_space<semaphore_mem>> -> memref<1x!tpu.dma_semaphore, #tpu.memory_space<semaphore_mem>>
    %dma_wait3A_360 = tpu.memref_squeeze %dma_wait3A_359 : memref<1x!tpu.dma_semaphore, #tpu.memory_space<semaphore_mem>> -> memref<!tpu.dma_semaphore, #tpu.memory_space<semaphore_mem>>
    %dma_wait3A_361 = arith.constant 0 : i32
    %dma_wait3A_362 = tpu.memref_slice %arg5[%dma_wait3A_352, %dma_wait3A_361] : memref<4x512xi32, #tpu.memory_space<vmem>> -> memref<1x512xi32, #tpu.memory_space<vmem>>
    %dma_wait3A_363 = tpu.memref_squeeze %dma_wait3A_362 : memref<1x512xi32, #tpu.memory_space<vmem>> -> memref<512xi32, #tpu.memory_space<vmem>>
    %dma_wait3A_364 = tpu.memref_slice %arg2[%select_n3A_333, %mul3A_351] : memref<200x16384xi32, #tpu.memory_space<hbm>> -> memref<1x512xi32, #tpu.memory_space<hbm>>
    %dma_wait3A_365 = tpu.memref_squeeze %dma_wait3A_364 : memref<1x512xi32, #tpu.memory_space<hbm>> -> memref<512xi32, #tpu.memory_space<hbm>>
    tpu.wait_dma2 semaphore(%dma_wait3A_360 : memref<!tpu.dma_semaphore, #tpu.memory_space<semaphore_mem>>) src(%dma_wait3A_365 : memref<512xi32, #tpu.memory_space<hbm>>) dst(%dma_wait3A_363 : memref<512xi32, #tpu.memory_space<vmem>>)
    %dma_start3A_366 = arith.constant 1 : i32
    %dma_start3A_367 = arith.constant 1 : i32
    %dma_start3A_368 = arith.constant 1 : i32
    %dma_start3A_369 = arith.constant 0 : i32
    %dma_start3A_370 = arith.constant 0 : i32
    %dma_start3A_371 = tpu.memref_slice %arg6[%dma_start3A_367, %dma_start3A_369, %dma_start3A_370] : memref<4x512x32xf32, #tpu.memory_space<vmem>> -> memref<1x512x32xf32, #tpu.memory_space<vmem>>
    %dma_start3A_372 = tpu.memref_squeeze %dma_start3A_371 : memref<1x512x32xf32, #tpu.memory_space<vmem>> -> memref<512x32xf32, #tpu.memory_space<vmem>>
    %dma_start3A_373 = arith.constant 0 : i32
    %dma_start3A_374 = tpu.memref_slice %arg5[%dma_start3A_366, %dma_start3A_373] : memref<4x512xi32, #tpu.memory_space<vmem>> -> memref<1x512xi32, #tpu.memory_space<vmem>>
    %dma_start3A_375 = tpu.memref_squeeze %dma_start3A_374 : memref<1x512xi32, #tpu.memory_space<vmem>> -> memref<512xi32, #tpu.memory_space<vmem>>
    %dma_start3A_376 = arith.constant 0 : i32
    %dma_start3A_377 = arith.constant 0 : i32
    %dma_start3A_378 = tpu.memref_slice %arg3[%dma_start3A_376, %dma_start3A_377] : memref<1000064x32xf32, #tpu.memory_space<hbm>> -> memref<1000064x32xf32, #tpu.memory_space<hbm>>
    %dma_start3A_379 = tpu.memref_slice %arg8[%dma_start3A_368] : memref<4x!tpu.dma_semaphore, #tpu.memory_space<semaphore_mem>> -> memref<1x!tpu.dma_semaphore, #tpu.memory_space<semaphore_mem>>
    %dma_start3A_380 = tpu.memref_squeeze %dma_start3A_379 : memref<1x!tpu.dma_semaphore, #tpu.memory_space<semaphore_mem>> -> memref<!tpu.dma_semaphore, #tpu.memory_space<semaphore_mem>>
    tpu.enqueue_indirect_dma source(%dma_start3A_378 : memref<1000064x32xf32, #tpu.memory_space<hbm>>) target(%dma_start3A_372 : memref<512x32xf32, #tpu.memory_space<vmem>>) offsets(%dma_start3A_375 : memref<512xi32, #tpu.memory_space<vmem>>) semaphore(%dma_start3A_380 : memref<!tpu.dma_semaphore, #tpu.memory_space<semaphore_mem>>)
    %mul3A_381 = arith.constant 200 : i32
    %mul3A_382 = arith.muli %add3A, %mul3A_381 : i32
    %add3A_383 = arith.constant 2 : i32
    %add3A_384 = arith.addi %mul3A_382, %add3A_383 : i32
    %jit3A_385 = arith.constant 32 : i32
    %div3A_386 = arith.divsi %add3A_384, %jit3A_385 : i32
    %sign3A_387 = arith.constant 0 : i32
    %sign3A_388 = arith.cmpi sgt, %add3A_384, %sign3A_387 : i32
    %sign3A_389 = arith.extui %sign3A_388 : i1 to i32
    %sign3A_390 = arith.constant 0 : i32
    %sign3A_391 = arith.cmpi slt, %add3A_384, %sign3A_390 : i32
    %sign3A_392 = arith.extui %sign3A_391 : i1 to i32
    %sign3A_393 = arith.subi %sign3A_389, %sign3A_392 : i32
    %sign3A_394 = arith.constant 0 : i32
    %sign3A_395 = arith.cmpi sgt, %jit3A_385, %sign3A_394 : i32
    %sign3A_396 = arith.extui %sign3A_395 : i1 to i32
    %sign3A_397 = arith.constant 0 : i32
    %sign3A_398 = arith.cmpi slt, %jit3A_385, %sign3A_397 : i32
    %sign3A_399 = arith.extui %sign3A_398 : i1 to i32
    %sign3A_400 = arith.subi %sign3A_396, %sign3A_399 : i32
    %ne3A_401 = arith.cmpi ne, %sign3A_393, %sign3A_400 : i32
    %rem3A_402 = arith.remsi %add3A_384, %jit3A_385 : i32
    %ne3A_403 = arith.constant 0 : i32
    %ne3A_404 = arith.cmpi ne, %rem3A_402, %ne3A_403 : i32
    %and3A_405 = arith.andi %ne3A_401, %ne3A_404 : i1
    %sub3A_406 = arith.constant 1 : i32
    %sub3A_407 = arith.subi %div3A_386, %sub3A_406 : i32
    %select_n3A_408 = arith.select %and3A_405, %sub3A_407, %div3A_386 : i32
    %jit3A_409 = arith.constant 32 : i32
    %eq3A_410 = arith.constant 0 : i32
    %eq3A_411 = arith.cmpi eq, %jit3A_409, %eq3A_410 : i32
    %jit3A_412 = arith.constant 1 : i32
    %select_n3A_413 = arith.select %eq3A_411, %jit3A_412, %jit3A_409 : i32
    %rem3A_414 = arith.remsi %add3A_384, %select_n3A_413 : i32
    %ne3A_415 = arith.constant 0 : i32
    %ne3A_416 = arith.cmpi ne, %rem3A_414, %ne3A_415 : i32
    %lt3A_417 = arith.constant 0 : i32
    %lt3A_418 = arith.cmpi slt, %rem3A_414, %lt3A_417 : i32
    %lt3A_419 = arith.constant 0 : i32
    %lt3A_420 = arith.cmpi slt, %select_n3A_413, %lt3A_419 : i32
    %ne3A_421 = arith.xori %lt3A_418, %lt3A_420 : i1
    %and3A_422 = arith.andi %ne3A_421, %ne3A_416 : i1
    %add3A_423 = arith.addi %rem3A_414, %select_n3A_413 : i32
    %select_n3A_424 = arith.select %and3A_422, %add3A_423, %rem3A_414 : i32
    %mul3A_425 = arith.constant 512 : i32
    %mul3A_426 = arith.muli %select_n3A_424, %mul3A_425 : i32
    %dma_wait3A_427 = arith.constant 2 : i32
    %dma_wait3A_428 = arith.constant 2 : i32
    %dma_wait3A_429 = arith.constant 0 : i32
    %dma_wait3A_430 = tpu.memref_slice %arg5[%dma_wait3A_427, %dma_wait3A_429] : memref<4x512xi32, #tpu.memory_space<vmem>> -> memref<1x512xi32, #tpu.memory_space<vmem>>
    %dma_wait3A_431 = tpu.memref_squeeze %dma_wait3A_430 : memref<1x512xi32, #tpu.memory_space<vmem>> -> memref<512xi32, #tpu.memory_space<vmem>>
    %dma_wait3A_432 = tpu.memref_slice %arg2[%select_n3A_408, %mul3A_426] : memref<200x16384xi32, #tpu.memory_space<hbm>> -> memref<1x512xi32, #tpu.memory_space<hbm>>
    %dma_wait3A_433 = tpu.memref_squeeze %dma_wait3A_432 : memref<1x512xi32, #tpu.memory_space<hbm>> -> memref<512xi32, #tpu.memory_space<hbm>>
    %dma_wait3A_434 = tpu.memref_slice %arg7[%dma_wait3A_428] : memref<4x!tpu.dma_semaphore, #tpu.memory_space<semaphore_mem>> -> memref<1x!tpu.dma_semaphore, #tpu.memory_space<semaphore_mem>>
    %dma_wait3A_435 = tpu.memref_squeeze %dma_wait3A_434 : memref<1x!tpu.dma_semaphore, #tpu.memory_space<semaphore_mem>> -> memref<!tpu.dma_semaphore, #tpu.memory_space<semaphore_mem>>
    %dma_wait3A_436 = arith.constant 0 : i32
    %dma_wait3A_437 = tpu.memref_slice %arg5[%dma_wait3A_427, %dma_wait3A_436] : memref<4x512xi32, #tpu.memory_space<vmem>> -> memref<1x512xi32, #tpu.memory_space<vmem>>
    %dma_wait3A_438 = tpu.memref_squeeze %dma_wait3A_437 : memref<1x512xi32, #tpu.memory_space<vmem>> -> memref<512xi32, #tpu.memory_space<vmem>>
    %dma_wait3A_439 = tpu.memref_slice %arg2[%select_n3A_408, %mul3A_426] : memref<200x16384xi32, #tpu.memory_space<hbm>> -> memref<1x512xi32, #tpu.memory_space<hbm>>
    %dma_wait3A_440 = tpu.memref_squeeze %dma_wait3A_439 : memref<1x512xi32, #tpu.memory_space<hbm>> -> memref<512xi32, #tpu.memory_space<hbm>>
    tpu.wait_dma2 semaphore(%dma_wait3A_435 : memref<!tpu.dma_semaphore, #tpu.memory_space<semaphore_mem>>) src(%dma_wait3A_440 : memref<512xi32, #tpu.memory_space<hbm>>) dst(%dma_wait3A_438 : memref<512xi32, #tpu.memory_space<vmem>>)
    %dma_start3A_441 = arith.constant 2 : i32
    %dma_start3A_442 = arith.constant 2 : i32
    %dma_start3A_443 = arith.constant 2 : i32
    %dma_start3A_444 = arith.constant 0 : i32
    %dma_start3A_445 = arith.constant 0 : i32
    %dma_start3A_446 = tpu.memref_slice %arg6[%dma_start3A_442, %dma_start3A_444, %dma_start3A_445] : memref<4x512x32xf32, #tpu.memory_space<vmem>> -> memref<1x512x32xf32, #tpu.memory_space<vmem>>
    %dma_start3A_447 = tpu.memref_squeeze %dma_start3A_446 : memref<1x512x32xf32, #tpu.memory_space<vmem>> -> memref<512x32xf32, #tpu.memory_space<vmem>>
    %dma_start3A_448 = arith.constant 0 : i32
    %dma_start3A_449 = tpu.memref_slice %arg5[%dma_start3A_441, %dma_start3A_448] : memref<4x512xi32, #tpu.memory_space<vmem>> -> memref<1x512xi32, #tpu.memory_space<vmem>>
    %dma_start3A_450 = tpu.memref_squeeze %dma_start3A_449 : memref<1x512xi32, #tpu.memory_space<vmem>> -> memref<512xi32, #tpu.memory_space<vmem>>
    %dma_start3A_451 = arith.constant 0 : i32
    %dma_start3A_452 = arith.constant 0 : i32
    %dma_start3A_453 = tpu.memref_slice %arg3[%dma_start3A_451, %dma_start3A_452] : memref<1000064x32xf32, #tpu.memory_space<hbm>> -> memref<1000064x32xf32, #tpu.memory_space<hbm>>
    %dma_start3A_454 = tpu.memref_slice %arg8[%dma_start3A_443] : memref<4x!tpu.dma_semaphore, #tpu.memory_space<semaphore_mem>> -> memref<1x!tpu.dma_semaphore, #tpu.memory_space<semaphore_mem>>
    %dma_start3A_455 = tpu.memref_squeeze %dma_start3A_454 : memref<1x!tpu.dma_semaphore, #tpu.memory_space<semaphore_mem>> -> memref<!tpu.dma_semaphore, #tpu.memory_space<semaphore_mem>>
    tpu.enqueue_indirect_dma source(%dma_start3A_453 : memref<1000064x32xf32, #tpu.memory_space<hbm>>) target(%dma_start3A_447 : memref<512x32xf32, #tpu.memory_space<vmem>>) offsets(%dma_start3A_450 : memref<512xi32, #tpu.memory_space<vmem>>) semaphore(%dma_start3A_455 : memref<!tpu.dma_semaphore, #tpu.memory_space<semaphore_mem>>)
    %mul3A_456 = arith.constant 200 : i32
    %mul3A_457 = arith.muli %add3A, %mul3A_456 : i32
    %add3A_458 = arith.constant 3 : i32
    %add3A_459 = arith.addi %mul3A_457, %add3A_458 : i32
    %jit3A_460 = arith.constant 32 : i32
    %div3A_461 = arith.divsi %add3A_459, %jit3A_460 : i32
    %sign3A_462 = arith.constant 0 : i32
    %sign3A_463 = arith.cmpi sgt, %add3A_459, %sign3A_462 : i32
    %sign3A_464 = arith.extui %sign3A_463 : i1 to i32
    %sign3A_465 = arith.constant 0 : i32
    %sign3A_466 = arith.cmpi slt, %add3A_459, %sign3A_465 : i32
    %sign3A_467 = arith.extui %sign3A_466 : i1 to i32
    %sign3A_468 = arith.subi %sign3A_464, %sign3A_467 : i32
    %sign3A_469 = arith.constant 0 : i32
    %sign3A_470 = arith.cmpi sgt, %jit3A_460, %sign3A_469 : i32
    %sign3A_471 = arith.extui %sign3A_470 : i1 to i32
    %sign3A_472 = arith.constant 0 : i32
    %sign3A_473 = arith.cmpi slt, %jit3A_460, %sign3A_472 : i32
    %sign3A_474 = arith.extui %sign3A_473 : i1 to i32
    %sign3A_475 = arith.subi %sign3A_471, %sign3A_474 : i32
    %ne3A_476 = arith.cmpi ne, %sign3A_468, %sign3A_475 : i32
    %rem3A_477 = arith.remsi %add3A_459, %jit3A_460 : i32
    %ne3A_478 = arith.constant 0 : i32
    %ne3A_479 = arith.cmpi ne, %rem3A_477, %ne3A_478 : i32
    %and3A_480 = arith.andi %ne3A_476, %ne3A_479 : i1
    %sub3A_481 = arith.constant 1 : i32
    %sub3A_482 = arith.subi %div3A_461, %sub3A_481 : i32
    %select_n3A_483 = arith.select %and3A_480, %sub3A_482, %div3A_461 : i32
    %jit3A_484 = arith.constant 32 : i32
    %eq3A_485 = arith.constant 0 : i32
    %eq3A_486 = arith.cmpi eq, %jit3A_484, %eq3A_485 : i32
    %jit3A_487 = arith.constant 1 : i32
    %select_n3A_488 = arith.select %eq3A_486, %jit3A_487, %jit3A_484 : i32
    %rem3A_489 = arith.remsi %add3A_459, %select_n3A_488 : i32
    %ne3A_490 = arith.constant 0 : i32
    %ne3A_491 = arith.cmpi ne, %rem3A_489, %ne3A_490 : i32
    %lt3A_492 = arith.constant 0 : i32
    %lt3A_493 = arith.cmpi slt, %rem3A_489, %lt3A_492 : i32
    %lt3A_494 = arith.constant 0 : i32
    %lt3A_495 = arith.cmpi slt, %select_n3A_488, %lt3A_494 : i32
    %ne3A_496 = arith.xori %lt3A_493, %lt3A_495 : i1
    %and3A_497 = arith.andi %ne3A_496, %ne3A_491 : i1
    %add3A_498 = arith.addi %rem3A_489, %select_n3A_488 : i32
    %select_n3A_499 = arith.select %and3A_497, %add3A_498, %rem3A_489 : i32
    %mul3A_500 = arith.constant 512 : i32
    %mul3A_501 = arith.muli %select_n3A_499, %mul3A_500 : i32
    %dma_wait3A_502 = arith.constant 3 : i32
    %dma_wait3A_503 = arith.constant 3 : i32
    %dma_wait3A_504 = arith.constant 0 : i32
    %dma_wait3A_505 = tpu.memref_slice %arg5[%dma_wait3A_502, %dma_wait3A_504] : memref<4x512xi32, #tpu.memory_space<vmem>> -> memref<1x512xi32, #tpu.memory_space<vmem>>
    %dma_wait3A_506 = tpu.memref_squeeze %dma_wait3A_505 : memref<1x512xi32, #tpu.memory_space<vmem>> -> memref<512xi32, #tpu.memory_space<vmem>>
    %dma_wait3A_507 = tpu.memref_slice %arg2[%select_n3A_483, %mul3A_501] : memref<200x16384xi32, #tpu.memory_space<hbm>> -> memref<1x512xi32, #tpu.memory_space<hbm>>
    %dma_wait3A_508 = tpu.memref_squeeze %dma_wait3A_507 : memref<1x512xi32, #tpu.memory_space<hbm>> -> memref<512xi32, #tpu.memory_space<hbm>>
    %dma_wait3A_509 = tpu.memref_slice %arg7[%dma_wait3A_503] : memref<4x!tpu.dma_semaphore, #tpu.memory_space<semaphore_mem>> -> memref<1x!tpu.dma_semaphore, #tpu.memory_space<semaphore_mem>>
    %dma_wait3A_510 = tpu.memref_squeeze %dma_wait3A_509 : memref<1x!tpu.dma_semaphore, #tpu.memory_space<semaphore_mem>> -> memref<!tpu.dma_semaphore, #tpu.memory_space<semaphore_mem>>
    %dma_wait3A_511 = arith.constant 0 : i32
    %dma_wait3A_512 = tpu.memref_slice %arg5[%dma_wait3A_502, %dma_wait3A_511] : memref<4x512xi32, #tpu.memory_space<vmem>> -> memref<1x512xi32, #tpu.memory_space<vmem>>
    %dma_wait3A_513 = tpu.memref_squeeze %dma_wait3A_512 : memref<1x512xi32, #tpu.memory_space<vmem>> -> memref<512xi32, #tpu.memory_space<vmem>>
    %dma_wait3A_514 = tpu.memref_slice %arg2[%select_n3A_483, %mul3A_501] : memref<200x16384xi32, #tpu.memory_space<hbm>> -> memref<1x512xi32, #tpu.memory_space<hbm>>
    %dma_wait3A_515 = tpu.memref_squeeze %dma_wait3A_514 : memref<1x512xi32, #tpu.memory_space<hbm>> -> memref<512xi32, #tpu.memory_space<hbm>>
    tpu.wait_dma2 semaphore(%dma_wait3A_510 : memref<!tpu.dma_semaphore, #tpu.memory_space<semaphore_mem>>) src(%dma_wait3A_515 : memref<512xi32, #tpu.memory_space<hbm>>) dst(%dma_wait3A_513 : memref<512xi32, #tpu.memory_space<vmem>>)
    %dma_start3A_516 = arith.constant 3 : i32
    %dma_start3A_517 = arith.constant 3 : i32
    %dma_start3A_518 = arith.constant 3 : i32
    %dma_start3A_519 = arith.constant 0 : i32
    %dma_start3A_520 = arith.constant 0 : i32
    %dma_start3A_521 = tpu.memref_slice %arg6[%dma_start3A_517, %dma_start3A_519, %dma_start3A_520] : memref<4x512x32xf32, #tpu.memory_space<vmem>> -> memref<1x512x32xf32, #tpu.memory_space<vmem>>
    %dma_start3A_522 = tpu.memref_squeeze %dma_start3A_521 : memref<1x512x32xf32, #tpu.memory_space<vmem>> -> memref<512x32xf32, #tpu.memory_space<vmem>>
    %dma_start3A_523 = arith.constant 0 : i32
    %dma_start3A_524 = tpu.memref_slice %arg5[%dma_start3A_516, %dma_start3A_523] : memref<4x512xi32, #tpu.memory_space<vmem>> -> memref<1x512xi32, #tpu.memory_space<vmem>>
    %dma_start3A_525 = tpu.memref_squeeze %dma_start3A_524 : memref<1x512xi32, #tpu.memory_space<vmem>> -> memref<512xi32, #tpu.memory_space<vmem>>
    %dma_start3A_526 = arith.constant 0 : i32
    %dma_start3A_527 = arith.constant 0 : i32
    %dma_start3A_528 = tpu.memref_slice %arg3[%dma_start3A_526, %dma_start3A_527] : memref<1000064x32xf32, #tpu.memory_space<hbm>> -> memref<1000064x32xf32, #tpu.memory_space<hbm>>
    %dma_start3A_529 = tpu.memref_slice %arg8[%dma_start3A_518] : memref<4x!tpu.dma_semaphore, #tpu.memory_space<semaphore_mem>> -> memref<1x!tpu.dma_semaphore, #tpu.memory_space<semaphore_mem>>
    %dma_start3A_530 = tpu.memref_squeeze %dma_start3A_529 : memref<1x!tpu.dma_semaphore, #tpu.memory_space<semaphore_mem>> -> memref<!tpu.dma_semaphore, #tpu.memory_space<semaphore_mem>>
    tpu.enqueue_indirect_dma source(%dma_start3A_528 : memref<1000064x32xf32, #tpu.memory_space<hbm>>) target(%dma_start3A_522 : memref<512x32xf32, #tpu.memory_space<vmem>>) offsets(%dma_start3A_525 : memref<512xi32, #tpu.memory_space<vmem>>) semaphore(%dma_start3A_530 : memref<!tpu.dma_semaphore, #tpu.memory_space<semaphore_mem>>)
    %scan3A = arith.constant 0 : i32
    %scan3A_531 = arith.constant 50 : i32
    %scan3A_532 = arith.addi %scan3A, %scan3A_531 : i32
    %scan3A_533 = arith.constant 1 : i32
    scf.for %scan3A_607 = %scan3A to %scan3A_532 step %scan3A_533  : i32 {
      %mul3A_608 = arith.constant 4 : i32
      %mul3A_609 = arith.muli %scan3A_607, %mul3A_608 : i32
      %add3A_610 = arith.constant 0 : i32
      %add3A_611 = arith.addi %add3A_610, %mul3A_609 : i32
      %add3A_612 = arith.constant 0 : i32
      %add3A_613 = arith.addi %add3A_611, %add3A_612 : i32
      %dma_wait3A_614 = arith.constant 0 : i32
      %dma_wait3A_615 = arith.constant 0 : i32
      %dma_wait3A_616 = arith.constant 0 : i32
      %dma_wait3A_617 = arith.constant 0 : i32
      %dma_wait3A_618 = arith.constant 0 : i32
      %dma_wait3A_619 = tpu.memref_slice %arg6[%dma_wait3A_615, %dma_wait3A_617, %dma_wait3A_618] : memref<4x512x32xf32, #tpu.memory_space<vmem>> -> memref<1x512x32xf32, #tpu.memory_space<vmem>>
      %dma_wait3A_620 = tpu.memref_squeeze %dma_wait3A_619 : memref<1x512x32xf32, #tpu.memory_space<vmem>> -> memref<512x32xf32, #tpu.memory_space<vmem>>
      %dma_wait3A_621 = arith.constant 0 : i32
      %dma_wait3A_622 = tpu.memref_slice %arg5[%dma_wait3A_614, %dma_wait3A_621] : memref<4x512xi32, #tpu.memory_space<vmem>> -> memref<1x512xi32, #tpu.memory_space<vmem>>
      %dma_wait3A_623 = tpu.memref_squeeze %dma_wait3A_622 : memref<1x512xi32, #tpu.memory_space<vmem>> -> memref<512xi32, #tpu.memory_space<vmem>>
      %dma_wait3A_624 = arith.constant 0 : i32
      %dma_wait3A_625 = arith.constant 0 : i32
      %dma_wait3A_626 = tpu.memref_slice %arg3[%dma_wait3A_624, %dma_wait3A_625] : memref<1000064x32xf32, #tpu.memory_space<hbm>> -> memref<1000064x32xf32, #tpu.memory_space<hbm>>
      %dma_wait3A_627 = tpu.memref_slice %arg8[%dma_wait3A_616] : memref<4x!tpu.dma_semaphore, #tpu.memory_space<semaphore_mem>> -> memref<1x!tpu.dma_semaphore, #tpu.memory_space<semaphore_mem>>
      %dma_wait3A_628 = tpu.memref_squeeze %dma_wait3A_627 : memref<1x!tpu.dma_semaphore, #tpu.memory_space<semaphore_mem>> -> memref<!tpu.dma_semaphore, #tpu.memory_space<semaphore_mem>>
      tpu.wait_indirect_dma semaphore(%dma_wait3A_628 : memref<!tpu.dma_semaphore, #tpu.memory_space<semaphore_mem>>) src(%dma_wait3A_626 : memref<1000064x32xf32, #tpu.memory_space<hbm>>) dst(%dma_wait3A_620 : memref<512x32xf32, #tpu.memory_space<vmem>>)
      %mul3A_629 = arith.constant 512 : i32
      %mul3A_630 = arith.muli %add3A_613, %mul3A_629 : i32
      %add3A_631 = arith.addi %mul3A_2, %mul3A_630 : i32
      %dma_start3A_632 = arith.constant 0 : i32
      %dma_start3A_633 = arith.constant 0 : i32
      %dma_start3A_634 = arith.constant 0 : i32
      %dma_start3A_635 = arith.constant 0 : i32
      %dma_start3A_636 = tpu.memref_slice %arg6[%dma_start3A_632, %dma_start3A_634, %dma_start3A_635] : memref<4x512x32xf32, #tpu.memory_space<vmem>> -> memref<1x512x32xf32, #tpu.memory_space<vmem>>
      %dma_start3A_637 = tpu.memref_squeeze %dma_start3A_636 : memref<1x512x32xf32, #tpu.memory_space<vmem>> -> memref<512x32xf32, #tpu.memory_space<vmem>>
      %dma_start3A_638 = arith.constant 0 : i32
      %dma_start3A_639 = tpu.memref_slice %arg4[%add3A_631, %dma_start3A_638] : memref<3276800x32xf32, #tpu.memory_space<hbm>> -> memref<512x32xf32, #tpu.memory_space<hbm>>
      %dma_start3A_640 = tpu.memref_slice %arg9[%dma_start3A_633] : memref<4x!tpu.dma_semaphore, #tpu.memory_space<semaphore_mem>> -> memref<1x!tpu.dma_semaphore, #tpu.memory_space<semaphore_mem>>
      %dma_start3A_641 = tpu.memref_squeeze %dma_start3A_640 : memref<1x!tpu.dma_semaphore, #tpu.memory_space<semaphore_mem>> -> memref<!tpu.dma_semaphore, #tpu.memory_space<semaphore_mem>>
      %dma_start3A_642 = arith.constant 0 : i32
      %dma_start3A_643 = tpu.memref_slice %arg4[%add3A_631, %dma_start3A_642] : memref<3276800x32xf32, #tpu.memory_space<hbm>> -> memref<512x32xf32, #tpu.memory_space<hbm>>
      %dma_start3A_644 = arith.constant 0 : i32
      %dma_start3A_645 = arith.constant 0 : i32
      %dma_start3A_646 = tpu.memref_slice %arg6[%dma_start3A_632, %dma_start3A_644, %dma_start3A_645] : memref<4x512x32xf32, #tpu.memory_space<vmem>> -> memref<1x512x32xf32, #tpu.memory_space<vmem>>
      %dma_start3A_647 = tpu.memref_squeeze %dma_start3A_646 : memref<1x512x32xf32, #tpu.memory_space<vmem>> -> memref<512x32xf32, #tpu.memory_space<vmem>>
      tpu.enqueue_dma source(%dma_start3A_647 : memref<512x32xf32, #tpu.memory_space<vmem>>) target(%dma_start3A_643 : memref<512x32xf32, #tpu.memory_space<hbm>>) target_semaphore(%dma_start3A_641 : memref<!tpu.dma_semaphore, #tpu.memory_space<semaphore_mem>>)
      %add3A_648 = arith.constant 4 : i32
      %add3A_649 = arith.addi %add3A_613, %add3A_648 : i32
      %lt3A_650 = arith.constant 200 : i32
      %lt3A_651 = arith.cmpi slt, %add3A_649, %lt3A_650 : i32
      %convert_element_type3A = arith.extui %lt3A_651 : i1 to i32
      %cond3A = arith.constant 0 : i32
      %cond3A_652 = arith.cmpi ne, %convert_element_type3A, %cond3A : i32
      scf.if %cond3A_652 {
        %mul3A_782 = arith.constant 200 : i32
        %mul3A_783 = arith.muli %add3A, %mul3A_782 : i32
        %add3A_784 = arith.addi %mul3A_783, %add3A_649 : i32
        %jit3A_785 = arith.constant 32 : i32
        %div3A_786 = arith.divsi %add3A_784, %jit3A_785 : i32
        %sign3A_787 = arith.constant 0 : i32
        %sign3A_788 = arith.cmpi sgt, %add3A_784, %sign3A_787 : i32
        %sign3A_789 = arith.extui %sign3A_788 : i1 to i32
        %sign3A_790 = arith.constant 0 : i32
        %sign3A_791 = arith.cmpi slt, %add3A_784, %sign3A_790 : i32
        %sign3A_792 = arith.extui %sign3A_791 : i1 to i32
        %sign3A_793 = arith.subi %sign3A_789, %sign3A_792 : i32
        %sign3A_794 = arith.constant 0 : i32
        %sign3A_795 = arith.cmpi sgt, %jit3A_785, %sign3A_794 : i32
        %sign3A_796 = arith.extui %sign3A_795 : i1 to i32
        %sign3A_797 = arith.constant 0 : i32
        %sign3A_798 = arith.cmpi slt, %jit3A_785, %sign3A_797 : i32
        %sign3A_799 = arith.extui %sign3A_798 : i1 to i32
        %sign3A_800 = arith.subi %sign3A_796, %sign3A_799 : i32
        %ne3A_801 = arith.cmpi ne, %sign3A_793, %sign3A_800 : i32
        %rem3A_802 = arith.remsi %add3A_784, %jit3A_785 : i32
        %ne3A_803 = arith.constant 0 : i32
        %ne3A_804 = arith.cmpi ne, %rem3A_802, %ne3A_803 : i32
        %and3A_805 = arith.andi %ne3A_801, %ne3A_804 : i1
        %sub3A_806 = arith.constant 1 : i32
        %sub3A_807 = arith.subi %div3A_786, %sub3A_806 : i32
        %select_n3A_808 = arith.select %and3A_805, %sub3A_807, %div3A_786 : i32
        %jit3A_809 = arith.constant 32 : i32
        %eq3A_810 = arith.constant 0 : i32
        %eq3A_811 = arith.cmpi eq, %jit3A_809, %eq3A_810 : i32
        %jit3A_812 = arith.constant 1 : i32
        %select_n3A_813 = arith.select %eq3A_811, %jit3A_812, %jit3A_809 : i32
        %rem3A_814 = arith.remsi %add3A_784, %select_n3A_813 : i32
        %ne3A_815 = arith.constant 0 : i32
        %ne3A_816 = arith.cmpi ne, %rem3A_814, %ne3A_815 : i32
        %lt3A_817 = arith.constant 0 : i32
        %lt3A_818 = arith.cmpi slt, %rem3A_814, %lt3A_817 : i32
        %lt3A_819 = arith.constant 0 : i32
        %lt3A_820 = arith.cmpi slt, %select_n3A_813, %lt3A_819 : i32
        %ne3A_821 = arith.xori %lt3A_818, %lt3A_820 : i1
        %and3A_822 = arith.andi %ne3A_821, %ne3A_816 : i1
        %add3A_823 = arith.addi %rem3A_814, %select_n3A_813 : i32
        %select_n3A_824 = arith.select %and3A_822, %add3A_823, %rem3A_814 : i32
        %mul3A_825 = arith.constant 512 : i32
        %mul3A_826 = arith.muli %select_n3A_824, %mul3A_825 : i32
        %dma_start3A_827 = arith.constant 0 : i32
        %dma_start3A_828 = arith.constant 0 : i32
        %dma_start3A_829 = arith.constant 0 : i32
        %dma_start3A_830 = tpu.memref_slice %arg5[%dma_start3A_827, %dma_start3A_829] : memref<4x512xi32, #tpu.memory_space<vmem>> -> memref<1x512xi32, #tpu.memory_space<vmem>>
        %dma_start3A_831 = tpu.memref_squeeze %dma_start3A_830 : memref<1x512xi32, #tpu.memory_space<vmem>> -> memref<512xi32, #tpu.memory_space<vmem>>
        %dma_start3A_832 = tpu.memref_slice %arg2[%select_n3A_808, %mul3A_826] : memref<200x16384xi32, #tpu.memory_space<hbm>> -> memref<1x512xi32, #tpu.memory_space<hbm>>
        %dma_start3A_833 = tpu.memref_squeeze %dma_start3A_832 : memref<1x512xi32, #tpu.memory_space<hbm>> -> memref<512xi32, #tpu.memory_space<hbm>>
        %dma_start3A_834 = tpu.memref_slice %arg7[%dma_start3A_828] : memref<4x!tpu.dma_semaphore, #tpu.memory_space<semaphore_mem>> -> memref<1x!tpu.dma_semaphore, #tpu.memory_space<semaphore_mem>>
        %dma_start3A_835 = tpu.memref_squeeze %dma_start3A_834 : memref<1x!tpu.dma_semaphore, #tpu.memory_space<semaphore_mem>> -> memref<!tpu.dma_semaphore, #tpu.memory_space<semaphore_mem>>
        %dma_start3A_836 = arith.constant 0 : i32
        %dma_start3A_837 = tpu.memref_slice %arg5[%dma_start3A_827, %dma_start3A_836] : memref<4x512xi32, #tpu.memory_space<vmem>> -> memref<1x512xi32, #tpu.memory_space<vmem>>
        %dma_start3A_838 = tpu.memref_squeeze %dma_start3A_837 : memref<1x512xi32, #tpu.memory_space<vmem>> -> memref<512xi32, #tpu.memory_space<vmem>>
        %dma_start3A_839 = tpu.memref_slice %arg2[%select_n3A_808, %mul3A_826] : memref<200x16384xi32, #tpu.memory_space<hbm>> -> memref<1x512xi32, #tpu.memory_space<hbm>>
        %dma_start3A_840 = tpu.memref_squeeze %dma_start3A_839 : memref<1x512xi32, #tpu.memory_space<hbm>> -> memref<512xi32, #tpu.memory_space<hbm>>
        tpu.enqueue_dma source(%dma_start3A_840 : memref<512xi32, #tpu.memory_space<hbm>>) target(%dma_start3A_838 : memref<512xi32, #tpu.memory_space<vmem>>) target_semaphore(%dma_start3A_835 : memref<!tpu.dma_semaphore, #tpu.memory_space<semaphore_mem>>)
        %mul3A_841 = arith.constant 200 : i32
        %mul3A_842 = arith.muli %add3A, %mul3A_841 : i32
        %add3A_843 = arith.addi %mul3A_842, %add3A_649 : i32
        %jit3A_844 = arith.constant 32 : i32
        %div3A_845 = arith.divsi %add3A_843, %jit3A_844 : i32
        %sign3A_846 = arith.constant 0 : i32
        %sign3A_847 = arith.cmpi sgt, %add3A_843, %sign3A_846 : i32
        %sign3A_848 = arith.extui %sign3A_847 : i1 to i32
        %sign3A_849 = arith.constant 0 : i32
        %sign3A_850 = arith.cmpi slt, %add3A_843, %sign3A_849 : i32
        %sign3A_851 = arith.extui %sign3A_850 : i1 to i32
        %sign3A_852 = arith.subi %sign3A_848, %sign3A_851 : i32
        %sign3A_853 = arith.constant 0 : i32
        %sign3A_854 = arith.cmpi sgt, %jit3A_844, %sign3A_853 : i32
        %sign3A_855 = arith.extui %sign3A_854 : i1 to i32
        %sign3A_856 = arith.constant 0 : i32
        %sign3A_857 = arith.cmpi slt, %jit3A_844, %sign3A_856 : i32
        %sign3A_858 = arith.extui %sign3A_857 : i1 to i32
        %sign3A_859 = arith.subi %sign3A_855, %sign3A_858 : i32
        %ne3A_860 = arith.cmpi ne, %sign3A_852, %sign3A_859 : i32
        %rem3A_861 = arith.remsi %add3A_843, %jit3A_844 : i32
        %ne3A_862 = arith.constant 0 : i32
        %ne3A_863 = arith.cmpi ne, %rem3A_861, %ne3A_862 : i32
        %and3A_864 = arith.andi %ne3A_860, %ne3A_863 : i1
        %sub3A_865 = arith.constant 1 : i32
        %sub3A_866 = arith.subi %div3A_845, %sub3A_865 : i32
        %select_n3A_867 = arith.select %and3A_864, %sub3A_866, %div3A_845 : i32
        %jit3A_868 = arith.constant 32 : i32
        %eq3A_869 = arith.constant 0 : i32
        %eq3A_870 = arith.cmpi eq, %jit3A_868, %eq3A_869 : i32
        %jit3A_871 = arith.constant 1 : i32
        %select_n3A_872 = arith.select %eq3A_870, %jit3A_871, %jit3A_868 : i32
        %rem3A_873 = arith.remsi %add3A_843, %select_n3A_872 : i32
        %ne3A_874 = arith.constant 0 : i32
        %ne3A_875 = arith.cmpi ne, %rem3A_873, %ne3A_874 : i32
        %lt3A_876 = arith.constant 0 : i32
        %lt3A_877 = arith.cmpi slt, %rem3A_873, %lt3A_876 : i32
        %lt3A_878 = arith.constant 0 : i32
        %lt3A_879 = arith.cmpi slt, %select_n3A_872, %lt3A_878 : i32
        %ne3A_880 = arith.xori %lt3A_877, %lt3A_879 : i1
        %and3A_881 = arith.andi %ne3A_880, %ne3A_875 : i1
        %add3A_882 = arith.addi %rem3A_873, %select_n3A_872 : i32
        %select_n3A_883 = arith.select %and3A_881, %add3A_882, %rem3A_873 : i32
        %mul3A_884 = arith.constant 512 : i32
        %mul3A_885 = arith.muli %select_n3A_883, %mul3A_884 : i32
        %dma_wait3A_886 = arith.constant 0 : i32
        %dma_wait3A_887 = arith.constant 0 : i32
        %dma_wait3A_888 = arith.constant 0 : i32
        %dma_wait3A_889 = tpu.memref_slice %arg5[%dma_wait3A_886, %dma_wait3A_888] : memref<4x512xi32, #tpu.memory_space<vmem>> -> memref<1x512xi32, #tpu.memory_space<vmem>>
        %dma_wait3A_890 = tpu.memref_squeeze %dma_wait3A_889 : memref<1x512xi32, #tpu.memory_space<vmem>> -> memref<512xi32, #tpu.memory_space<vmem>>
        %dma_wait3A_891 = tpu.memref_slice %arg2[%select_n3A_867, %mul3A_885] : memref<200x16384xi32, #tpu.memory_space<hbm>> -> memref<1x512xi32, #tpu.memory_space<hbm>>
        %dma_wait3A_892 = tpu.memref_squeeze %dma_wait3A_891 : memref<1x512xi32, #tpu.memory_space<hbm>> -> memref<512xi32, #tpu.memory_space<hbm>>
        %dma_wait3A_893 = tpu.memref_slice %arg7[%dma_wait3A_887] : memref<4x!tpu.dma_semaphore, #tpu.memory_space<semaphore_mem>> -> memref<1x!tpu.dma_semaphore, #tpu.memory_space<semaphore_mem>>
        %dma_wait3A_894 = tpu.memref_squeeze %dma_wait3A_893 : memref<1x!tpu.dma_semaphore, #tpu.memory_space<semaphore_mem>> -> memref<!tpu.dma_semaphore, #tpu.memory_space<semaphore_mem>>
        %dma_wait3A_895 = arith.constant 0 : i32
        %dma_wait3A_896 = tpu.memref_slice %arg5[%dma_wait3A_886, %dma_wait3A_895] : memref<4x512xi32, #tpu.memory_space<vmem>> -> memref<1x512xi32, #tpu.memory_space<vmem>>
        %dma_wait3A_897 = tpu.memref_squeeze %dma_wait3A_896 : memref<1x512xi32, #tpu.memory_space<vmem>> -> memref<512xi32, #tpu.memory_space<vmem>>
        %dma_wait3A_898 = tpu.memref_slice %arg2[%select_n3A_867, %mul3A_885] : memref<200x16384xi32, #tpu.memory_space<hbm>> -> memref<1x512xi32, #tpu.memory_space<hbm>>
        %dma_wait3A_899 = tpu.memref_squeeze %dma_wait3A_898 : memref<1x512xi32, #tpu.memory_space<hbm>> -> memref<512xi32, #tpu.memory_space<hbm>>
        tpu.wait_dma2 semaphore(%dma_wait3A_894 : memref<!tpu.dma_semaphore, #tpu.memory_space<semaphore_mem>>) src(%dma_wait3A_899 : memref<512xi32, #tpu.memory_space<hbm>>) dst(%dma_wait3A_897 : memref<512xi32, #tpu.memory_space<vmem>>)
        %mul3A_900 = arith.constant 512 : i32
        %mul3A_901 = arith.muli %add3A_613, %mul3A_900 : i32
        %add3A_902 = arith.addi %mul3A_2, %mul3A_901 : i32
        %dma_wait3A_903 = arith.constant 0 : i32
        %dma_wait3A_904 = arith.constant 0 : i32
        %dma_wait3A_905 = arith.constant 0 : i32
        %dma_wait3A_906 = arith.constant 0 : i32
        %dma_wait3A_907 = tpu.memref_slice %arg6[%dma_wait3A_903, %dma_wait3A_905, %dma_wait3A_906] : memref<4x512x32xf32, #tpu.memory_space<vmem>> -> memref<1x512x32xf32, #tpu.memory_space<vmem>>
        %dma_wait3A_908 = tpu.memref_squeeze %dma_wait3A_907 : memref<1x512x32xf32, #tpu.memory_space<vmem>> -> memref<512x32xf32, #tpu.memory_space<vmem>>
        %dma_wait3A_909 = arith.constant 0 : i32
        %dma_wait3A_910 = tpu.memref_slice %arg4[%add3A_902, %dma_wait3A_909] : memref<3276800x32xf32, #tpu.memory_space<hbm>> -> memref<512x32xf32, #tpu.memory_space<hbm>>
        %dma_wait3A_911 = tpu.memref_slice %arg9[%dma_wait3A_904] : memref<4x!tpu.dma_semaphore, #tpu.memory_space<semaphore_mem>> -> memref<1x!tpu.dma_semaphore, #tpu.memory_space<semaphore_mem>>
        %dma_wait3A_912 = tpu.memref_squeeze %dma_wait3A_911 : memref<1x!tpu.dma_semaphore, #tpu.memory_space<semaphore_mem>> -> memref<!tpu.dma_semaphore, #tpu.memory_space<semaphore_mem>>
        %dma_wait3A_913 = arith.constant 0 : i32
        %dma_wait3A_914 = tpu.memref_slice %arg4[%add3A_902, %dma_wait3A_913] : memref<3276800x32xf32, #tpu.memory_space<hbm>> -> memref<512x32xf32, #tpu.memory_space<hbm>>
        %dma_wait3A_915 = arith.constant 0 : i32
        %dma_wait3A_916 = arith.constant 0 : i32
        %dma_wait3A_917 = tpu.memref_slice %arg6[%dma_wait3A_903, %dma_wait3A_915, %dma_wait3A_916] : memref<4x512x32xf32, #tpu.memory_space<vmem>> -> memref<1x512x32xf32, #tpu.memory_space<vmem>>
        %dma_wait3A_918 = tpu.memref_squeeze %dma_wait3A_917 : memref<1x512x32xf32, #tpu.memory_space<vmem>> -> memref<512x32xf32, #tpu.memory_space<vmem>>
        tpu.wait_dma2 semaphore(%dma_wait3A_912 : memref<!tpu.dma_semaphore, #tpu.memory_space<semaphore_mem>>) src(%dma_wait3A_918 : memref<512x32xf32, #tpu.memory_space<vmem>>) dst(%dma_wait3A_914 : memref<512x32xf32, #tpu.memory_space<hbm>>)
        %dma_start3A_919 = arith.constant 0 : i32
        %dma_start3A_920 = arith.constant 0 : i32
        %dma_start3A_921 = arith.constant 0 : i32
        %dma_start3A_922 = arith.constant 0 : i32
        %dma_start3A_923 = arith.constant 0 : i32
        %dma_start3A_924 = tpu.memref_slice %arg6[%dma_start3A_920, %dma_start3A_922, %dma_start3A_923] : memref<4x512x32xf32, #tpu.memory_space<vmem>> -> memref<1x512x32xf32, #tpu.memory_space<vmem>>
        %dma_start3A_925 = tpu.memref_squeeze %dma_start3A_924 : memref<1x512x32xf32, #tpu.memory_space<vmem>> -> memref<512x32xf32, #tpu.memory_space<vmem>>
        %dma_start3A_926 = arith.constant 0 : i32
        %dma_start3A_927 = tpu.memref_slice %arg5[%dma_start3A_919, %dma_start3A_926] : memref<4x512xi32, #tpu.memory_space<vmem>> -> memref<1x512xi32, #tpu.memory_space<vmem>>
        %dma_start3A_928 = tpu.memref_squeeze %dma_start3A_927 : memref<1x512xi32, #tpu.memory_space<vmem>> -> memref<512xi32, #tpu.memory_space<vmem>>
        %dma_start3A_929 = arith.constant 0 : i32
        %dma_start3A_930 = arith.constant 0 : i32
        %dma_start3A_931 = tpu.memref_slice %arg3[%dma_start3A_929, %dma_start3A_930] : memref<1000064x32xf32, #tpu.memory_space<hbm>> -> memref<1000064x32xf32, #tpu.memory_space<hbm>>
        %dma_start3A_932 = tpu.memref_slice %arg8[%dma_start3A_921] : memref<4x!tpu.dma_semaphore, #tpu.memory_space<semaphore_mem>> -> memref<1x!tpu.dma_semaphore, #tpu.memory_space<semaphore_mem>>
        %dma_start3A_933 = tpu.memref_squeeze %dma_start3A_932 : memref<1x!tpu.dma_semaphore, #tpu.memory_space<semaphore_mem>> -> memref<!tpu.dma_semaphore, #tpu.memory_space<semaphore_mem>>
        tpu.enqueue_indirect_dma source(%dma_start3A_931 : memref<1000064x32xf32, #tpu.memory_space<hbm>>) target(%dma_start3A_925 : memref<512x32xf32, #tpu.memory_space<vmem>>) offsets(%dma_start3A_928 : memref<512xi32, #tpu.memory_space<vmem>>) semaphore(%dma_start3A_933 : memref<!tpu.dma_semaphore, #tpu.memory_space<semaphore_mem>>)
      } else {
      }
      %add3A_653 = arith.constant 1 : i32
      %add3A_654 = arith.addi %add3A_611, %add3A_653 : i32
      %dma_wait3A_655 = arith.constant 1 : i32
      %dma_wait3A_656 = arith.constant 1 : i32
      %dma_wait3A_657 = arith.constant 1 : i32
      %dma_wait3A_658 = arith.constant 0 : i32
      %dma_wait3A_659 = arith.constant 0 : i32
      %dma_wait3A_660 = tpu.memref_slice %arg6[%dma_wait3A_656, %dma_wait3A_658, %dma_wait3A_659] : memref<4x512x32xf32, #tpu.memory_space<vmem>> -> memref<1x512x32xf32, #tpu.memory_space<vmem>>
      %dma_wait3A_661 = tpu.memref_squeeze %dma_wait3A_660 : memref<1x512x32xf32, #tpu.memory_space<vmem>> -> memref<512x32xf32, #tpu.memory_space<vmem>>
      %dma_wait3A_662 = arith.constant 0 : i32
      %dma_wait3A_663 = tpu.memref_slice %arg5[%dma_wait3A_655, %dma_wait3A_662] : memref<4x512xi32, #tpu.memory_space<vmem>> -> memref<1x512xi32, #tpu.memory_space<vmem>>
      %dma_wait3A_664 = tpu.memref_squeeze %dma_wait3A_663 : memref<1x512xi32, #tpu.memory_space<vmem>> -> memref<512xi32, #tpu.memory_space<vmem>>
      %dma_wait3A_665 = arith.constant 0 : i32
      %dma_wait3A_666 = arith.constant 0 : i32
      %dma_wait3A_667 = tpu.memref_slice %arg3[%dma_wait3A_665, %dma_wait3A_666] : memref<1000064x32xf32, #tpu.memory_space<hbm>> -> memref<1000064x32xf32, #tpu.memory_space<hbm>>
      %dma_wait3A_668 = tpu.memref_slice %arg8[%dma_wait3A_657] : memref<4x!tpu.dma_semaphore, #tpu.memory_space<semaphore_mem>> -> memref<1x!tpu.dma_semaphore, #tpu.memory_space<semaphore_mem>>
      %dma_wait3A_669 = tpu.memref_squeeze %dma_wait3A_668 : memref<1x!tpu.dma_semaphore, #tpu.memory_space<semaphore_mem>> -> memref<!tpu.dma_semaphore, #tpu.memory_space<semaphore_mem>>
      tpu.wait_indirect_dma semaphore(%dma_wait3A_669 : memref<!tpu.dma_semaphore, #tpu.memory_space<semaphore_mem>>) src(%dma_wait3A_667 : memref<1000064x32xf32, #tpu.memory_space<hbm>>) dst(%dma_wait3A_661 : memref<512x32xf32, #tpu.memory_space<vmem>>)
      %mul3A_670 = arith.constant 512 : i32
      %mul3A_671 = arith.muli %add3A_654, %mul3A_670 : i32
      %add3A_672 = arith.addi %mul3A_2, %mul3A_671 : i32
      %dma_start3A_673 = arith.constant 1 : i32
      %dma_start3A_674 = arith.constant 1 : i32
      %dma_start3A_675 = arith.constant 0 : i32
      %dma_start3A_676 = arith.constant 0 : i32
      %dma_start3A_677 = tpu.memref_slice %arg6[%dma_start3A_673, %dma_start3A_675, %dma_start3A_676] : memref<4x512x32xf32, #tpu.memory_space<vmem>> -> memref<1x512x32xf32, #tpu.memory_space<vmem>>
      %dma_start3A_678 = tpu.memref_squeeze %dma_start3A_677 : memref<1x512x32xf32, #tpu.memory_space<vmem>> -> memref<512x32xf32, #tpu.memory_space<vmem>>
      %dma_start3A_679 = arith.constant 0 : i32
      %dma_start3A_680 = tpu.memref_slice %arg4[%add3A_672, %dma_start3A_679] : memref<3276800x32xf32, #tpu.memory_space<hbm>> -> memref<512x32xf32, #tpu.memory_space<hbm>>
      %dma_start3A_681 = tpu.memref_slice %arg9[%dma_start3A_674] : memref<4x!tpu.dma_semaphore, #tpu.memory_space<semaphore_mem>> -> memref<1x!tpu.dma_semaphore, #tpu.memory_space<semaphore_mem>>
      %dma_start3A_682 = tpu.memref_squeeze %dma_start3A_681 : memref<1x!tpu.dma_semaphore, #tpu.memory_space<semaphore_mem>> -> memref<!tpu.dma_semaphore, #tpu.memory_space<semaphore_mem>>
      %dma_start3A_683 = arith.constant 0 : i32
      %dma_start3A_684 = tpu.memref_slice %arg4[%add3A_672, %dma_start3A_683] : memref<3276800x32xf32, #tpu.memory_space<hbm>> -> memref<512x32xf32, #tpu.memory_space<hbm>>
      %dma_start3A_685 = arith.constant 0 : i32
      %dma_start3A_686 = arith.constant 0 : i32
      %dma_start3A_687 = tpu.memref_slice %arg6[%dma_start3A_673, %dma_start3A_685, %dma_start3A_686] : memref<4x512x32xf32, #tpu.memory_space<vmem>> -> memref<1x512x32xf32, #tpu.memory_space<vmem>>
      %dma_start3A_688 = tpu.memref_squeeze %dma_start3A_687 : memref<1x512x32xf32, #tpu.memory_space<vmem>> -> memref<512x32xf32, #tpu.memory_space<vmem>>
      tpu.enqueue_dma source(%dma_start3A_688 : memref<512x32xf32, #tpu.memory_space<vmem>>) target(%dma_start3A_684 : memref<512x32xf32, #tpu.memory_space<hbm>>) target_semaphore(%dma_start3A_682 : memref<!tpu.dma_semaphore, #tpu.memory_space<semaphore_mem>>)
      %add3A_689 = arith.constant 4 : i32
      %add3A_690 = arith.addi %add3A_654, %add3A_689 : i32
      %lt3A_691 = arith.constant 200 : i32
      %lt3A_692 = arith.cmpi slt, %add3A_690, %lt3A_691 : i32
      %convert_element_type3A_693 = arith.extui %lt3A_692 : i1 to i32
      %cond3A_694 = arith.constant 0 : i32
      %cond3A_695 = arith.cmpi ne, %convert_element_type3A_693, %cond3A_694 : i32
      scf.if %cond3A_695 {
        %mul3A_782 = arith.constant 200 : i32
        %mul3A_783 = arith.muli %add3A, %mul3A_782 : i32
        %add3A_784 = arith.addi %mul3A_783, %add3A_690 : i32
        %jit3A_785 = arith.constant 32 : i32
        %div3A_786 = arith.divsi %add3A_784, %jit3A_785 : i32
        %sign3A_787 = arith.constant 0 : i32
        %sign3A_788 = arith.cmpi sgt, %add3A_784, %sign3A_787 : i32
        %sign3A_789 = arith.extui %sign3A_788 : i1 to i32
        %sign3A_790 = arith.constant 0 : i32
        %sign3A_791 = arith.cmpi slt, %add3A_784, %sign3A_790 : i32
        %sign3A_792 = arith.extui %sign3A_791 : i1 to i32
        %sign3A_793 = arith.subi %sign3A_789, %sign3A_792 : i32
        %sign3A_794 = arith.constant 0 : i32
        %sign3A_795 = arith.cmpi sgt, %jit3A_785, %sign3A_794 : i32
        %sign3A_796 = arith.extui %sign3A_795 : i1 to i32
        %sign3A_797 = arith.constant 0 : i32
        %sign3A_798 = arith.cmpi slt, %jit3A_785, %sign3A_797 : i32
        %sign3A_799 = arith.extui %sign3A_798 : i1 to i32
        %sign3A_800 = arith.subi %sign3A_796, %sign3A_799 : i32
        %ne3A_801 = arith.cmpi ne, %sign3A_793, %sign3A_800 : i32
        %rem3A_802 = arith.remsi %add3A_784, %jit3A_785 : i32
        %ne3A_803 = arith.constant 0 : i32
        %ne3A_804 = arith.cmpi ne, %rem3A_802, %ne3A_803 : i32
        %and3A_805 = arith.andi %ne3A_801, %ne3A_804 : i1
        %sub3A_806 = arith.constant 1 : i32
        %sub3A_807 = arith.subi %div3A_786, %sub3A_806 : i32
        %select_n3A_808 = arith.select %and3A_805, %sub3A_807, %div3A_786 : i32
        %jit3A_809 = arith.constant 32 : i32
        %eq3A_810 = arith.constant 0 : i32
        %eq3A_811 = arith.cmpi eq, %jit3A_809, %eq3A_810 : i32
        %jit3A_812 = arith.constant 1 : i32
        %select_n3A_813 = arith.select %eq3A_811, %jit3A_812, %jit3A_809 : i32
        %rem3A_814 = arith.remsi %add3A_784, %select_n3A_813 : i32
        %ne3A_815 = arith.constant 0 : i32
        %ne3A_816 = arith.cmpi ne, %rem3A_814, %ne3A_815 : i32
        %lt3A_817 = arith.constant 0 : i32
        %lt3A_818 = arith.cmpi slt, %rem3A_814, %lt3A_817 : i32
        %lt3A_819 = arith.constant 0 : i32
        %lt3A_820 = arith.cmpi slt, %select_n3A_813, %lt3A_819 : i32
        %ne3A_821 = arith.xori %lt3A_818, %lt3A_820 : i1
        %and3A_822 = arith.andi %ne3A_821, %ne3A_816 : i1
        %add3A_823 = arith.addi %rem3A_814, %select_n3A_813 : i32
        %select_n3A_824 = arith.select %and3A_822, %add3A_823, %rem3A_814 : i32
        %mul3A_825 = arith.constant 512 : i32
        %mul3A_826 = arith.muli %select_n3A_824, %mul3A_825 : i32
        %dma_start3A_827 = arith.constant 1 : i32
        %dma_start3A_828 = arith.constant 1 : i32
        %dma_start3A_829 = arith.constant 0 : i32
        %dma_start3A_830 = tpu.memref_slice %arg5[%dma_start3A_827, %dma_start3A_829] : memref<4x512xi32, #tpu.memory_space<vmem>> -> memref<1x512xi32, #tpu.memory_space<vmem>>
        %dma_start3A_831 = tpu.memref_squeeze %dma_start3A_830 : memref<1x512xi32, #tpu.memory_space<vmem>> -> memref<512xi32, #tpu.memory_space<vmem>>
        %dma_start3A_832 = tpu.memref_slice %arg2[%select_n3A_808, %mul3A_826] : memref<200x16384xi32, #tpu.memory_space<hbm>> -> memref<1x512xi32, #tpu.memory_space<hbm>>
        %dma_start3A_833 = tpu.memref_squeeze %dma_start3A_832 : memref<1x512xi32, #tpu.memory_space<hbm>> -> memref<512xi32, #tpu.memory_space<hbm>>
        %dma_start3A_834 = tpu.memref_slice %arg7[%dma_start3A_828] : memref<4x!tpu.dma_semaphore, #tpu.memory_space<semaphore_mem>> -> memref<1x!tpu.dma_semaphore, #tpu.memory_space<semaphore_mem>>
        %dma_start3A_835 = tpu.memref_squeeze %dma_start3A_834 : memref<1x!tpu.dma_semaphore, #tpu.memory_space<semaphore_mem>> -> memref<!tpu.dma_semaphore, #tpu.memory_space<semaphore_mem>>
        %dma_start3A_836 = arith.constant 0 : i32
        %dma_start3A_837 = tpu.memref_slice %arg5[%dma_start3A_827, %dma_start3A_836] : memref<4x512xi32, #tpu.memory_space<vmem>> -> memref<1x512xi32, #tpu.memory_space<vmem>>
        %dma_start3A_838 = tpu.memref_squeeze %dma_start3A_837 : memref<1x512xi32, #tpu.memory_space<vmem>> -> memref<512xi32, #tpu.memory_space<vmem>>
        %dma_start3A_839 = tpu.memref_slice %arg2[%select_n3A_808, %mul3A_826] : memref<200x16384xi32, #tpu.memory_space<hbm>> -> memref<1x512xi32, #tpu.memory_space<hbm>>
        %dma_start3A_840 = tpu.memref_squeeze %dma_start3A_839 : memref<1x512xi32, #tpu.memory_space<hbm>> -> memref<512xi32, #tpu.memory_space<hbm>>
        tpu.enqueue_dma source(%dma_start3A_840 : memref<512xi32, #tpu.memory_space<hbm>>) target(%dma_start3A_838 : memref<512xi32, #tpu.memory_space<vmem>>) target_semaphore(%dma_start3A_835 : memref<!tpu.dma_semaphore, #tpu.memory_space<semaphore_mem>>)
        %mul3A_841 = arith.constant 200 : i32
        %mul3A_842 = arith.muli %add3A, %mul3A_841 : i32
        %add3A_843 = arith.addi %mul3A_842, %add3A_690 : i32
        %jit3A_844 = arith.constant 32 : i32
        %div3A_845 = arith.divsi %add3A_843, %jit3A_844 : i32
        %sign3A_846 = arith.constant 0 : i32
        %sign3A_847 = arith.cmpi sgt, %add3A_843, %sign3A_846 : i32
        %sign3A_848 = arith.extui %sign3A_847 : i1 to i32
        %sign3A_849 = arith.constant 0 : i32
        %sign3A_850 = arith.cmpi slt, %add3A_843, %sign3A_849 : i32
        %sign3A_851 = arith.extui %sign3A_850 : i1 to i32
        %sign3A_852 = arith.subi %sign3A_848, %sign3A_851 : i32
        %sign3A_853 = arith.constant 0 : i32
        %sign3A_854 = arith.cmpi sgt, %jit3A_844, %sign3A_853 : i32
        %sign3A_855 = arith.extui %sign3A_854 : i1 to i32
        %sign3A_856 = arith.constant 0 : i32
        %sign3A_857 = arith.cmpi slt, %jit3A_844, %sign3A_856 : i32
        %sign3A_858 = arith.extui %sign3A_857 : i1 to i32
        %sign3A_859 = arith.subi %sign3A_855, %sign3A_858 : i32
        %ne3A_860 = arith.cmpi ne, %sign3A_852, %sign3A_859 : i32
        %rem3A_861 = arith.remsi %add3A_843, %jit3A_844 : i32
        %ne3A_862 = arith.constant 0 : i32
        %ne3A_863 = arith.cmpi ne, %rem3A_861, %ne3A_862 : i32
        %and3A_864 = arith.andi %ne3A_860, %ne3A_863 : i1
        %sub3A_865 = arith.constant 1 : i32
        %sub3A_866 = arith.subi %div3A_845, %sub3A_865 : i32
        %select_n3A_867 = arith.select %and3A_864, %sub3A_866, %div3A_845 : i32
        %jit3A_868 = arith.constant 32 : i32
        %eq3A_869 = arith.constant 0 : i32
        %eq3A_870 = arith.cmpi eq, %jit3A_868, %eq3A_869 : i32
        %jit3A_871 = arith.constant 1 : i32
        %select_n3A_872 = arith.select %eq3A_870, %jit3A_871, %jit3A_868 : i32
        %rem3A_873 = arith.remsi %add3A_843, %select_n3A_872 : i32
        %ne3A_874 = arith.constant 0 : i32
        %ne3A_875 = arith.cmpi ne, %rem3A_873, %ne3A_874 : i32
        %lt3A_876 = arith.constant 0 : i32
        %lt3A_877 = arith.cmpi slt, %rem3A_873, %lt3A_876 : i32
        %lt3A_878 = arith.constant 0 : i32
        %lt3A_879 = arith.cmpi slt, %select_n3A_872, %lt3A_878 : i32
        %ne3A_880 = arith.xori %lt3A_877, %lt3A_879 : i1
        %and3A_881 = arith.andi %ne3A_880, %ne3A_875 : i1
        %add3A_882 = arith.addi %rem3A_873, %select_n3A_872 : i32
        %select_n3A_883 = arith.select %and3A_881, %add3A_882, %rem3A_873 : i32
        %mul3A_884 = arith.constant 512 : i32
        %mul3A_885 = arith.muli %select_n3A_883, %mul3A_884 : i32
        %dma_wait3A_886 = arith.constant 1 : i32
        %dma_wait3A_887 = arith.constant 1 : i32
        %dma_wait3A_888 = arith.constant 0 : i32
        %dma_wait3A_889 = tpu.memref_slice %arg5[%dma_wait3A_886, %dma_wait3A_888] : memref<4x512xi32, #tpu.memory_space<vmem>> -> memref<1x512xi32, #tpu.memory_space<vmem>>
        %dma_wait3A_890 = tpu.memref_squeeze %dma_wait3A_889 : memref<1x512xi32, #tpu.memory_space<vmem>> -> memref<512xi32, #tpu.memory_space<vmem>>
        %dma_wait3A_891 = tpu.memref_slice %arg2[%select_n3A_867, %mul3A_885] : memref<200x16384xi32, #tpu.memory_space<hbm>> -> memref<1x512xi32, #tpu.memory_space<hbm>>
        %dma_wait3A_892 = tpu.memref_squeeze %dma_wait3A_891 : memref<1x512xi32, #tpu.memory_space<hbm>> -> memref<512xi32, #tpu.memory_space<hbm>>
        %dma_wait3A_893 = tpu.memref_slice %arg7[%dma_wait3A_887] : memref<4x!tpu.dma_semaphore, #tpu.memory_space<semaphore_mem>> -> memref<1x!tpu.dma_semaphore, #tpu.memory_space<semaphore_mem>>
        %dma_wait3A_894 = tpu.memref_squeeze %dma_wait3A_893 : memref<1x!tpu.dma_semaphore, #tpu.memory_space<semaphore_mem>> -> memref<!tpu.dma_semaphore, #tpu.memory_space<semaphore_mem>>
        %dma_wait3A_895 = arith.constant 0 : i32
        %dma_wait3A_896 = tpu.memref_slice %arg5[%dma_wait3A_886, %dma_wait3A_895] : memref<4x512xi32, #tpu.memory_space<vmem>> -> memref<1x512xi32, #tpu.memory_space<vmem>>
        %dma_wait3A_897 = tpu.memref_squeeze %dma_wait3A_896 : memref<1x512xi32, #tpu.memory_space<vmem>> -> memref<512xi32, #tpu.memory_space<vmem>>
        %dma_wait3A_898 = tpu.memref_slice %arg2[%select_n3A_867, %mul3A_885] : memref<200x16384xi32, #tpu.memory_space<hbm>> -> memref<1x512xi32, #tpu.memory_space<hbm>>
        %dma_wait3A_899 = tpu.memref_squeeze %dma_wait3A_898 : memref<1x512xi32, #tpu.memory_space<hbm>> -> memref<512xi32, #tpu.memory_space<hbm>>
        tpu.wait_dma2 semaphore(%dma_wait3A_894 : memref<!tpu.dma_semaphore, #tpu.memory_space<semaphore_mem>>) src(%dma_wait3A_899 : memref<512xi32, #tpu.memory_space<hbm>>) dst(%dma_wait3A_897 : memref<512xi32, #tpu.memory_space<vmem>>)
        %mul3A_900 = arith.constant 512 : i32
        %mul3A_901 = arith.muli %add3A_654, %mul3A_900 : i32
        %add3A_902 = arith.addi %mul3A_2, %mul3A_901 : i32
        %dma_wait3A_903 = arith.constant 1 : i32
        %dma_wait3A_904 = arith.constant 1 : i32
        %dma_wait3A_905 = arith.constant 0 : i32
        %dma_wait3A_906 = arith.constant 0 : i32
        %dma_wait3A_907 = tpu.memref_slice %arg6[%dma_wait3A_903, %dma_wait3A_905, %dma_wait3A_906] : memref<4x512x32xf32, #tpu.memory_space<vmem>> -> memref<1x512x32xf32, #tpu.memory_space<vmem>>
        %dma_wait3A_908 = tpu.memref_squeeze %dma_wait3A_907 : memref<1x512x32xf32, #tpu.memory_space<vmem>> -> memref<512x32xf32, #tpu.memory_space<vmem>>
        %dma_wait3A_909 = arith.constant 0 : i32
        %dma_wait3A_910 = tpu.memref_slice %arg4[%add3A_902, %dma_wait3A_909] : memref<3276800x32xf32, #tpu.memory_space<hbm>> -> memref<512x32xf32, #tpu.memory_space<hbm>>
        %dma_wait3A_911 = tpu.memref_slice %arg9[%dma_wait3A_904] : memref<4x!tpu.dma_semaphore, #tpu.memory_space<semaphore_mem>> -> memref<1x!tpu.dma_semaphore, #tpu.memory_space<semaphore_mem>>
        %dma_wait3A_912 = tpu.memref_squeeze %dma_wait3A_911 : memref<1x!tpu.dma_semaphore, #tpu.memory_space<semaphore_mem>> -> memref<!tpu.dma_semaphore, #tpu.memory_space<semaphore_mem>>
        %dma_wait3A_913 = arith.constant 0 : i32
        %dma_wait3A_914 = tpu.memref_slice %arg4[%add3A_902, %dma_wait3A_913] : memref<3276800x32xf32, #tpu.memory_space<hbm>> -> memref<512x32xf32, #tpu.memory_space<hbm>>
        %dma_wait3A_915 = arith.constant 0 : i32
        %dma_wait3A_916 = arith.constant 0 : i32
        %dma_wait3A_917 = tpu.memref_slice %arg6[%dma_wait3A_903, %dma_wait3A_915, %dma_wait3A_916] : memref<4x512x32xf32, #tpu.memory_space<vmem>> -> memref<1x512x32xf32, #tpu.memory_space<vmem>>
        %dma_wait3A_918 = tpu.memref_squeeze %dma_wait3A_917 : memref<1x512x32xf32, #tpu.memory_space<vmem>> -> memref<512x32xf32, #tpu.memory_space<vmem>>
        tpu.wait_dma2 semaphore(%dma_wait3A_912 : memref<!tpu.dma_semaphore, #tpu.memory_space<semaphore_mem>>) src(%dma_wait3A_918 : memref<512x32xf32, #tpu.memory_space<vmem>>) dst(%dma_wait3A_914 : memref<512x32xf32, #tpu.memory_space<hbm>>)
        %dma_start3A_919 = arith.constant 1 : i32
        %dma_start3A_920 = arith.constant 1 : i32
        %dma_start3A_921 = arith.constant 1 : i32
        %dma_start3A_922 = arith.constant 0 : i32
        %dma_start3A_923 = arith.constant 0 : i32
        %dma_start3A_924 = tpu.memref_slice %arg6[%dma_start3A_920, %dma_start3A_922, %dma_start3A_923] : memref<4x512x32xf32, #tpu.memory_space<vmem>> -> memref<1x512x32xf32, #tpu.memory_space<vmem>>
        %dma_start3A_925 = tpu.memref_squeeze %dma_start3A_924 : memref<1x512x32xf32, #tpu.memory_space<vmem>> -> memref<512x32xf32, #tpu.memory_space<vmem>>
        %dma_start3A_926 = arith.constant 0 : i32
        %dma_start3A_927 = tpu.memref_slice %arg5[%dma_start3A_919, %dma_start3A_926] : memref<4x512xi32, #tpu.memory_space<vmem>> -> memref<1x512xi32, #tpu.memory_space<vmem>>
        %dma_start3A_928 = tpu.memref_squeeze %dma_start3A_927 : memref<1x512xi32, #tpu.memory_space<vmem>> -> memref<512xi32, #tpu.memory_space<vmem>>
        %dma_start3A_929 = arith.constant 0 : i32
        %dma_start3A_930 = arith.constant 0 : i32
        %dma_start3A_931 = tpu.memref_slice %arg3[%dma_start3A_929, %dma_start3A_930] : memref<1000064x32xf32, #tpu.memory_space<hbm>> -> memref<1000064x32xf32, #tpu.memory_space<hbm>>
        %dma_start3A_932 = tpu.memref_slice %arg8[%dma_start3A_921] : memref<4x!tpu.dma_semaphore, #tpu.memory_space<semaphore_mem>> -> memref<1x!tpu.dma_semaphore, #tpu.memory_space<semaphore_mem>>
        %dma_start3A_933 = tpu.memref_squeeze %dma_start3A_932 : memref<1x!tpu.dma_semaphore, #tpu.memory_space<semaphore_mem>> -> memref<!tpu.dma_semaphore, #tpu.memory_space<semaphore_mem>>
        tpu.enqueue_indirect_dma source(%dma_start3A_931 : memref<1000064x32xf32, #tpu.memory_space<hbm>>) target(%dma_start3A_925 : memref<512x32xf32, #tpu.memory_space<vmem>>) offsets(%dma_start3A_928 : memref<512xi32, #tpu.memory_space<vmem>>) semaphore(%dma_start3A_933 : memref<!tpu.dma_semaphore, #tpu.memory_space<semaphore_mem>>)
      } else {
      }
      %add3A_696 = arith.constant 2 : i32
      %add3A_697 = arith.addi %add3A_611, %add3A_696 : i32
      %dma_wait3A_698 = arith.constant 2 : i32
      %dma_wait3A_699 = arith.constant 2 : i32
      %dma_wait3A_700 = arith.constant 2 : i32
      %dma_wait3A_701 = arith.constant 0 : i32
      %dma_wait3A_702 = arith.constant 0 : i32
      %dma_wait3A_703 = tpu.memref_slice %arg6[%dma_wait3A_699, %dma_wait3A_701, %dma_wait3A_702] : memref<4x512x32xf32, #tpu.memory_space<vmem>> -> memref<1x512x32xf32, #tpu.memory_space<vmem>>
      %dma_wait3A_704 = tpu.memref_squeeze %dma_wait3A_703 : memref<1x512x32xf32, #tpu.memory_space<vmem>> -> memref<512x32xf32, #tpu.memory_space<vmem>>
      %dma_wait3A_705 = arith.constant 0 : i32
      %dma_wait3A_706 = tpu.memref_slice %arg5[%dma_wait3A_698, %dma_wait3A_705] : memref<4x512xi32, #tpu.memory_space<vmem>> -> memref<1x512xi32, #tpu.memory_space<vmem>>
      %dma_wait3A_707 = tpu.memref_squeeze %dma_wait3A_706 : memref<1x512xi32, #tpu.memory_space<vmem>> -> memref<512xi32, #tpu.memory_space<vmem>>
      %dma_wait3A_708 = arith.constant 0 : i32
      %dma_wait3A_709 = arith.constant 0 : i32
      %dma_wait3A_710 = tpu.memref_slice %arg3[%dma_wait3A_708, %dma_wait3A_709] : memref<1000064x32xf32, #tpu.memory_space<hbm>> -> memref<1000064x32xf32, #tpu.memory_space<hbm>>
      %dma_wait3A_711 = tpu.memref_slice %arg8[%dma_wait3A_700] : memref<4x!tpu.dma_semaphore, #tpu.memory_space<semaphore_mem>> -> memref<1x!tpu.dma_semaphore, #tpu.memory_space<semaphore_mem>>
      %dma_wait3A_712 = tpu.memref_squeeze %dma_wait3A_711 : memref<1x!tpu.dma_semaphore, #tpu.memory_space<semaphore_mem>> -> memref<!tpu.dma_semaphore, #tpu.memory_space<semaphore_mem>>
      tpu.wait_indirect_dma semaphore(%dma_wait3A_712 : memref<!tpu.dma_semaphore, #tpu.memory_space<semaphore_mem>>) src(%dma_wait3A_710 : memref<1000064x32xf32, #tpu.memory_space<hbm>>) dst(%dma_wait3A_704 : memref<512x32xf32, #tpu.memory_space<vmem>>)
      %mul3A_713 = arith.constant 512 : i32
      %mul3A_714 = arith.muli %add3A_697, %mul3A_713 : i32
      %add3A_715 = arith.addi %mul3A_2, %mul3A_714 : i32
      %dma_start3A_716 = arith.constant 2 : i32
      %dma_start3A_717 = arith.constant 2 : i32
      %dma_start3A_718 = arith.constant 0 : i32
      %dma_start3A_719 = arith.constant 0 : i32
      %dma_start3A_720 = tpu.memref_slice %arg6[%dma_start3A_716, %dma_start3A_718, %dma_start3A_719] : memref<4x512x32xf32, #tpu.memory_space<vmem>> -> memref<1x512x32xf32, #tpu.memory_space<vmem>>
      %dma_start3A_721 = tpu.memref_squeeze %dma_start3A_720 : memref<1x512x32xf32, #tpu.memory_space<vmem>> -> memref<512x32xf32, #tpu.memory_space<vmem>>
      %dma_start3A_722 = arith.constant 0 : i32
      %dma_start3A_723 = tpu.memref_slice %arg4[%add3A_715, %dma_start3A_722] : memref<3276800x32xf32, #tpu.memory_space<hbm>> -> memref<512x32xf32, #tpu.memory_space<hbm>>
      %dma_start3A_724 = tpu.memref_slice %arg9[%dma_start3A_717] : memref<4x!tpu.dma_semaphore, #tpu.memory_space<semaphore_mem>> -> memref<1x!tpu.dma_semaphore, #tpu.memory_space<semaphore_mem>>
      %dma_start3A_725 = tpu.memref_squeeze %dma_start3A_724 : memref<1x!tpu.dma_semaphore, #tpu.memory_space<semaphore_mem>> -> memref<!tpu.dma_semaphore, #tpu.memory_space<semaphore_mem>>
      %dma_start3A_726 = arith.constant 0 : i32
      %dma_start3A_727 = tpu.memref_slice %arg4[%add3A_715, %dma_start3A_726] : memref<3276800x32xf32, #tpu.memory_space<hbm>> -> memref<512x32xf32, #tpu.memory_space<hbm>>
      %dma_start3A_728 = arith.constant 0 : i32
      %dma_start3A_729 = arith.constant 0 : i32
      %dma_start3A_730 = tpu.memref_slice %arg6[%dma_start3A_716, %dma_start3A_728, %dma_start3A_729] : memref<4x512x32xf32, #tpu.memory_space<vmem>> -> memref<1x512x32xf32, #tpu.memory_space<vmem>>
      %dma_start3A_731 = tpu.memref_squeeze %dma_start3A_730 : memref<1x512x32xf32, #tpu.memory_space<vmem>> -> memref<512x32xf32, #tpu.memory_space<vmem>>
      tpu.enqueue_dma source(%dma_start3A_731 : memref<512x32xf32, #tpu.memory_space<vmem>>) target(%dma_start3A_727 : memref<512x32xf32, #tpu.memory_space<hbm>>) target_semaphore(%dma_start3A_725 : memref<!tpu.dma_semaphore, #tpu.memory_space<semaphore_mem>>)
      %add3A_732 = arith.constant 4 : i32
      %add3A_733 = arith.addi %add3A_697, %add3A_732 : i32
      %lt3A_734 = arith.constant 200 : i32
      %lt3A_735 = arith.cmpi slt, %add3A_733, %lt3A_734 : i32
      %convert_element_type3A_736 = arith.extui %lt3A_735 : i1 to i32
      %cond3A_737 = arith.constant 0 : i32
      %cond3A_738 = arith.cmpi ne, %convert_element_type3A_736, %cond3A_737 : i32
      scf.if %cond3A_738 {
        %mul3A_782 = arith.constant 200 : i32
        %mul3A_783 = arith.muli %add3A, %mul3A_782 : i32
        %add3A_784 = arith.addi %mul3A_783, %add3A_733 : i32
        %jit3A_785 = arith.constant 32 : i32
        %div3A_786 = arith.divsi %add3A_784, %jit3A_785 : i32
        %sign3A_787 = arith.constant 0 : i32
        %sign3A_788 = arith.cmpi sgt, %add3A_784, %sign3A_787 : i32
        %sign3A_789 = arith.extui %sign3A_788 : i1 to i32
        %sign3A_790 = arith.constant 0 : i32
        %sign3A_791 = arith.cmpi slt, %add3A_784, %sign3A_790 : i32
        %sign3A_792 = arith.extui %sign3A_791 : i1 to i32
        %sign3A_793 = arith.subi %sign3A_789, %sign3A_792 : i32
        %sign3A_794 = arith.constant 0 : i32
        %sign3A_795 = arith.cmpi sgt, %jit3A_785, %sign3A_794 : i32
        %sign3A_796 = arith.extui %sign3A_795 : i1 to i32
        %sign3A_797 = arith.constant 0 : i32
        %sign3A_798 = arith.cmpi slt, %jit3A_785, %sign3A_797 : i32
        %sign3A_799 = arith.extui %sign3A_798 : i1 to i32
        %sign3A_800 = arith.subi %sign3A_796, %sign3A_799 : i32
        %ne3A_801 = arith.cmpi ne, %sign3A_793, %sign3A_800 : i32
        %rem3A_802 = arith.remsi %add3A_784, %jit3A_785 : i32
        %ne3A_803 = arith.constant 0 : i32
        %ne3A_804 = arith.cmpi ne, %rem3A_802, %ne3A_803 : i32
        %and3A_805 = arith.andi %ne3A_801, %ne3A_804 : i1
        %sub3A_806 = arith.constant 1 : i32
        %sub3A_807 = arith.subi %div3A_786, %sub3A_806 : i32
        %select_n3A_808 = arith.select %and3A_805, %sub3A_807, %div3A_786 : i32
        %jit3A_809 = arith.constant 32 : i32
        %eq3A_810 = arith.constant 0 : i32
        %eq3A_811 = arith.cmpi eq, %jit3A_809, %eq3A_810 : i32
        %jit3A_812 = arith.constant 1 : i32
        %select_n3A_813 = arith.select %eq3A_811, %jit3A_812, %jit3A_809 : i32
        %rem3A_814 = arith.remsi %add3A_784, %select_n3A_813 : i32
        %ne3A_815 = arith.constant 0 : i32
        %ne3A_816 = arith.cmpi ne, %rem3A_814, %ne3A_815 : i32
        %lt3A_817 = arith.constant 0 : i32
        %lt3A_818 = arith.cmpi slt, %rem3A_814, %lt3A_817 : i32
        %lt3A_819 = arith.constant 0 : i32
        %lt3A_820 = arith.cmpi slt, %select_n3A_813, %lt3A_819 : i32
        %ne3A_821 = arith.xori %lt3A_818, %lt3A_820 : i1
        %and3A_822 = arith.andi %ne3A_821, %ne3A_816 : i1
        %add3A_823 = arith.addi %rem3A_814, %select_n3A_813 : i32
        %select_n3A_824 = arith.select %and3A_822, %add3A_823, %rem3A_814 : i32
        %mul3A_825 = arith.constant 512 : i32
        %mul3A_826 = arith.muli %select_n3A_824, %mul3A_825 : i32
        %dma_start3A_827 = arith.constant 2 : i32
        %dma_start3A_828 = arith.constant 2 : i32
        %dma_start3A_829 = arith.constant 0 : i32
        %dma_start3A_830 = tpu.memref_slice %arg5[%dma_start3A_827, %dma_start3A_829] : memref<4x512xi32, #tpu.memory_space<vmem>> -> memref<1x512xi32, #tpu.memory_space<vmem>>
        %dma_start3A_831 = tpu.memref_squeeze %dma_start3A_830 : memref<1x512xi32, #tpu.memory_space<vmem>> -> memref<512xi32, #tpu.memory_space<vmem>>
        %dma_start3A_832 = tpu.memref_slice %arg2[%select_n3A_808, %mul3A_826] : memref<200x16384xi32, #tpu.memory_space<hbm>> -> memref<1x512xi32, #tpu.memory_space<hbm>>
        %dma_start3A_833 = tpu.memref_squeeze %dma_start3A_832 : memref<1x512xi32, #tpu.memory_space<hbm>> -> memref<512xi32, #tpu.memory_space<hbm>>
        %dma_start3A_834 = tpu.memref_slice %arg7[%dma_start3A_828] : memref<4x!tpu.dma_semaphore, #tpu.memory_space<semaphore_mem>> -> memref<1x!tpu.dma_semaphore, #tpu.memory_space<semaphore_mem>>
        %dma_start3A_835 = tpu.memref_squeeze %dma_start3A_834 : memref<1x!tpu.dma_semaphore, #tpu.memory_space<semaphore_mem>> -> memref<!tpu.dma_semaphore, #tpu.memory_space<semaphore_mem>>
        %dma_start3A_836 = arith.constant 0 : i32
        %dma_start3A_837 = tpu.memref_slice %arg5[%dma_start3A_827, %dma_start3A_836] : memref<4x512xi32, #tpu.memory_space<vmem>> -> memref<1x512xi32, #tpu.memory_space<vmem>>
        %dma_start3A_838 = tpu.memref_squeeze %dma_start3A_837 : memref<1x512xi32, #tpu.memory_space<vmem>> -> memref<512xi32, #tpu.memory_space<vmem>>
        %dma_start3A_839 = tpu.memref_slice %arg2[%select_n3A_808, %mul3A_826] : memref<200x16384xi32, #tpu.memory_space<hbm>> -> memref<1x512xi32, #tpu.memory_space<hbm>>
        %dma_start3A_840 = tpu.memref_squeeze %dma_start3A_839 : memref<1x512xi32, #tpu.memory_space<hbm>> -> memref<512xi32, #tpu.memory_space<hbm>>
        tpu.enqueue_dma source(%dma_start3A_840 : memref<512xi32, #tpu.memory_space<hbm>>) target(%dma_start3A_838 : memref<512xi32, #tpu.memory_space<vmem>>) target_semaphore(%dma_start3A_835 : memref<!tpu.dma_semaphore, #tpu.memory_space<semaphore_mem>>)
        %mul3A_841 = arith.constant 200 : i32
        %mul3A_842 = arith.muli %add3A, %mul3A_841 : i32
        %add3A_843 = arith.addi %mul3A_842, %add3A_733 : i32
        %jit3A_844 = arith.constant 32 : i32
        %div3A_845 = arith.divsi %add3A_843, %jit3A_844 : i32
        %sign3A_846 = arith.constant 0 : i32
        %sign3A_847 = arith.cmpi sgt, %add3A_843, %sign3A_846 : i32
        %sign3A_848 = arith.extui %sign3A_847 : i1 to i32
        %sign3A_849 = arith.constant 0 : i32
        %sign3A_850 = arith.cmpi slt, %add3A_843, %sign3A_849 : i32
        %sign3A_851 = arith.extui %sign3A_850 : i1 to i32
        %sign3A_852 = arith.subi %sign3A_848, %sign3A_851 : i32
        %sign3A_853 = arith.constant 0 : i32
        %sign3A_854 = arith.cmpi sgt, %jit3A_844, %sign3A_853 : i32
        %sign3A_855 = arith.extui %sign3A_854 : i1 to i32
        %sign3A_856 = arith.constant 0 : i32
        %sign3A_857 = arith.cmpi slt, %jit3A_844, %sign3A_856 : i32
        %sign3A_858 = arith.extui %sign3A_857 : i1 to i32
        %sign3A_859 = arith.subi %sign3A_855, %sign3A_858 : i32
        %ne3A_860 = arith.cmpi ne, %sign3A_852, %sign3A_859 : i32
        %rem3A_861 = arith.remsi %add3A_843, %jit3A_844 : i32
        %ne3A_862 = arith.constant 0 : i32
        %ne3A_863 = arith.cmpi ne, %rem3A_861, %ne3A_862 : i32
        %and3A_864 = arith.andi %ne3A_860, %ne3A_863 : i1
        %sub3A_865 = arith.constant 1 : i32
        %sub3A_866 = arith.subi %div3A_845, %sub3A_865 : i32
        %select_n3A_867 = arith.select %and3A_864, %sub3A_866, %div3A_845 : i32
        %jit3A_868 = arith.constant 32 : i32
        %eq3A_869 = arith.constant 0 : i32
        %eq3A_870 = arith.cmpi eq, %jit3A_868, %eq3A_869 : i32
        %jit3A_871 = arith.constant 1 : i32
        %select_n3A_872 = arith.select %eq3A_870, %jit3A_871, %jit3A_868 : i32
        %rem3A_873 = arith.remsi %add3A_843, %select_n3A_872 : i32
        %ne3A_874 = arith.constant 0 : i32
        %ne3A_875 = arith.cmpi ne, %rem3A_873, %ne3A_874 : i32
        %lt3A_876 = arith.constant 0 : i32
        %lt3A_877 = arith.cmpi slt, %rem3A_873, %lt3A_876 : i32
        %lt3A_878 = arith.constant 0 : i32
        %lt3A_879 = arith.cmpi slt, %select_n3A_872, %lt3A_878 : i32
        %ne3A_880 = arith.xori %lt3A_877, %lt3A_879 : i1
        %and3A_881 = arith.andi %ne3A_880, %ne3A_875 : i1
        %add3A_882 = arith.addi %rem3A_873, %select_n3A_872 : i32
        %select_n3A_883 = arith.select %and3A_881, %add3A_882, %rem3A_873 : i32
        %mul3A_884 = arith.constant 512 : i32
        %mul3A_885 = arith.muli %select_n3A_883, %mul3A_884 : i32
        %dma_wait3A_886 = arith.constant 2 : i32
        %dma_wait3A_887 = arith.constant 2 : i32
        %dma_wait3A_888 = arith.constant 0 : i32
        %dma_wait3A_889 = tpu.memref_slice %arg5[%dma_wait3A_886, %dma_wait3A_888] : memref<4x512xi32, #tpu.memory_space<vmem>> -> memref<1x512xi32, #tpu.memory_space<vmem>>
        %dma_wait3A_890 = tpu.memref_squeeze %dma_wait3A_889 : memref<1x512xi32, #tpu.memory_space<vmem>> -> memref<512xi32, #tpu.memory_space<vmem>>
        %dma_wait3A_891 = tpu.memref_slice %arg2[%select_n3A_867, %mul3A_885] : memref<200x16384xi32, #tpu.memory_space<hbm>> -> memref<1x512xi32, #tpu.memory_space<hbm>>
        %dma_wait3A_892 = tpu.memref_squeeze %dma_wait3A_891 : memref<1x512xi32, #tpu.memory_space<hbm>> -> memref<512xi32, #tpu.memory_space<hbm>>
        %dma_wait3A_893 = tpu.memref_slice %arg7[%dma_wait3A_887] : memref<4x!tpu.dma_semaphore, #tpu.memory_space<semaphore_mem>> -> memref<1x!tpu.dma_semaphore, #tpu.memory_space<semaphore_mem>>
        %dma_wait3A_894 = tpu.memref_squeeze %dma_wait3A_893 : memref<1x!tpu.dma_semaphore, #tpu.memory_space<semaphore_mem>> -> memref<!tpu.dma_semaphore, #tpu.memory_space<semaphore_mem>>
        %dma_wait3A_895 = arith.constant 0 : i32
        %dma_wait3A_896 = tpu.memref_slice %arg5[%dma_wait3A_886, %dma_wait3A_895] : memref<4x512xi32, #tpu.memory_space<vmem>> -> memref<1x512xi32, #tpu.memory_space<vmem>>
        %dma_wait3A_897 = tpu.memref_squeeze %dma_wait3A_896 : memref<1x512xi32, #tpu.memory_space<vmem>> -> memref<512xi32, #tpu.memory_space<vmem>>
        %dma_wait3A_898 = tpu.memref_slice %arg2[%select_n3A_867, %mul3A_885] : memref<200x16384xi32, #tpu.memory_space<hbm>> -> memref<1x512xi32, #tpu.memory_space<hbm>>
        %dma_wait3A_899 = tpu.memref_squeeze %dma_wait3A_898 : memref<1x512xi32, #tpu.memory_space<hbm>> -> memref<512xi32, #tpu.memory_space<hbm>>
        tpu.wait_dma2 semaphore(%dma_wait3A_894 : memref<!tpu.dma_semaphore, #tpu.memory_space<semaphore_mem>>) src(%dma_wait3A_899 : memref<512xi32, #tpu.memory_space<hbm>>) dst(%dma_wait3A_897 : memref<512xi32, #tpu.memory_space<vmem>>)
        %mul3A_900 = arith.constant 512 : i32
        %mul3A_901 = arith.muli %add3A_697, %mul3A_900 : i32
        %add3A_902 = arith.addi %mul3A_2, %mul3A_901 : i32
        %dma_wait3A_903 = arith.constant 2 : i32
        %dma_wait3A_904 = arith.constant 2 : i32
        %dma_wait3A_905 = arith.constant 0 : i32
        %dma_wait3A_906 = arith.constant 0 : i32
        %dma_wait3A_907 = tpu.memref_slice %arg6[%dma_wait3A_903, %dma_wait3A_905, %dma_wait3A_906] : memref<4x512x32xf32, #tpu.memory_space<vmem>> -> memref<1x512x32xf32, #tpu.memory_space<vmem>>
        %dma_wait3A_908 = tpu.memref_squeeze %dma_wait3A_907 : memref<1x512x32xf32, #tpu.memory_space<vmem>> -> memref<512x32xf32, #tpu.memory_space<vmem>>
        %dma_wait3A_909 = arith.constant 0 : i32
        %dma_wait3A_910 = tpu.memref_slice %arg4[%add3A_902, %dma_wait3A_909] : memref<3276800x32xf32, #tpu.memory_space<hbm>> -> memref<512x32xf32, #tpu.memory_space<hbm>>
        %dma_wait3A_911 = tpu.memref_slice %arg9[%dma_wait3A_904] : memref<4x!tpu.dma_semaphore, #tpu.memory_space<semaphore_mem>> -> memref<1x!tpu.dma_semaphore, #tpu.memory_space<semaphore_mem>>
        %dma_wait3A_912 = tpu.memref_squeeze %dma_wait3A_911 : memref<1x!tpu.dma_semaphore, #tpu.memory_space<semaphore_mem>> -> memref<!tpu.dma_semaphore, #tpu.memory_space<semaphore_mem>>
        %dma_wait3A_913 = arith.constant 0 : i32
        %dma_wait3A_914 = tpu.memref_slice %arg4[%add3A_902, %dma_wait3A_913] : memref<3276800x32xf32, #tpu.memory_space<hbm>> -> memref<512x32xf32, #tpu.memory_space<hbm>>
        %dma_wait3A_915 = arith.constant 0 : i32
        %dma_wait3A_916 = arith.constant 0 : i32
        %dma_wait3A_917 = tpu.memref_slice %arg6[%dma_wait3A_903, %dma_wait3A_915, %dma_wait3A_916] : memref<4x512x32xf32, #tpu.memory_space<vmem>> -> memref<1x512x32xf32, #tpu.memory_space<vmem>>
        %dma_wait3A_918 = tpu.memref_squeeze %dma_wait3A_917 : memref<1x512x32xf32, #tpu.memory_space<vmem>> -> memref<512x32xf32, #tpu.memory_space<vmem>>
        tpu.wait_dma2 semaphore(%dma_wait3A_912 : memref<!tpu.dma_semaphore, #tpu.memory_space<semaphore_mem>>) src(%dma_wait3A_918 : memref<512x32xf32, #tpu.memory_space<vmem>>) dst(%dma_wait3A_914 : memref<512x32xf32, #tpu.memory_space<hbm>>)
        %dma_start3A_919 = arith.constant 2 : i32
        %dma_start3A_920 = arith.constant 2 : i32
        %dma_start3A_921 = arith.constant 2 : i32
        %dma_start3A_922 = arith.constant 0 : i32
        %dma_start3A_923 = arith.constant 0 : i32
        %dma_start3A_924 = tpu.memref_slice %arg6[%dma_start3A_920, %dma_start3A_922, %dma_start3A_923] : memref<4x512x32xf32, #tpu.memory_space<vmem>> -> memref<1x512x32xf32, #tpu.memory_space<vmem>>
        %dma_start3A_925 = tpu.memref_squeeze %dma_start3A_924 : memref<1x512x32xf32, #tpu.memory_space<vmem>> -> memref<512x32xf32, #tpu.memory_space<vmem>>
        %dma_start3A_926 = arith.constant 0 : i32
        %dma_start3A_927 = tpu.memref_slice %arg5[%dma_start3A_919, %dma_start3A_926] : memref<4x512xi32, #tpu.memory_space<vmem>> -> memref<1x512xi32, #tpu.memory_space<vmem>>
        %dma_start3A_928 = tpu.memref_squeeze %dma_start3A_927 : memref<1x512xi32, #tpu.memory_space<vmem>> -> memref<512xi32, #tpu.memory_space<vmem>>
        %dma_start3A_929 = arith.constant 0 : i32
        %dma_start3A_930 = arith.constant 0 : i32
        %dma_start3A_931 = tpu.memref_slice %arg3[%dma_start3A_929, %dma_start3A_930] : memref<1000064x32xf32, #tpu.memory_space<hbm>> -> memref<1000064x32xf32, #tpu.memory_space<hbm>>
        %dma_start3A_932 = tpu.memref_slice %arg8[%dma_start3A_921] : memref<4x!tpu.dma_semaphore, #tpu.memory_space<semaphore_mem>> -> memref<1x!tpu.dma_semaphore, #tpu.memory_space<semaphore_mem>>
        %dma_start3A_933 = tpu.memref_squeeze %dma_start3A_932 : memref<1x!tpu.dma_semaphore, #tpu.memory_space<semaphore_mem>> -> memref<!tpu.dma_semaphore, #tpu.memory_space<semaphore_mem>>
        tpu.enqueue_indirect_dma source(%dma_start3A_931 : memref<1000064x32xf32, #tpu.memory_space<hbm>>) target(%dma_start3A_925 : memref<512x32xf32, #tpu.memory_space<vmem>>) offsets(%dma_start3A_928 : memref<512xi32, #tpu.memory_space<vmem>>) semaphore(%dma_start3A_933 : memref<!tpu.dma_semaphore, #tpu.memory_space<semaphore_mem>>)
      } else {
      }
      %add3A_739 = arith.constant 3 : i32
      %add3A_740 = arith.addi %add3A_611, %add3A_739 : i32
      %dma_wait3A_741 = arith.constant 3 : i32
      %dma_wait3A_742 = arith.constant 3 : i32
      %dma_wait3A_743 = arith.constant 3 : i32
      %dma_wait3A_744 = arith.constant 0 : i32
      %dma_wait3A_745 = arith.constant 0 : i32
      %dma_wait3A_746 = tpu.memref_slice %arg6[%dma_wait3A_742, %dma_wait3A_744, %dma_wait3A_745] : memref<4x512x32xf32, #tpu.memory_space<vmem>> -> memref<1x512x32xf32, #tpu.memory_space<vmem>>
      %dma_wait3A_747 = tpu.memref_squeeze %dma_wait3A_746 : memref<1x512x32xf32, #tpu.memory_space<vmem>> -> memref<512x32xf32, #tpu.memory_space<vmem>>
      %dma_wait3A_748 = arith.constant 0 : i32
      %dma_wait3A_749 = tpu.memref_slice %arg5[%dma_wait3A_741, %dma_wait3A_748] : memref<4x512xi32, #tpu.memory_space<vmem>> -> memref<1x512xi32, #tpu.memory_space<vmem>>
      %dma_wait3A_750 = tpu.memref_squeeze %dma_wait3A_749 : memref<1x512xi32, #tpu.memory_space<vmem>> -> memref<512xi32, #tpu.memory_space<vmem>>
      %dma_wait3A_751 = arith.constant 0 : i32
      %dma_wait3A_752 = arith.constant 0 : i32
      %dma_wait3A_753 = tpu.memref_slice %arg3[%dma_wait3A_751, %dma_wait3A_752] : memref<1000064x32xf32, #tpu.memory_space<hbm>> -> memref<1000064x32xf32, #tpu.memory_space<hbm>>
      %dma_wait3A_754 = tpu.memref_slice %arg8[%dma_wait3A_743] : memref<4x!tpu.dma_semaphore, #tpu.memory_space<semaphore_mem>> -> memref<1x!tpu.dma_semaphore, #tpu.memory_space<semaphore_mem>>
      %dma_wait3A_755 = tpu.memref_squeeze %dma_wait3A_754 : memref<1x!tpu.dma_semaphore, #tpu.memory_space<semaphore_mem>> -> memref<!tpu.dma_semaphore, #tpu.memory_space<semaphore_mem>>
      tpu.wait_indirect_dma semaphore(%dma_wait3A_755 : memref<!tpu.dma_semaphore, #tpu.memory_space<semaphore_mem>>) src(%dma_wait3A_753 : memref<1000064x32xf32, #tpu.memory_space<hbm>>) dst(%dma_wait3A_747 : memref<512x32xf32, #tpu.memory_space<vmem>>)
      %mul3A_756 = arith.constant 512 : i32
      %mul3A_757 = arith.muli %add3A_740, %mul3A_756 : i32
      %add3A_758 = arith.addi %mul3A_2, %mul3A_757 : i32
      %dma_start3A_759 = arith.constant 3 : i32
      %dma_start3A_760 = arith.constant 3 : i32
      %dma_start3A_761 = arith.constant 0 : i32
      %dma_start3A_762 = arith.constant 0 : i32
      %dma_start3A_763 = tpu.memref_slice %arg6[%dma_start3A_759, %dma_start3A_761, %dma_start3A_762] : memref<4x512x32xf32, #tpu.memory_space<vmem>> -> memref<1x512x32xf32, #tpu.memory_space<vmem>>
      %dma_start3A_764 = tpu.memref_squeeze %dma_start3A_763 : memref<1x512x32xf32, #tpu.memory_space<vmem>> -> memref<512x32xf32, #tpu.memory_space<vmem>>
      %dma_start3A_765 = arith.constant 0 : i32
      %dma_start3A_766 = tpu.memref_slice %arg4[%add3A_758, %dma_start3A_765] : memref<3276800x32xf32, #tpu.memory_space<hbm>> -> memref<512x32xf32, #tpu.memory_space<hbm>>
      %dma_start3A_767 = tpu.memref_slice %arg9[%dma_start3A_760] : memref<4x!tpu.dma_semaphore, #tpu.memory_space<semaphore_mem>> -> memref<1x!tpu.dma_semaphore, #tpu.memory_space<semaphore_mem>>
      %dma_start3A_768 = tpu.memref_squeeze %dma_start3A_767 : memref<1x!tpu.dma_semaphore, #tpu.memory_space<semaphore_mem>> -> memref<!tpu.dma_semaphore, #tpu.memory_space<semaphore_mem>>
      %dma_start3A_769 = arith.constant 0 : i32
      %dma_start3A_770 = tpu.memref_slice %arg4[%add3A_758, %dma_start3A_769] : memref<3276800x32xf32, #tpu.memory_space<hbm>> -> memref<512x32xf32, #tpu.memory_space<hbm>>
      %dma_start3A_771 = arith.constant 0 : i32
      %dma_start3A_772 = arith.constant 0 : i32
      %dma_start3A_773 = tpu.memref_slice %arg6[%dma_start3A_759, %dma_start3A_771, %dma_start3A_772] : memref<4x512x32xf32, #tpu.memory_space<vmem>> -> memref<1x512x32xf32, #tpu.memory_space<vmem>>
      %dma_start3A_774 = tpu.memref_squeeze %dma_start3A_773 : memref<1x512x32xf32, #tpu.memory_space<vmem>> -> memref<512x32xf32, #tpu.memory_space<vmem>>
      tpu.enqueue_dma source(%dma_start3A_774 : memref<512x32xf32, #tpu.memory_space<vmem>>) target(%dma_start3A_770 : memref<512x32xf32, #tpu.memory_space<hbm>>) target_semaphore(%dma_start3A_768 : memref<!tpu.dma_semaphore, #tpu.memory_space<semaphore_mem>>)
      %add3A_775 = arith.constant 4 : i32
      %add3A_776 = arith.addi %add3A_740, %add3A_775 : i32
      %lt3A_777 = arith.constant 200 : i32
      %lt3A_778 = arith.cmpi slt, %add3A_776, %lt3A_777 : i32
      %convert_element_type3A_779 = arith.extui %lt3A_778 : i1 to i32
      %cond3A_780 = arith.constant 0 : i32
      %cond3A_781 = arith.cmpi ne, %convert_element_type3A_779, %cond3A_780 : i32
      scf.if %cond3A_781 {
        %mul3A_782 = arith.constant 200 : i32
        %mul3A_783 = arith.muli %add3A, %mul3A_782 : i32
        %add3A_784 = arith.addi %mul3A_783, %add3A_776 : i32
        %jit3A_785 = arith.constant 32 : i32
        %div3A_786 = arith.divsi %add3A_784, %jit3A_785 : i32
        %sign3A_787 = arith.constant 0 : i32
        %sign3A_788 = arith.cmpi sgt, %add3A_784, %sign3A_787 : i32
        %sign3A_789 = arith.extui %sign3A_788 : i1 to i32
        %sign3A_790 = arith.constant 0 : i32
        %sign3A_791 = arith.cmpi slt, %add3A_784, %sign3A_790 : i32
        %sign3A_792 = arith.extui %sign3A_791 : i1 to i32
        %sign3A_793 = arith.subi %sign3A_789, %sign3A_792 : i32
        %sign3A_794 = arith.constant 0 : i32
        %sign3A_795 = arith.cmpi sgt, %jit3A_785, %sign3A_794 : i32
        %sign3A_796 = arith.extui %sign3A_795 : i1 to i32
        %sign3A_797 = arith.constant 0 : i32
        %sign3A_798 = arith.cmpi slt, %jit3A_785, %sign3A_797 : i32
        %sign3A_799 = arith.extui %sign3A_798 : i1 to i32
        %sign3A_800 = arith.subi %sign3A_796, %sign3A_799 : i32
        %ne3A_801 = arith.cmpi ne, %sign3A_793, %sign3A_800 : i32
        %rem3A_802 = arith.remsi %add3A_784, %jit3A_785 : i32
        %ne3A_803 = arith.constant 0 : i32
        %ne3A_804 = arith.cmpi ne, %rem3A_802, %ne3A_803 : i32
        %and3A_805 = arith.andi %ne3A_801, %ne3A_804 : i1
        %sub3A_806 = arith.constant 1 : i32
        %sub3A_807 = arith.subi %div3A_786, %sub3A_806 : i32
        %select_n3A_808 = arith.select %and3A_805, %sub3A_807, %div3A_786 : i32
        %jit3A_809 = arith.constant 32 : i32
        %eq3A_810 = arith.constant 0 : i32
        %eq3A_811 = arith.cmpi eq, %jit3A_809, %eq3A_810 : i32
        %jit3A_812 = arith.constant 1 : i32
        %select_n3A_813 = arith.select %eq3A_811, %jit3A_812, %jit3A_809 : i32
        %rem3A_814 = arith.remsi %add3A_784, %select_n3A_813 : i32
        %ne3A_815 = arith.constant 0 : i32
        %ne3A_816 = arith.cmpi ne, %rem3A_814, %ne3A_815 : i32
        %lt3A_817 = arith.constant 0 : i32
        %lt3A_818 = arith.cmpi slt, %rem3A_814, %lt3A_817 : i32
        %lt3A_819 = arith.constant 0 : i32
        %lt3A_820 = arith.cmpi slt, %select_n3A_813, %lt3A_819 : i32
        %ne3A_821 = arith.xori %lt3A_818, %lt3A_820 : i1
        %and3A_822 = arith.andi %ne3A_821, %ne3A_816 : i1
        %add3A_823 = arith.addi %rem3A_814, %select_n3A_813 : i32
        %select_n3A_824 = arith.select %and3A_822, %add3A_823, %rem3A_814 : i32
        %mul3A_825 = arith.constant 512 : i32
        %mul3A_826 = arith.muli %select_n3A_824, %mul3A_825 : i32
        %dma_start3A_827 = arith.constant 3 : i32
        %dma_start3A_828 = arith.constant 3 : i32
        %dma_start3A_829 = arith.constant 0 : i32
        %dma_start3A_830 = tpu.memref_slice %arg5[%dma_start3A_827, %dma_start3A_829] : memref<4x512xi32, #tpu.memory_space<vmem>> -> memref<1x512xi32, #tpu.memory_space<vmem>>
        %dma_start3A_831 = tpu.memref_squeeze %dma_start3A_830 : memref<1x512xi32, #tpu.memory_space<vmem>> -> memref<512xi32, #tpu.memory_space<vmem>>
        %dma_start3A_832 = tpu.memref_slice %arg2[%select_n3A_808, %mul3A_826] : memref<200x16384xi32, #tpu.memory_space<hbm>> -> memref<1x512xi32, #tpu.memory_space<hbm>>
        %dma_start3A_833 = tpu.memref_squeeze %dma_start3A_832 : memref<1x512xi32, #tpu.memory_space<hbm>> -> memref<512xi32, #tpu.memory_space<hbm>>
        %dma_start3A_834 = tpu.memref_slice %arg7[%dma_start3A_828] : memref<4x!tpu.dma_semaphore, #tpu.memory_space<semaphore_mem>> -> memref<1x!tpu.dma_semaphore, #tpu.memory_space<semaphore_mem>>
        %dma_start3A_835 = tpu.memref_squeeze %dma_start3A_834 : memref<1x!tpu.dma_semaphore, #tpu.memory_space<semaphore_mem>> -> memref<!tpu.dma_semaphore, #tpu.memory_space<semaphore_mem>>
        %dma_start3A_836 = arith.constant 0 : i32
        %dma_start3A_837 = tpu.memref_slice %arg5[%dma_start3A_827, %dma_start3A_836] : memref<4x512xi32, #tpu.memory_space<vmem>> -> memref<1x512xi32, #tpu.memory_space<vmem>>
        %dma_start3A_838 = tpu.memref_squeeze %dma_start3A_837 : memref<1x512xi32, #tpu.memory_space<vmem>> -> memref<512xi32, #tpu.memory_space<vmem>>
        %dma_start3A_839 = tpu.memref_slice %arg2[%select_n3A_808, %mul3A_826] : memref<200x16384xi32, #tpu.memory_space<hbm>> -> memref<1x512xi32, #tpu.memory_space<hbm>>
        %dma_start3A_840 = tpu.memref_squeeze %dma_start3A_839 : memref<1x512xi32, #tpu.memory_space<hbm>> -> memref<512xi32, #tpu.memory_space<hbm>>
        tpu.enqueue_dma source(%dma_start3A_840 : memref<512xi32, #tpu.memory_space<hbm>>) target(%dma_start3A_838 : memref<512xi32, #tpu.memory_space<vmem>>) target_semaphore(%dma_start3A_835 : memref<!tpu.dma_semaphore, #tpu.memory_space<semaphore_mem>>)
        %mul3A_841 = arith.constant 200 : i32
        %mul3A_842 = arith.muli %add3A, %mul3A_841 : i32
        %add3A_843 = arith.addi %mul3A_842, %add3A_776 : i32
        %jit3A_844 = arith.constant 32 : i32
        %div3A_845 = arith.divsi %add3A_843, %jit3A_844 : i32
        %sign3A_846 = arith.constant 0 : i32
        %sign3A_847 = arith.cmpi sgt, %add3A_843, %sign3A_846 : i32
        %sign3A_848 = arith.extui %sign3A_847 : i1 to i32
        %sign3A_849 = arith.constant 0 : i32
        %sign3A_850 = arith.cmpi slt, %add3A_843, %sign3A_849 : i32
        %sign3A_851 = arith.extui %sign3A_850 : i1 to i32
        %sign3A_852 = arith.subi %sign3A_848, %sign3A_851 : i32
        %sign3A_853 = arith.constant 0 : i32
        %sign3A_854 = arith.cmpi sgt, %jit3A_844, %sign3A_853 : i32
        %sign3A_855 = arith.extui %sign3A_854 : i1 to i32
        %sign3A_856 = arith.constant 0 : i32
        %sign3A_857 = arith.cmpi slt, %jit3A_844, %sign3A_856 : i32
        %sign3A_858 = arith.extui %sign3A_857 : i1 to i32
        %sign3A_859 = arith.subi %sign3A_855, %sign3A_858 : i32
        %ne3A_860 = arith.cmpi ne, %sign3A_852, %sign3A_859 : i32
        %rem3A_861 = arith.remsi %add3A_843, %jit3A_844 : i32
        %ne3A_862 = arith.constant 0 : i32
        %ne3A_863 = arith.cmpi ne, %rem3A_861, %ne3A_862 : i32
        %and3A_864 = arith.andi %ne3A_860, %ne3A_863 : i1
        %sub3A_865 = arith.constant 1 : i32
        %sub3A_866 = arith.subi %div3A_845, %sub3A_865 : i32
        %select_n3A_867 = arith.select %and3A_864, %sub3A_866, %div3A_845 : i32
        %jit3A_868 = arith.constant 32 : i32
        %eq3A_869 = arith.constant 0 : i32
        %eq3A_870 = arith.cmpi eq, %jit3A_868, %eq3A_869 : i32
        %jit3A_871 = arith.constant 1 : i32
        %select_n3A_872 = arith.select %eq3A_870, %jit3A_871, %jit3A_868 : i32
        %rem3A_873 = arith.remsi %add3A_843, %select_n3A_872 : i32
        %ne3A_874 = arith.constant 0 : i32
        %ne3A_875 = arith.cmpi ne, %rem3A_873, %ne3A_874 : i32
        %lt3A_876 = arith.constant 0 : i32
        %lt3A_877 = arith.cmpi slt, %rem3A_873, %lt3A_876 : i32
        %lt3A_878 = arith.constant 0 : i32
        %lt3A_879 = arith.cmpi slt, %select_n3A_872, %lt3A_878 : i32
        %ne3A_880 = arith.xori %lt3A_877, %lt3A_879 : i1
        %and3A_881 = arith.andi %ne3A_880, %ne3A_875 : i1
        %add3A_882 = arith.addi %rem3A_873, %select_n3A_872 : i32
        %select_n3A_883 = arith.select %and3A_881, %add3A_882, %rem3A_873 : i32
        %mul3A_884 = arith.constant 512 : i32
        %mul3A_885 = arith.muli %select_n3A_883, %mul3A_884 : i32
        %dma_wait3A_886 = arith.constant 3 : i32
        %dma_wait3A_887 = arith.constant 3 : i32
        %dma_wait3A_888 = arith.constant 0 : i32
        %dma_wait3A_889 = tpu.memref_slice %arg5[%dma_wait3A_886, %dma_wait3A_888] : memref<4x512xi32, #tpu.memory_space<vmem>> -> memref<1x512xi32, #tpu.memory_space<vmem>>
        %dma_wait3A_890 = tpu.memref_squeeze %dma_wait3A_889 : memref<1x512xi32, #tpu.memory_space<vmem>> -> memref<512xi32, #tpu.memory_space<vmem>>
        %dma_wait3A_891 = tpu.memref_slice %arg2[%select_n3A_867, %mul3A_885] : memref<200x16384xi32, #tpu.memory_space<hbm>> -> memref<1x512xi32, #tpu.memory_space<hbm>>
        %dma_wait3A_892 = tpu.memref_squeeze %dma_wait3A_891 : memref<1x512xi32, #tpu.memory_space<hbm>> -> memref<512xi32, #tpu.memory_space<hbm>>
        %dma_wait3A_893 = tpu.memref_slice %arg7[%dma_wait3A_887] : memref<4x!tpu.dma_semaphore, #tpu.memory_space<semaphore_mem>> -> memref<1x!tpu.dma_semaphore, #tpu.memory_space<semaphore_mem>>
        %dma_wait3A_894 = tpu.memref_squeeze %dma_wait3A_893 : memref<1x!tpu.dma_semaphore, #tpu.memory_space<semaphore_mem>> -> memref<!tpu.dma_semaphore, #tpu.memory_space<semaphore_mem>>
        %dma_wait3A_895 = arith.constant 0 : i32
        %dma_wait3A_896 = tpu.memref_slice %arg5[%dma_wait3A_886, %dma_wait3A_895] : memref<4x512xi32, #tpu.memory_space<vmem>> -> memref<1x512xi32, #tpu.memory_space<vmem>>
        %dma_wait3A_897 = tpu.memref_squeeze %dma_wait3A_896 : memref<1x512xi32, #tpu.memory_space<vmem>> -> memref<512xi32, #tpu.memory_space<vmem>>
        %dma_wait3A_898 = tpu.memref_slice %arg2[%select_n3A_867, %mul3A_885] : memref<200x16384xi32, #tpu.memory_space<hbm>> -> memref<1x512xi32, #tpu.memory_space<hbm>>
        %dma_wait3A_899 = tpu.memref_squeeze %dma_wait3A_898 : memref<1x512xi32, #tpu.memory_space<hbm>> -> memref<512xi32, #tpu.memory_space<hbm>>
        tpu.wait_dma2 semaphore(%dma_wait3A_894 : memref<!tpu.dma_semaphore, #tpu.memory_space<semaphore_mem>>) src(%dma_wait3A_899 : memref<512xi32, #tpu.memory_space<hbm>>) dst(%dma_wait3A_897 : memref<512xi32, #tpu.memory_space<vmem>>)
        %mul3A_900 = arith.constant 512 : i32
        %mul3A_901 = arith.muli %add3A_740, %mul3A_900 : i32
        %add3A_902 = arith.addi %mul3A_2, %mul3A_901 : i32
        %dma_wait3A_903 = arith.constant 3 : i32
        %dma_wait3A_904 = arith.constant 3 : i32
        %dma_wait3A_905 = arith.constant 0 : i32
        %dma_wait3A_906 = arith.constant 0 : i32
        %dma_wait3A_907 = tpu.memref_slice %arg6[%dma_wait3A_903, %dma_wait3A_905, %dma_wait3A_906] : memref<4x512x32xf32, #tpu.memory_space<vmem>> -> memref<1x512x32xf32, #tpu.memory_space<vmem>>
        %dma_wait3A_908 = tpu.memref_squeeze %dma_wait3A_907 : memref<1x512x32xf32, #tpu.memory_space<vmem>> -> memref<512x32xf32, #tpu.memory_space<vmem>>
        %dma_wait3A_909 = arith.constant 0 : i32
        %dma_wait3A_910 = tpu.memref_slice %arg4[%add3A_902, %dma_wait3A_909] : memref<3276800x32xf32, #tpu.memory_space<hbm>> -> memref<512x32xf32, #tpu.memory_space<hbm>>
        %dma_wait3A_911 = tpu.memref_slice %arg9[%dma_wait3A_904] : memref<4x!tpu.dma_semaphore, #tpu.memory_space<semaphore_mem>> -> memref<1x!tpu.dma_semaphore, #tpu.memory_space<semaphore_mem>>
        %dma_wait3A_912 = tpu.memref_squeeze %dma_wait3A_911 : memref<1x!tpu.dma_semaphore, #tpu.memory_space<semaphore_mem>> -> memref<!tpu.dma_semaphore, #tpu.memory_space<semaphore_mem>>
        %dma_wait3A_913 = arith.constant 0 : i32
        %dma_wait3A_914 = tpu.memref_slice %arg4[%add3A_902, %dma_wait3A_913] : memref<3276800x32xf32, #tpu.memory_space<hbm>> -> memref<512x32xf32, #tpu.memory_space<hbm>>
        %dma_wait3A_915 = arith.constant 0 : i32
        %dma_wait3A_916 = arith.constant 0 : i32
        %dma_wait3A_917 = tpu.memref_slice %arg6[%dma_wait3A_903, %dma_wait3A_915, %dma_wait3A_916] : memref<4x512x32xf32, #tpu.memory_space<vmem>> -> memref<1x512x32xf32, #tpu.memory_space<vmem>>
        %dma_wait3A_918 = tpu.memref_squeeze %dma_wait3A_917 : memref<1x512x32xf32, #tpu.memory_space<vmem>> -> memref<512x32xf32, #tpu.memory_space<vmem>>
        tpu.wait_dma2 semaphore(%dma_wait3A_912 : memref<!tpu.dma_semaphore, #tpu.memory_space<semaphore_mem>>) src(%dma_wait3A_918 : memref<512x32xf32, #tpu.memory_space<vmem>>) dst(%dma_wait3A_914 : memref<512x32xf32, #tpu.memory_space<hbm>>)
        %dma_start3A_919 = arith.constant 3 : i32
        %dma_start3A_920 = arith.constant 3 : i32
        %dma_start3A_921 = arith.constant 3 : i32
        %dma_start3A_922 = arith.constant 0 : i32
        %dma_start3A_923 = arith.constant 0 : i32
        %dma_start3A_924 = tpu.memref_slice %arg6[%dma_start3A_920, %dma_start3A_922, %dma_start3A_923] : memref<4x512x32xf32, #tpu.memory_space<vmem>> -> memref<1x512x32xf32, #tpu.memory_space<vmem>>
        %dma_start3A_925 = tpu.memref_squeeze %dma_start3A_924 : memref<1x512x32xf32, #tpu.memory_space<vmem>> -> memref<512x32xf32, #tpu.memory_space<vmem>>
        %dma_start3A_926 = arith.constant 0 : i32
        %dma_start3A_927 = tpu.memref_slice %arg5[%dma_start3A_919, %dma_start3A_926] : memref<4x512xi32, #tpu.memory_space<vmem>> -> memref<1x512xi32, #tpu.memory_space<vmem>>
        %dma_start3A_928 = tpu.memref_squeeze %dma_start3A_927 : memref<1x512xi32, #tpu.memory_space<vmem>> -> memref<512xi32, #tpu.memory_space<vmem>>
        %dma_start3A_929 = arith.constant 0 : i32
        %dma_start3A_930 = arith.constant 0 : i32
        %dma_start3A_931 = tpu.memref_slice %arg3[%dma_start3A_929, %dma_start3A_930] : memref<1000064x32xf32, #tpu.memory_space<hbm>> -> memref<1000064x32xf32, #tpu.memory_space<hbm>>
        %dma_start3A_932 = tpu.memref_slice %arg8[%dma_start3A_921] : memref<4x!tpu.dma_semaphore, #tpu.memory_space<semaphore_mem>> -> memref<1x!tpu.dma_semaphore, #tpu.memory_space<semaphore_mem>>
        %dma_start3A_933 = tpu.memref_squeeze %dma_start3A_932 : memref<1x!tpu.dma_semaphore, #tpu.memory_space<semaphore_mem>> -> memref<!tpu.dma_semaphore, #tpu.memory_space<semaphore_mem>>
        tpu.enqueue_indirect_dma source(%dma_start3A_931 : memref<1000064x32xf32, #tpu.memory_space<hbm>>) target(%dma_start3A_925 : memref<512x32xf32, #tpu.memory_space<vmem>>) offsets(%dma_start3A_928 : memref<512xi32, #tpu.memory_space<vmem>>) semaphore(%dma_start3A_933 : memref<!tpu.dma_semaphore, #tpu.memory_space<semaphore_mem>>)
      } else {
      }
    }
    %scan3A_534 = arith.constant 50 : i32
    %add3A_535 = arith.constant 100352 : i32
    %add3A_536 = arith.addi %mul3A_2, %add3A_535 : i32
    %dma_wait3A_537 = arith.constant 0 : i32
    %dma_wait3A_538 = arith.constant 0 : i32
    %dma_wait3A_539 = arith.constant 0 : i32
    %dma_wait3A_540 = arith.constant 0 : i32
    %dma_wait3A_541 = tpu.memref_slice %arg6[%dma_wait3A_537, %dma_wait3A_539, %dma_wait3A_540] : memref<4x512x32xf32, #tpu.memory_space<vmem>> -> memref<1x512x32xf32, #tpu.memory_space<vmem>>
    %dma_wait3A_542 = tpu.memref_squeeze %dma_wait3A_541 : memref<1x512x32xf32, #tpu.memory_space<vmem>> -> memref<512x32xf32, #tpu.memory_space<vmem>>
    %dma_wait3A_543 = arith.constant 0 : i32
    %dma_wait3A_544 = tpu.memref_slice %arg4[%add3A_536, %dma_wait3A_543] : memref<3276800x32xf32, #tpu.memory_space<hbm>> -> memref<512x32xf32, #tpu.memory_space<hbm>>
    %dma_wait3A_545 = tpu.memref_slice %arg9[%dma_wait3A_538] : memref<4x!tpu.dma_semaphore, #tpu.memory_space<semaphore_mem>> -> memref<1x!tpu.dma_semaphore, #tpu.memory_space<semaphore_mem>>
    %dma_wait3A_546 = tpu.memref_squeeze %dma_wait3A_545 : memref<1x!tpu.dma_semaphore, #tpu.memory_space<semaphore_mem>> -> memref<!tpu.dma_semaphore, #tpu.memory_space<semaphore_mem>>
    %dma_wait3A_547 = arith.constant 0 : i32
    %dma_wait3A_548 = tpu.memref_slice %arg4[%add3A_536, %dma_wait3A_547] : memref<3276800x32xf32, #tpu.memory_space<hbm>> -> memref<512x32xf32, #tpu.memory_space<hbm>>
    %dma_wait3A_549 = arith.constant 0 : i32
    %dma_wait3A_550 = arith.constant 0 : i32
    %dma_wait3A_551 = tpu.memref_slice %arg6[%dma_wait3A_537, %dma_wait3A_549, %dma_wait3A_550] : memref<4x512x32xf32, #tpu.memory_space<vmem>> -> memref<1x512x32xf32, #tpu.memory_space<vmem>>
    %dma_wait3A_552 = tpu.memref_squeeze %dma_wait3A_551 : memref<1x512x32xf32, #tpu.memory_space<vmem>> -> memref<512x32xf32, #tpu.memory_space<vmem>>
    tpu.wait_dma2 semaphore(%dma_wait3A_546 : memref<!tpu.dma_semaphore, #tpu.memory_space<semaphore_mem>>) src(%dma_wait3A_552 : memref<512x32xf32, #tpu.memory_space<vmem>>) dst(%dma_wait3A_548 : memref<512x32xf32, #tpu.memory_space<hbm>>)
    %add3A_553 = arith.constant 100864 : i32
    %add3A_554 = arith.addi %mul3A_2, %add3A_553 : i32
    %dma_wait3A_555 = arith.constant 1 : i32
    %dma_wait3A_556 = arith.constant 1 : i32
    %dma_wait3A_557 = arith.constant 0 : i32
    %dma_wait3A_558 = arith.constant 0 : i32
    %dma_wait3A_559 = tpu.memref_slice %arg6[%dma_wait3A_555, %dma_wait3A_557, %dma_wait3A_558] : memref<4x512x32xf32, #tpu.memory_space<vmem>> -> memref<1x512x32xf32, #tpu.memory_space<vmem>>
    %dma_wait3A_560 = tpu.memref_squeeze %dma_wait3A_559 : memref<1x512x32xf32, #tpu.memory_space<vmem>> -> memref<512x32xf32, #tpu.memory_space<vmem>>
    %dma_wait3A_561 = arith.constant 0 : i32
    %dma_wait3A_562 = tpu.memref_slice %arg4[%add3A_554, %dma_wait3A_561] : memref<3276800x32xf32, #tpu.memory_space<hbm>> -> memref<512x32xf32, #tpu.memory_space<hbm>>
    %dma_wait3A_563 = tpu.memref_slice %arg9[%dma_wait3A_556] : memref<4x!tpu.dma_semaphore, #tpu.memory_space<semaphore_mem>> -> memref<1x!tpu.dma_semaphore, #tpu.memory_space<semaphore_mem>>
    %dma_wait3A_564 = tpu.memref_squeeze %dma_wait3A_563 : memref<1x!tpu.dma_semaphore, #tpu.memory_space<semaphore_mem>> -> memref<!tpu.dma_semaphore, #tpu.memory_space<semaphore_mem>>
    %dma_wait3A_565 = arith.constant 0 : i32
    %dma_wait3A_566 = tpu.memref_slice %arg4[%add3A_554, %dma_wait3A_565] : memref<3276800x32xf32, #tpu.memory_space<hbm>> -> memref<512x32xf32, #tpu.memory_space<hbm>>
    %dma_wait3A_567 = arith.constant 0 : i32
    %dma_wait3A_568 = arith.constant 0 : i32
    %dma_wait3A_569 = tpu.memref_slice %arg6[%dma_wait3A_555, %dma_wait3A_567, %dma_wait3A_568] : memref<4x512x32xf32, #tpu.memory_space<vmem>> -> memref<1x512x32xf32, #tpu.memory_space<vmem>>
    %dma_wait3A_570 = tpu.memref_squeeze %dma_wait3A_569 : memref<1x512x32xf32, #tpu.memory_space<vmem>> -> memref<512x32xf32, #tpu.memory_space<vmem>>
    tpu.wait_dma2 semaphore(%dma_wait3A_564 : memref<!tpu.dma_semaphore, #tpu.memory_space<semaphore_mem>>) src(%dma_wait3A_570 : memref<512x32xf32, #tpu.memory_space<vmem>>) dst(%dma_wait3A_566 : memref<512x32xf32, #tpu.memory_space<hbm>>)
    %add3A_571 = arith.constant 101376 : i32
    %add3A_572 = arith.addi %mul3A_2, %add3A_571 : i32
    %dma_wait3A_573 = arith.constant 2 : i32
    %dma_wait3A_574 = arith.constant 2 : i32
    %dma_wait3A_575 = arith.constant 0 : i32
    %dma_wait3A_576 = arith.constant 0 : i32
    %dma_wait3A_577 = tpu.memref_slice %arg6[%dma_wait3A_573, %dma_wait3A_575, %dma_wait3A_576] : memref<4x512x32xf32, #tpu.memory_space<vmem>> -> memref<1x512x32xf32, #tpu.memory_space<vmem>>
    %dma_wait3A_578 = tpu.memref_squeeze %dma_wait3A_577 : memref<1x512x32xf32, #tpu.memory_space<vmem>> -> memref<512x32xf32, #tpu.memory_space<vmem>>
    %dma_wait3A_579 = arith.constant 0 : i32
    %dma_wait3A_580 = tpu.memref_slice %arg4[%add3A_572, %dma_wait3A_579] : memref<3276800x32xf32, #tpu.memory_space<hbm>> -> memref<512x32xf32, #tpu.memory_space<hbm>>
    %dma_wait3A_581 = tpu.memref_slice %arg9[%dma_wait3A_574] : memref<4x!tpu.dma_semaphore, #tpu.memory_space<semaphore_mem>> -> memref<1x!tpu.dma_semaphore, #tpu.memory_space<semaphore_mem>>
    %dma_wait3A_582 = tpu.memref_squeeze %dma_wait3A_581 : memref<1x!tpu.dma_semaphore, #tpu.memory_space<semaphore_mem>> -> memref<!tpu.dma_semaphore, #tpu.memory_space<semaphore_mem>>
    %dma_wait3A_583 = arith.constant 0 : i32
    %dma_wait3A_584 = tpu.memref_slice %arg4[%add3A_572, %dma_wait3A_583] : memref<3276800x32xf32, #tpu.memory_space<hbm>> -> memref<512x32xf32, #tpu.memory_space<hbm>>
    %dma_wait3A_585 = arith.constant 0 : i32
    %dma_wait3A_586 = arith.constant 0 : i32
    %dma_wait3A_587 = tpu.memref_slice %arg6[%dma_wait3A_573, %dma_wait3A_585, %dma_wait3A_586] : memref<4x512x32xf32, #tpu.memory_space<vmem>> -> memref<1x512x32xf32, #tpu.memory_space<vmem>>
    %dma_wait3A_588 = tpu.memref_squeeze %dma_wait3A_587 : memref<1x512x32xf32, #tpu.memory_space<vmem>> -> memref<512x32xf32, #tpu.memory_space<vmem>>
    tpu.wait_dma2 semaphore(%dma_wait3A_582 : memref<!tpu.dma_semaphore, #tpu.memory_space<semaphore_mem>>) src(%dma_wait3A_588 : memref<512x32xf32, #tpu.memory_space<vmem>>) dst(%dma_wait3A_584 : memref<512x32xf32, #tpu.memory_space<hbm>>)
    %add3A_589 = arith.constant 101888 : i32
    %add3A_590 = arith.addi %mul3A_2, %add3A_589 : i32
    %dma_wait3A_591 = arith.constant 3 : i32
    %dma_wait3A_592 = arith.constant 3 : i32
    %dma_wait3A_593 = arith.constant 0 : i32
    %dma_wait3A_594 = arith.constant 0 : i32
    %dma_wait3A_595 = tpu.memref_slice %arg6[%dma_wait3A_591, %dma_wait3A_593, %dma_wait3A_594] : memref<4x512x32xf32, #tpu.memory_space<vmem>> -> memref<1x512x32xf32, #tpu.memory_space<vmem>>
    %dma_wait3A_596 = tpu.memref_squeeze %dma_wait3A_595 : memref<1x512x32xf32, #tpu.memory_space<vmem>> -> memref<512x32xf32, #tpu.memory_space<vmem>>
    %dma_wait3A_597 = arith.constant 0 : i32
    %dma_wait3A_598 = tpu.memref_slice %arg4[%add3A_590, %dma_wait3A_597] : memref<3276800x32xf32, #tpu.memory_space<hbm>> -> memref<512x32xf32, #tpu.memory_space<hbm>>
    %dma_wait3A_599 = tpu.memref_slice %arg9[%dma_wait3A_592] : memref<4x!tpu.dma_semaphore, #tpu.memory_space<semaphore_mem>> -> memref<1x!tpu.dma_semaphore, #tpu.memory_space<semaphore_mem>>
    %dma_wait3A_600 = tpu.memref_squeeze %dma_wait3A_599 : memref<1x!tpu.dma_semaphore, #tpu.memory_space<semaphore_mem>> -> memref<!tpu.dma_semaphore, #tpu.memory_space<semaphore_mem>>
    %dma_wait3A_601 = arith.constant 0 : i32
    %dma_wait3A_602 = tpu.memref_slice %arg4[%add3A_590, %dma_wait3A_601] : memref<3276800x32xf32, #tpu.memory_space<hbm>> -> memref<512x32xf32, #tpu.memory_space<hbm>>
    %dma_wait3A_603 = arith.constant 0 : i32
    %dma_wait3A_604 = arith.constant 0 : i32
    %dma_wait3A_605 = tpu.memref_slice %arg6[%dma_wait3A_591, %dma_wait3A_603, %dma_wait3A_604] : memref<4x512x32xf32, #tpu.memory_space<vmem>> -> memref<1x512x32xf32, #tpu.memory_space<vmem>>
    %dma_wait3A_606 = tpu.memref_squeeze %dma_wait3A_605 : memref<1x512x32xf32, #tpu.memory_space<vmem>> -> memref<512x32xf32, #tpu.memory_space<vmem>>
    tpu.wait_dma2 semaphore(%dma_wait3A_600 : memref<!tpu.dma_semaphore, #tpu.memory_space<semaphore_mem>>) src(%dma_wait3A_606 : memref<512x32xf32, #tpu.memory_space<vmem>>) dst(%dma_wait3A_602 : memref<512x32xf32, #tpu.memory_space<hbm>>)
    return
  }
}

#map = affine_map<(d0, d1) -> (0, 0)>
#map1 = affine_map<(d0, d1) -> (0, 0, 0)>
module attributes {stable_mosaic.version = 14 : i64} {
  func.func @_transpose_kernel(%arg0: i32, %arg1: i32, %arg2: memref<819200x128xf32, #tpu.memory_space<hbm>>, %arg3: memref<200x32x16384xf32, #tpu.memory_space<hbm>>, %arg4: memref<2x128x128xf32, #tpu.memory_space<vmem>>, %arg5: memref<2x4x8x512xf32, #tpu.memory_space<vmem>>, %arg6: memref<2x!tpu.dma_semaphore, #tpu.memory_space<semaphore_mem>>, %arg7: memref<2x!tpu.dma_semaphore, #tpu.memory_space<semaphore_mem>>) attributes {dimension_semantics = [#tpu.dimension_semantics<core_parallel>, #tpu.dimension_semantics<subcore_parallel>], iteration_bounds = array<i64: 2, 16>, scalar_prefetch = 0 : i64, scratch_operands = 4 : i64, tpu.core_type = #tpu.core_type<sc_vector_subcore>, window_params = [{transform_indices = #map}, {transform_indices = #map1}]} {
    %mul3A = arith.constant 2 : i32
    %mul3A_0 = arith.muli %arg1, %mul3A : i32
    %add3A = arith.addi %mul3A_0, %arg0 : i32
    %iota3A = tpu.iota {dimensions = array<i32: 0>} : vector<16xi32>
    %mul3A_1 = arith.constant 128 : i32
    %mul3A_2 = arith.muli %add3A, %mul3A_1 : i32
    %add3A_3 = arith.constant 0 : i32
    %add3A_4 = arith.addi %add3A_3, %mul3A_2 : i32
    %dma_start3A = arith.constant 0 : i32
    %dma_start3A_5 = arith.constant 0 : i32
    %dma_start3A_6 = arith.constant 0 : i32
    %dma_start3A_7 = arith.constant 0 : i32
    %dma_start3A_8 = tpu.memref_slice %arg4[%dma_start3A, %dma_start3A_6, %dma_start3A_7] : memref<2x128x128xf32, #tpu.memory_space<vmem>> -> memref<1x128x128xf32, #tpu.memory_space<vmem>>
    %dma_start3A_9 = tpu.memref_squeeze %dma_start3A_8 : memref<1x128x128xf32, #tpu.memory_space<vmem>> -> memref<128x128xf32, #tpu.memory_space<vmem>>
    %dma_start3A_10 = arith.constant 0 : i32
    %dma_start3A_11 = tpu.memref_slice %arg2[%add3A_4, %dma_start3A_10] : memref<819200x128xf32, #tpu.memory_space<hbm>> -> memref<128x128xf32, #tpu.memory_space<hbm>>
    %dma_start3A_12 = tpu.memref_slice %arg6[%dma_start3A_5] : memref<2x!tpu.dma_semaphore, #tpu.memory_space<semaphore_mem>> -> memref<1x!tpu.dma_semaphore, #tpu.memory_space<semaphore_mem>>
    %dma_start3A_13 = tpu.memref_squeeze %dma_start3A_12 : memref<1x!tpu.dma_semaphore, #tpu.memory_space<semaphore_mem>> -> memref<!tpu.dma_semaphore, #tpu.memory_space<semaphore_mem>>
    %dma_start3A_14 = arith.constant 0 : i32
    %dma_start3A_15 = arith.constant 0 : i32
    %dma_start3A_16 = tpu.memref_slice %arg4[%dma_start3A, %dma_start3A_14, %dma_start3A_15] : memref<2x128x128xf32, #tpu.memory_space<vmem>> -> memref<1x128x128xf32, #tpu.memory_space<vmem>>
    %dma_start3A_17 = tpu.memref_squeeze %dma_start3A_16 : memref<1x128x128xf32, #tpu.memory_space<vmem>> -> memref<128x128xf32, #tpu.memory_space<vmem>>
    %dma_start3A_18 = arith.constant 0 : i32
    %dma_start3A_19 = tpu.memref_slice %arg2[%add3A_4, %dma_start3A_18] : memref<819200x128xf32, #tpu.memory_space<hbm>> -> memref<128x128xf32, #tpu.memory_space<hbm>>
    tpu.enqueue_dma source(%dma_start3A_19 : memref<128x128xf32, #tpu.memory_space<hbm>>) target(%dma_start3A_17 : memref<128x128xf32, #tpu.memory_space<vmem>>) target_semaphore(%dma_start3A_13 : memref<!tpu.dma_semaphore, #tpu.memory_space<semaphore_mem>>)
    %mul3A_20 = arith.constant 128 : i32
    %mul3A_21 = arith.muli %add3A, %mul3A_20 : i32
    %add3A_22 = arith.constant 4096 : i32
    %add3A_23 = arith.addi %add3A_22, %mul3A_21 : i32
    %dma_start3A_24 = arith.constant 1 : i32
    %dma_start3A_25 = arith.constant 1 : i32
    %dma_start3A_26 = arith.constant 0 : i32
    %dma_start3A_27 = arith.constant 0 : i32
    %dma_start3A_28 = tpu.memref_slice %arg4[%dma_start3A_24, %dma_start3A_26, %dma_start3A_27] : memref<2x128x128xf32, #tpu.memory_space<vmem>> -> memref<1x128x128xf32, #tpu.memory_space<vmem>>
    %dma_start3A_29 = tpu.memref_squeeze %dma_start3A_28 : memref<1x128x128xf32, #tpu.memory_space<vmem>> -> memref<128x128xf32, #tpu.memory_space<vmem>>
    %dma_start3A_30 = arith.constant 0 : i32
    %dma_start3A_31 = tpu.memref_slice %arg2[%add3A_23, %dma_start3A_30] : memref<819200x128xf32, #tpu.memory_space<hbm>> -> memref<128x128xf32, #tpu.memory_space<hbm>>
    %dma_start3A_32 = tpu.memref_slice %arg6[%dma_start3A_25] : memref<2x!tpu.dma_semaphore, #tpu.memory_space<semaphore_mem>> -> memref<1x!tpu.dma_semaphore, #tpu.memory_space<semaphore_mem>>
    %dma_start3A_33 = tpu.memref_squeeze %dma_start3A_32 : memref<1x!tpu.dma_semaphore, #tpu.memory_space<semaphore_mem>> -> memref<!tpu.dma_semaphore, #tpu.memory_space<semaphore_mem>>
    %dma_start3A_34 = arith.constant 0 : i32
    %dma_start3A_35 = arith.constant 0 : i32
    %dma_start3A_36 = tpu.memref_slice %arg4[%dma_start3A_24, %dma_start3A_34, %dma_start3A_35] : memref<2x128x128xf32, #tpu.memory_space<vmem>> -> memref<1x128x128xf32, #tpu.memory_space<vmem>>
    %dma_start3A_37 = tpu.memref_squeeze %dma_start3A_36 : memref<1x128x128xf32, #tpu.memory_space<vmem>> -> memref<128x128xf32, #tpu.memory_space<vmem>>
    %dma_start3A_38 = arith.constant 0 : i32
    %dma_start3A_39 = tpu.memref_slice %arg2[%add3A_23, %dma_start3A_38] : memref<819200x128xf32, #tpu.memory_space<hbm>> -> memref<128x128xf32, #tpu.memory_space<hbm>>
    tpu.enqueue_dma source(%dma_start3A_39 : memref<128x128xf32, #tpu.memory_space<hbm>>) target(%dma_start3A_37 : memref<128x128xf32, #tpu.memory_space<vmem>>) target_semaphore(%dma_start3A_33 : memref<!tpu.dma_semaphore, #tpu.memory_space<semaphore_mem>>)
    %scan3A = arith.constant 0 : i32
    %scan3A_40 = arith.constant 100 : i32
    %scan3A_41 = arith.addi %scan3A, %scan3A_40 : i32
    %scan3A_42 = arith.constant 1 : i32
    scf.for %scan3A_219 = %scan3A to %scan3A_41 step %scan3A_42  : i32 {
      %mul3A_220 = arith.constant 2 : i32
      %mul3A_221 = arith.muli %scan3A_219, %mul3A_220 : i32
      %add3A_222 = arith.constant 0 : i32
      %add3A_223 = arith.addi %add3A_222, %mul3A_221 : i32
      %add3A_224 = arith.constant 0 : i32
      %add3A_225 = arith.addi %add3A_223, %add3A_224 : i32
      %mul3A_226 = arith.constant 4096 : i32
      %mul3A_227 = arith.muli %add3A_225, %mul3A_226 : i32
      %mul3A_228 = arith.constant 128 : i32
      %mul3A_229 = arith.muli %add3A, %mul3A_228 : i32
      %add3A_230 = arith.addi %mul3A_227, %mul3A_229 : i32
      %dma_wait3A_231 = arith.constant 0 : i32
      %dma_wait3A_232 = arith.constant 0 : i32
      %dma_wait3A_233 = arith.constant 0 : i32
      %dma_wait3A_234 = arith.constant 0 : i32
      %dma_wait3A_235 = tpu.memref_slice %arg4[%dma_wait3A_231, %dma_wait3A_233, %dma_wait3A_234] : memref<2x128x128xf32, #tpu.memory_space<vmem>> -> memref<1x128x128xf32, #tpu.memory_space<vmem>>
      %dma_wait3A_236 = tpu.memref_squeeze %dma_wait3A_235 : memref<1x128x128xf32, #tpu.memory_space<vmem>> -> memref<128x128xf32, #tpu.memory_space<vmem>>
      %dma_wait3A_237 = arith.constant 0 : i32
      %dma_wait3A_238 = tpu.memref_slice %arg2[%add3A_230, %dma_wait3A_237] : memref<819200x128xf32, #tpu.memory_space<hbm>> -> memref<128x128xf32, #tpu.memory_space<hbm>>
      %dma_wait3A_239 = tpu.memref_slice %arg6[%dma_wait3A_232] : memref<2x!tpu.dma_semaphore, #tpu.memory_space<semaphore_mem>> -> memref<1x!tpu.dma_semaphore, #tpu.memory_space<semaphore_mem>>
      %dma_wait3A_240 = tpu.memref_squeeze %dma_wait3A_239 : memref<1x!tpu.dma_semaphore, #tpu.memory_space<semaphore_mem>> -> memref<!tpu.dma_semaphore, #tpu.memory_space<semaphore_mem>>
      %dma_wait3A_241 = arith.constant 0 : i32
      %dma_wait3A_242 = arith.constant 0 : i32
      %dma_wait3A_243 = tpu.memref_slice %arg4[%dma_wait3A_231, %dma_wait3A_241, %dma_wait3A_242] : memref<2x128x128xf32, #tpu.memory_space<vmem>> -> memref<1x128x128xf32, #tpu.memory_space<vmem>>
      %dma_wait3A_244 = tpu.memref_squeeze %dma_wait3A_243 : memref<1x128x128xf32, #tpu.memory_space<vmem>> -> memref<128x128xf32, #tpu.memory_space<vmem>>
      %dma_wait3A_245 = arith.constant 0 : i32
      %dma_wait3A_246 = tpu.memref_slice %arg2[%add3A_230, %dma_wait3A_245] : memref<819200x128xf32, #tpu.memory_space<hbm>> -> memref<128x128xf32, #tpu.memory_space<hbm>>
      tpu.wait_dma2 semaphore(%dma_wait3A_240 : memref<!tpu.dma_semaphore, #tpu.memory_space<semaphore_mem>>) src(%dma_wait3A_246 : memref<128x128xf32, #tpu.memory_space<hbm>>) dst(%dma_wait3A_244 : memref<128x128xf32, #tpu.memory_space<vmem>>)
      %ge3A = arith.constant 2 : i32
      %ge3A_247 = arith.cmpi sge, %add3A_225, %ge3A : i32
      %convert_element_type3A = arith.extui %ge3A_247 : i1 to i32
      %cond3A = arith.constant 0 : i32
      %cond3A_248 = arith.cmpi ne, %convert_element_type3A, %cond3A : i32
      scf.if %cond3A_248 {
        %sub3A = arith.constant 2 : i32
        %sub3A_491 = arith.subi %add3A_225, %sub3A : i32
        %mul3A_492 = arith.constant 512 : i32
        %mul3A_493 = arith.muli %add3A, %mul3A_492 : i32
        %dma_wait3A_494 = arith.constant 0 : i32
        %dma_wait3A_495 = arith.constant 0 : i32
        %dma_wait3A_496 = arith.constant 0 : i32
        %dma_wait3A_497 = arith.constant 0 : i32
        %dma_wait3A_498 = arith.constant 0 : i32
        %dma_wait3A_499 = tpu.memref_slice %arg5[%dma_wait3A_494, %dma_wait3A_495, %dma_wait3A_497, %dma_wait3A_498] : memref<2x4x8x512xf32, #tpu.memory_space<vmem>> -> memref<1x1x8x512xf32, #tpu.memory_space<vmem>>
        %dma_wait3A_500 = tpu.memref_squeeze %dma_wait3A_499 : memref<1x1x8x512xf32, #tpu.memory_space<vmem>> -> memref<8x512xf32, #tpu.memory_space<vmem>>
        %dma_wait3A_501 = arith.constant 0 : i32
        %dma_wait3A_502 = tpu.memref_slice %arg3[%sub3A_491, %dma_wait3A_501, %mul3A_493] : memref<200x32x16384xf32, #tpu.memory_space<hbm>> -> memref<1x8x512xf32, #tpu.memory_space<hbm>>
        %dma_wait3A_503 = tpu.memref_squeeze %dma_wait3A_502 : memref<1x8x512xf32, #tpu.memory_space<hbm>> -> memref<8x512xf32, #tpu.memory_space<hbm>>
        %dma_wait3A_504 = tpu.memref_slice %arg7[%dma_wait3A_496] : memref<2x!tpu.dma_semaphore, #tpu.memory_space<semaphore_mem>> -> memref<1x!tpu.dma_semaphore, #tpu.memory_space<semaphore_mem>>
        %dma_wait3A_505 = tpu.memref_squeeze %dma_wait3A_504 : memref<1x!tpu.dma_semaphore, #tpu.memory_space<semaphore_mem>> -> memref<!tpu.dma_semaphore, #tpu.memory_space<semaphore_mem>>
        %dma_wait3A_506 = arith.constant 0 : i32
        %dma_wait3A_507 = tpu.memref_slice %arg3[%sub3A_491, %dma_wait3A_506, %mul3A_493] : memref<200x32x16384xf32, #tpu.memory_space<hbm>> -> memref<1x8x512xf32, #tpu.memory_space<hbm>>
        %dma_wait3A_508 = tpu.memref_squeeze %dma_wait3A_507 : memref<1x8x512xf32, #tpu.memory_space<hbm>> -> memref<8x512xf32, #tpu.memory_space<hbm>>
        %dma_wait3A_509 = arith.constant 0 : i32
        %dma_wait3A_510 = arith.constant 0 : i32
        %dma_wait3A_511 = tpu.memref_slice %arg5[%dma_wait3A_494, %dma_wait3A_495, %dma_wait3A_509, %dma_wait3A_510] : memref<2x4x8x512xf32, #tpu.memory_space<vmem>> -> memref<1x1x8x512xf32, #tpu.memory_space<vmem>>
        %dma_wait3A_512 = tpu.memref_squeeze %dma_wait3A_511 : memref<1x1x8x512xf32, #tpu.memory_space<vmem>> -> memref<8x512xf32, #tpu.memory_space<vmem>>
        tpu.wait_dma2 semaphore(%dma_wait3A_505 : memref<!tpu.dma_semaphore, #tpu.memory_space<semaphore_mem>>) src(%dma_wait3A_512 : memref<8x512xf32, #tpu.memory_space<vmem>>) dst(%dma_wait3A_508 : memref<8x512xf32, #tpu.memory_space<hbm>>)
        %sub3A_513 = arith.constant 2 : i32
        %sub3A_514 = arith.subi %add3A_225, %sub3A_513 : i32
        %mul3A_515 = arith.constant 512 : i32
        %mul3A_516 = arith.muli %add3A, %mul3A_515 : i32
        %dma_wait3A_517 = arith.constant 0 : i32
        %dma_wait3A_518 = arith.constant 1 : i32
        %dma_wait3A_519 = arith.constant 0 : i32
        %dma_wait3A_520 = arith.constant 0 : i32
        %dma_wait3A_521 = arith.constant 0 : i32
        %dma_wait3A_522 = tpu.memref_slice %arg5[%dma_wait3A_517, %dma_wait3A_518, %dma_wait3A_520, %dma_wait3A_521] : memref<2x4x8x512xf32, #tpu.memory_space<vmem>> -> memref<1x1x8x512xf32, #tpu.memory_space<vmem>>
        %dma_wait3A_523 = tpu.memref_squeeze %dma_wait3A_522 : memref<1x1x8x512xf32, #tpu.memory_space<vmem>> -> memref<8x512xf32, #tpu.memory_space<vmem>>
        %dma_wait3A_524 = arith.constant 8 : i32
        %dma_wait3A_525 = tpu.memref_slice %arg3[%sub3A_514, %dma_wait3A_524, %mul3A_516] : memref<200x32x16384xf32, #tpu.memory_space<hbm>> -> memref<1x8x512xf32, #tpu.memory_space<hbm>>
        %dma_wait3A_526 = tpu.memref_squeeze %dma_wait3A_525 : memref<1x8x512xf32, #tpu.memory_space<hbm>> -> memref<8x512xf32, #tpu.memory_space<hbm>>
        %dma_wait3A_527 = tpu.memref_slice %arg7[%dma_wait3A_519] : memref<2x!tpu.dma_semaphore, #tpu.memory_space<semaphore_mem>> -> memref<1x!tpu.dma_semaphore, #tpu.memory_space<semaphore_mem>>
        %dma_wait3A_528 = tpu.memref_squeeze %dma_wait3A_527 : memref<1x!tpu.dma_semaphore, #tpu.memory_space<semaphore_mem>> -> memref<!tpu.dma_semaphore, #tpu.memory_space<semaphore_mem>>
        %dma_wait3A_529 = arith.constant 8 : i32
        %dma_wait3A_530 = tpu.memref_slice %arg3[%sub3A_514, %dma_wait3A_529, %mul3A_516] : memref<200x32x16384xf32, #tpu.memory_space<hbm>> -> memref<1x8x512xf32, #tpu.memory_space<hbm>>
        %dma_wait3A_531 = tpu.memref_squeeze %dma_wait3A_530 : memref<1x8x512xf32, #tpu.memory_space<hbm>> -> memref<8x512xf32, #tpu.memory_space<hbm>>
        %dma_wait3A_532 = arith.constant 0 : i32
        %dma_wait3A_533 = arith.constant 0 : i32
        %dma_wait3A_534 = tpu.memref_slice %arg5[%dma_wait3A_517, %dma_wait3A_518, %dma_wait3A_532, %dma_wait3A_533] : memref<2x4x8x512xf32, #tpu.memory_space<vmem>> -> memref<1x1x8x512xf32, #tpu.memory_space<vmem>>
        %dma_wait3A_535 = tpu.memref_squeeze %dma_wait3A_534 : memref<1x1x8x512xf32, #tpu.memory_space<vmem>> -> memref<8x512xf32, #tpu.memory_space<vmem>>
        tpu.wait_dma2 semaphore(%dma_wait3A_528 : memref<!tpu.dma_semaphore, #tpu.memory_space<semaphore_mem>>) src(%dma_wait3A_535 : memref<8x512xf32, #tpu.memory_space<vmem>>) dst(%dma_wait3A_531 : memref<8x512xf32, #tpu.memory_space<hbm>>)
        %sub3A_536 = arith.constant 2 : i32
        %sub3A_537 = arith.subi %add3A_225, %sub3A_536 : i32
        %mul3A_538 = arith.constant 512 : i32
        %mul3A_539 = arith.muli %add3A, %mul3A_538 : i32
        %dma_wait3A_540 = arith.constant 0 : i32
        %dma_wait3A_541 = arith.constant 2 : i32
        %dma_wait3A_542 = arith.constant 0 : i32
        %dma_wait3A_543 = arith.constant 0 : i32
        %dma_wait3A_544 = arith.constant 0 : i32
        %dma_wait3A_545 = tpu.memref_slice %arg5[%dma_wait3A_540, %dma_wait3A_541, %dma_wait3A_543, %dma_wait3A_544] : memref<2x4x8x512xf32, #tpu.memory_space<vmem>> -> memref<1x1x8x512xf32, #tpu.memory_space<vmem>>
        %dma_wait3A_546 = tpu.memref_squeeze %dma_wait3A_545 : memref<1x1x8x512xf32, #tpu.memory_space<vmem>> -> memref<8x512xf32, #tpu.memory_space<vmem>>
        %dma_wait3A_547 = arith.constant 16 : i32
        %dma_wait3A_548 = tpu.memref_slice %arg3[%sub3A_537, %dma_wait3A_547, %mul3A_539] : memref<200x32x16384xf32, #tpu.memory_space<hbm>> -> memref<1x8x512xf32, #tpu.memory_space<hbm>>
        %dma_wait3A_549 = tpu.memref_squeeze %dma_wait3A_548 : memref<1x8x512xf32, #tpu.memory_space<hbm>> -> memref<8x512xf32, #tpu.memory_space<hbm>>
        %dma_wait3A_550 = tpu.memref_slice %arg7[%dma_wait3A_542] : memref<2x!tpu.dma_semaphore, #tpu.memory_space<semaphore_mem>> -> memref<1x!tpu.dma_semaphore, #tpu.memory_space<semaphore_mem>>
        %dma_wait3A_551 = tpu.memref_squeeze %dma_wait3A_550 : memref<1x!tpu.dma_semaphore, #tpu.memory_space<semaphore_mem>> -> memref<!tpu.dma_semaphore, #tpu.memory_space<semaphore_mem>>
        %dma_wait3A_552 = arith.constant 16 : i32
        %dma_wait3A_553 = tpu.memref_slice %arg3[%sub3A_537, %dma_wait3A_552, %mul3A_539] : memref<200x32x16384xf32, #tpu.memory_space<hbm>> -> memref<1x8x512xf32, #tpu.memory_space<hbm>>
        %dma_wait3A_554 = tpu.memref_squeeze %dma_wait3A_553 : memref<1x8x512xf32, #tpu.memory_space<hbm>> -> memref<8x512xf32, #tpu.memory_space<hbm>>
        %dma_wait3A_555 = arith.constant 0 : i32
        %dma_wait3A_556 = arith.constant 0 : i32
        %dma_wait3A_557 = tpu.memref_slice %arg5[%dma_wait3A_540, %dma_wait3A_541, %dma_wait3A_555, %dma_wait3A_556] : memref<2x4x8x512xf32, #tpu.memory_space<vmem>> -> memref<1x1x8x512xf32, #tpu.memory_space<vmem>>
        %dma_wait3A_558 = tpu.memref_squeeze %dma_wait3A_557 : memref<1x1x8x512xf32, #tpu.memory_space<vmem>> -> memref<8x512xf32, #tpu.memory_space<vmem>>
        tpu.wait_dma2 semaphore(%dma_wait3A_551 : memref<!tpu.dma_semaphore, #tpu.memory_space<semaphore_mem>>) src(%dma_wait3A_558 : memref<8x512xf32, #tpu.memory_space<vmem>>) dst(%dma_wait3A_554 : memref<8x512xf32, #tpu.memory_space<hbm>>)
        %sub3A_559 = arith.constant 2 : i32
        %sub3A_560 = arith.subi %add3A_225, %sub3A_559 : i32
        %mul3A_561 = arith.constant 512 : i32
        %mul3A_562 = arith.muli %add3A, %mul3A_561 : i32
        %dma_wait3A_563 = arith.constant 0 : i32
        %dma_wait3A_564 = arith.constant 3 : i32
        %dma_wait3A_565 = arith.constant 0 : i32
        %dma_wait3A_566 = arith.constant 0 : i32
        %dma_wait3A_567 = arith.constant 0 : i32
        %dma_wait3A_568 = tpu.memref_slice %arg5[%dma_wait3A_563, %dma_wait3A_564, %dma_wait3A_566, %dma_wait3A_567] : memref<2x4x8x512xf32, #tpu.memory_space<vmem>> -> memref<1x1x8x512xf32, #tpu.memory_space<vmem>>
        %dma_wait3A_569 = tpu.memref_squeeze %dma_wait3A_568 : memref<1x1x8x512xf32, #tpu.memory_space<vmem>> -> memref<8x512xf32, #tpu.memory_space<vmem>>
        %dma_wait3A_570 = arith.constant 24 : i32
        %dma_wait3A_571 = tpu.memref_slice %arg3[%sub3A_560, %dma_wait3A_570, %mul3A_562] : memref<200x32x16384xf32, #tpu.memory_space<hbm>> -> memref<1x8x512xf32, #tpu.memory_space<hbm>>
        %dma_wait3A_572 = tpu.memref_squeeze %dma_wait3A_571 : memref<1x8x512xf32, #tpu.memory_space<hbm>> -> memref<8x512xf32, #tpu.memory_space<hbm>>
        %dma_wait3A_573 = tpu.memref_slice %arg7[%dma_wait3A_565] : memref<2x!tpu.dma_semaphore, #tpu.memory_space<semaphore_mem>> -> memref<1x!tpu.dma_semaphore, #tpu.memory_space<semaphore_mem>>
        %dma_wait3A_574 = tpu.memref_squeeze %dma_wait3A_573 : memref<1x!tpu.dma_semaphore, #tpu.memory_space<semaphore_mem>> -> memref<!tpu.dma_semaphore, #tpu.memory_space<semaphore_mem>>
        %dma_wait3A_575 = arith.constant 24 : i32
        %dma_wait3A_576 = tpu.memref_slice %arg3[%sub3A_560, %dma_wait3A_575, %mul3A_562] : memref<200x32x16384xf32, #tpu.memory_space<hbm>> -> memref<1x8x512xf32, #tpu.memory_space<hbm>>
        %dma_wait3A_577 = tpu.memref_squeeze %dma_wait3A_576 : memref<1x8x512xf32, #tpu.memory_space<hbm>> -> memref<8x512xf32, #tpu.memory_space<hbm>>
        %dma_wait3A_578 = arith.constant 0 : i32
        %dma_wait3A_579 = arith.constant 0 : i32
        %dma_wait3A_580 = tpu.memref_slice %arg5[%dma_wait3A_563, %dma_wait3A_564, %dma_wait3A_578, %dma_wait3A_579] : memref<2x4x8x512xf32, #tpu.memory_space<vmem>> -> memref<1x1x8x512xf32, #tpu.memory_space<vmem>>
        %dma_wait3A_581 = tpu.memref_squeeze %dma_wait3A_580 : memref<1x1x8x512xf32, #tpu.memory_space<vmem>> -> memref<8x512xf32, #tpu.memory_space<vmem>>
        tpu.wait_dma2 semaphore(%dma_wait3A_574 : memref<!tpu.dma_semaphore, #tpu.memory_space<semaphore_mem>>) src(%dma_wait3A_581 : memref<8x512xf32, #tpu.memory_space<vmem>>) dst(%dma_wait3A_577 : memref<8x512xf32, #tpu.memory_space<hbm>>)
      } else {
      }
      %shift_right_arithmetic3A = arith.constant 2 : i32
      %shift_right_arithmetic3A_249 = vector.broadcast %shift_right_arithmetic3A : i32 to vector<16xi32>
      %shift_right_arithmetic3A_250 = arith.shrsi %iota3A, %shift_right_arithmetic3A_249 : vector<16xi32>
      %scan3A_251 = arith.constant 0 : i32
      %scan3A_252 = arith.constant 0 : i32
      %scan3A_253 = arith.constant 0 : i32
      %scan3A_254 = arith.constant 16 : i32
      %scan3A_255 = arith.addi %scan3A_253, %scan3A_254 : i32
      %scan3A_256 = arith.constant 1 : i32
      scf.for %scan3A_491 = %scan3A_253 to %scan3A_255 step %scan3A_256  : i32 {
        %mul3A_492 = arith.constant 1 : i32
        %mul3A_493 = arith.muli %scan3A_491, %mul3A_492 : i32
        %add3A_494 = arith.constant 0 : i32
        %add3A_495 = arith.addi %add3A_494, %mul3A_493 : i32
        %add3A_496 = vector.broadcast %add3A_495 : i32 to vector<16xi32>
        %add3A_497 = arith.addi %iota3A, %add3A_496 : vector<16xi32>
        %and3A = arith.constant 15 : i32
        %and3A_498 = vector.broadcast %and3A : i32 to vector<16xi32>
        %and3A_499 = arith.andi %add3A_497, %and3A_498 : vector<16xi32>
        %add3A_500 = arith.constant 0 : i32
        %add3A_501 = vector.broadcast %add3A_500 : i32 to vector<16xi32>
        %add3A_502 = arith.addi %add3A_501, %and3A_499 : vector<16xi32>
        %and3A_503 = arith.constant 3 : i32
        %and3A_504 = vector.broadcast %and3A_503 : i32 to vector<16xi32>
        %and3A_505 = arith.andi %iota3A, %and3A_504 : vector<16xi32>
        %mul3A_506 = arith.constant 32 : i32
        %mul3A_507 = vector.broadcast %mul3A_506 : i32 to vector<16xi32>
        %mul3A_508 = arith.muli %and3A_505, %mul3A_507 : vector<16xi32>
        %add3A_509 = arith.addi %mul3A_508, %add3A_502 : vector<16xi32>
        %parallel_loop3A = arith.constant 0 : i32
        %parallel_loop3A_510 = arith.constant 512 : i32
        %parallel_loop3A_511 = arith.constant 16 : i32
        scf.for %parallel_loop3A_512 = %parallel_loop3A to %parallel_loop3A_510 step %parallel_loop3A_511  : i32 {
          %parallel_loop3A_513 = arith.constant 2 : i32
          %parallel_loop3A_514 = arith.shrsi %parallel_loop3A_512, %parallel_loop3A_513 : i32
          %parallel_loop3A_515 = vector.broadcast %parallel_loop3A_514 : i32 to vector<16xi32>
          %parallel_loop3A_516 = arith.addi %shift_right_arithmetic3A_250, %parallel_loop3A_515 : vector<16xi32>
          %parallel_loop3A_517 = arith.constant 0 : i32
          %parallel_loop3A_518 = arith.constant 0 : i32
          %parallel_loop3A_519 = tpu.memref_slice %arg4[%scan3A_251, %parallel_loop3A_517, %parallel_loop3A_518] : memref<2x128x128xf32, #tpu.memory_space<vmem>> -> memref<1x128x128xf32, #tpu.memory_space<vmem>>
          %parallel_loop3A_520 = tpu.memref_squeeze %parallel_loop3A_519 : memref<1x128x128xf32, #tpu.memory_space<vmem>> -> memref<128x128xf32, #tpu.memory_space<vmem>>
          %parallel_loop3A_521 = tpu.vector_load_idx %parallel_loop3A_520[%parallel_loop3A_516, %add3A_509] : memref<128x128xf32, #tpu.memory_space<vmem>>[vector<16xi32>, vector<16xi32>], vector<16xf32>,
          %parallel_loop3A_522 = vector.broadcast %parallel_loop3A_512 : i32 to vector<16xi32>
          %parallel_loop3A_523 = arith.addi %parallel_loop3A_522, %iota3A : vector<16xi32>
          %parallel_loop3A_524 = arith.constant 0 : i32
          %parallel_loop3A_525 = arith.constant 0 : i32
          %parallel_loop3A_526 = arith.constant 0 : i32
          %parallel_loop3A_527 = tpu.memref_slice %arg5[%scan3A_252, %parallel_loop3A_524, %parallel_loop3A_525, %parallel_loop3A_526] : memref<2x4x8x512xf32, #tpu.memory_space<vmem>> -> memref<1x4x8x512xf32, #tpu.memory_space<vmem>>
          %parallel_loop3A_528 = tpu.memref_squeeze %parallel_loop3A_527 : memref<1x4x8x512xf32, #tpu.memory_space<vmem>> -> memref<4x8x512xf32, #tpu.memory_space<vmem>>
          %parallel_loop3A_529 = tpu.memref_reshape %parallel_loop3A_528 : memref<4x8x512xf32, #tpu.memory_space<vmem>> -> memref<32x512xf32, #tpu.memory_space<vmem>>
          tpu.vector_store_idx %parallel_loop3A_529[%add3A_502, %parallel_loop3A_523], %parallel_loop3A_521 : memref<32x512xf32, #tpu.memory_space<vmem>>[vector<16xi32>, vector<16xi32>], vector<16xf32>,
        } {sc.loop_unroll_factor = 8 : i64, sc.parallel_access}
      }
      %scan3A_257 = arith.constant 16 : i32
      %scan3A_258 = arith.constant 0 : i32
      %scan3A_259 = arith.constant 0 : i32
      %scan3A_260 = arith.constant 0 : i32
      %scan3A_261 = arith.constant 16 : i32
      %scan3A_262 = arith.addi %scan3A_260, %scan3A_261 : i32
      %scan3A_263 = arith.constant 1 : i32
      scf.for %scan3A_491 = %scan3A_260 to %scan3A_262 step %scan3A_263  : i32 {
        %mul3A_492 = arith.constant 1 : i32
        %mul3A_493 = arith.muli %scan3A_491, %mul3A_492 : i32
        %add3A_494 = arith.constant 0 : i32
        %add3A_495 = arith.addi %add3A_494, %mul3A_493 : i32
        %add3A_496 = vector.broadcast %add3A_495 : i32 to vector<16xi32>
        %add3A_497 = arith.addi %iota3A, %add3A_496 : vector<16xi32>
        %and3A = arith.constant 15 : i32
        %and3A_498 = vector.broadcast %and3A : i32 to vector<16xi32>
        %and3A_499 = arith.andi %add3A_497, %and3A_498 : vector<16xi32>
        %add3A_500 = arith.constant 16 : i32
        %add3A_501 = vector.broadcast %add3A_500 : i32 to vector<16xi32>
        %add3A_502 = arith.addi %add3A_501, %and3A_499 : vector<16xi32>
        %and3A_503 = arith.constant 3 : i32
        %and3A_504 = vector.broadcast %and3A_503 : i32 to vector<16xi32>
        %and3A_505 = arith.andi %iota3A, %and3A_504 : vector<16xi32>
        %mul3A_506 = arith.constant 32 : i32
        %mul3A_507 = vector.broadcast %mul3A_506 : i32 to vector<16xi32>
        %mul3A_508 = arith.muli %and3A_505, %mul3A_507 : vector<16xi32>
        %add3A_509 = arith.addi %mul3A_508, %add3A_502 : vector<16xi32>
        %parallel_loop3A = arith.constant 0 : i32
        %parallel_loop3A_510 = arith.constant 512 : i32
        %parallel_loop3A_511 = arith.constant 16 : i32
        scf.for %parallel_loop3A_512 = %parallel_loop3A to %parallel_loop3A_510 step %parallel_loop3A_511  : i32 {
          %parallel_loop3A_513 = arith.constant 2 : i32
          %parallel_loop3A_514 = arith.shrsi %parallel_loop3A_512, %parallel_loop3A_513 : i32
          %parallel_loop3A_515 = vector.broadcast %parallel_loop3A_514 : i32 to vector<16xi32>
          %parallel_loop3A_516 = arith.addi %shift_right_arithmetic3A_250, %parallel_loop3A_515 : vector<16xi32>
          %parallel_loop3A_517 = arith.constant 0 : i32
          %parallel_loop3A_518 = arith.constant 0 : i32
          %parallel_loop3A_519 = tpu.memref_slice %arg4[%scan3A_258, %parallel_loop3A_517, %parallel_loop3A_518] : memref<2x128x128xf32, #tpu.memory_space<vmem>> -> memref<1x128x128xf32, #tpu.memory_space<vmem>>
          %parallel_loop3A_520 = tpu.memref_squeeze %parallel_loop3A_519 : memref<1x128x128xf32, #tpu.memory_space<vmem>> -> memref<128x128xf32, #tpu.memory_space<vmem>>
          %parallel_loop3A_521 = tpu.vector_load_idx %parallel_loop3A_520[%parallel_loop3A_516, %add3A_509] : memref<128x128xf32, #tpu.memory_space<vmem>>[vector<16xi32>, vector<16xi32>], vector<16xf32>,
          %parallel_loop3A_522 = vector.broadcast %parallel_loop3A_512 : i32 to vector<16xi32>
          %parallel_loop3A_523 = arith.addi %parallel_loop3A_522, %iota3A : vector<16xi32>
          %parallel_loop3A_524 = arith.constant 0 : i32
          %parallel_loop3A_525 = arith.constant 0 : i32
          %parallel_loop3A_526 = arith.constant 0 : i32
          %parallel_loop3A_527 = tpu.memref_slice %arg5[%scan3A_259, %parallel_loop3A_524, %parallel_loop3A_525, %parallel_loop3A_526] : memref<2x4x8x512xf32, #tpu.memory_space<vmem>> -> memref<1x4x8x512xf32, #tpu.memory_space<vmem>>
          %parallel_loop3A_528 = tpu.memref_squeeze %parallel_loop3A_527 : memref<1x4x8x512xf32, #tpu.memory_space<vmem>> -> memref<4x8x512xf32, #tpu.memory_space<vmem>>
          %parallel_loop3A_529 = tpu.memref_reshape %parallel_loop3A_528 : memref<4x8x512xf32, #tpu.memory_space<vmem>> -> memref<32x512xf32, #tpu.memory_space<vmem>>
          tpu.vector_store_idx %parallel_loop3A_529[%add3A_502, %parallel_loop3A_523], %parallel_loop3A_521 : memref<32x512xf32, #tpu.memory_space<vmem>>[vector<16xi32>, vector<16xi32>], vector<16xf32>,
        } {sc.loop_unroll_factor = 8 : i64, sc.parallel_access}
      }
      %scan3A_264 = arith.constant 16 : i32
      %add3A_265 = arith.constant 2 : i32
      %add3A_266 = arith.addi %add3A_225, %add3A_265 : i32
      %lt3A = arith.constant 200 : i32
      %lt3A_267 = arith.cmpi slt, %add3A_266, %lt3A : i32
      %convert_element_type3A_268 = arith.extui %lt3A_267 : i1 to i32
      %cond3A_269 = arith.constant 0 : i32
      %cond3A_270 = arith.cmpi ne, %convert_element_type3A_268, %cond3A_269 : i32
      scf.if %cond3A_270 {
        %add3A_491 = arith.constant 2 : i32
        %add3A_492 = arith.addi %add3A_225, %add3A_491 : i32
        %mul3A_493 = arith.constant 4096 : i32
        %mul3A_494 = arith.muli %add3A_492, %mul3A_493 : i32
        %mul3A_495 = arith.constant 128 : i32
        %mul3A_496 = arith.muli %add3A, %mul3A_495 : i32
        %add3A_497 = arith.addi %mul3A_494, %mul3A_496 : i32
        %dma_start3A_498 = arith.constant 0 : i32
        %dma_start3A_499 = arith.constant 0 : i32
        %dma_start3A_500 = arith.constant 0 : i32
        %dma_start3A_501 = arith.constant 0 : i32
        %dma_start3A_502 = tpu.memref_slice %arg4[%dma_start3A_498, %dma_start3A_500, %dma_start3A_501] : memref<2x128x128xf32, #tpu.memory_space<vmem>> -> memref<1x128x128xf32, #tpu.memory_space<vmem>>
        %dma_start3A_503 = tpu.memref_squeeze %dma_start3A_502 : memref<1x128x128xf32, #tpu.memory_space<vmem>> -> memref<128x128xf32, #tpu.memory_space<vmem>>
        %dma_start3A_504 = arith.constant 0 : i32
        %dma_start3A_505 = tpu.memref_slice %arg2[%add3A_497, %dma_start3A_504] : memref<819200x128xf32, #tpu.memory_space<hbm>> -> memref<128x128xf32, #tpu.memory_space<hbm>>
        %dma_start3A_506 = tpu.memref_slice %arg6[%dma_start3A_499] : memref<2x!tpu.dma_semaphore, #tpu.memory_space<semaphore_mem>> -> memref<1x!tpu.dma_semaphore, #tpu.memory_space<semaphore_mem>>
        %dma_start3A_507 = tpu.memref_squeeze %dma_start3A_506 : memref<1x!tpu.dma_semaphore, #tpu.memory_space<semaphore_mem>> -> memref<!tpu.dma_semaphore, #tpu.memory_space<semaphore_mem>>
        %dma_start3A_508 = arith.constant 0 : i32
        %dma_start3A_509 = arith.constant 0 : i32
        %dma_start3A_510 = tpu.memref_slice %arg4[%dma_start3A_498, %dma_start3A_508, %dma_start3A_509] : memref<2x128x128xf32, #tpu.memory_space<vmem>> -> memref<1x128x128xf32, #tpu.memory_space<vmem>>
        %dma_start3A_511 = tpu.memref_squeeze %dma_start3A_510 : memref<1x128x128xf32, #tpu.memory_space<vmem>> -> memref<128x128xf32, #tpu.memory_space<vmem>>
        %dma_start3A_512 = arith.constant 0 : i32
        %dma_start3A_513 = tpu.memref_slice %arg2[%add3A_497, %dma_start3A_512] : memref<819200x128xf32, #tpu.memory_space<hbm>> -> memref<128x128xf32, #tpu.memory_space<hbm>>
        tpu.enqueue_dma source(%dma_start3A_513 : memref<128x128xf32, #tpu.memory_space<hbm>>) target(%dma_start3A_511 : memref<128x128xf32, #tpu.memory_space<vmem>>) target_semaphore(%dma_start3A_507 : memref<!tpu.dma_semaphore, #tpu.memory_space<semaphore_mem>>)
      } else {
      }
      %mul3A_271 = arith.constant 512 : i32
      %mul3A_272 = arith.muli %add3A, %mul3A_271 : i32
      %dma_start3A_273 = arith.constant 0 : i32
      %dma_start3A_274 = arith.constant 0 : i32
      %dma_start3A_275 = arith.constant 0 : i32
      %dma_start3A_276 = arith.constant 0 : i32
      %dma_start3A_277 = arith.constant 0 : i32
      %dma_start3A_278 = tpu.memref_slice %arg5[%dma_start3A_273, %dma_start3A_274, %dma_start3A_276, %dma_start3A_277] : memref<2x4x8x512xf32, #tpu.memory_space<vmem>> -> memref<1x1x8x512xf32, #tpu.memory_space<vmem>>
      %dma_start3A_279 = tpu.memref_squeeze %dma_start3A_278 : memref<1x1x8x512xf32, #tpu.memory_space<vmem>> -> memref<8x512xf32, #tpu.memory_space<vmem>>
      %dma_start3A_280 = arith.constant 0 : i32
      %dma_start3A_281 = tpu.memref_slice %arg3[%add3A_225, %dma_start3A_280, %mul3A_272] : memref<200x32x16384xf32, #tpu.memory_space<hbm>> -> memref<1x8x512xf32, #tpu.memory_space<hbm>>
      %dma_start3A_282 = tpu.memref_squeeze %dma_start3A_281 : memref<1x8x512xf32, #tpu.memory_space<hbm>> -> memref<8x512xf32, #tpu.memory_space<hbm>>
      %dma_start3A_283 = tpu.memref_slice %arg7[%dma_start3A_275] : memref<2x!tpu.dma_semaphore, #tpu.memory_space<semaphore_mem>> -> memref<1x!tpu.dma_semaphore, #tpu.memory_space<semaphore_mem>>
      %dma_start3A_284 = tpu.memref_squeeze %dma_start3A_283 : memref<1x!tpu.dma_semaphore, #tpu.memory_space<semaphore_mem>> -> memref<!tpu.dma_semaphore, #tpu.memory_space<semaphore_mem>>
      %dma_start3A_285 = arith.constant 0 : i32
      %dma_start3A_286 = tpu.memref_slice %arg3[%add3A_225, %dma_start3A_285, %mul3A_272] : memref<200x32x16384xf32, #tpu.memory_space<hbm>> -> memref<1x8x512xf32, #tpu.memory_space<hbm>>
      %dma_start3A_287 = tpu.memref_squeeze %dma_start3A_286 : memref<1x8x512xf32, #tpu.memory_space<hbm>> -> memref<8x512xf32, #tpu.memory_space<hbm>>
      %dma_start3A_288 = arith.constant 0 : i32
      %dma_start3A_289 = arith.constant 0 : i32
      %dma_start3A_290 = tpu.memref_slice %arg5[%dma_start3A_273, %dma_start3A_274, %dma_start3A_288, %dma_start3A_289] : memref<2x4x8x512xf32, #tpu.memory_space<vmem>> -> memref<1x1x8x512xf32, #tpu.memory_space<vmem>>
      %dma_start3A_291 = tpu.memref_squeeze %dma_start3A_290 : memref<1x1x8x512xf32, #tpu.memory_space<vmem>> -> memref<8x512xf32, #tpu.memory_space<vmem>>
      tpu.enqueue_dma source(%dma_start3A_291 : memref<8x512xf32, #tpu.memory_space<vmem>>) target(%dma_start3A_287 : memref<8x512xf32, #tpu.memory_space<hbm>>) target_semaphore(%dma_start3A_284 : memref<!tpu.dma_semaphore, #tpu.memory_space<semaphore_mem>>)
      %mul3A_292 = arith.constant 512 : i32
      %mul3A_293 = arith.muli %add3A, %mul3A_292 : i32
      %dma_start3A_294 = arith.constant 0 : i32
      %dma_start3A_295 = arith.constant 1 : i32
      %dma_start3A_296 = arith.constant 0 : i32
      %dma_start3A_297 = arith.constant 0 : i32
      %dma_start3A_298 = arith.constant 0 : i32
      %dma_start3A_299 = tpu.memref_slice %arg5[%dma_start3A_294, %dma_start3A_295, %dma_start3A_297, %dma_start3A_298] : memref<2x4x8x512xf32, #tpu.memory_space<vmem>> -> memref<1x1x8x512xf32, #tpu.memory_space<vmem>>
      %dma_start3A_300 = tpu.memref_squeeze %dma_start3A_299 : memref<1x1x8x512xf32, #tpu.memory_space<vmem>> -> memref<8x512xf32, #tpu.memory_space<vmem>>
      %dma_start3A_301 = arith.constant 8 : i32
      %dma_start3A_302 = tpu.memref_slice %arg3[%add3A_225, %dma_start3A_301, %mul3A_293] : memref<200x32x16384xf32, #tpu.memory_space<hbm>> -> memref<1x8x512xf32, #tpu.memory_space<hbm>>
      %dma_start3A_303 = tpu.memref_squeeze %dma_start3A_302 : memref<1x8x512xf32, #tpu.memory_space<hbm>> -> memref<8x512xf32, #tpu.memory_space<hbm>>
      %dma_start3A_304 = tpu.memref_slice %arg7[%dma_start3A_296] : memref<2x!tpu.dma_semaphore, #tpu.memory_space<semaphore_mem>> -> memref<1x!tpu.dma_semaphore, #tpu.memory_space<semaphore_mem>>
      %dma_start3A_305 = tpu.memref_squeeze %dma_start3A_304 : memref<1x!tpu.dma_semaphore, #tpu.memory_space<semaphore_mem>> -> memref<!tpu.dma_semaphore, #tpu.memory_space<semaphore_mem>>
      %dma_start3A_306 = arith.constant 8 : i32
      %dma_start3A_307 = tpu.memref_slice %arg3[%add3A_225, %dma_start3A_306, %mul3A_293] : memref<200x32x16384xf32, #tpu.memory_space<hbm>> -> memref<1x8x512xf32, #tpu.memory_space<hbm>>
      %dma_start3A_308 = tpu.memref_squeeze %dma_start3A_307 : memref<1x8x512xf32, #tpu.memory_space<hbm>> -> memref<8x512xf32, #tpu.memory_space<hbm>>
      %dma_start3A_309 = arith.constant 0 : i32
      %dma_start3A_310 = arith.constant 0 : i32
      %dma_start3A_311 = tpu.memref_slice %arg5[%dma_start3A_294, %dma_start3A_295, %dma_start3A_309, %dma_start3A_310] : memref<2x4x8x512xf32, #tpu.memory_space<vmem>> -> memref<1x1x8x512xf32, #tpu.memory_space<vmem>>
      %dma_start3A_312 = tpu.memref_squeeze %dma_start3A_311 : memref<1x1x8x512xf32, #tpu.memory_space<vmem>> -> memref<8x512xf32, #tpu.memory_space<vmem>>
      tpu.enqueue_dma source(%dma_start3A_312 : memref<8x512xf32, #tpu.memory_space<vmem>>) target(%dma_start3A_308 : memref<8x512xf32, #tpu.memory_space<hbm>>) target_semaphore(%dma_start3A_305 : memref<!tpu.dma_semaphore, #tpu.memory_space<semaphore_mem>>)
      %mul3A_313 = arith.constant 512 : i32
      %mul3A_314 = arith.muli %add3A, %mul3A_313 : i32
      %dma_start3A_315 = arith.constant 0 : i32
      %dma_start3A_316 = arith.constant 2 : i32
      %dma_start3A_317 = arith.constant 0 : i32
      %dma_start3A_318 = arith.constant 0 : i32
      %dma_start3A_319 = arith.constant 0 : i32
      %dma_start3A_320 = tpu.memref_slice %arg5[%dma_start3A_315, %dma_start3A_316, %dma_start3A_318, %dma_start3A_319] : memref<2x4x8x512xf32, #tpu.memory_space<vmem>> -> memref<1x1x8x512xf32, #tpu.memory_space<vmem>>
      %dma_start3A_321 = tpu.memref_squeeze %dma_start3A_320 : memref<1x1x8x512xf32, #tpu.memory_space<vmem>> -> memref<8x512xf32, #tpu.memory_space<vmem>>
      %dma_start3A_322 = arith.constant 16 : i32
      %dma_start3A_323 = tpu.memref_slice %arg3[%add3A_225, %dma_start3A_322, %mul3A_314] : memref<200x32x16384xf32, #tpu.memory_space<hbm>> -> memref<1x8x512xf32, #tpu.memory_space<hbm>>
      %dma_start3A_324 = tpu.memref_squeeze %dma_start3A_323 : memref<1x8x512xf32, #tpu.memory_space<hbm>> -> memref<8x512xf32, #tpu.memory_space<hbm>>
      %dma_start3A_325 = tpu.memref_slice %arg7[%dma_start3A_317] : memref<2x!tpu.dma_semaphore, #tpu.memory_space<semaphore_mem>> -> memref<1x!tpu.dma_semaphore, #tpu.memory_space<semaphore_mem>>
      %dma_start3A_326 = tpu.memref_squeeze %dma_start3A_325 : memref<1x!tpu.dma_semaphore, #tpu.memory_space<semaphore_mem>> -> memref<!tpu.dma_semaphore, #tpu.memory_space<semaphore_mem>>
      %dma_start3A_327 = arith.constant 16 : i32
      %dma_start3A_328 = tpu.memref_slice %arg3[%add3A_225, %dma_start3A_327, %mul3A_314] : memref<200x32x16384xf32, #tpu.memory_space<hbm>> -> memref<1x8x512xf32, #tpu.memory_space<hbm>>
      %dma_start3A_329 = tpu.memref_squeeze %dma_start3A_328 : memref<1x8x512xf32, #tpu.memory_space<hbm>> -> memref<8x512xf32, #tpu.memory_space<hbm>>
      %dma_start3A_330 = arith.constant 0 : i32
      %dma_start3A_331 = arith.constant 0 : i32
      %dma_start3A_332 = tpu.memref_slice %arg5[%dma_start3A_315, %dma_start3A_316, %dma_start3A_330, %dma_start3A_331] : memref<2x4x8x512xf32, #tpu.memory_space<vmem>> -> memref<1x1x8x512xf32, #tpu.memory_space<vmem>>
      %dma_start3A_333 = tpu.memref_squeeze %dma_start3A_332 : memref<1x1x8x512xf32, #tpu.memory_space<vmem>> -> memref<8x512xf32, #tpu.memory_space<vmem>>
      tpu.enqueue_dma source(%dma_start3A_333 : memref<8x512xf32, #tpu.memory_space<vmem>>) target(%dma_start3A_329 : memref<8x512xf32, #tpu.memory_space<hbm>>) target_semaphore(%dma_start3A_326 : memref<!tpu.dma_semaphore, #tpu.memory_space<semaphore_mem>>)
      %mul3A_334 = arith.constant 512 : i32
      %mul3A_335 = arith.muli %add3A, %mul3A_334 : i32
      %dma_start3A_336 = arith.constant 0 : i32
      %dma_start3A_337 = arith.constant 3 : i32
      %dma_start3A_338 = arith.constant 0 : i32
      %dma_start3A_339 = arith.constant 0 : i32
      %dma_start3A_340 = arith.constant 0 : i32
      %dma_start3A_341 = tpu.memref_slice %arg5[%dma_start3A_336, %dma_start3A_337, %dma_start3A_339, %dma_start3A_340] : memref<2x4x8x512xf32, #tpu.memory_space<vmem>> -> memref<1x1x8x512xf32, #tpu.memory_space<vmem>>
      %dma_start3A_342 = tpu.memref_squeeze %dma_start3A_341 : memref<1x1x8x512xf32, #tpu.memory_space<vmem>> -> memref<8x512xf32, #tpu.memory_space<vmem>>
      %dma_start3A_343 = arith.constant 24 : i32
      %dma_start3A_344 = tpu.memref_slice %arg3[%add3A_225, %dma_start3A_343, %mul3A_335] : memref<200x32x16384xf32, #tpu.memory_space<hbm>> -> memref<1x8x512xf32, #tpu.memory_space<hbm>>
      %dma_start3A_345 = tpu.memref_squeeze %dma_start3A_344 : memref<1x8x512xf32, #tpu.memory_space<hbm>> -> memref<8x512xf32, #tpu.memory_space<hbm>>
      %dma_start3A_346 = tpu.memref_slice %arg7[%dma_start3A_338] : memref<2x!tpu.dma_semaphore, #tpu.memory_space<semaphore_mem>> -> memref<1x!tpu.dma_semaphore, #tpu.memory_space<semaphore_mem>>
      %dma_start3A_347 = tpu.memref_squeeze %dma_start3A_346 : memref<1x!tpu.dma_semaphore, #tpu.memory_space<semaphore_mem>> -> memref<!tpu.dma_semaphore, #tpu.memory_space<semaphore_mem>>
      %dma_start3A_348 = arith.constant 24 : i32
      %dma_start3A_349 = tpu.memref_slice %arg3[%add3A_225, %dma_start3A_348, %mul3A_335] : memref<200x32x16384xf32, #tpu.memory_space<hbm>> -> memref<1x8x512xf32, #tpu.memory_space<hbm>>
      %dma_start3A_350 = tpu.memref_squeeze %dma_start3A_349 : memref<1x8x512xf32, #tpu.memory_space<hbm>> -> memref<8x512xf32, #tpu.memory_space<hbm>>
      %dma_start3A_351 = arith.constant 0 : i32
      %dma_start3A_352 = arith.constant 0 : i32
      %dma_start3A_353 = tpu.memref_slice %arg5[%dma_start3A_336, %dma_start3A_337, %dma_start3A_351, %dma_start3A_352] : memref<2x4x8x512xf32, #tpu.memory_space<vmem>> -> memref<1x1x8x512xf32, #tpu.memory_space<vmem>>
      %dma_start3A_354 = tpu.memref_squeeze %dma_start3A_353 : memref<1x1x8x512xf32, #tpu.memory_space<vmem>> -> memref<8x512xf32, #tpu.memory_space<vmem>>
      tpu.enqueue_dma source(%dma_start3A_354 : memref<8x512xf32, #tpu.memory_space<vmem>>) target(%dma_start3A_350 : memref<8x512xf32, #tpu.memory_space<hbm>>) target_semaphore(%dma_start3A_347 : memref<!tpu.dma_semaphore, #tpu.memory_space<semaphore_mem>>)
      %add3A_355 = arith.constant 1 : i32
      %add3A_356 = arith.addi %add3A_223, %add3A_355 : i32
      %mul3A_357 = arith.constant 4096 : i32
      %mul3A_358 = arith.muli %add3A_356, %mul3A_357 : i32
      %mul3A_359 = arith.constant 128 : i32
      %mul3A_360 = arith.muli %add3A, %mul3A_359 : i32
      %add3A_361 = arith.addi %mul3A_358, %mul3A_360 : i32
      %dma_wait3A_362 = arith.constant 1 : i32
      %dma_wait3A_363 = arith.constant 1 : i32
      %dma_wait3A_364 = arith.constant 0 : i32
      %dma_wait3A_365 = arith.constant 0 : i32
      %dma_wait3A_366 = tpu.memref_slice %arg4[%dma_wait3A_362, %dma_wait3A_364, %dma_wait3A_365] : memref<2x128x128xf32, #tpu.memory_space<vmem>> -> memref<1x128x128xf32, #tpu.memory_space<vmem>>
      %dma_wait3A_367 = tpu.memref_squeeze %dma_wait3A_366 : memref<1x128x128xf32, #tpu.memory_space<vmem>> -> memref<128x128xf32, #tpu.memory_space<vmem>>
      %dma_wait3A_368 = arith.constant 0 : i32
      %dma_wait3A_369 = tpu.memref_slice %arg2[%add3A_361, %dma_wait3A_368] : memref<819200x128xf32, #tpu.memory_space<hbm>> -> memref<128x128xf32, #tpu.memory_space<hbm>>
      %dma_wait3A_370 = tpu.memref_slice %arg6[%dma_wait3A_363] : memref<2x!tpu.dma_semaphore, #tpu.memory_space<semaphore_mem>> -> memref<1x!tpu.dma_semaphore, #tpu.memory_space<semaphore_mem>>
      %dma_wait3A_371 = tpu.memref_squeeze %dma_wait3A_370 : memref<1x!tpu.dma_semaphore, #tpu.memory_space<semaphore_mem>> -> memref<!tpu.dma_semaphore, #tpu.memory_space<semaphore_mem>>
      %dma_wait3A_372 = arith.constant 0 : i32
      %dma_wait3A_373 = arith.constant 0 : i32
      %dma_wait3A_374 = tpu.memref_slice %arg4[%dma_wait3A_362, %dma_wait3A_372, %dma_wait3A_373] : memref<2x128x128xf32, #tpu.memory_space<vmem>> -> memref<1x128x128xf32, #tpu.memory_space<vmem>>
      %dma_wait3A_375 = tpu.memref_squeeze %dma_wait3A_374 : memref<1x128x128xf32, #tpu.memory_space<vmem>> -> memref<128x128xf32, #tpu.memory_space<vmem>>
      %dma_wait3A_376 = arith.constant 0 : i32
      %dma_wait3A_377 = tpu.memref_slice %arg2[%add3A_361, %dma_wait3A_376] : memref<819200x128xf32, #tpu.memory_space<hbm>> -> memref<128x128xf32, #tpu.memory_space<hbm>>
      tpu.wait_dma2 semaphore(%dma_wait3A_371 : memref<!tpu.dma_semaphore, #tpu.memory_space<semaphore_mem>>) src(%dma_wait3A_377 : memref<128x128xf32, #tpu.memory_space<hbm>>) dst(%dma_wait3A_375 : memref<128x128xf32, #tpu.memory_space<vmem>>)
      %ge3A_378 = arith.constant 2 : i32
      %ge3A_379 = arith.cmpi sge, %add3A_356, %ge3A_378 : i32
      %convert_element_type3A_380 = arith.extui %ge3A_379 : i1 to i32
      %cond3A_381 = arith.constant 0 : i32
      %cond3A_382 = arith.cmpi ne, %convert_element_type3A_380, %cond3A_381 : i32
      scf.if %cond3A_382 {
        %sub3A = arith.constant 2 : i32
        %sub3A_491 = arith.subi %add3A_356, %sub3A : i32
        %mul3A_492 = arith.constant 512 : i32
        %mul3A_493 = arith.muli %add3A, %mul3A_492 : i32
        %dma_wait3A_494 = arith.constant 1 : i32
        %dma_wait3A_495 = arith.constant 0 : i32
        %dma_wait3A_496 = arith.constant 1 : i32
        %dma_wait3A_497 = arith.constant 0 : i32
        %dma_wait3A_498 = arith.constant 0 : i32
        %dma_wait3A_499 = tpu.memref_slice %arg5[%dma_wait3A_494, %dma_wait3A_495, %dma_wait3A_497, %dma_wait3A_498] : memref<2x4x8x512xf32, #tpu.memory_space<vmem>> -> memref<1x1x8x512xf32, #tpu.memory_space<vmem>>
        %dma_wait3A_500 = tpu.memref_squeeze %dma_wait3A_499 : memref<1x1x8x512xf32, #tpu.memory_space<vmem>> -> memref<8x512xf32, #tpu.memory_space<vmem>>
        %dma_wait3A_501 = arith.constant 0 : i32
        %dma_wait3A_502 = tpu.memref_slice %arg3[%sub3A_491, %dma_wait3A_501, %mul3A_493] : memref<200x32x16384xf32, #tpu.memory_space<hbm>> -> memref<1x8x512xf32, #tpu.memory_space<hbm>>
        %dma_wait3A_503 = tpu.memref_squeeze %dma_wait3A_502 : memref<1x8x512xf32, #tpu.memory_space<hbm>> -> memref<8x512xf32, #tpu.memory_space<hbm>>
        %dma_wait3A_504 = tpu.memref_slice %arg7[%dma_wait3A_496] : memref<2x!tpu.dma_semaphore, #tpu.memory_space<semaphore_mem>> -> memref<1x!tpu.dma_semaphore, #tpu.memory_space<semaphore_mem>>
        %dma_wait3A_505 = tpu.memref_squeeze %dma_wait3A_504 : memref<1x!tpu.dma_semaphore, #tpu.memory_space<semaphore_mem>> -> memref<!tpu.dma_semaphore, #tpu.memory_space<semaphore_mem>>
        %dma_wait3A_506 = arith.constant 0 : i32
        %dma_wait3A_507 = tpu.memref_slice %arg3[%sub3A_491, %dma_wait3A_506, %mul3A_493] : memref<200x32x16384xf32, #tpu.memory_space<hbm>> -> memref<1x8x512xf32, #tpu.memory_space<hbm>>
        %dma_wait3A_508 = tpu.memref_squeeze %dma_wait3A_507 : memref<1x8x512xf32, #tpu.memory_space<hbm>> -> memref<8x512xf32, #tpu.memory_space<hbm>>
        %dma_wait3A_509 = arith.constant 0 : i32
        %dma_wait3A_510 = arith.constant 0 : i32
        %dma_wait3A_511 = tpu.memref_slice %arg5[%dma_wait3A_494, %dma_wait3A_495, %dma_wait3A_509, %dma_wait3A_510] : memref<2x4x8x512xf32, #tpu.memory_space<vmem>> -> memref<1x1x8x512xf32, #tpu.memory_space<vmem>>
        %dma_wait3A_512 = tpu.memref_squeeze %dma_wait3A_511 : memref<1x1x8x512xf32, #tpu.memory_space<vmem>> -> memref<8x512xf32, #tpu.memory_space<vmem>>
        tpu.wait_dma2 semaphore(%dma_wait3A_505 : memref<!tpu.dma_semaphore, #tpu.memory_space<semaphore_mem>>) src(%dma_wait3A_512 : memref<8x512xf32, #tpu.memory_space<vmem>>) dst(%dma_wait3A_508 : memref<8x512xf32, #tpu.memory_space<hbm>>)
        %sub3A_513 = arith.constant 2 : i32
        %sub3A_514 = arith.subi %add3A_356, %sub3A_513 : i32
        %mul3A_515 = arith.constant 512 : i32
        %mul3A_516 = arith.muli %add3A, %mul3A_515 : i32
        %dma_wait3A_517 = arith.constant 1 : i32
        %dma_wait3A_518 = arith.constant 1 : i32
        %dma_wait3A_519 = arith.constant 1 : i32
        %dma_wait3A_520 = arith.constant 0 : i32
        %dma_wait3A_521 = arith.constant 0 : i32
        %dma_wait3A_522 = tpu.memref_slice %arg5[%dma_wait3A_517, %dma_wait3A_518, %dma_wait3A_520, %dma_wait3A_521] : memref<2x4x8x512xf32, #tpu.memory_space<vmem>> -> memref<1x1x8x512xf32, #tpu.memory_space<vmem>>
        %dma_wait3A_523 = tpu.memref_squeeze %dma_wait3A_522 : memref<1x1x8x512xf32, #tpu.memory_space<vmem>> -> memref<8x512xf32, #tpu.memory_space<vmem>>
        %dma_wait3A_524 = arith.constant 8 : i32
        %dma_wait3A_525 = tpu.memref_slice %arg3[%sub3A_514, %dma_wait3A_524, %mul3A_516] : memref<200x32x16384xf32, #tpu.memory_space<hbm>> -> memref<1x8x512xf32, #tpu.memory_space<hbm>>
        %dma_wait3A_526 = tpu.memref_squeeze %dma_wait3A_525 : memref<1x8x512xf32, #tpu.memory_space<hbm>> -> memref<8x512xf32, #tpu.memory_space<hbm>>
        %dma_wait3A_527 = tpu.memref_slice %arg7[%dma_wait3A_519] : memref<2x!tpu.dma_semaphore, #tpu.memory_space<semaphore_mem>> -> memref<1x!tpu.dma_semaphore, #tpu.memory_space<semaphore_mem>>
        %dma_wait3A_528 = tpu.memref_squeeze %dma_wait3A_527 : memref<1x!tpu.dma_semaphore, #tpu.memory_space<semaphore_mem>> -> memref<!tpu.dma_semaphore, #tpu.memory_space<semaphore_mem>>
        %dma_wait3A_529 = arith.constant 8 : i32
        %dma_wait3A_530 = tpu.memref_slice %arg3[%sub3A_514, %dma_wait3A_529, %mul3A_516] : memref<200x32x16384xf32, #tpu.memory_space<hbm>> -> memref<1x8x512xf32, #tpu.memory_space<hbm>>
        %dma_wait3A_531 = tpu.memref_squeeze %dma_wait3A_530 : memref<1x8x512xf32, #tpu.memory_space<hbm>> -> memref<8x512xf32, #tpu.memory_space<hbm>>
        %dma_wait3A_532 = arith.constant 0 : i32
        %dma_wait3A_533 = arith.constant 0 : i32
        %dma_wait3A_534 = tpu.memref_slice %arg5[%dma_wait3A_517, %dma_wait3A_518, %dma_wait3A_532, %dma_wait3A_533] : memref<2x4x8x512xf32, #tpu.memory_space<vmem>> -> memref<1x1x8x512xf32, #tpu.memory_space<vmem>>
        %dma_wait3A_535 = tpu.memref_squeeze %dma_wait3A_534 : memref<1x1x8x512xf32, #tpu.memory_space<vmem>> -> memref<8x512xf32, #tpu.memory_space<vmem>>
        tpu.wait_dma2 semaphore(%dma_wait3A_528 : memref<!tpu.dma_semaphore, #tpu.memory_space<semaphore_mem>>) src(%dma_wait3A_535 : memref<8x512xf32, #tpu.memory_space<vmem>>) dst(%dma_wait3A_531 : memref<8x512xf32, #tpu.memory_space<hbm>>)
        %sub3A_536 = arith.constant 2 : i32
        %sub3A_537 = arith.subi %add3A_356, %sub3A_536 : i32
        %mul3A_538 = arith.constant 512 : i32
        %mul3A_539 = arith.muli %add3A, %mul3A_538 : i32
        %dma_wait3A_540 = arith.constant 1 : i32
        %dma_wait3A_541 = arith.constant 2 : i32
        %dma_wait3A_542 = arith.constant 1 : i32
        %dma_wait3A_543 = arith.constant 0 : i32
        %dma_wait3A_544 = arith.constant 0 : i32
        %dma_wait3A_545 = tpu.memref_slice %arg5[%dma_wait3A_540, %dma_wait3A_541, %dma_wait3A_543, %dma_wait3A_544] : memref<2x4x8x512xf32, #tpu.memory_space<vmem>> -> memref<1x1x8x512xf32, #tpu.memory_space<vmem>>
        %dma_wait3A_546 = tpu.memref_squeeze %dma_wait3A_545 : memref<1x1x8x512xf32, #tpu.memory_space<vmem>> -> memref<8x512xf32, #tpu.memory_space<vmem>>
        %dma_wait3A_547 = arith.constant 16 : i32
        %dma_wait3A_548 = tpu.memref_slice %arg3[%sub3A_537, %dma_wait3A_547, %mul3A_539] : memref<200x32x16384xf32, #tpu.memory_space<hbm>> -> memref<1x8x512xf32, #tpu.memory_space<hbm>>
        %dma_wait3A_549 = tpu.memref_squeeze %dma_wait3A_548 : memref<1x8x512xf32, #tpu.memory_space<hbm>> -> memref<8x512xf32, #tpu.memory_space<hbm>>
        %dma_wait3A_550 = tpu.memref_slice %arg7[%dma_wait3A_542] : memref<2x!tpu.dma_semaphore, #tpu.memory_space<semaphore_mem>> -> memref<1x!tpu.dma_semaphore, #tpu.memory_space<semaphore_mem>>
        %dma_wait3A_551 = tpu.memref_squeeze %dma_wait3A_550 : memref<1x!tpu.dma_semaphore, #tpu.memory_space<semaphore_mem>> -> memref<!tpu.dma_semaphore, #tpu.memory_space<semaphore_mem>>
        %dma_wait3A_552 = arith.constant 16 : i32
        %dma_wait3A_553 = tpu.memref_slice %arg3[%sub3A_537, %dma_wait3A_552, %mul3A_539] : memref<200x32x16384xf32, #tpu.memory_space<hbm>> -> memref<1x8x512xf32, #tpu.memory_space<hbm>>
        %dma_wait3A_554 = tpu.memref_squeeze %dma_wait3A_553 : memref<1x8x512xf32, #tpu.memory_space<hbm>> -> memref<8x512xf32, #tpu.memory_space<hbm>>
        %dma_wait3A_555 = arith.constant 0 : i32
        %dma_wait3A_556 = arith.constant 0 : i32
        %dma_wait3A_557 = tpu.memref_slice %arg5[%dma_wait3A_540, %dma_wait3A_541, %dma_wait3A_555, %dma_wait3A_556] : memref<2x4x8x512xf32, #tpu.memory_space<vmem>> -> memref<1x1x8x512xf32, #tpu.memory_space<vmem>>
        %dma_wait3A_558 = tpu.memref_squeeze %dma_wait3A_557 : memref<1x1x8x512xf32, #tpu.memory_space<vmem>> -> memref<8x512xf32, #tpu.memory_space<vmem>>
        tpu.wait_dma2 semaphore(%dma_wait3A_551 : memref<!tpu.dma_semaphore, #tpu.memory_space<semaphore_mem>>) src(%dma_wait3A_558 : memref<8x512xf32, #tpu.memory_space<vmem>>) dst(%dma_wait3A_554 : memref<8x512xf32, #tpu.memory_space<hbm>>)
        %sub3A_559 = arith.constant 2 : i32
        %sub3A_560 = arith.subi %add3A_356, %sub3A_559 : i32
        %mul3A_561 = arith.constant 512 : i32
        %mul3A_562 = arith.muli %add3A, %mul3A_561 : i32
        %dma_wait3A_563 = arith.constant 1 : i32
        %dma_wait3A_564 = arith.constant 3 : i32
        %dma_wait3A_565 = arith.constant 1 : i32
        %dma_wait3A_566 = arith.constant 0 : i32
        %dma_wait3A_567 = arith.constant 0 : i32
        %dma_wait3A_568 = tpu.memref_slice %arg5[%dma_wait3A_563, %dma_wait3A_564, %dma_wait3A_566, %dma_wait3A_567] : memref<2x4x8x512xf32, #tpu.memory_space<vmem>> -> memref<1x1x8x512xf32, #tpu.memory_space<vmem>>
        %dma_wait3A_569 = tpu.memref_squeeze %dma_wait3A_568 : memref<1x1x8x512xf32, #tpu.memory_space<vmem>> -> memref<8x512xf32, #tpu.memory_space<vmem>>
        %dma_wait3A_570 = arith.constant 24 : i32
        %dma_wait3A_571 = tpu.memref_slice %arg3[%sub3A_560, %dma_wait3A_570, %mul3A_562] : memref<200x32x16384xf32, #tpu.memory_space<hbm>> -> memref<1x8x512xf32, #tpu.memory_space<hbm>>
        %dma_wait3A_572 = tpu.memref_squeeze %dma_wait3A_571 : memref<1x8x512xf32, #tpu.memory_space<hbm>> -> memref<8x512xf32, #tpu.memory_space<hbm>>
        %dma_wait3A_573 = tpu.memref_slice %arg7[%dma_wait3A_565] : memref<2x!tpu.dma_semaphore, #tpu.memory_space<semaphore_mem>> -> memref<1x!tpu.dma_semaphore, #tpu.memory_space<semaphore_mem>>
        %dma_wait3A_574 = tpu.memref_squeeze %dma_wait3A_573 : memref<1x!tpu.dma_semaphore, #tpu.memory_space<semaphore_mem>> -> memref<!tpu.dma_semaphore, #tpu.memory_space<semaphore_mem>>
        %dma_wait3A_575 = arith.constant 24 : i32
        %dma_wait3A_576 = tpu.memref_slice %arg3[%sub3A_560, %dma_wait3A_575, %mul3A_562] : memref<200x32x16384xf32, #tpu.memory_space<hbm>> -> memref<1x8x512xf32, #tpu.memory_space<hbm>>
        %dma_wait3A_577 = tpu.memref_squeeze %dma_wait3A_576 : memref<1x8x512xf32, #tpu.memory_space<hbm>> -> memref<8x512xf32, #tpu.memory_space<hbm>>
        %dma_wait3A_578 = arith.constant 0 : i32
        %dma_wait3A_579 = arith.constant 0 : i32
        %dma_wait3A_580 = tpu.memref_slice %arg5[%dma_wait3A_563, %dma_wait3A_564, %dma_wait3A_578, %dma_wait3A_579] : memref<2x4x8x512xf32, #tpu.memory_space<vmem>> -> memref<1x1x8x512xf32, #tpu.memory_space<vmem>>
        %dma_wait3A_581 = tpu.memref_squeeze %dma_wait3A_580 : memref<1x1x8x512xf32, #tpu.memory_space<vmem>> -> memref<8x512xf32, #tpu.memory_space<vmem>>
        tpu.wait_dma2 semaphore(%dma_wait3A_574 : memref<!tpu.dma_semaphore, #tpu.memory_space<semaphore_mem>>) src(%dma_wait3A_581 : memref<8x512xf32, #tpu.memory_space<vmem>>) dst(%dma_wait3A_577 : memref<8x512xf32, #tpu.memory_space<hbm>>)
      } else {
      }
      %shift_right_arithmetic3A_383 = arith.constant 2 : i32
      %shift_right_arithmetic3A_384 = vector.broadcast %shift_right_arithmetic3A_383 : i32 to vector<16xi32>
      %shift_right_arithmetic3A_385 = arith.shrsi %iota3A, %shift_right_arithmetic3A_384 : vector<16xi32>
      %scan3A_386 = arith.constant 1 : i32
      %scan3A_387 = arith.constant 1 : i32
      %scan3A_388 = arith.constant 0 : i32
      %scan3A_389 = arith.constant 16 : i32
      %scan3A_390 = arith.addi %scan3A_388, %scan3A_389 : i32
      %scan3A_391 = arith.constant 1 : i32
      scf.for %scan3A_491 = %scan3A_388 to %scan3A_390 step %scan3A_391  : i32 {
        %mul3A_492 = arith.constant 1 : i32
        %mul3A_493 = arith.muli %scan3A_491, %mul3A_492 : i32
        %add3A_494 = arith.constant 0 : i32
        %add3A_495 = arith.addi %add3A_494, %mul3A_493 : i32
        %add3A_496 = vector.broadcast %add3A_495 : i32 to vector<16xi32>
        %add3A_497 = arith.addi %iota3A, %add3A_496 : vector<16xi32>
        %and3A = arith.constant 15 : i32
        %and3A_498 = vector.broadcast %and3A : i32 to vector<16xi32>
        %and3A_499 = arith.andi %add3A_497, %and3A_498 : vector<16xi32>
        %add3A_500 = arith.constant 0 : i32
        %add3A_501 = vector.broadcast %add3A_500 : i32 to vector<16xi32>
        %add3A_502 = arith.addi %add3A_501, %and3A_499 : vector<16xi32>
        %and3A_503 = arith.constant 3 : i32
        %and3A_504 = vector.broadcast %and3A_503 : i32 to vector<16xi32>
        %and3A_505 = arith.andi %iota3A, %and3A_504 : vector<16xi32>
        %mul3A_506 = arith.constant 32 : i32
        %mul3A_507 = vector.broadcast %mul3A_506 : i32 to vector<16xi32>
        %mul3A_508 = arith.muli %and3A_505, %mul3A_507 : vector<16xi32>
        %add3A_509 = arith.addi %mul3A_508, %add3A_502 : vector<16xi32>
        %parallel_loop3A = arith.constant 0 : i32
        %parallel_loop3A_510 = arith.constant 512 : i32
        %parallel_loop3A_511 = arith.constant 16 : i32
        scf.for %parallel_loop3A_512 = %parallel_loop3A to %parallel_loop3A_510 step %parallel_loop3A_511  : i32 {
          %parallel_loop3A_513 = arith.constant 2 : i32
          %parallel_loop3A_514 = arith.shrsi %parallel_loop3A_512, %parallel_loop3A_513 : i32
          %parallel_loop3A_515 = vector.broadcast %parallel_loop3A_514 : i32 to vector<16xi32>
          %parallel_loop3A_516 = arith.addi %shift_right_arithmetic3A_385, %parallel_loop3A_515 : vector<16xi32>
          %parallel_loop3A_517 = arith.constant 0 : i32
          %parallel_loop3A_518 = arith.constant 0 : i32
          %parallel_loop3A_519 = tpu.memref_slice %arg4[%scan3A_386, %parallel_loop3A_517, %parallel_loop3A_518] : memref<2x128x128xf32, #tpu.memory_space<vmem>> -> memref<1x128x128xf32, #tpu.memory_space<vmem>>
          %parallel_loop3A_520 = tpu.memref_squeeze %parallel_loop3A_519 : memref<1x128x128xf32, #tpu.memory_space<vmem>> -> memref<128x128xf32, #tpu.memory_space<vmem>>
          %parallel_loop3A_521 = tpu.vector_load_idx %parallel_loop3A_520[%parallel_loop3A_516, %add3A_509] : memref<128x128xf32, #tpu.memory_space<vmem>>[vector<16xi32>, vector<16xi32>], vector<16xf32>,
          %parallel_loop3A_522 = vector.broadcast %parallel_loop3A_512 : i32 to vector<16xi32>
          %parallel_loop3A_523 = arith.addi %parallel_loop3A_522, %iota3A : vector<16xi32>
          %parallel_loop3A_524 = arith.constant 0 : i32
          %parallel_loop3A_525 = arith.constant 0 : i32
          %parallel_loop3A_526 = arith.constant 0 : i32
          %parallel_loop3A_527 = tpu.memref_slice %arg5[%scan3A_387, %parallel_loop3A_524, %parallel_loop3A_525, %parallel_loop3A_526] : memref<2x4x8x512xf32, #tpu.memory_space<vmem>> -> memref<1x4x8x512xf32, #tpu.memory_space<vmem>>
          %parallel_loop3A_528 = tpu.memref_squeeze %parallel_loop3A_527 : memref<1x4x8x512xf32, #tpu.memory_space<vmem>> -> memref<4x8x512xf32, #tpu.memory_space<vmem>>
          %parallel_loop3A_529 = tpu.memref_reshape %parallel_loop3A_528 : memref<4x8x512xf32, #tpu.memory_space<vmem>> -> memref<32x512xf32, #tpu.memory_space<vmem>>
          tpu.vector_store_idx %parallel_loop3A_529[%add3A_502, %parallel_loop3A_523], %parallel_loop3A_521 : memref<32x512xf32, #tpu.memory_space<vmem>>[vector<16xi32>, vector<16xi32>], vector<16xf32>,
        } {sc.loop_unroll_factor = 8 : i64, sc.parallel_access}
      }
      %scan3A_392 = arith.constant 16 : i32
      %scan3A_393 = arith.constant 1 : i32
      %scan3A_394 = arith.constant 1 : i32
      %scan3A_395 = arith.constant 0 : i32
      %scan3A_396 = arith.constant 16 : i32
      %scan3A_397 = arith.addi %scan3A_395, %scan3A_396 : i32
      %scan3A_398 = arith.constant 1 : i32
      scf.for %scan3A_491 = %scan3A_395 to %scan3A_397 step %scan3A_398  : i32 {
        %mul3A_492 = arith.constant 1 : i32
        %mul3A_493 = arith.muli %scan3A_491, %mul3A_492 : i32
        %add3A_494 = arith.constant 0 : i32
        %add3A_495 = arith.addi %add3A_494, %mul3A_493 : i32
        %add3A_496 = vector.broadcast %add3A_495 : i32 to vector<16xi32>
        %add3A_497 = arith.addi %iota3A, %add3A_496 : vector<16xi32>
        %and3A = arith.constant 15 : i32
        %and3A_498 = vector.broadcast %and3A : i32 to vector<16xi32>
        %and3A_499 = arith.andi %add3A_497, %and3A_498 : vector<16xi32>
        %add3A_500 = arith.constant 16 : i32
        %add3A_501 = vector.broadcast %add3A_500 : i32 to vector<16xi32>
        %add3A_502 = arith.addi %add3A_501, %and3A_499 : vector<16xi32>
        %and3A_503 = arith.constant 3 : i32
        %and3A_504 = vector.broadcast %and3A_503 : i32 to vector<16xi32>
        %and3A_505 = arith.andi %iota3A, %and3A_504 : vector<16xi32>
        %mul3A_506 = arith.constant 32 : i32
        %mul3A_507 = vector.broadcast %mul3A_506 : i32 to vector<16xi32>
        %mul3A_508 = arith.muli %and3A_505, %mul3A_507 : vector<16xi32>
        %add3A_509 = arith.addi %mul3A_508, %add3A_502 : vector<16xi32>
        %parallel_loop3A = arith.constant 0 : i32
        %parallel_loop3A_510 = arith.constant 512 : i32
        %parallel_loop3A_511 = arith.constant 16 : i32
        scf.for %parallel_loop3A_512 = %parallel_loop3A to %parallel_loop3A_510 step %parallel_loop3A_511  : i32 {
          %parallel_loop3A_513 = arith.constant 2 : i32
          %parallel_loop3A_514 = arith.shrsi %parallel_loop3A_512, %parallel_loop3A_513 : i32
          %parallel_loop3A_515 = vector.broadcast %parallel_loop3A_514 : i32 to vector<16xi32>
          %parallel_loop3A_516 = arith.addi %shift_right_arithmetic3A_385, %parallel_loop3A_515 : vector<16xi32>
          %parallel_loop3A_517 = arith.constant 0 : i32
          %parallel_loop3A_518 = arith.constant 0 : i32
          %parallel_loop3A_519 = tpu.memref_slice %arg4[%scan3A_393, %parallel_loop3A_517, %parallel_loop3A_518] : memref<2x128x128xf32, #tpu.memory_space<vmem>> -> memref<1x128x128xf32, #tpu.memory_space<vmem>>
          %parallel_loop3A_520 = tpu.memref_squeeze %parallel_loop3A_519 : memref<1x128x128xf32, #tpu.memory_space<vmem>> -> memref<128x128xf32, #tpu.memory_space<vmem>>
          %parallel_loop3A_521 = tpu.vector_load_idx %parallel_loop3A_520[%parallel_loop3A_516, %add3A_509] : memref<128x128xf32, #tpu.memory_space<vmem>>[vector<16xi32>, vector<16xi32>], vector<16xf32>,
          %parallel_loop3A_522 = vector.broadcast %parallel_loop3A_512 : i32 to vector<16xi32>
          %parallel_loop3A_523 = arith.addi %parallel_loop3A_522, %iota3A : vector<16xi32>
          %parallel_loop3A_524 = arith.constant 0 : i32
          %parallel_loop3A_525 = arith.constant 0 : i32
          %parallel_loop3A_526 = arith.constant 0 : i32
          %parallel_loop3A_527 = tpu.memref_slice %arg5[%scan3A_394, %parallel_loop3A_524, %parallel_loop3A_525, %parallel_loop3A_526] : memref<2x4x8x512xf32, #tpu.memory_space<vmem>> -> memref<1x4x8x512xf32, #tpu.memory_space<vmem>>
          %parallel_loop3A_528 = tpu.memref_squeeze %parallel_loop3A_527 : memref<1x4x8x512xf32, #tpu.memory_space<vmem>> -> memref<4x8x512xf32, #tpu.memory_space<vmem>>
          %parallel_loop3A_529 = tpu.memref_reshape %parallel_loop3A_528 : memref<4x8x512xf32, #tpu.memory_space<vmem>> -> memref<32x512xf32, #tpu.memory_space<vmem>>
          tpu.vector_store_idx %parallel_loop3A_529[%add3A_502, %parallel_loop3A_523], %parallel_loop3A_521 : memref<32x512xf32, #tpu.memory_space<vmem>>[vector<16xi32>, vector<16xi32>], vector<16xf32>,
        } {sc.loop_unroll_factor = 8 : i64, sc.parallel_access}
      }
      %scan3A_399 = arith.constant 16 : i32
      %add3A_400 = arith.constant 2 : i32
      %add3A_401 = arith.addi %add3A_356, %add3A_400 : i32
      %lt3A_402 = arith.constant 200 : i32
      %lt3A_403 = arith.cmpi slt, %add3A_401, %lt3A_402 : i32
      %convert_element_type3A_404 = arith.extui %lt3A_403 : i1 to i32
      %cond3A_405 = arith.constant 0 : i32
      %cond3A_406 = arith.cmpi ne, %convert_element_type3A_404, %cond3A_405 : i32
      scf.if %cond3A_406 {
        %add3A_491 = arith.constant 2 : i32
        %add3A_492 = arith.addi %add3A_356, %add3A_491 : i32
        %mul3A_493 = arith.constant 4096 : i32
        %mul3A_494 = arith.muli %add3A_492, %mul3A_493 : i32
        %mul3A_495 = arith.constant 128 : i32
        %mul3A_496 = arith.muli %add3A, %mul3A_495 : i32
        %add3A_497 = arith.addi %mul3A_494, %mul3A_496 : i32
        %dma_start3A_498 = arith.constant 1 : i32
        %dma_start3A_499 = arith.constant 1 : i32
        %dma_start3A_500 = arith.constant 0 : i32
        %dma_start3A_501 = arith.constant 0 : i32
        %dma_start3A_502 = tpu.memref_slice %arg4[%dma_start3A_498, %dma_start3A_500, %dma_start3A_501] : memref<2x128x128xf32, #tpu.memory_space<vmem>> -> memref<1x128x128xf32, #tpu.memory_space<vmem>>
        %dma_start3A_503 = tpu.memref_squeeze %dma_start3A_502 : memref<1x128x128xf32, #tpu.memory_space<vmem>> -> memref<128x128xf32, #tpu.memory_space<vmem>>
        %dma_start3A_504 = arith.constant 0 : i32
        %dma_start3A_505 = tpu.memref_slice %arg2[%add3A_497, %dma_start3A_504] : memref<819200x128xf32, #tpu.memory_space<hbm>> -> memref<128x128xf32, #tpu.memory_space<hbm>>
        %dma_start3A_506 = tpu.memref_slice %arg6[%dma_start3A_499] : memref<2x!tpu.dma_semaphore, #tpu.memory_space<semaphore_mem>> -> memref<1x!tpu.dma_semaphore, #tpu.memory_space<semaphore_mem>>
        %dma_start3A_507 = tpu.memref_squeeze %dma_start3A_506 : memref<1x!tpu.dma_semaphore, #tpu.memory_space<semaphore_mem>> -> memref<!tpu.dma_semaphore, #tpu.memory_space<semaphore_mem>>
        %dma_start3A_508 = arith.constant 0 : i32
        %dma_start3A_509 = arith.constant 0 : i32
        %dma_start3A_510 = tpu.memref_slice %arg4[%dma_start3A_498, %dma_start3A_508, %dma_start3A_509] : memref<2x128x128xf32, #tpu.memory_space<vmem>> -> memref<1x128x128xf32, #tpu.memory_space<vmem>>
        %dma_start3A_511 = tpu.memref_squeeze %dma_start3A_510 : memref<1x128x128xf32, #tpu.memory_space<vmem>> -> memref<128x128xf32, #tpu.memory_space<vmem>>
        %dma_start3A_512 = arith.constant 0 : i32
        %dma_start3A_513 = tpu.memref_slice %arg2[%add3A_497, %dma_start3A_512] : memref<819200x128xf32, #tpu.memory_space<hbm>> -> memref<128x128xf32, #tpu.memory_space<hbm>>
        tpu.enqueue_dma source(%dma_start3A_513 : memref<128x128xf32, #tpu.memory_space<hbm>>) target(%dma_start3A_511 : memref<128x128xf32, #tpu.memory_space<vmem>>) target_semaphore(%dma_start3A_507 : memref<!tpu.dma_semaphore, #tpu.memory_space<semaphore_mem>>)
      } else {
      }
      %mul3A_407 = arith.constant 512 : i32
      %mul3A_408 = arith.muli %add3A, %mul3A_407 : i32
      %dma_start3A_409 = arith.constant 1 : i32
      %dma_start3A_410 = arith.constant 0 : i32
      %dma_start3A_411 = arith.constant 1 : i32
      %dma_start3A_412 = arith.constant 0 : i32
      %dma_start3A_413 = arith.constant 0 : i32
      %dma_start3A_414 = tpu.memref_slice %arg5[%dma_start3A_409, %dma_start3A_410, %dma_start3A_412, %dma_start3A_413] : memref<2x4x8x512xf32, #tpu.memory_space<vmem>> -> memref<1x1x8x512xf32, #tpu.memory_space<vmem>>
      %dma_start3A_415 = tpu.memref_squeeze %dma_start3A_414 : memref<1x1x8x512xf32, #tpu.memory_space<vmem>> -> memref<8x512xf32, #tpu.memory_space<vmem>>
      %dma_start3A_416 = arith.constant 0 : i32
      %dma_start3A_417 = tpu.memref_slice %arg3[%add3A_356, %dma_start3A_416, %mul3A_408] : memref<200x32x16384xf32, #tpu.memory_space<hbm>> -> memref<1x8x512xf32, #tpu.memory_space<hbm>>
      %dma_start3A_418 = tpu.memref_squeeze %dma_start3A_417 : memref<1x8x512xf32, #tpu.memory_space<hbm>> -> memref<8x512xf32, #tpu.memory_space<hbm>>
      %dma_start3A_419 = tpu.memref_slice %arg7[%dma_start3A_411] : memref<2x!tpu.dma_semaphore, #tpu.memory_space<semaphore_mem>> -> memref<1x!tpu.dma_semaphore, #tpu.memory_space<semaphore_mem>>
      %dma_start3A_420 = tpu.memref_squeeze %dma_start3A_419 : memref<1x!tpu.dma_semaphore, #tpu.memory_space<semaphore_mem>> -> memref<!tpu.dma_semaphore, #tpu.memory_space<semaphore_mem>>
      %dma_start3A_421 = arith.constant 0 : i32
      %dma_start3A_422 = tpu.memref_slice %arg3[%add3A_356, %dma_start3A_421, %mul3A_408] : memref<200x32x16384xf32, #tpu.memory_space<hbm>> -> memref<1x8x512xf32, #tpu.memory_space<hbm>>
      %dma_start3A_423 = tpu.memref_squeeze %dma_start3A_422 : memref<1x8x512xf32, #tpu.memory_space<hbm>> -> memref<8x512xf32, #tpu.memory_space<hbm>>
      %dma_start3A_424 = arith.constant 0 : i32
      %dma_start3A_425 = arith.constant 0 : i32
      %dma_start3A_426 = tpu.memref_slice %arg5[%dma_start3A_409, %dma_start3A_410, %dma_start3A_424, %dma_start3A_425] : memref<2x4x8x512xf32, #tpu.memory_space<vmem>> -> memref<1x1x8x512xf32, #tpu.memory_space<vmem>>
      %dma_start3A_427 = tpu.memref_squeeze %dma_start3A_426 : memref<1x1x8x512xf32, #tpu.memory_space<vmem>> -> memref<8x512xf32, #tpu.memory_space<vmem>>
      tpu.enqueue_dma source(%dma_start3A_427 : memref<8x512xf32, #tpu.memory_space<vmem>>) target(%dma_start3A_423 : memref<8x512xf32, #tpu.memory_space<hbm>>) target_semaphore(%dma_start3A_420 : memref<!tpu.dma_semaphore, #tpu.memory_space<semaphore_mem>>)
      %mul3A_428 = arith.constant 512 : i32
      %mul3A_429 = arith.muli %add3A, %mul3A_428 : i32
      %dma_start3A_430 = arith.constant 1 : i32
      %dma_start3A_431 = arith.constant 1 : i32
      %dma_start3A_432 = arith.constant 1 : i32
      %dma_start3A_433 = arith.constant 0 : i32
      %dma_start3A_434 = arith.constant 0 : i32
      %dma_start3A_435 = tpu.memref_slice %arg5[%dma_start3A_430, %dma_start3A_431, %dma_start3A_433, %dma_start3A_434] : memref<2x4x8x512xf32, #tpu.memory_space<vmem>> -> memref<1x1x8x512xf32, #tpu.memory_space<vmem>>
      %dma_start3A_436 = tpu.memref_squeeze %dma_start3A_435 : memref<1x1x8x512xf32, #tpu.memory_space<vmem>> -> memref<8x512xf32, #tpu.memory_space<vmem>>
      %dma_start3A_437 = arith.constant 8 : i32
      %dma_start3A_438 = tpu.memref_slice %arg3[%add3A_356, %dma_start3A_437, %mul3A_429] : memref<200x32x16384xf32, #tpu.memory_space<hbm>> -> memref<1x8x512xf32, #tpu.memory_space<hbm>>
      %dma_start3A_439 = tpu.memref_squeeze %dma_start3A_438 : memref<1x8x512xf32, #tpu.memory_space<hbm>> -> memref<8x512xf32, #tpu.memory_space<hbm>>
      %dma_start3A_440 = tpu.memref_slice %arg7[%dma_start3A_432] : memref<2x!tpu.dma_semaphore, #tpu.memory_space<semaphore_mem>> -> memref<1x!tpu.dma_semaphore, #tpu.memory_space<semaphore_mem>>
      %dma_start3A_441 = tpu.memref_squeeze %dma_start3A_440 : memref<1x!tpu.dma_semaphore, #tpu.memory_space<semaphore_mem>> -> memref<!tpu.dma_semaphore, #tpu.memory_space<semaphore_mem>>
      %dma_start3A_442 = arith.constant 8 : i32
      %dma_start3A_443 = tpu.memref_slice %arg3[%add3A_356, %dma_start3A_442, %mul3A_429] : memref<200x32x16384xf32, #tpu.memory_space<hbm>> -> memref<1x8x512xf32, #tpu.memory_space<hbm>>
      %dma_start3A_444 = tpu.memref_squeeze %dma_start3A_443 : memref<1x8x512xf32, #tpu.memory_space<hbm>> -> memref<8x512xf32, #tpu.memory_space<hbm>>
      %dma_start3A_445 = arith.constant 0 : i32
      %dma_start3A_446 = arith.constant 0 : i32
      %dma_start3A_447 = tpu.memref_slice %arg5[%dma_start3A_430, %dma_start3A_431, %dma_start3A_445, %dma_start3A_446] : memref<2x4x8x512xf32, #tpu.memory_space<vmem>> -> memref<1x1x8x512xf32, #tpu.memory_space<vmem>>
      %dma_start3A_448 = tpu.memref_squeeze %dma_start3A_447 : memref<1x1x8x512xf32, #tpu.memory_space<vmem>> -> memref<8x512xf32, #tpu.memory_space<vmem>>
      tpu.enqueue_dma source(%dma_start3A_448 : memref<8x512xf32, #tpu.memory_space<vmem>>) target(%dma_start3A_444 : memref<8x512xf32, #tpu.memory_space<hbm>>) target_semaphore(%dma_start3A_441 : memref<!tpu.dma_semaphore, #tpu.memory_space<semaphore_mem>>)
      %mul3A_449 = arith.constant 512 : i32
      %mul3A_450 = arith.muli %add3A, %mul3A_449 : i32
      %dma_start3A_451 = arith.constant 1 : i32
      %dma_start3A_452 = arith.constant 2 : i32
      %dma_start3A_453 = arith.constant 1 : i32
      %dma_start3A_454 = arith.constant 0 : i32
      %dma_start3A_455 = arith.constant 0 : i32
      %dma_start3A_456 = tpu.memref_slice %arg5[%dma_start3A_451, %dma_start3A_452, %dma_start3A_454, %dma_start3A_455] : memref<2x4x8x512xf32, #tpu.memory_space<vmem>> -> memref<1x1x8x512xf32, #tpu.memory_space<vmem>>
      %dma_start3A_457 = tpu.memref_squeeze %dma_start3A_456 : memref<1x1x8x512xf32, #tpu.memory_space<vmem>> -> memref<8x512xf32, #tpu.memory_space<vmem>>
      %dma_start3A_458 = arith.constant 16 : i32
      %dma_start3A_459 = tpu.memref_slice %arg3[%add3A_356, %dma_start3A_458, %mul3A_450] : memref<200x32x16384xf32, #tpu.memory_space<hbm>> -> memref<1x8x512xf32, #tpu.memory_space<hbm>>
      %dma_start3A_460 = tpu.memref_squeeze %dma_start3A_459 : memref<1x8x512xf32, #tpu.memory_space<hbm>> -> memref<8x512xf32, #tpu.memory_space<hbm>>
      %dma_start3A_461 = tpu.memref_slice %arg7[%dma_start3A_453] : memref<2x!tpu.dma_semaphore, #tpu.memory_space<semaphore_mem>> -> memref<1x!tpu.dma_semaphore, #tpu.memory_space<semaphore_mem>>
      %dma_start3A_462 = tpu.memref_squeeze %dma_start3A_461 : memref<1x!tpu.dma_semaphore, #tpu.memory_space<semaphore_mem>> -> memref<!tpu.dma_semaphore, #tpu.memory_space<semaphore_mem>>
      %dma_start3A_463 = arith.constant 16 : i32
      %dma_start3A_464 = tpu.memref_slice %arg3[%add3A_356, %dma_start3A_463, %mul3A_450] : memref<200x32x16384xf32, #tpu.memory_space<hbm>> -> memref<1x8x512xf32, #tpu.memory_space<hbm>>
      %dma_start3A_465 = tpu.memref_squeeze %dma_start3A_464 : memref<1x8x512xf32, #tpu.memory_space<hbm>> -> memref<8x512xf32, #tpu.memory_space<hbm>>
      %dma_start3A_466 = arith.constant 0 : i32
      %dma_start3A_467 = arith.constant 0 : i32
      %dma_start3A_468 = tpu.memref_slice %arg5[%dma_start3A_451, %dma_start3A_452, %dma_start3A_466, %dma_start3A_467] : memref<2x4x8x512xf32, #tpu.memory_space<vmem>> -> memref<1x1x8x512xf32, #tpu.memory_space<vmem>>
      %dma_start3A_469 = tpu.memref_squeeze %dma_start3A_468 : memref<1x1x8x512xf32, #tpu.memory_space<vmem>> -> memref<8x512xf32, #tpu.memory_space<vmem>>
      tpu.enqueue_dma source(%dma_start3A_469 : memref<8x512xf32, #tpu.memory_space<vmem>>) target(%dma_start3A_465 : memref<8x512xf32, #tpu.memory_space<hbm>>) target_semaphore(%dma_start3A_462 : memref<!tpu.dma_semaphore, #tpu.memory_space<semaphore_mem>>)
      %mul3A_470 = arith.constant 512 : i32
      %mul3A_471 = arith.muli %add3A, %mul3A_470 : i32
      %dma_start3A_472 = arith.constant 1 : i32
      %dma_start3A_473 = arith.constant 3 : i32
      %dma_start3A_474 = arith.constant 1 : i32
      %dma_start3A_475 = arith.constant 0 : i32
      %dma_start3A_476 = arith.constant 0 : i32
      %dma_start3A_477 = tpu.memref_slice %arg5[%dma_start3A_472, %dma_start3A_473, %dma_start3A_475, %dma_start3A_476] : memref<2x4x8x512xf32, #tpu.memory_space<vmem>> -> memref<1x1x8x512xf32, #tpu.memory_space<vmem>>
      %dma_start3A_478 = tpu.memref_squeeze %dma_start3A_477 : memref<1x1x8x512xf32, #tpu.memory_space<vmem>> -> memref<8x512xf32, #tpu.memory_space<vmem>>
      %dma_start3A_479 = arith.constant 24 : i32
      %dma_start3A_480 = tpu.memref_slice %arg3[%add3A_356, %dma_start3A_479, %mul3A_471] : memref<200x32x16384xf32, #tpu.memory_space<hbm>> -> memref<1x8x512xf32, #tpu.memory_space<hbm>>
      %dma_start3A_481 = tpu.memref_squeeze %dma_start3A_480 : memref<1x8x512xf32, #tpu.memory_space<hbm>> -> memref<8x512xf32, #tpu.memory_space<hbm>>
      %dma_start3A_482 = tpu.memref_slice %arg7[%dma_start3A_474] : memref<2x!tpu.dma_semaphore, #tpu.memory_space<semaphore_mem>> -> memref<1x!tpu.dma_semaphore, #tpu.memory_space<semaphore_mem>>
      %dma_start3A_483 = tpu.memref_squeeze %dma_start3A_482 : memref<1x!tpu.dma_semaphore, #tpu.memory_space<semaphore_mem>> -> memref<!tpu.dma_semaphore, #tpu.memory_space<semaphore_mem>>
      %dma_start3A_484 = arith.constant 24 : i32
      %dma_start3A_485 = tpu.memref_slice %arg3[%add3A_356, %dma_start3A_484, %mul3A_471] : memref<200x32x16384xf32, #tpu.memory_space<hbm>> -> memref<1x8x512xf32, #tpu.memory_space<hbm>>
      %dma_start3A_486 = tpu.memref_squeeze %dma_start3A_485 : memref<1x8x512xf32, #tpu.memory_space<hbm>> -> memref<8x512xf32, #tpu.memory_space<hbm>>
      %dma_start3A_487 = arith.constant 0 : i32
      %dma_start3A_488 = arith.constant 0 : i32
      %dma_start3A_489 = tpu.memref_slice %arg5[%dma_start3A_472, %dma_start3A_473, %dma_start3A_487, %dma_start3A_488] : memref<2x4x8x512xf32, #tpu.memory_space<vmem>> -> memref<1x1x8x512xf32, #tpu.memory_space<vmem>>
      %dma_start3A_490 = tpu.memref_squeeze %dma_start3A_489 : memref<1x1x8x512xf32, #tpu.memory_space<vmem>> -> memref<8x512xf32, #tpu.memory_space<vmem>>
      tpu.enqueue_dma source(%dma_start3A_490 : memref<8x512xf32, #tpu.memory_space<vmem>>) target(%dma_start3A_486 : memref<8x512xf32, #tpu.memory_space<hbm>>) target_semaphore(%dma_start3A_483 : memref<!tpu.dma_semaphore, #tpu.memory_space<semaphore_mem>>)
    }
    %scan3A_43 = arith.constant 100 : i32
    %mul3A_44 = arith.constant 512 : i32
    %mul3A_45 = arith.muli %add3A, %mul3A_44 : i32
    %dma_wait3A = arith.constant 0 : i32
    %dma_wait3A_46 = arith.constant 0 : i32
    %dma_wait3A_47 = arith.constant 198 : i32
    %dma_wait3A_48 = arith.constant 0 : i32
    %dma_wait3A_49 = arith.constant 0 : i32
    %dma_wait3A_50 = arith.constant 0 : i32
    %dma_wait3A_51 = tpu.memref_slice %arg5[%dma_wait3A, %dma_wait3A_46, %dma_wait3A_49, %dma_wait3A_50] : memref<2x4x8x512xf32, #tpu.memory_space<vmem>> -> memref<1x1x8x512xf32, #tpu.memory_space<vmem>>
    %dma_wait3A_52 = tpu.memref_squeeze %dma_wait3A_51 : memref<1x1x8x512xf32, #tpu.memory_space<vmem>> -> memref<8x512xf32, #tpu.memory_space<vmem>>
    %dma_wait3A_53 = arith.constant 0 : i32
    %dma_wait3A_54 = tpu.memref_slice %arg3[%dma_wait3A_47, %dma_wait3A_53, %mul3A_45] : memref<200x32x16384xf32, #tpu.memory_space<hbm>> -> memref<1x8x512xf32, #tpu.memory_space<hbm>>
    %dma_wait3A_55 = tpu.memref_squeeze %dma_wait3A_54 : memref<1x8x512xf32, #tpu.memory_space<hbm>> -> memref<8x512xf32, #tpu.memory_space<hbm>>
    %dma_wait3A_56 = tpu.memref_slice %arg7[%dma_wait3A_48] : memref<2x!tpu.dma_semaphore, #tpu.memory_space<semaphore_mem>> -> memref<1x!tpu.dma_semaphore, #tpu.memory_space<semaphore_mem>>
    %dma_wait3A_57 = tpu.memref_squeeze %dma_wait3A_56 : memref<1x!tpu.dma_semaphore, #tpu.memory_space<semaphore_mem>> -> memref<!tpu.dma_semaphore, #tpu.memory_space<semaphore_mem>>
    %dma_wait3A_58 = arith.constant 0 : i32
    %dma_wait3A_59 = tpu.memref_slice %arg3[%dma_wait3A_47, %dma_wait3A_58, %mul3A_45] : memref<200x32x16384xf32, #tpu.memory_space<hbm>> -> memref<1x8x512xf32, #tpu.memory_space<hbm>>
    %dma_wait3A_60 = tpu.memref_squeeze %dma_wait3A_59 : memref<1x8x512xf32, #tpu.memory_space<hbm>> -> memref<8x512xf32, #tpu.memory_space<hbm>>
    %dma_wait3A_61 = arith.constant 0 : i32
    %dma_wait3A_62 = arith.constant 0 : i32
    %dma_wait3A_63 = tpu.memref_slice %arg5[%dma_wait3A, %dma_wait3A_46, %dma_wait3A_61, %dma_wait3A_62] : memref<2x4x8x512xf32, #tpu.memory_space<vmem>> -> memref<1x1x8x512xf32, #tpu.memory_space<vmem>>
    %dma_wait3A_64 = tpu.memref_squeeze %dma_wait3A_63 : memref<1x1x8x512xf32, #tpu.memory_space<vmem>> -> memref<8x512xf32, #tpu.memory_space<vmem>>
    tpu.wait_dma2 semaphore(%dma_wait3A_57 : memref<!tpu.dma_semaphore, #tpu.memory_space<semaphore_mem>>) src(%dma_wait3A_64 : memref<8x512xf32, #tpu.memory_space<vmem>>) dst(%dma_wait3A_60 : memref<8x512xf32, #tpu.memory_space<hbm>>)
    %mul3A_65 = arith.constant 512 : i32
    %mul3A_66 = arith.muli %add3A, %mul3A_65 : i32
    %dma_wait3A_67 = arith.constant 0 : i32
    %dma_wait3A_68 = arith.constant 1 : i32
    %dma_wait3A_69 = arith.constant 198 : i32
    %dma_wait3A_70 = arith.constant 0 : i32
    %dma_wait3A_71 = arith.constant 0 : i32
    %dma_wait3A_72 = arith.constant 0 : i32
    %dma_wait3A_73 = tpu.memref_slice %arg5[%dma_wait3A_67, %dma_wait3A_68, %dma_wait3A_71, %dma_wait3A_72] : memref<2x4x8x512xf32, #tpu.memory_space<vmem>> -> memref<1x1x8x512xf32, #tpu.memory_space<vmem>>
    %dma_wait3A_74 = tpu.memref_squeeze %dma_wait3A_73 : memref<1x1x8x512xf32, #tpu.memory_space<vmem>> -> memref<8x512xf32, #tpu.memory_space<vmem>>
    %dma_wait3A_75 = arith.constant 8 : i32
    %dma_wait3A_76 = tpu.memref_slice %arg3[%dma_wait3A_69, %dma_wait3A_75, %mul3A_66] : memref<200x32x16384xf32, #tpu.memory_space<hbm>> -> memref<1x8x512xf32, #tpu.memory_space<hbm>>
    %dma_wait3A_77 = tpu.memref_squeeze %dma_wait3A_76 : memref<1x8x512xf32, #tpu.memory_space<hbm>> -> memref<8x512xf32, #tpu.memory_space<hbm>>
    %dma_wait3A_78 = tpu.memref_slice %arg7[%dma_wait3A_70] : memref<2x!tpu.dma_semaphore, #tpu.memory_space<semaphore_mem>> -> memref<1x!tpu.dma_semaphore, #tpu.memory_space<semaphore_mem>>
    %dma_wait3A_79 = tpu.memref_squeeze %dma_wait3A_78 : memref<1x!tpu.dma_semaphore, #tpu.memory_space<semaphore_mem>> -> memref<!tpu.dma_semaphore, #tpu.memory_space<semaphore_mem>>
    %dma_wait3A_80 = arith.constant 8 : i32
    %dma_wait3A_81 = tpu.memref_slice %arg3[%dma_wait3A_69, %dma_wait3A_80, %mul3A_66] : memref<200x32x16384xf32, #tpu.memory_space<hbm>> -> memref<1x8x512xf32, #tpu.memory_space<hbm>>
    %dma_wait3A_82 = tpu.memref_squeeze %dma_wait3A_81 : memref<1x8x512xf32, #tpu.memory_space<hbm>> -> memref<8x512xf32, #tpu.memory_space<hbm>>
    %dma_wait3A_83 = arith.constant 0 : i32
    %dma_wait3A_84 = arith.constant 0 : i32
    %dma_wait3A_85 = tpu.memref_slice %arg5[%dma_wait3A_67, %dma_wait3A_68, %dma_wait3A_83, %dma_wait3A_84] : memref<2x4x8x512xf32, #tpu.memory_space<vmem>> -> memref<1x1x8x512xf32, #tpu.memory_space<vmem>>
    %dma_wait3A_86 = tpu.memref_squeeze %dma_wait3A_85 : memref<1x1x8x512xf32, #tpu.memory_space<vmem>> -> memref<8x512xf32, #tpu.memory_space<vmem>>
    tpu.wait_dma2 semaphore(%dma_wait3A_79 : memref<!tpu.dma_semaphore, #tpu.memory_space<semaphore_mem>>) src(%dma_wait3A_86 : memref<8x512xf32, #tpu.memory_space<vmem>>) dst(%dma_wait3A_82 : memref<8x512xf32, #tpu.memory_space<hbm>>)
    %mul3A_87 = arith.constant 512 : i32
    %mul3A_88 = arith.muli %add3A, %mul3A_87 : i32
    %dma_wait3A_89 = arith.constant 0 : i32
    %dma_wait3A_90 = arith.constant 2 : i32
    %dma_wait3A_91 = arith.constant 198 : i32
    %dma_wait3A_92 = arith.constant 0 : i32
    %dma_wait3A_93 = arith.constant 0 : i32
    %dma_wait3A_94 = arith.constant 0 : i32
    %dma_wait3A_95 = tpu.memref_slice %arg5[%dma_wait3A_89, %dma_wait3A_90, %dma_wait3A_93, %dma_wait3A_94] : memref<2x4x8x512xf32, #tpu.memory_space<vmem>> -> memref<1x1x8x512xf32, #tpu.memory_space<vmem>>
    %dma_wait3A_96 = tpu.memref_squeeze %dma_wait3A_95 : memref<1x1x8x512xf32, #tpu.memory_space<vmem>> -> memref<8x512xf32, #tpu.memory_space<vmem>>
    %dma_wait3A_97 = arith.constant 16 : i32
    %dma_wait3A_98 = tpu.memref_slice %arg3[%dma_wait3A_91, %dma_wait3A_97, %mul3A_88] : memref<200x32x16384xf32, #tpu.memory_space<hbm>> -> memref<1x8x512xf32, #tpu.memory_space<hbm>>
    %dma_wait3A_99 = tpu.memref_squeeze %dma_wait3A_98 : memref<1x8x512xf32, #tpu.memory_space<hbm>> -> memref<8x512xf32, #tpu.memory_space<hbm>>
    %dma_wait3A_100 = tpu.memref_slice %arg7[%dma_wait3A_92] : memref<2x!tpu.dma_semaphore, #tpu.memory_space<semaphore_mem>> -> memref<1x!tpu.dma_semaphore, #tpu.memory_space<semaphore_mem>>
    %dma_wait3A_101 = tpu.memref_squeeze %dma_wait3A_100 : memref<1x!tpu.dma_semaphore, #tpu.memory_space<semaphore_mem>> -> memref<!tpu.dma_semaphore, #tpu.memory_space<semaphore_mem>>
    %dma_wait3A_102 = arith.constant 16 : i32
    %dma_wait3A_103 = tpu.memref_slice %arg3[%dma_wait3A_91, %dma_wait3A_102, %mul3A_88] : memref<200x32x16384xf32, #tpu.memory_space<hbm>> -> memref<1x8x512xf32, #tpu.memory_space<hbm>>
    %dma_wait3A_104 = tpu.memref_squeeze %dma_wait3A_103 : memref<1x8x512xf32, #tpu.memory_space<hbm>> -> memref<8x512xf32, #tpu.memory_space<hbm>>
    %dma_wait3A_105 = arith.constant 0 : i32
    %dma_wait3A_106 = arith.constant 0 : i32
    %dma_wait3A_107 = tpu.memref_slice %arg5[%dma_wait3A_89, %dma_wait3A_90, %dma_wait3A_105, %dma_wait3A_106] : memref<2x4x8x512xf32, #tpu.memory_space<vmem>> -> memref<1x1x8x512xf32, #tpu.memory_space<vmem>>
    %dma_wait3A_108 = tpu.memref_squeeze %dma_wait3A_107 : memref<1x1x8x512xf32, #tpu.memory_space<vmem>> -> memref<8x512xf32, #tpu.memory_space<vmem>>
    tpu.wait_dma2 semaphore(%dma_wait3A_101 : memref<!tpu.dma_semaphore, #tpu.memory_space<semaphore_mem>>) src(%dma_wait3A_108 : memref<8x512xf32, #tpu.memory_space<vmem>>) dst(%dma_wait3A_104 : memref<8x512xf32, #tpu.memory_space<hbm>>)
    %mul3A_109 = arith.constant 512 : i32
    %mul3A_110 = arith.muli %add3A, %mul3A_109 : i32
    %dma_wait3A_111 = arith.constant 0 : i32
    %dma_wait3A_112 = arith.constant 3 : i32
    %dma_wait3A_113 = arith.constant 198 : i32
    %dma_wait3A_114 = arith.constant 0 : i32
    %dma_wait3A_115 = arith.constant 0 : i32
    %dma_wait3A_116 = arith.constant 0 : i32
    %dma_wait3A_117 = tpu.memref_slice %arg5[%dma_wait3A_111, %dma_wait3A_112, %dma_wait3A_115, %dma_wait3A_116] : memref<2x4x8x512xf32, #tpu.memory_space<vmem>> -> memref<1x1x8x512xf32, #tpu.memory_space<vmem>>
    %dma_wait3A_118 = tpu.memref_squeeze %dma_wait3A_117 : memref<1x1x8x512xf32, #tpu.memory_space<vmem>> -> memref<8x512xf32, #tpu.memory_space<vmem>>
    %dma_wait3A_119 = arith.constant 24 : i32
    %dma_wait3A_120 = tpu.memref_slice %arg3[%dma_wait3A_113, %dma_wait3A_119, %mul3A_110] : memref<200x32x16384xf32, #tpu.memory_space<hbm>> -> memref<1x8x512xf32, #tpu.memory_space<hbm>>
    %dma_wait3A_121 = tpu.memref_squeeze %dma_wait3A_120 : memref<1x8x512xf32, #tpu.memory_space<hbm>> -> memref<8x512xf32, #tpu.memory_space<hbm>>
    %dma_wait3A_122 = tpu.memref_slice %arg7[%dma_wait3A_114] : memref<2x!tpu.dma_semaphore, #tpu.memory_space<semaphore_mem>> -> memref<1x!tpu.dma_semaphore, #tpu.memory_space<semaphore_mem>>
    %dma_wait3A_123 = tpu.memref_squeeze %dma_wait3A_122 : memref<1x!tpu.dma_semaphore, #tpu.memory_space<semaphore_mem>> -> memref<!tpu.dma_semaphore, #tpu.memory_space<semaphore_mem>>
    %dma_wait3A_124 = arith.constant 24 : i32
    %dma_wait3A_125 = tpu.memref_slice %arg3[%dma_wait3A_113, %dma_wait3A_124, %mul3A_110] : memref<200x32x16384xf32, #tpu.memory_space<hbm>> -> memref<1x8x512xf32, #tpu.memory_space<hbm>>
    %dma_wait3A_126 = tpu.memref_squeeze %dma_wait3A_125 : memref<1x8x512xf32, #tpu.memory_space<hbm>> -> memref<8x512xf32, #tpu.memory_space<hbm>>
    %dma_wait3A_127 = arith.constant 0 : i32
    %dma_wait3A_128 = arith.constant 0 : i32
    %dma_wait3A_129 = tpu.memref_slice %arg5[%dma_wait3A_111, %dma_wait3A_112, %dma_wait3A_127, %dma_wait3A_128] : memref<2x4x8x512xf32, #tpu.memory_space<vmem>> -> memref<1x1x8x512xf32, #tpu.memory_space<vmem>>
    %dma_wait3A_130 = tpu.memref_squeeze %dma_wait3A_129 : memref<1x1x8x512xf32, #tpu.memory_space<vmem>> -> memref<8x512xf32, #tpu.memory_space<vmem>>
    tpu.wait_dma2 semaphore(%dma_wait3A_123 : memref<!tpu.dma_semaphore, #tpu.memory_space<semaphore_mem>>) src(%dma_wait3A_130 : memref<8x512xf32, #tpu.memory_space<vmem>>) dst(%dma_wait3A_126 : memref<8x512xf32, #tpu.memory_space<hbm>>)
    %mul3A_131 = arith.constant 512 : i32
    %mul3A_132 = arith.muli %add3A, %mul3A_131 : i32
    %dma_wait3A_133 = arith.constant 1 : i32
    %dma_wait3A_134 = arith.constant 0 : i32
    %dma_wait3A_135 = arith.constant 199 : i32
    %dma_wait3A_136 = arith.constant 1 : i32
    %dma_wait3A_137 = arith.constant 0 : i32
    %dma_wait3A_138 = arith.constant 0 : i32
    %dma_wait3A_139 = tpu.memref_slice %arg5[%dma_wait3A_133, %dma_wait3A_134, %dma_wait3A_137, %dma_wait3A_138] : memref<2x4x8x512xf32, #tpu.memory_space<vmem>> -> memref<1x1x8x512xf32, #tpu.memory_space<vmem>>
    %dma_wait3A_140 = tpu.memref_squeeze %dma_wait3A_139 : memref<1x1x8x512xf32, #tpu.memory_space<vmem>> -> memref<8x512xf32, #tpu.memory_space<vmem>>
    %dma_wait3A_141 = arith.constant 0 : i32
    %dma_wait3A_142 = tpu.memref_slice %arg3[%dma_wait3A_135, %dma_wait3A_141, %mul3A_132] : memref<200x32x16384xf32, #tpu.memory_space<hbm>> -> memref<1x8x512xf32, #tpu.memory_space<hbm>>
    %dma_wait3A_143 = tpu.memref_squeeze %dma_wait3A_142 : memref<1x8x512xf32, #tpu.memory_space<hbm>> -> memref<8x512xf32, #tpu.memory_space<hbm>>
    %dma_wait3A_144 = tpu.memref_slice %arg7[%dma_wait3A_136] : memref<2x!tpu.dma_semaphore, #tpu.memory_space<semaphore_mem>> -> memref<1x!tpu.dma_semaphore, #tpu.memory_space<semaphore_mem>>
    %dma_wait3A_145 = tpu.memref_squeeze %dma_wait3A_144 : memref<1x!tpu.dma_semaphore, #tpu.memory_space<semaphore_mem>> -> memref<!tpu.dma_semaphore, #tpu.memory_space<semaphore_mem>>
    %dma_wait3A_146 = arith.constant 0 : i32
    %dma_wait3A_147 = tpu.memref_slice %arg3[%dma_wait3A_135, %dma_wait3A_146, %mul3A_132] : memref<200x32x16384xf32, #tpu.memory_space<hbm>> -> memref<1x8x512xf32, #tpu.memory_space<hbm>>
    %dma_wait3A_148 = tpu.memref_squeeze %dma_wait3A_147 : memref<1x8x512xf32, #tpu.memory_space<hbm>> -> memref<8x512xf32, #tpu.memory_space<hbm>>
    %dma_wait3A_149 = arith.constant 0 : i32
    %dma_wait3A_150 = arith.constant 0 : i32
    %dma_wait3A_151 = tpu.memref_slice %arg5[%dma_wait3A_133, %dma_wait3A_134, %dma_wait3A_149, %dma_wait3A_150] : memref<2x4x8x512xf32, #tpu.memory_space<vmem>> -> memref<1x1x8x512xf32, #tpu.memory_space<vmem>>
    %dma_wait3A_152 = tpu.memref_squeeze %dma_wait3A_151 : memref<1x1x8x512xf32, #tpu.memory_space<vmem>> -> memref<8x512xf32, #tpu.memory_space<vmem>>
    tpu.wait_dma2 semaphore(%dma_wait3A_145 : memref<!tpu.dma_semaphore, #tpu.memory_space<semaphore_mem>>) src(%dma_wait3A_152 : memref<8x512xf32, #tpu.memory_space<vmem>>) dst(%dma_wait3A_148 : memref<8x512xf32, #tpu.memory_space<hbm>>)
    %mul3A_153 = arith.constant 512 : i32
    %mul3A_154 = arith.muli %add3A, %mul3A_153 : i32
    %dma_wait3A_155 = arith.constant 1 : i32
    %dma_wait3A_156 = arith.constant 1 : i32
    %dma_wait3A_157 = arith.constant 199 : i32
    %dma_wait3A_158 = arith.constant 1 : i32
    %dma_wait3A_159 = arith.constant 0 : i32
    %dma_wait3A_160 = arith.constant 0 : i32
    %dma_wait3A_161 = tpu.memref_slice %arg5[%dma_wait3A_155, %dma_wait3A_156, %dma_wait3A_159, %dma_wait3A_160] : memref<2x4x8x512xf32, #tpu.memory_space<vmem>> -> memref<1x1x8x512xf32, #tpu.memory_space<vmem>>
    %dma_wait3A_162 = tpu.memref_squeeze %dma_wait3A_161 : memref<1x1x8x512xf32, #tpu.memory_space<vmem>> -> memref<8x512xf32, #tpu.memory_space<vmem>>
    %dma_wait3A_163 = arith.constant 8 : i32
    %dma_wait3A_164 = tpu.memref_slice %arg3[%dma_wait3A_157, %dma_wait3A_163, %mul3A_154] : memref<200x32x16384xf32, #tpu.memory_space<hbm>> -> memref<1x8x512xf32, #tpu.memory_space<hbm>>
    %dma_wait3A_165 = tpu.memref_squeeze %dma_wait3A_164 : memref<1x8x512xf32, #tpu.memory_space<hbm>> -> memref<8x512xf32, #tpu.memory_space<hbm>>
    %dma_wait3A_166 = tpu.memref_slice %arg7[%dma_wait3A_158] : memref<2x!tpu.dma_semaphore, #tpu.memory_space<semaphore_mem>> -> memref<1x!tpu.dma_semaphore, #tpu.memory_space<semaphore_mem>>
    %dma_wait3A_167 = tpu.memref_squeeze %dma_wait3A_166 : memref<1x!tpu.dma_semaphore, #tpu.memory_space<semaphore_mem>> -> memref<!tpu.dma_semaphore, #tpu.memory_space<semaphore_mem>>
    %dma_wait3A_168 = arith.constant 8 : i32
    %dma_wait3A_169 = tpu.memref_slice %arg3[%dma_wait3A_157, %dma_wait3A_168, %mul3A_154] : memref<200x32x16384xf32, #tpu.memory_space<hbm>> -> memref<1x8x512xf32, #tpu.memory_space<hbm>>
    %dma_wait3A_170 = tpu.memref_squeeze %dma_wait3A_169 : memref<1x8x512xf32, #tpu.memory_space<hbm>> -> memref<8x512xf32, #tpu.memory_space<hbm>>
    %dma_wait3A_171 = arith.constant 0 : i32
    %dma_wait3A_172 = arith.constant 0 : i32
    %dma_wait3A_173 = tpu.memref_slice %arg5[%dma_wait3A_155, %dma_wait3A_156, %dma_wait3A_171, %dma_wait3A_172] : memref<2x4x8x512xf32, #tpu.memory_space<vmem>> -> memref<1x1x8x512xf32, #tpu.memory_space<vmem>>
    %dma_wait3A_174 = tpu.memref_squeeze %dma_wait3A_173 : memref<1x1x8x512xf32, #tpu.memory_space<vmem>> -> memref<8x512xf32, #tpu.memory_space<vmem>>
    tpu.wait_dma2 semaphore(%dma_wait3A_167 : memref<!tpu.dma_semaphore, #tpu.memory_space<semaphore_mem>>) src(%dma_wait3A_174 : memref<8x512xf32, #tpu.memory_space<vmem>>) dst(%dma_wait3A_170 : memref<8x512xf32, #tpu.memory_space<hbm>>)
    %mul3A_175 = arith.constant 512 : i32
    %mul3A_176 = arith.muli %add3A, %mul3A_175 : i32
    %dma_wait3A_177 = arith.constant 1 : i32
    %dma_wait3A_178 = arith.constant 2 : i32
    %dma_wait3A_179 = arith.constant 199 : i32
    %dma_wait3A_180 = arith.constant 1 : i32
    %dma_wait3A_181 = arith.constant 0 : i32
    %dma_wait3A_182 = arith.constant 0 : i32
    %dma_wait3A_183 = tpu.memref_slice %arg5[%dma_wait3A_177, %dma_wait3A_178, %dma_wait3A_181, %dma_wait3A_182] : memref<2x4x8x512xf32, #tpu.memory_space<vmem>> -> memref<1x1x8x512xf32, #tpu.memory_space<vmem>>
    %dma_wait3A_184 = tpu.memref_squeeze %dma_wait3A_183 : memref<1x1x8x512xf32, #tpu.memory_space<vmem>> -> memref<8x512xf32, #tpu.memory_space<vmem>>
    %dma_wait3A_185 = arith.constant 16 : i32
    %dma_wait3A_186 = tpu.memref_slice %arg3[%dma_wait3A_179, %dma_wait3A_185, %mul3A_176] : memref<200x32x16384xf32, #tpu.memory_space<hbm>> -> memref<1x8x512xf32, #tpu.memory_space<hbm>>
    %dma_wait3A_187 = tpu.memref_squeeze %dma_wait3A_186 : memref<1x8x512xf32, #tpu.memory_space<hbm>> -> memref<8x512xf32, #tpu.memory_space<hbm>>
    %dma_wait3A_188 = tpu.memref_slice %arg7[%dma_wait3A_180] : memref<2x!tpu.dma_semaphore, #tpu.memory_space<semaphore_mem>> -> memref<1x!tpu.dma_semaphore, #tpu.memory_space<semaphore_mem>>
    %dma_wait3A_189 = tpu.memref_squeeze %dma_wait3A_188 : memref<1x!tpu.dma_semaphore, #tpu.memory_space<semaphore_mem>> -> memref<!tpu.dma_semaphore, #tpu.memory_space<semaphore_mem>>
    %dma_wait3A_190 = arith.constant 16 : i32
    %dma_wait3A_191 = tpu.memref_slice %arg3[%dma_wait3A_179, %dma_wait3A_190, %mul3A_176] : memref<200x32x16384xf32, #tpu.memory_space<hbm>> -> memref<1x8x512xf32, #tpu.memory_space<hbm>>
    %dma_wait3A_192 = tpu.memref_squeeze %dma_wait3A_191 : memref<1x8x512xf32, #tpu.memory_space<hbm>> -> memref<8x512xf32, #tpu.memory_space<hbm>>
    %dma_wait3A_193 = arith.constant 0 : i32
    %dma_wait3A_194 = arith.constant 0 : i32
    %dma_wait3A_195 = tpu.memref_slice %arg5[%dma_wait3A_177, %dma_wait3A_178, %dma_wait3A_193, %dma_wait3A_194] : memref<2x4x8x512xf32, #tpu.memory_space<vmem>> -> memref<1x1x8x512xf32, #tpu.memory_space<vmem>>
    %dma_wait3A_196 = tpu.memref_squeeze %dma_wait3A_195 : memref<1x1x8x512xf32, #tpu.memory_space<vmem>> -> memref<8x512xf32, #tpu.memory_space<vmem>>
    tpu.wait_dma2 semaphore(%dma_wait3A_189 : memref<!tpu.dma_semaphore, #tpu.memory_space<semaphore_mem>>) src(%dma_wait3A_196 : memref<8x512xf32, #tpu.memory_space<vmem>>) dst(%dma_wait3A_192 : memref<8x512xf32, #tpu.memory_space<hbm>>)
    %mul3A_197 = arith.constant 512 : i32
    %mul3A_198 = arith.muli %add3A, %mul3A_197 : i32
    %dma_wait3A_199 = arith.constant 1 : i32
    %dma_wait3A_200 = arith.constant 3 : i32
    %dma_wait3A_201 = arith.constant 199 : i32
    %dma_wait3A_202 = arith.constant 1 : i32
    %dma_wait3A_203 = arith.constant 0 : i32
    %dma_wait3A_204 = arith.constant 0 : i32
    %dma_wait3A_205 = tpu.memref_slice %arg5[%dma_wait3A_199, %dma_wait3A_200, %dma_wait3A_203, %dma_wait3A_204] : memref<2x4x8x512xf32, #tpu.memory_space<vmem>> -> memref<1x1x8x512xf32, #tpu.memory_space<vmem>>
    %dma_wait3A_206 = tpu.memref_squeeze %dma_wait3A_205 : memref<1x1x8x512xf32, #tpu.memory_space<vmem>> -> memref<8x512xf32, #tpu.memory_space<vmem>>
    %dma_wait3A_207 = arith.constant 24 : i32
    %dma_wait3A_208 = tpu.memref_slice %arg3[%dma_wait3A_201, %dma_wait3A_207, %mul3A_198] : memref<200x32x16384xf32, #tpu.memory_space<hbm>> -> memref<1x8x512xf32, #tpu.memory_space<hbm>>
    %dma_wait3A_209 = tpu.memref_squeeze %dma_wait3A_208 : memref<1x8x512xf32, #tpu.memory_space<hbm>> -> memref<8x512xf32, #tpu.memory_space<hbm>>
    %dma_wait3A_210 = tpu.memref_slice %arg7[%dma_wait3A_202] : memref<2x!tpu.dma_semaphore, #tpu.memory_space<semaphore_mem>> -> memref<1x!tpu.dma_semaphore, #tpu.memory_space<semaphore_mem>>
    %dma_wait3A_211 = tpu.memref_squeeze %dma_wait3A_210 : memref<1x!tpu.dma_semaphore, #tpu.memory_space<semaphore_mem>> -> memref<!tpu.dma_semaphore, #tpu.memory_space<semaphore_mem>>
    %dma_wait3A_212 = arith.constant 24 : i32
    %dma_wait3A_213 = tpu.memref_slice %arg3[%dma_wait3A_201, %dma_wait3A_212, %mul3A_198] : memref<200x32x16384xf32, #tpu.memory_space<hbm>> -> memref<1x8x512xf32, #tpu.memory_space<hbm>>
    %dma_wait3A_214 = tpu.memref_squeeze %dma_wait3A_213 : memref<1x8x512xf32, #tpu.memory_space<hbm>> -> memref<8x512xf32, #tpu.memory_space<hbm>>
    %dma_wait3A_215 = arith.constant 0 : i32
    %dma_wait3A_216 = arith.constant 0 : i32
    %dma_wait3A_217 = tpu.memref_slice %arg5[%dma_wait3A_199, %dma_wait3A_200, %dma_wait3A_215, %dma_wait3A_216] : memref<2x4x8x512xf32, #tpu.memory_space<vmem>> -> memref<1x1x8x512xf32, #tpu.memory_space<vmem>>
    %dma_wait3A_218 = tpu.memref_squeeze %dma_wait3A_217 : memref<1x1x8x512xf32, #tpu.memory_space<vmem>> -> memref<8x512xf32, #tpu.memory_space<vmem>>
    tpu.wait_dma2 semaphore(%dma_wait3A_211 : memref<!tpu.dma_semaphore, #tpu.memory_space<semaphore_mem>>) src(%dma_wait3A_218 : memref<8x512xf32, #tpu.memory_space<vmem>>) dst(%dma_wait3A_214 : memref<8x512xf32, #tpu.memory_space<hbm>>)
    return
  }
}

#map = affine_map<(d0, d1) -> (0, 0)>
module attributes {stable_mosaic.version = 14 : i64} {
  func.func @_table_kernel(%arg0: i32, %arg1: i32, %arg2: memref<32x1000000xf32, #tpu.memory_space<hbm>>, %arg3: memref<250016x128xf32, #tpu.memory_space<hbm>>, %arg4: memref<2x32x128xf32, #tpu.memory_space<vmem>>, %arg5: memref<2x32x128xf32, #tpu.memory_space<vmem>>, %arg6: memref<2x!tpu.dma_semaphore, #tpu.memory_space<semaphore_mem>>, %arg7: memref<2x!tpu.dma_semaphore, #tpu.memory_space<semaphore_mem>>) attributes {dimension_semantics = [#tpu.dimension_semantics<core_parallel>, #tpu.dimension_semantics<subcore_parallel>], iteration_bounds = array<i64: 2, 16>, scalar_prefetch = 0 : i64, scratch_operands = 4 : i64, tpu.core_type = #tpu.core_type<sc_vector_subcore>, window_params = [{transform_indices = #map}, {transform_indices = #map}]} {
    %mul3A = arith.constant 2 : i32
    %mul3A_0 = arith.muli %arg1, %mul3A : i32
    %add3A = arith.addi %mul3A_0, %arg0 : i32
    %iota3A = tpu.iota {dimensions = array<i32: 0>} : vector<16xi32>
    %mul3A_1 = arith.constant 245 : i32
    %mul3A_2 = arith.muli %add3A, %mul3A_1 : i32
    %add3A_3 = arith.constant 245 : i32
    %add3A_4 = arith.addi %mul3A_2, %add3A_3 : i32
    %min3A = arith.constant 7813 : i32
    %min3A_5 = arith.minsi %add3A_4, %min3A : i32
    %sub3A = arith.subi %min3A_5, %mul3A_2 : i32
    %jit3A = arith.constant 2 : i32
    %div3A = arith.divsi %sub3A, %jit3A : i32
    %sign3A = arith.constant 0 : i32
    %sign3A_6 = arith.cmpi sgt, %sub3A, %sign3A : i32
    %sign3A_7 = arith.extui %sign3A_6 : i1 to i32
    %sign3A_8 = arith.constant 0 : i32
    %sign3A_9 = arith.cmpi slt, %sub3A, %sign3A_8 : i32
    %sign3A_10 = arith.extui %sign3A_9 : i1 to i32
    %sign3A_11 = arith.subi %sign3A_7, %sign3A_10 : i32
    %sign3A_12 = arith.constant 0 : i32
    %sign3A_13 = arith.cmpi sgt, %jit3A, %sign3A_12 : i32
    %sign3A_14 = arith.extui %sign3A_13 : i1 to i32
    %sign3A_15 = arith.constant 0 : i32
    %sign3A_16 = arith.cmpi slt, %jit3A, %sign3A_15 : i32
    %sign3A_17 = arith.extui %sign3A_16 : i1 to i32
    %sign3A_18 = arith.subi %sign3A_14, %sign3A_17 : i32
    %ne3A = arith.cmpi ne, %sign3A_11, %sign3A_18 : i32
    %rem3A = arith.remsi %sub3A, %jit3A : i32
    %ne3A_19 = arith.constant 0 : i32
    %ne3A_20 = arith.cmpi ne, %rem3A, %ne3A_19 : i32
    %and3A = arith.andi %ne3A, %ne3A_20 : i1
    %sub3A_21 = arith.constant 1 : i32
    %sub3A_22 = arith.subi %div3A, %sub3A_21 : i32
    %select_n3A = arith.select %and3A, %sub3A_22, %div3A : i32
    %mul3A_23 = arith.constant 2 : i32
    %mul3A_24 = arith.muli %select_n3A, %mul3A_23 : i32
    %mul3A_25 = arith.constant 128 : i32
    %mul3A_26 = arith.muli %mul3A_25, %mul3A_2 : i32
    %min3A_27 = arith.constant 999936 : i32
    %min3A_28 = arith.minsi %mul3A_26, %min3A_27 : i32
    %multiple_of3A = tpu.assume_multiple %min3A_28, 128 : i32
    %dma_start3A = arith.constant 0 : i32
    %dma_start3A_29 = arith.constant 0 : i32
    %dma_start3A_30 = arith.constant 0 : i32
    %dma_start3A_31 = arith.constant 0 : i32
    %dma_start3A_32 = tpu.memref_slice %arg4[%dma_start3A, %dma_start3A_30, %dma_start3A_31] : memref<2x32x128xf32, #tpu.memory_space<vmem>> -> memref<1x32x128xf32, #tpu.memory_space<vmem>>
    %dma_start3A_33 = tpu.memref_squeeze %dma_start3A_32 : memref<1x32x128xf32, #tpu.memory_space<vmem>> -> memref<32x128xf32, #tpu.memory_space<vmem>>
    %dma_start3A_34 = arith.constant 0 : i32
    %dma_start3A_35 = tpu.memref_slice %arg2[%dma_start3A_34, %multiple_of3A] : memref<32x1000000xf32, #tpu.memory_space<hbm>> -> memref<32x128xf32, #tpu.memory_space<hbm>>
    %dma_start3A_36 = tpu.memref_slice %arg6[%dma_start3A_29] : memref<2x!tpu.dma_semaphore, #tpu.memory_space<semaphore_mem>> -> memref<1x!tpu.dma_semaphore, #tpu.memory_space<semaphore_mem>>
    %dma_start3A_37 = tpu.memref_squeeze %dma_start3A_36 : memref<1x!tpu.dma_semaphore, #tpu.memory_space<semaphore_mem>> -> memref<!tpu.dma_semaphore, #tpu.memory_space<semaphore_mem>>
    %dma_start3A_38 = arith.constant 0 : i32
    %dma_start3A_39 = arith.constant 0 : i32
    %dma_start3A_40 = tpu.memref_slice %arg4[%dma_start3A, %dma_start3A_38, %dma_start3A_39] : memref<2x32x128xf32, #tpu.memory_space<vmem>> -> memref<1x32x128xf32, #tpu.memory_space<vmem>>
    %dma_start3A_41 = tpu.memref_squeeze %dma_start3A_40 : memref<1x32x128xf32, #tpu.memory_space<vmem>> -> memref<32x128xf32, #tpu.memory_space<vmem>>
    %dma_start3A_42 = arith.constant 0 : i32
    %dma_start3A_43 = tpu.memref_slice %arg2[%dma_start3A_42, %multiple_of3A] : memref<32x1000000xf32, #tpu.memory_space<hbm>> -> memref<32x128xf32, #tpu.memory_space<hbm>>
    tpu.enqueue_dma source(%dma_start3A_43 : memref<32x128xf32, #tpu.memory_space<hbm>>) target(%dma_start3A_41 : memref<32x128xf32, #tpu.memory_space<vmem>>) target_semaphore(%dma_start3A_37 : memref<!tpu.dma_semaphore, #tpu.memory_space<semaphore_mem>>)
    %add3A_44 = arith.constant 1 : i32
    %add3A_45 = arith.addi %mul3A_2, %add3A_44 : i32
    %mul3A_46 = arith.constant 128 : i32
    %mul3A_47 = arith.muli %mul3A_46, %add3A_45 : i32
    %min3A_48 = arith.constant 999936 : i32
    %min3A_49 = arith.minsi %mul3A_47, %min3A_48 : i32
    %multiple_of3A_50 = tpu.assume_multiple %min3A_49, 128 : i32
    %dma_start3A_51 = arith.constant 1 : i32
    %dma_start3A_52 = arith.constant 1 : i32
    %dma_start3A_53 = arith.constant 0 : i32
    %dma_start3A_54 = arith.constant 0 : i32
    %dma_start3A_55 = tpu.memref_slice %arg4[%dma_start3A_51, %dma_start3A_53, %dma_start3A_54] : memref<2x32x128xf32, #tpu.memory_space<vmem>> -> memref<1x32x128xf32, #tpu.memory_space<vmem>>
    %dma_start3A_56 = tpu.memref_squeeze %dma_start3A_55 : memref<1x32x128xf32, #tpu.memory_space<vmem>> -> memref<32x128xf32, #tpu.memory_space<vmem>>
    %dma_start3A_57 = arith.constant 0 : i32
    %dma_start3A_58 = tpu.memref_slice %arg2[%dma_start3A_57, %multiple_of3A_50] : memref<32x1000000xf32, #tpu.memory_space<hbm>> -> memref<32x128xf32, #tpu.memory_space<hbm>>
    %dma_start3A_59 = tpu.memref_slice %arg6[%dma_start3A_52] : memref<2x!tpu.dma_semaphore, #tpu.memory_space<semaphore_mem>> -> memref<1x!tpu.dma_semaphore, #tpu.memory_space<semaphore_mem>>
    %dma_start3A_60 = tpu.memref_squeeze %dma_start3A_59 : memref<1x!tpu.dma_semaphore, #tpu.memory_space<semaphore_mem>> -> memref<!tpu.dma_semaphore, #tpu.memory_space<semaphore_mem>>
    %dma_start3A_61 = arith.constant 0 : i32
    %dma_start3A_62 = arith.constant 0 : i32
    %dma_start3A_63 = tpu.memref_slice %arg4[%dma_start3A_51, %dma_start3A_61, %dma_start3A_62] : memref<2x32x128xf32, #tpu.memory_space<vmem>> -> memref<1x32x128xf32, #tpu.memory_space<vmem>>
    %dma_start3A_64 = tpu.memref_squeeze %dma_start3A_63 : memref<1x32x128xf32, #tpu.memory_space<vmem>> -> memref<32x128xf32, #tpu.memory_space<vmem>>
    %dma_start3A_65 = arith.constant 0 : i32
    %dma_start3A_66 = tpu.memref_slice %arg2[%dma_start3A_65, %multiple_of3A_50] : memref<32x1000000xf32, #tpu.memory_space<hbm>> -> memref<32x128xf32, #tpu.memory_space<hbm>>
    tpu.enqueue_dma source(%dma_start3A_66 : memref<32x128xf32, #tpu.memory_space<hbm>>) target(%dma_start3A_64 : memref<32x128xf32, #tpu.memory_space<vmem>>) target_semaphore(%dma_start3A_60 : memref<!tpu.dma_semaphore, #tpu.memory_space<semaphore_mem>>)
    %sub3A_67 = arith.constant 0 : i32
    %sub3A_68 = arith.subi %mul3A_24, %sub3A_67 : i32
    %sub3A_69 = arith.constant 2 : i32
    %sub3A_70 = arith.constant 1 : i32
    %sub3A_71 = arith.subi %sub3A_69, %sub3A_70 : i32
    %add3A_72 = arith.addi %sub3A_68, %sub3A_71 : i32
    %div3A_73 = arith.constant 2 : i32
    %div3A_74 = arith.divsi %add3A_72, %div3A_73 : i32
    %while3A = arith.constant 2 : i32
    %while3A_75 = arith.constant 0 : i32
    %while3A_76 = arith.constant 0 : i32
    %while3A_77 = arith.subi %div3A_74, %while3A_76 : i32
    %while3A_78 = arith.addi %while3A_76, %while3A_77 : i32
    %while3A_79 = arith.constant 1 : i32
    %while3A_80 = arith.divsi %while3A_77, %while3A_79 : i32
    %while3A_81 = arith.muli %while3A_80, %while3A_79 : i32
    %while3A_82 = arith.addi %while3A_76, %while3A_81 : i32
    %while3A_83 = arith.constant 1 : i32
    scf.for %while3A_175 = %while3A_76 to %while3A_82 step %while3A_83  : i32 {
      %mul3A_176 = arith.muli %while3A_175, %while3A : i32
      %add3A_177 = arith.addi %while3A_75, %mul3A_176 : i32
      %add3A_178 = arith.constant 0 : i32
      %add3A_179 = arith.addi %add3A_177, %add3A_178 : i32
      %lt3A_180 = arith.cmpi slt, %add3A_179, %sub3A : i32
      %convert_element_type3A_181 = arith.extui %lt3A_180 : i1 to i32
      %cond3A_182 = arith.constant 0 : i32
      %cond3A_183 = arith.cmpi ne, %convert_element_type3A_181, %cond3A_182 : i32
      scf.if %cond3A_183 {
        %add3A_190 = arith.addi %mul3A_2, %add3A_179 : i32
        %mul3A_191 = arith.constant 128 : i32
        %mul3A_192 = arith.muli %mul3A_191, %add3A_190 : i32
        %min3A_193 = arith.constant 999936 : i32
        %min3A_194 = arith.minsi %mul3A_192, %min3A_193 : i32
        %multiple_of3A_195 = tpu.assume_multiple %min3A_194, 128 : i32
        %dma_wait3A_196 = arith.constant 0 : i32
        %dma_wait3A_197 = arith.constant 0 : i32
        %dma_wait3A_198 = arith.constant 0 : i32
        %dma_wait3A_199 = arith.constant 0 : i32
        %dma_wait3A_200 = tpu.memref_slice %arg4[%dma_wait3A_196, %dma_wait3A_198, %dma_wait3A_199] : memref<2x32x128xf32, #tpu.memory_space<vmem>> -> memref<1x32x128xf32, #tpu.memory_space<vmem>>
        %dma_wait3A_201 = tpu.memref_squeeze %dma_wait3A_200 : memref<1x32x128xf32, #tpu.memory_space<vmem>> -> memref<32x128xf32, #tpu.memory_space<vmem>>
        %dma_wait3A_202 = arith.constant 0 : i32
        %dma_wait3A_203 = tpu.memref_slice %arg2[%dma_wait3A_202, %multiple_of3A_195] : memref<32x1000000xf32, #tpu.memory_space<hbm>> -> memref<32x128xf32, #tpu.memory_space<hbm>>
        %dma_wait3A_204 = tpu.memref_slice %arg6[%dma_wait3A_197] : memref<2x!tpu.dma_semaphore, #tpu.memory_space<semaphore_mem>> -> memref<1x!tpu.dma_semaphore, #tpu.memory_space<semaphore_mem>>
        %dma_wait3A_205 = tpu.memref_squeeze %dma_wait3A_204 : memref<1x!tpu.dma_semaphore, #tpu.memory_space<semaphore_mem>> -> memref<!tpu.dma_semaphore, #tpu.memory_space<semaphore_mem>>
        %dma_wait3A_206 = arith.constant 0 : i32
        %dma_wait3A_207 = arith.constant 0 : i32
        %dma_wait3A_208 = tpu.memref_slice %arg4[%dma_wait3A_196, %dma_wait3A_206, %dma_wait3A_207] : memref<2x32x128xf32, #tpu.memory_space<vmem>> -> memref<1x32x128xf32, #tpu.memory_space<vmem>>
        %dma_wait3A_209 = tpu.memref_squeeze %dma_wait3A_208 : memref<1x32x128xf32, #tpu.memory_space<vmem>> -> memref<32x128xf32, #tpu.memory_space<vmem>>
        %dma_wait3A_210 = arith.constant 0 : i32
        %dma_wait3A_211 = tpu.memref_slice %arg2[%dma_wait3A_210, %multiple_of3A_195] : memref<32x1000000xf32, #tpu.memory_space<hbm>> -> memref<32x128xf32, #tpu.memory_space<hbm>>
        tpu.wait_dma2 semaphore(%dma_wait3A_205 : memref<!tpu.dma_semaphore, #tpu.memory_space<semaphore_mem>>) src(%dma_wait3A_211 : memref<32x128xf32, #tpu.memory_space<hbm>>) dst(%dma_wait3A_209 : memref<32x128xf32, #tpu.memory_space<vmem>>)
        %ge3A = arith.constant 2 : i32
        %ge3A_212 = arith.cmpi sge, %add3A_179, %ge3A : i32
        %convert_element_type3A_213 = arith.extui %ge3A_212 : i1 to i32
        %cond3A_214 = arith.constant 0 : i32
        %cond3A_215 = arith.cmpi ne, %convert_element_type3A_213, %cond3A_214 : i32
        scf.if %cond3A_215 {
          %sub3A_276 = arith.constant 2 : i32
          %sub3A_277 = arith.subi %add3A_190, %sub3A_276 : i32
          %mul3A_278 = arith.constant 128 : i32
          %mul3A_279 = arith.muli %mul3A_278, %sub3A_277 : i32
          %min3A_280 = arith.constant 999936 : i32
          %min3A_281 = arith.minsi %mul3A_279, %min3A_280 : i32
          %jit3A_282 = arith.constant 4 : i32
          %div3A_283 = arith.divsi %min3A_281, %jit3A_282 : i32
          %sign3A_284 = arith.constant 0 : i32
          %sign3A_285 = arith.cmpi sgt, %min3A_281, %sign3A_284 : i32
          %sign3A_286 = arith.extui %sign3A_285 : i1 to i32
          %sign3A_287 = arith.constant 0 : i32
          %sign3A_288 = arith.cmpi slt, %min3A_281, %sign3A_287 : i32
          %sign3A_289 = arith.extui %sign3A_288 : i1 to i32
          %sign3A_290 = arith.subi %sign3A_286, %sign3A_289 : i32
          %sign3A_291 = arith.constant 0 : i32
          %sign3A_292 = arith.cmpi sgt, %jit3A_282, %sign3A_291 : i32
          %sign3A_293 = arith.extui %sign3A_292 : i1 to i32
          %sign3A_294 = arith.constant 0 : i32
          %sign3A_295 = arith.cmpi slt, %jit3A_282, %sign3A_294 : i32
          %sign3A_296 = arith.extui %sign3A_295 : i1 to i32
          %sign3A_297 = arith.subi %sign3A_293, %sign3A_296 : i32
          %ne3A_298 = arith.cmpi ne, %sign3A_290, %sign3A_297 : i32
          %rem3A_299 = arith.remsi %min3A_281, %jit3A_282 : i32
          %ne3A_300 = arith.constant 0 : i32
          %ne3A_301 = arith.cmpi ne, %rem3A_299, %ne3A_300 : i32
          %and3A_302 = arith.andi %ne3A_298, %ne3A_301 : i1
          %sub3A_303 = arith.constant 1 : i32
          %sub3A_304 = arith.subi %div3A_283, %sub3A_303 : i32
          %select_n3A_305 = arith.select %and3A_302, %sub3A_304, %div3A_283 : i32
          %multiple_of3A_306 = tpu.assume_multiple %select_n3A_305, 32 : i32
          %dma_wait3A_307 = arith.constant 0 : i32
          %dma_wait3A_308 = arith.constant 0 : i32
          %dma_wait3A_309 = arith.constant 0 : i32
          %dma_wait3A_310 = arith.constant 0 : i32
          %dma_wait3A_311 = tpu.memref_slice %arg5[%dma_wait3A_307, %dma_wait3A_309, %dma_wait3A_310] : memref<2x32x128xf32, #tpu.memory_space<vmem>> -> memref<1x32x128xf32, #tpu.memory_space<vmem>>
          %dma_wait3A_312 = tpu.memref_squeeze %dma_wait3A_311 : memref<1x32x128xf32, #tpu.memory_space<vmem>> -> memref<32x128xf32, #tpu.memory_space<vmem>>
          %dma_wait3A_313 = arith.constant 0 : i32
          %dma_wait3A_314 = tpu.memref_slice %arg3[%multiple_of3A_306, %dma_wait3A_313] : memref<250016x128xf32, #tpu.memory_space<hbm>> -> memref<32x128xf32, #tpu.memory_space<hbm>>
          %dma_wait3A_315 = tpu.memref_slice %arg7[%dma_wait3A_308] : memref<2x!tpu.dma_semaphore, #tpu.memory_space<semaphore_mem>> -> memref<1x!tpu.dma_semaphore, #tpu.memory_space<semaphore_mem>>
          %dma_wait3A_316 = tpu.memref_squeeze %dma_wait3A_315 : memref<1x!tpu.dma_semaphore, #tpu.memory_space<semaphore_mem>> -> memref<!tpu.dma_semaphore, #tpu.memory_space<semaphore_mem>>
          %dma_wait3A_317 = arith.constant 0 : i32
          %dma_wait3A_318 = tpu.memref_slice %arg3[%multiple_of3A_306, %dma_wait3A_317] : memref<250016x128xf32, #tpu.memory_space<hbm>> -> memref<32x128xf32, #tpu.memory_space<hbm>>
          %dma_wait3A_319 = arith.constant 0 : i32
          %dma_wait3A_320 = arith.constant 0 : i32
          %dma_wait3A_321 = tpu.memref_slice %arg5[%dma_wait3A_307, %dma_wait3A_319, %dma_wait3A_320] : memref<2x32x128xf32, #tpu.memory_space<vmem>> -> memref<1x32x128xf32, #tpu.memory_space<vmem>>
          %dma_wait3A_322 = tpu.memref_squeeze %dma_wait3A_321 : memref<1x32x128xf32, #tpu.memory_space<vmem>> -> memref<32x128xf32, #tpu.memory_space<vmem>>
          tpu.wait_dma2 semaphore(%dma_wait3A_316 : memref<!tpu.dma_semaphore, #tpu.memory_space<semaphore_mem>>) src(%dma_wait3A_322 : memref<32x128xf32, #tpu.memory_space<vmem>>) dst(%dma_wait3A_318 : memref<32x128xf32, #tpu.memory_space<hbm>>)
        } else {
        }
        %scan3A = arith.constant 0 : i32
        %scan3A_216 = arith.constant 16 : i32
        %scan3A_217 = arith.addi %scan3A, %scan3A_216 : i32
        %scan3A_218 = arith.constant 1 : i32
        scf.for %scan3A_276 = %scan3A to %scan3A_217 step %scan3A_218  : i32 {
          %mul3A_277 = arith.constant 1 : i32
          %mul3A_278 = arith.muli %scan3A_276, %mul3A_277 : i32
          %add3A_279 = arith.constant 0 : i32
          %add3A_280 = arith.addi %add3A_279, %mul3A_278 : i32
          %add3A_281 = vector.broadcast %add3A_280 : i32 to vector<16xi32>
          %add3A_282 = arith.addi %iota3A, %add3A_281 : vector<16xi32>
          %and3A_283 = arith.constant 15 : i32
          %and3A_284 = vector.broadcast %and3A_283 : i32 to vector<16xi32>
          %and3A_285 = arith.andi %add3A_282, %and3A_284 : vector<16xi32>
          %add3A_286 = arith.constant 0 : i32
          %add3A_287 = vector.broadcast %add3A_286 : i32 to vector<16xi32>
          %add3A_288 = arith.addi %add3A_287, %and3A_285 : vector<16xi32>
          %parallel_loop3A = arith.constant 0 : i32
          %parallel_loop3A_289 = arith.constant 128 : i32
          %parallel_loop3A_290 = arith.constant 16 : i32
          scf.for %parallel_loop3A_291 = %parallel_loop3A to %parallel_loop3A_289 step %parallel_loop3A_290  : i32 {
            %parallel_loop3A_292 = vector.broadcast %parallel_loop3A_291 : i32 to vector<16xi32>
            %parallel_loop3A_293 = arith.addi %parallel_loop3A_292, %iota3A : vector<16xi32>
            %parallel_loop3A_294 = arith.constant 0 : i32
            %parallel_loop3A_295 = arith.constant 0 : i32
            %parallel_loop3A_296 = arith.constant 0 : i32
            %parallel_loop3A_297 = tpu.memref_slice %arg4[%parallel_loop3A_294, %parallel_loop3A_295, %parallel_loop3A_296] : memref<2x32x128xf32, #tpu.memory_space<vmem>> -> memref<1x32x128xf32, #tpu.memory_space<vmem>>
            %parallel_loop3A_298 = tpu.memref_squeeze %parallel_loop3A_297 : memref<1x32x128xf32, #tpu.memory_space<vmem>> -> memref<32x128xf32, #tpu.memory_space<vmem>>
            %parallel_loop3A_299 = tpu.vector_load_idx %parallel_loop3A_298[%add3A_288, %parallel_loop3A_293] : memref<32x128xf32, #tpu.memory_space<vmem>>[vector<16xi32>, vector<16xi32>], vector<16xf32>,
            %parallel_loop3A_300 = arith.constant 32 : i32
            %parallel_loop3A_301 = vector.broadcast %parallel_loop3A_300 : i32 to vector<16xi32>
            %parallel_loop3A_302 = arith.muli %parallel_loop3A_293, %parallel_loop3A_301 : vector<16xi32>
            %parallel_loop3A_303 = arith.addi %parallel_loop3A_302, %add3A_288 : vector<16xi32>
            %parallel_loop3A_304 = arith.constant 7 : i32
            %parallel_loop3A_305 = vector.broadcast %parallel_loop3A_304 : i32 to vector<16xi32>
            %parallel_loop3A_306 = arith.shrsi %parallel_loop3A_303, %parallel_loop3A_305 : vector<16xi32>
            %parallel_loop3A_307 = arith.constant 127 : i32
            %parallel_loop3A_308 = vector.broadcast %parallel_loop3A_307 : i32 to vector<16xi32>
            %parallel_loop3A_309 = arith.andi %parallel_loop3A_303, %parallel_loop3A_308 : vector<16xi32>
            %parallel_loop3A_310 = arith.constant 0 : i32
            %parallel_loop3A_311 = arith.constant 0 : i32
            %parallel_loop3A_312 = arith.constant 0 : i32
            %parallel_loop3A_313 = tpu.memref_slice %arg5[%parallel_loop3A_310, %parallel_loop3A_311, %parallel_loop3A_312] : memref<2x32x128xf32, #tpu.memory_space<vmem>> -> memref<1x32x128xf32, #tpu.memory_space<vmem>>
            %parallel_loop3A_314 = tpu.memref_squeeze %parallel_loop3A_313 : memref<1x32x128xf32, #tpu.memory_space<vmem>> -> memref<32x128xf32, #tpu.memory_space<vmem>>
            tpu.vector_store_idx %parallel_loop3A_314[%parallel_loop3A_306, %parallel_loop3A_309], %parallel_loop3A_299 : memref<32x128xf32, #tpu.memory_space<vmem>>[vector<16xi32>, vector<16xi32>], vector<16xf32>,
          } {sc.loop_unroll_factor = 8 : i64, sc.parallel_access}
        }
        %scan3A_219 = arith.constant 16 : i32
        %scan3A_220 = arith.constant 0 : i32
        %scan3A_221 = arith.constant 16 : i32
        %scan3A_222 = arith.addi %scan3A_220, %scan3A_221 : i32
        %scan3A_223 = arith.constant 1 : i32
        scf.for %scan3A_276 = %scan3A_220 to %scan3A_222 step %scan3A_223  : i32 {
          %mul3A_277 = arith.constant 1 : i32
          %mul3A_278 = arith.muli %scan3A_276, %mul3A_277 : i32
          %add3A_279 = arith.constant 0 : i32
          %add3A_280 = arith.addi %add3A_279, %mul3A_278 : i32
          %add3A_281 = vector.broadcast %add3A_280 : i32 to vector<16xi32>
          %add3A_282 = arith.addi %iota3A, %add3A_281 : vector<16xi32>
          %and3A_283 = arith.constant 15 : i32
          %and3A_284 = vector.broadcast %and3A_283 : i32 to vector<16xi32>
          %and3A_285 = arith.andi %add3A_282, %and3A_284 : vector<16xi32>
          %add3A_286 = arith.constant 16 : i32
          %add3A_287 = vector.broadcast %add3A_286 : i32 to vector<16xi32>
          %add3A_288 = arith.addi %add3A_287, %and3A_285 : vector<16xi32>
          %parallel_loop3A = arith.constant 0 : i32
          %parallel_loop3A_289 = arith.constant 128 : i32
          %parallel_loop3A_290 = arith.constant 16 : i32
          scf.for %parallel_loop3A_291 = %parallel_loop3A to %parallel_loop3A_289 step %parallel_loop3A_290  : i32 {
            %parallel_loop3A_292 = vector.broadcast %parallel_loop3A_291 : i32 to vector<16xi32>
            %parallel_loop3A_293 = arith.addi %parallel_loop3A_292, %iota3A : vector<16xi32>
            %parallel_loop3A_294 = arith.constant 0 : i32
            %parallel_loop3A_295 = arith.constant 0 : i32
            %parallel_loop3A_296 = arith.constant 0 : i32
            %parallel_loop3A_297 = tpu.memref_slice %arg4[%parallel_loop3A_294, %parallel_loop3A_295, %parallel_loop3A_296] : memref<2x32x128xf32, #tpu.memory_space<vmem>> -> memref<1x32x128xf32, #tpu.memory_space<vmem>>
            %parallel_loop3A_298 = tpu.memref_squeeze %parallel_loop3A_297 : memref<1x32x128xf32, #tpu.memory_space<vmem>> -> memref<32x128xf32, #tpu.memory_space<vmem>>
            %parallel_loop3A_299 = tpu.vector_load_idx %parallel_loop3A_298[%add3A_288, %parallel_loop3A_293] : memref<32x128xf32, #tpu.memory_space<vmem>>[vector<16xi32>, vector<16xi32>], vector<16xf32>,
            %parallel_loop3A_300 = arith.constant 32 : i32
            %parallel_loop3A_301 = vector.broadcast %parallel_loop3A_300 : i32 to vector<16xi32>
            %parallel_loop3A_302 = arith.muli %parallel_loop3A_293, %parallel_loop3A_301 : vector<16xi32>
            %parallel_loop3A_303 = arith.addi %parallel_loop3A_302, %add3A_288 : vector<16xi32>
            %parallel_loop3A_304 = arith.constant 7 : i32
            %parallel_loop3A_305 = vector.broadcast %parallel_loop3A_304 : i32 to vector<16xi32>
            %parallel_loop3A_306 = arith.shrsi %parallel_loop3A_303, %parallel_loop3A_305 : vector<16xi32>
            %parallel_loop3A_307 = arith.constant 127 : i32
            %parallel_loop3A_308 = vector.broadcast %parallel_loop3A_307 : i32 to vector<16xi32>
            %parallel_loop3A_309 = arith.andi %parallel_loop3A_303, %parallel_loop3A_308 : vector<16xi32>
            %parallel_loop3A_310 = arith.constant 0 : i32
            %parallel_loop3A_311 = arith.constant 0 : i32
            %parallel_loop3A_312 = arith.constant 0 : i32
            %parallel_loop3A_313 = tpu.memref_slice %arg5[%parallel_loop3A_310, %parallel_loop3A_311, %parallel_loop3A_312] : memref<2x32x128xf32, #tpu.memory_space<vmem>> -> memref<1x32x128xf32, #tpu.memory_space<vmem>>
            %parallel_loop3A_314 = tpu.memref_squeeze %parallel_loop3A_313 : memref<1x32x128xf32, #tpu.memory_space<vmem>> -> memref<32x128xf32, #tpu.memory_space<vmem>>
            tpu.vector_store_idx %parallel_loop3A_314[%parallel_loop3A_306, %parallel_loop3A_309], %parallel_loop3A_299 : memref<32x128xf32, #tpu.memory_space<vmem>>[vector<16xi32>, vector<16xi32>], vector<16xf32>,
          } {sc.loop_unroll_factor = 8 : i64, sc.parallel_access}
        }
        %scan3A_224 = arith.constant 16 : i32
        %add3A_225 = arith.constant 2 : i32
        %add3A_226 = arith.addi %add3A_179, %add3A_225 : i32
        %lt3A_227 = arith.cmpi slt, %add3A_226, %sub3A : i32
        %convert_element_type3A_228 = arith.extui %lt3A_227 : i1 to i32
        %cond3A_229 = arith.constant 0 : i32
        %cond3A_230 = arith.cmpi ne, %convert_element_type3A_228, %cond3A_229 : i32
        scf.if %cond3A_230 {
          %add3A_276 = arith.addi %mul3A_2, %add3A_226 : i32
          %mul3A_277 = arith.constant 128 : i32
          %mul3A_278 = arith.muli %mul3A_277, %add3A_276 : i32
          %min3A_279 = arith.constant 999936 : i32
          %min3A_280 = arith.minsi %mul3A_278, %min3A_279 : i32
          %multiple_of3A_281 = tpu.assume_multiple %min3A_280, 128 : i32
          %dma_start3A_282 = arith.constant 0 : i32
          %dma_start3A_283 = arith.constant 0 : i32
          %dma_start3A_284 = arith.constant 0 : i32
          %dma_start3A_285 = arith.constant 0 : i32
          %dma_start3A_286 = tpu.memref_slice %arg4[%dma_start3A_282, %dma_start3A_284, %dma_start3A_285] : memref<2x32x128xf32, #tpu.memory_space<vmem>> -> memref<1x32x128xf32, #tpu.memory_space<vmem>>
          %dma_start3A_287 = tpu.memref_squeeze %dma_start3A_286 : memref<1x32x128xf32, #tpu.memory_space<vmem>> -> memref<32x128xf32, #tpu.memory_space<vmem>>
          %dma_start3A_288 = arith.constant 0 : i32
          %dma_start3A_289 = tpu.memref_slice %arg2[%dma_start3A_288, %multiple_of3A_281] : memref<32x1000000xf32, #tpu.memory_space<hbm>> -> memref<32x128xf32, #tpu.memory_space<hbm>>
          %dma_start3A_290 = tpu.memref_slice %arg6[%dma_start3A_283] : memref<2x!tpu.dma_semaphore, #tpu.memory_space<semaphore_mem>> -> memref<1x!tpu.dma_semaphore, #tpu.memory_space<semaphore_mem>>
          %dma_start3A_291 = tpu.memref_squeeze %dma_start3A_290 : memref<1x!tpu.dma_semaphore, #tpu.memory_space<semaphore_mem>> -> memref<!tpu.dma_semaphore, #tpu.memory_space<semaphore_mem>>
          %dma_start3A_292 = arith.constant 0 : i32
          %dma_start3A_293 = arith.constant 0 : i32
          %dma_start3A_294 = tpu.memref_slice %arg4[%dma_start3A_282, %dma_start3A_292, %dma_start3A_293] : memref<2x32x128xf32, #tpu.memory_space<vmem>> -> memref<1x32x128xf32, #tpu.memory_space<vmem>>
          %dma_start3A_295 = tpu.memref_squeeze %dma_start3A_294 : memref<1x32x128xf32, #tpu.memory_space<vmem>> -> memref<32x128xf32, #tpu.memory_space<vmem>>
          %dma_start3A_296 = arith.constant 0 : i32
          %dma_start3A_297 = tpu.memref_slice %arg2[%dma_start3A_296, %multiple_of3A_281] : memref<32x1000000xf32, #tpu.memory_space<hbm>> -> memref<32x128xf32, #tpu.memory_space<hbm>>
          tpu.enqueue_dma source(%dma_start3A_297 : memref<32x128xf32, #tpu.memory_space<hbm>>) target(%dma_start3A_295 : memref<32x128xf32, #tpu.memory_space<vmem>>) target_semaphore(%dma_start3A_291 : memref<!tpu.dma_semaphore, #tpu.memory_space<semaphore_mem>>)
        } else {
        }
        %mul3A_231 = arith.constant 128 : i32
        %mul3A_232 = arith.muli %mul3A_231, %add3A_190 : i32
        %min3A_233 = arith.constant 999936 : i32
        %min3A_234 = arith.minsi %mul3A_232, %min3A_233 : i32
        %jit3A_235 = arith.constant 4 : i32
        %div3A_236 = arith.divsi %min3A_234, %jit3A_235 : i32
        %sign3A_237 = arith.constant 0 : i32
        %sign3A_238 = arith.cmpi sgt, %min3A_234, %sign3A_237 : i32
        %sign3A_239 = arith.extui %sign3A_238 : i1 to i32
        %sign3A_240 = arith.constant 0 : i32
        %sign3A_241 = arith.cmpi slt, %min3A_234, %sign3A_240 : i32
        %sign3A_242 = arith.extui %sign3A_241 : i1 to i32
        %sign3A_243 = arith.subi %sign3A_239, %sign3A_242 : i32
        %sign3A_244 = arith.constant 0 : i32
        %sign3A_245 = arith.cmpi sgt, %jit3A_235, %sign3A_244 : i32
        %sign3A_246 = arith.extui %sign3A_245 : i1 to i32
        %sign3A_247 = arith.constant 0 : i32
        %sign3A_248 = arith.cmpi slt, %jit3A_235, %sign3A_247 : i32
        %sign3A_249 = arith.extui %sign3A_248 : i1 to i32
        %sign3A_250 = arith.subi %sign3A_246, %sign3A_249 : i32
        %ne3A_251 = arith.cmpi ne, %sign3A_243, %sign3A_250 : i32
        %rem3A_252 = arith.remsi %min3A_234, %jit3A_235 : i32
        %ne3A_253 = arith.constant 0 : i32
        %ne3A_254 = arith.cmpi ne, %rem3A_252, %ne3A_253 : i32
        %and3A_255 = arith.andi %ne3A_251, %ne3A_254 : i1
        %sub3A_256 = arith.constant 1 : i32
        %sub3A_257 = arith.subi %div3A_236, %sub3A_256 : i32
        %select_n3A_258 = arith.select %and3A_255, %sub3A_257, %div3A_236 : i32
        %multiple_of3A_259 = tpu.assume_multiple %select_n3A_258, 32 : i32
        %dma_start3A_260 = arith.constant 0 : i32
        %dma_start3A_261 = arith.constant 0 : i32
        %dma_start3A_262 = arith.constant 0 : i32
        %dma_start3A_263 = arith.constant 0 : i32
        %dma_start3A_264 = tpu.memref_slice %arg5[%dma_start3A_260, %dma_start3A_262, %dma_start3A_263] : memref<2x32x128xf32, #tpu.memory_space<vmem>> -> memref<1x32x128xf32, #tpu.memory_space<vmem>>
        %dma_start3A_265 = tpu.memref_squeeze %dma_start3A_264 : memref<1x32x128xf32, #tpu.memory_space<vmem>> -> memref<32x128xf32, #tpu.memory_space<vmem>>
        %dma_start3A_266 = arith.constant 0 : i32
        %dma_start3A_267 = tpu.memref_slice %arg3[%multiple_of3A_259, %dma_start3A_266] : memref<250016x128xf32, #tpu.memory_space<hbm>> -> memref<32x128xf32, #tpu.memory_space<hbm>>
        %dma_start3A_268 = tpu.memref_slice %arg7[%dma_start3A_261] : memref<2x!tpu.dma_semaphore, #tpu.memory_space<semaphore_mem>> -> memref<1x!tpu.dma_semaphore, #tpu.memory_space<semaphore_mem>>
        %dma_start3A_269 = tpu.memref_squeeze %dma_start3A_268 : memref<1x!tpu.dma_semaphore, #tpu.memory_space<semaphore_mem>> -> memref<!tpu.dma_semaphore, #tpu.memory_space<semaphore_mem>>
        %dma_start3A_270 = arith.constant 0 : i32
        %dma_start3A_271 = tpu.memref_slice %arg3[%multiple_of3A_259, %dma_start3A_270] : memref<250016x128xf32, #tpu.memory_space<hbm>> -> memref<32x128xf32, #tpu.memory_space<hbm>>
        %dma_start3A_272 = arith.constant 0 : i32
        %dma_start3A_273 = arith.constant 0 : i32
        %dma_start3A_274 = tpu.memref_slice %arg5[%dma_start3A_260, %dma_start3A_272, %dma_start3A_273] : memref<2x32x128xf32, #tpu.memory_space<vmem>> -> memref<1x32x128xf32, #tpu.memory_space<vmem>>
        %dma_start3A_275 = tpu.memref_squeeze %dma_start3A_274 : memref<1x32x128xf32, #tpu.memory_space<vmem>> -> memref<32x128xf32, #tpu.memory_space<vmem>>
        tpu.enqueue_dma source(%dma_start3A_275 : memref<32x128xf32, #tpu.memory_space<vmem>>) target(%dma_start3A_271 : memref<32x128xf32, #tpu.memory_space<hbm>>) target_semaphore(%dma_start3A_269 : memref<!tpu.dma_semaphore, #tpu.memory_space<semaphore_mem>>)
      } else {
      }
      %add3A_184 = arith.constant 1 : i32
      %add3A_185 = arith.addi %add3A_177, %add3A_184 : i32
      %lt3A_186 = arith.cmpi slt, %add3A_185, %sub3A : i32
      %convert_element_type3A_187 = arith.extui %lt3A_186 : i1 to i32
      %cond3A_188 = arith.constant 0 : i32
      %cond3A_189 = arith.cmpi ne, %convert_element_type3A_187, %cond3A_188 : i32
      scf.if %cond3A_189 {
        %add3A_190 = arith.addi %mul3A_2, %add3A_185 : i32
        %mul3A_191 = arith.constant 128 : i32
        %mul3A_192 = arith.muli %mul3A_191, %add3A_190 : i32
        %min3A_193 = arith.constant 999936 : i32
        %min3A_194 = arith.minsi %mul3A_192, %min3A_193 : i32
        %multiple_of3A_195 = tpu.assume_multiple %min3A_194, 128 : i32
        %dma_wait3A_196 = arith.constant 1 : i32
        %dma_wait3A_197 = arith.constant 1 : i32
        %dma_wait3A_198 = arith.constant 0 : i32
        %dma_wait3A_199 = arith.constant 0 : i32
        %dma_wait3A_200 = tpu.memref_slice %arg4[%dma_wait3A_196, %dma_wait3A_198, %dma_wait3A_199] : memref<2x32x128xf32, #tpu.memory_space<vmem>> -> memref<1x32x128xf32, #tpu.memory_space<vmem>>
        %dma_wait3A_201 = tpu.memref_squeeze %dma_wait3A_200 : memref<1x32x128xf32, #tpu.memory_space<vmem>> -> memref<32x128xf32, #tpu.memory_space<vmem>>
        %dma_wait3A_202 = arith.constant 0 : i32
        %dma_wait3A_203 = tpu.memref_slice %arg2[%dma_wait3A_202, %multiple_of3A_195] : memref<32x1000000xf32, #tpu.memory_space<hbm>> -> memref<32x128xf32, #tpu.memory_space<hbm>>
        %dma_wait3A_204 = tpu.memref_slice %arg6[%dma_wait3A_197] : memref<2x!tpu.dma_semaphore, #tpu.memory_space<semaphore_mem>> -> memref<1x!tpu.dma_semaphore, #tpu.memory_space<semaphore_mem>>
        %dma_wait3A_205 = tpu.memref_squeeze %dma_wait3A_204 : memref<1x!tpu.dma_semaphore, #tpu.memory_space<semaphore_mem>> -> memref<!tpu.dma_semaphore, #tpu.memory_space<semaphore_mem>>
        %dma_wait3A_206 = arith.constant 0 : i32
        %dma_wait3A_207 = arith.constant 0 : i32
        %dma_wait3A_208 = tpu.memref_slice %arg4[%dma_wait3A_196, %dma_wait3A_206, %dma_wait3A_207] : memref<2x32x128xf32, #tpu.memory_space<vmem>> -> memref<1x32x128xf32, #tpu.memory_space<vmem>>
        %dma_wait3A_209 = tpu.memref_squeeze %dma_wait3A_208 : memref<1x32x128xf32, #tpu.memory_space<vmem>> -> memref<32x128xf32, #tpu.memory_space<vmem>>
        %dma_wait3A_210 = arith.constant 0 : i32
        %dma_wait3A_211 = tpu.memref_slice %arg2[%dma_wait3A_210, %multiple_of3A_195] : memref<32x1000000xf32, #tpu.memory_space<hbm>> -> memref<32x128xf32, #tpu.memory_space<hbm>>
        tpu.wait_dma2 semaphore(%dma_wait3A_205 : memref<!tpu.dma_semaphore, #tpu.memory_space<semaphore_mem>>) src(%dma_wait3A_211 : memref<32x128xf32, #tpu.memory_space<hbm>>) dst(%dma_wait3A_209 : memref<32x128xf32, #tpu.memory_space<vmem>>)
        %ge3A = arith.constant 2 : i32
        %ge3A_212 = arith.cmpi sge, %add3A_185, %ge3A : i32
        %convert_element_type3A_213 = arith.extui %ge3A_212 : i1 to i32
        %cond3A_214 = arith.constant 0 : i32
        %cond3A_215 = arith.cmpi ne, %convert_element_type3A_213, %cond3A_214 : i32
        scf.if %cond3A_215 {
          %sub3A_276 = arith.constant 2 : i32
          %sub3A_277 = arith.subi %add3A_190, %sub3A_276 : i32
          %mul3A_278 = arith.constant 128 : i32
          %mul3A_279 = arith.muli %mul3A_278, %sub3A_277 : i32
          %min3A_280 = arith.constant 999936 : i32
          %min3A_281 = arith.minsi %mul3A_279, %min3A_280 : i32
          %jit3A_282 = arith.constant 4 : i32
          %div3A_283 = arith.divsi %min3A_281, %jit3A_282 : i32
          %sign3A_284 = arith.constant 0 : i32
          %sign3A_285 = arith.cmpi sgt, %min3A_281, %sign3A_284 : i32
          %sign3A_286 = arith.extui %sign3A_285 : i1 to i32
          %sign3A_287 = arith.constant 0 : i32
          %sign3A_288 = arith.cmpi slt, %min3A_281, %sign3A_287 : i32
          %sign3A_289 = arith.extui %sign3A_288 : i1 to i32
          %sign3A_290 = arith.subi %sign3A_286, %sign3A_289 : i32
          %sign3A_291 = arith.constant 0 : i32
          %sign3A_292 = arith.cmpi sgt, %jit3A_282, %sign3A_291 : i32
          %sign3A_293 = arith.extui %sign3A_292 : i1 to i32
          %sign3A_294 = arith.constant 0 : i32
          %sign3A_295 = arith.cmpi slt, %jit3A_282, %sign3A_294 : i32
          %sign3A_296 = arith.extui %sign3A_295 : i1 to i32
          %sign3A_297 = arith.subi %sign3A_293, %sign3A_296 : i32
          %ne3A_298 = arith.cmpi ne, %sign3A_290, %sign3A_297 : i32
          %rem3A_299 = arith.remsi %min3A_281, %jit3A_282 : i32
          %ne3A_300 = arith.constant 0 : i32
          %ne3A_301 = arith.cmpi ne, %rem3A_299, %ne3A_300 : i32
          %and3A_302 = arith.andi %ne3A_298, %ne3A_301 : i1
          %sub3A_303 = arith.constant 1 : i32
          %sub3A_304 = arith.subi %div3A_283, %sub3A_303 : i32
          %select_n3A_305 = arith.select %and3A_302, %sub3A_304, %div3A_283 : i32
          %multiple_of3A_306 = tpu.assume_multiple %select_n3A_305, 32 : i32
          %dma_wait3A_307 = arith.constant 1 : i32
          %dma_wait3A_308 = arith.constant 1 : i32
          %dma_wait3A_309 = arith.constant 0 : i32
          %dma_wait3A_310 = arith.constant 0 : i32
          %dma_wait3A_311 = tpu.memref_slice %arg5[%dma_wait3A_307, %dma_wait3A_309, %dma_wait3A_310] : memref<2x32x128xf32, #tpu.memory_space<vmem>> -> memref<1x32x128xf32, #tpu.memory_space<vmem>>
          %dma_wait3A_312 = tpu.memref_squeeze %dma_wait3A_311 : memref<1x32x128xf32, #tpu.memory_space<vmem>> -> memref<32x128xf32, #tpu.memory_space<vmem>>
          %dma_wait3A_313 = arith.constant 0 : i32
          %dma_wait3A_314 = tpu.memref_slice %arg3[%multiple_of3A_306, %dma_wait3A_313] : memref<250016x128xf32, #tpu.memory_space<hbm>> -> memref<32x128xf32, #tpu.memory_space<hbm>>
          %dma_wait3A_315 = tpu.memref_slice %arg7[%dma_wait3A_308] : memref<2x!tpu.dma_semaphore, #tpu.memory_space<semaphore_mem>> -> memref<1x!tpu.dma_semaphore, #tpu.memory_space<semaphore_mem>>
          %dma_wait3A_316 = tpu.memref_squeeze %dma_wait3A_315 : memref<1x!tpu.dma_semaphore, #tpu.memory_space<semaphore_mem>> -> memref<!tpu.dma_semaphore, #tpu.memory_space<semaphore_mem>>
          %dma_wait3A_317 = arith.constant 0 : i32
          %dma_wait3A_318 = tpu.memref_slice %arg3[%multiple_of3A_306, %dma_wait3A_317] : memref<250016x128xf32, #tpu.memory_space<hbm>> -> memref<32x128xf32, #tpu.memory_space<hbm>>
          %dma_wait3A_319 = arith.constant 0 : i32
          %dma_wait3A_320 = arith.constant 0 : i32
          %dma_wait3A_321 = tpu.memref_slice %arg5[%dma_wait3A_307, %dma_wait3A_319, %dma_wait3A_320] : memref<2x32x128xf32, #tpu.memory_space<vmem>> -> memref<1x32x128xf32, #tpu.memory_space<vmem>>
          %dma_wait3A_322 = tpu.memref_squeeze %dma_wait3A_321 : memref<1x32x128xf32, #tpu.memory_space<vmem>> -> memref<32x128xf32, #tpu.memory_space<vmem>>
          tpu.wait_dma2 semaphore(%dma_wait3A_316 : memref<!tpu.dma_semaphore, #tpu.memory_space<semaphore_mem>>) src(%dma_wait3A_322 : memref<32x128xf32, #tpu.memory_space<vmem>>) dst(%dma_wait3A_318 : memref<32x128xf32, #tpu.memory_space<hbm>>)
        } else {
        }
        %scan3A = arith.constant 0 : i32
        %scan3A_216 = arith.constant 16 : i32
        %scan3A_217 = arith.addi %scan3A, %scan3A_216 : i32
        %scan3A_218 = arith.constant 1 : i32
        scf.for %scan3A_276 = %scan3A to %scan3A_217 step %scan3A_218  : i32 {
          %mul3A_277 = arith.constant 1 : i32
          %mul3A_278 = arith.muli %scan3A_276, %mul3A_277 : i32
          %add3A_279 = arith.constant 0 : i32
          %add3A_280 = arith.addi %add3A_279, %mul3A_278 : i32
          %add3A_281 = vector.broadcast %add3A_280 : i32 to vector<16xi32>
          %add3A_282 = arith.addi %iota3A, %add3A_281 : vector<16xi32>
          %and3A_283 = arith.constant 15 : i32
          %and3A_284 = vector.broadcast %and3A_283 : i32 to vector<16xi32>
          %and3A_285 = arith.andi %add3A_282, %and3A_284 : vector<16xi32>
          %add3A_286 = arith.constant 0 : i32
          %add3A_287 = vector.broadcast %add3A_286 : i32 to vector<16xi32>
          %add3A_288 = arith.addi %add3A_287, %and3A_285 : vector<16xi32>
          %parallel_loop3A = arith.constant 0 : i32
          %parallel_loop3A_289 = arith.constant 128 : i32
          %parallel_loop3A_290 = arith.constant 16 : i32
          scf.for %parallel_loop3A_291 = %parallel_loop3A to %parallel_loop3A_289 step %parallel_loop3A_290  : i32 {
            %parallel_loop3A_292 = vector.broadcast %parallel_loop3A_291 : i32 to vector<16xi32>
            %parallel_loop3A_293 = arith.addi %parallel_loop3A_292, %iota3A : vector<16xi32>
            %parallel_loop3A_294 = arith.constant 1 : i32
            %parallel_loop3A_295 = arith.constant 0 : i32
            %parallel_loop3A_296 = arith.constant 0 : i32
            %parallel_loop3A_297 = tpu.memref_slice %arg4[%parallel_loop3A_294, %parallel_loop3A_295, %parallel_loop3A_296] : memref<2x32x128xf32, #tpu.memory_space<vmem>> -> memref<1x32x128xf32, #tpu.memory_space<vmem>>
            %parallel_loop3A_298 = tpu.memref_squeeze %parallel_loop3A_297 : memref<1x32x128xf32, #tpu.memory_space<vmem>> -> memref<32x128xf32, #tpu.memory_space<vmem>>
            %parallel_loop3A_299 = tpu.vector_load_idx %parallel_loop3A_298[%add3A_288, %parallel_loop3A_293] : memref<32x128xf32, #tpu.memory_space<vmem>>[vector<16xi32>, vector<16xi32>], vector<16xf32>,
            %parallel_loop3A_300 = arith.constant 32 : i32
            %parallel_loop3A_301 = vector.broadcast %parallel_loop3A_300 : i32 to vector<16xi32>
            %parallel_loop3A_302 = arith.muli %parallel_loop3A_293, %parallel_loop3A_301 : vector<16xi32>
            %parallel_loop3A_303 = arith.addi %parallel_loop3A_302, %add3A_288 : vector<16xi32>
            %parallel_loop3A_304 = arith.constant 7 : i32
            %parallel_loop3A_305 = vector.broadcast %parallel_loop3A_304 : i32 to vector<16xi32>
            %parallel_loop3A_306 = arith.shrsi %parallel_loop3A_303, %parallel_loop3A_305 : vector<16xi32>
            %parallel_loop3A_307 = arith.constant 127 : i32
            %parallel_loop3A_308 = vector.broadcast %parallel_loop3A_307 : i32 to vector<16xi32>
            %parallel_loop3A_309 = arith.andi %parallel_loop3A_303, %parallel_loop3A_308 : vector<16xi32>
            %parallel_loop3A_310 = arith.constant 1 : i32
            %parallel_loop3A_311 = arith.constant 0 : i32
            %parallel_loop3A_312 = arith.constant 0 : i32
            %parallel_loop3A_313 = tpu.memref_slice %arg5[%parallel_loop3A_310, %parallel_loop3A_311, %parallel_loop3A_312] : memref<2x32x128xf32, #tpu.memory_space<vmem>> -> memref<1x32x128xf32, #tpu.memory_space<vmem>>
            %parallel_loop3A_314 = tpu.memref_squeeze %parallel_loop3A_313 : memref<1x32x128xf32, #tpu.memory_space<vmem>> -> memref<32x128xf32, #tpu.memory_space<vmem>>
            tpu.vector_store_idx %parallel_loop3A_314[%parallel_loop3A_306, %parallel_loop3A_309], %parallel_loop3A_299 : memref<32x128xf32, #tpu.memory_space<vmem>>[vector<16xi32>, vector<16xi32>], vector<16xf32>,
          } {sc.loop_unroll_factor = 8 : i64, sc.parallel_access}
        }
        %scan3A_219 = arith.constant 16 : i32
        %scan3A_220 = arith.constant 0 : i32
        %scan3A_221 = arith.constant 16 : i32
        %scan3A_222 = arith.addi %scan3A_220, %scan3A_221 : i32
        %scan3A_223 = arith.constant 1 : i32
        scf.for %scan3A_276 = %scan3A_220 to %scan3A_222 step %scan3A_223  : i32 {
          %mul3A_277 = arith.constant 1 : i32
          %mul3A_278 = arith.muli %scan3A_276, %mul3A_277 : i32
          %add3A_279 = arith.constant 0 : i32
          %add3A_280 = arith.addi %add3A_279, %mul3A_278 : i32
          %add3A_281 = vector.broadcast %add3A_280 : i32 to vector<16xi32>
          %add3A_282 = arith.addi %iota3A, %add3A_281 : vector<16xi32>
          %and3A_283 = arith.constant 15 : i32
          %and3A_284 = vector.broadcast %and3A_283 : i32 to vector<16xi32>
          %and3A_285 = arith.andi %add3A_282, %and3A_284 : vector<16xi32>
          %add3A_286 = arith.constant 16 : i32
          %add3A_287 = vector.broadcast %add3A_286 : i32 to vector<16xi32>
          %add3A_288 = arith.addi %add3A_287, %and3A_285 : vector<16xi32>
          %parallel_loop3A = arith.constant 0 : i32
          %parallel_loop3A_289 = arith.constant 128 : i32
          %parallel_loop3A_290 = arith.constant 16 : i32
          scf.for %parallel_loop3A_291 = %parallel_loop3A to %parallel_loop3A_289 step %parallel_loop3A_290  : i32 {
            %parallel_loop3A_292 = vector.broadcast %parallel_loop3A_291 : i32 to vector<16xi32>
            %parallel_loop3A_293 = arith.addi %parallel_loop3A_292, %iota3A : vector<16xi32>
            %parallel_loop3A_294 = arith.constant 1 : i32
            %parallel_loop3A_295 = arith.constant 0 : i32
            %parallel_loop3A_296 = arith.constant 0 : i32
            %parallel_loop3A_297 = tpu.memref_slice %arg4[%parallel_loop3A_294, %parallel_loop3A_295, %parallel_loop3A_296] : memref<2x32x128xf32, #tpu.memory_space<vmem>> -> memref<1x32x128xf32, #tpu.memory_space<vmem>>
            %parallel_loop3A_298 = tpu.memref_squeeze %parallel_loop3A_297 : memref<1x32x128xf32, #tpu.memory_space<vmem>> -> memref<32x128xf32, #tpu.memory_space<vmem>>
            %parallel_loop3A_299 = tpu.vector_load_idx %parallel_loop3A_298[%add3A_288, %parallel_loop3A_293] : memref<32x128xf32, #tpu.memory_space<vmem>>[vector<16xi32>, vector<16xi32>], vector<16xf32>,
            %parallel_loop3A_300 = arith.constant 32 : i32
            %parallel_loop3A_301 = vector.broadcast %parallel_loop3A_300 : i32 to vector<16xi32>
            %parallel_loop3A_302 = arith.muli %parallel_loop3A_293, %parallel_loop3A_301 : vector<16xi32>
            %parallel_loop3A_303 = arith.addi %parallel_loop3A_302, %add3A_288 : vector<16xi32>
            %parallel_loop3A_304 = arith.constant 7 : i32
            %parallel_loop3A_305 = vector.broadcast %parallel_loop3A_304 : i32 to vector<16xi32>
            %parallel_loop3A_306 = arith.shrsi %parallel_loop3A_303, %parallel_loop3A_305 : vector<16xi32>
            %parallel_loop3A_307 = arith.constant 127 : i32
            %parallel_loop3A_308 = vector.broadcast %parallel_loop3A_307 : i32 to vector<16xi32>
            %parallel_loop3A_309 = arith.andi %parallel_loop3A_303, %parallel_loop3A_308 : vector<16xi32>
            %parallel_loop3A_310 = arith.constant 1 : i32
            %parallel_loop3A_311 = arith.constant 0 : i32
            %parallel_loop3A_312 = arith.constant 0 : i32
            %parallel_loop3A_313 = tpu.memref_slice %arg5[%parallel_loop3A_310, %parallel_loop3A_311, %parallel_loop3A_312] : memref<2x32x128xf32, #tpu.memory_space<vmem>> -> memref<1x32x128xf32, #tpu.memory_space<vmem>>
            %parallel_loop3A_314 = tpu.memref_squeeze %parallel_loop3A_313 : memref<1x32x128xf32, #tpu.memory_space<vmem>> -> memref<32x128xf32, #tpu.memory_space<vmem>>
            tpu.vector_store_idx %parallel_loop3A_314[%parallel_loop3A_306, %parallel_loop3A_309], %parallel_loop3A_299 : memref<32x128xf32, #tpu.memory_space<vmem>>[vector<16xi32>, vector<16xi32>], vector<16xf32>,
          } {sc.loop_unroll_factor = 8 : i64, sc.parallel_access}
        }
        %scan3A_224 = arith.constant 16 : i32
        %add3A_225 = arith.constant 2 : i32
        %add3A_226 = arith.addi %add3A_185, %add3A_225 : i32
        %lt3A_227 = arith.cmpi slt, %add3A_226, %sub3A : i32
        %convert_element_type3A_228 = arith.extui %lt3A_227 : i1 to i32
        %cond3A_229 = arith.constant 0 : i32
        %cond3A_230 = arith.cmpi ne, %convert_element_type3A_228, %cond3A_229 : i32
        scf.if %cond3A_230 {
          %add3A_276 = arith.addi %mul3A_2, %add3A_226 : i32
          %mul3A_277 = arith.constant 128 : i32
          %mul3A_278 = arith.muli %mul3A_277, %add3A_276 : i32
          %min3A_279 = arith.constant 999936 : i32
          %min3A_280 = arith.minsi %mul3A_278, %min3A_279 : i32
          %multiple_of3A_281 = tpu.assume_multiple %min3A_280, 128 : i32
          %dma_start3A_282 = arith.constant 1 : i32
          %dma_start3A_283 = arith.constant 1 : i32
          %dma_start3A_284 = arith.constant 0 : i32
          %dma_start3A_285 = arith.constant 0 : i32
          %dma_start3A_286 = tpu.memref_slice %arg4[%dma_start3A_282, %dma_start3A_284, %dma_start3A_285] : memref<2x32x128xf32, #tpu.memory_space<vmem>> -> memref<1x32x128xf32, #tpu.memory_space<vmem>>
          %dma_start3A_287 = tpu.memref_squeeze %dma_start3A_286 : memref<1x32x128xf32, #tpu.memory_space<vmem>> -> memref<32x128xf32, #tpu.memory_space<vmem>>
          %dma_start3A_288 = arith.constant 0 : i32
          %dma_start3A_289 = tpu.memref_slice %arg2[%dma_start3A_288, %multiple_of3A_281] : memref<32x1000000xf32, #tpu.memory_space<hbm>> -> memref<32x128xf32, #tpu.memory_space<hbm>>
          %dma_start3A_290 = tpu.memref_slice %arg6[%dma_start3A_283] : memref<2x!tpu.dma_semaphore, #tpu.memory_space<semaphore_mem>> -> memref<1x!tpu.dma_semaphore, #tpu.memory_space<semaphore_mem>>
          %dma_start3A_291 = tpu.memref_squeeze %dma_start3A_290 : memref<1x!tpu.dma_semaphore, #tpu.memory_space<semaphore_mem>> -> memref<!tpu.dma_semaphore, #tpu.memory_space<semaphore_mem>>
          %dma_start3A_292 = arith.constant 0 : i32
          %dma_start3A_293 = arith.constant 0 : i32
          %dma_start3A_294 = tpu.memref_slice %arg4[%dma_start3A_282, %dma_start3A_292, %dma_start3A_293] : memref<2x32x128xf32, #tpu.memory_space<vmem>> -> memref<1x32x128xf32, #tpu.memory_space<vmem>>
          %dma_start3A_295 = tpu.memref_squeeze %dma_start3A_294 : memref<1x32x128xf32, #tpu.memory_space<vmem>> -> memref<32x128xf32, #tpu.memory_space<vmem>>
          %dma_start3A_296 = arith.constant 0 : i32
          %dma_start3A_297 = tpu.memref_slice %arg2[%dma_start3A_296, %multiple_of3A_281] : memref<32x1000000xf32, #tpu.memory_space<hbm>> -> memref<32x128xf32, #tpu.memory_space<hbm>>
          tpu.enqueue_dma source(%dma_start3A_297 : memref<32x128xf32, #tpu.memory_space<hbm>>) target(%dma_start3A_295 : memref<32x128xf32, #tpu.memory_space<vmem>>) target_semaphore(%dma_start3A_291 : memref<!tpu.dma_semaphore, #tpu.memory_space<semaphore_mem>>)
        } else {
        }
        %mul3A_231 = arith.constant 128 : i32
        %mul3A_232 = arith.muli %mul3A_231, %add3A_190 : i32
        %min3A_233 = arith.constant 999936 : i32
        %min3A_234 = arith.minsi %mul3A_232, %min3A_233 : i32
        %jit3A_235 = arith.constant 4 : i32
        %div3A_236 = arith.divsi %min3A_234, %jit3A_235 : i32
        %sign3A_237 = arith.constant 0 : i32
        %sign3A_238 = arith.cmpi sgt, %min3A_234, %sign3A_237 : i32
        %sign3A_239 = arith.extui %sign3A_238 : i1 to i32
        %sign3A_240 = arith.constant 0 : i32
        %sign3A_241 = arith.cmpi slt, %min3A_234, %sign3A_240 : i32
        %sign3A_242 = arith.extui %sign3A_241 : i1 to i32
        %sign3A_243 = arith.subi %sign3A_239, %sign3A_242 : i32
        %sign3A_244 = arith.constant 0 : i32
        %sign3A_245 = arith.cmpi sgt, %jit3A_235, %sign3A_244 : i32
        %sign3A_246 = arith.extui %sign3A_245 : i1 to i32
        %sign3A_247 = arith.constant 0 : i32
        %sign3A_248 = arith.cmpi slt, %jit3A_235, %sign3A_247 : i32
        %sign3A_249 = arith.extui %sign3A_248 : i1 to i32
        %sign3A_250 = arith.subi %sign3A_246, %sign3A_249 : i32
        %ne3A_251 = arith.cmpi ne, %sign3A_243, %sign3A_250 : i32
        %rem3A_252 = arith.remsi %min3A_234, %jit3A_235 : i32
        %ne3A_253 = arith.constant 0 : i32
        %ne3A_254 = arith.cmpi ne, %rem3A_252, %ne3A_253 : i32
        %and3A_255 = arith.andi %ne3A_251, %ne3A_254 : i1
        %sub3A_256 = arith.constant 1 : i32
        %sub3A_257 = arith.subi %div3A_236, %sub3A_256 : i32
        %select_n3A_258 = arith.select %and3A_255, %sub3A_257, %div3A_236 : i32
        %multiple_of3A_259 = tpu.assume_multiple %select_n3A_258, 32 : i32
        %dma_start3A_260 = arith.constant 1 : i32
        %dma_start3A_261 = arith.constant 1 : i32
        %dma_start3A_262 = arith.constant 0 : i32
        %dma_start3A_263 = arith.constant 0 : i32
        %dma_start3A_264 = tpu.memref_slice %arg5[%dma_start3A_260, %dma_start3A_262, %dma_start3A_263] : memref<2x32x128xf32, #tpu.memory_space<vmem>> -> memref<1x32x128xf32, #tpu.memory_space<vmem>>
        %dma_start3A_265 = tpu.memref_squeeze %dma_start3A_264 : memref<1x32x128xf32, #tpu.memory_space<vmem>> -> memref<32x128xf32, #tpu.memory_space<vmem>>
        %dma_start3A_266 = arith.constant 0 : i32
        %dma_start3A_267 = tpu.memref_slice %arg3[%multiple_of3A_259, %dma_start3A_266] : memref<250016x128xf32, #tpu.memory_space<hbm>> -> memref<32x128xf32, #tpu.memory_space<hbm>>
        %dma_start3A_268 = tpu.memref_slice %arg7[%dma_start3A_261] : memref<2x!tpu.dma_semaphore, #tpu.memory_space<semaphore_mem>> -> memref<1x!tpu.dma_semaphore, #tpu.memory_space<semaphore_mem>>
        %dma_start3A_269 = tpu.memref_squeeze %dma_start3A_268 : memref<1x!tpu.dma_semaphore, #tpu.memory_space<semaphore_mem>> -> memref<!tpu.dma_semaphore, #tpu.memory_space<semaphore_mem>>
        %dma_start3A_270 = arith.constant 0 : i32
        %dma_start3A_271 = tpu.memref_slice %arg3[%multiple_of3A_259, %dma_start3A_270] : memref<250016x128xf32, #tpu.memory_space<hbm>> -> memref<32x128xf32, #tpu.memory_space<hbm>>
        %dma_start3A_272 = arith.constant 0 : i32
        %dma_start3A_273 = arith.constant 0 : i32
        %dma_start3A_274 = tpu.memref_slice %arg5[%dma_start3A_260, %dma_start3A_272, %dma_start3A_273] : memref<2x32x128xf32, #tpu.memory_space<vmem>> -> memref<1x32x128xf32, #tpu.memory_space<vmem>>
        %dma_start3A_275 = tpu.memref_squeeze %dma_start3A_274 : memref<1x32x128xf32, #tpu.memory_space<vmem>> -> memref<32x128xf32, #tpu.memory_space<vmem>>
        tpu.enqueue_dma source(%dma_start3A_275 : memref<32x128xf32, #tpu.memory_space<vmem>>) target(%dma_start3A_271 : memref<32x128xf32, #tpu.memory_space<hbm>>) target_semaphore(%dma_start3A_269 : memref<!tpu.dma_semaphore, #tpu.memory_space<semaphore_mem>>)
      } else {
      }
    }
    %while3A_84 = arith.constant 1 : i32
    scf.for %while3A_175 = %while3A_82 to %while3A_78 step %while3A_84  : i32 {
      %mul3A_176 = arith.muli %while3A_175, %while3A : i32
      %add3A_177 = arith.addi %while3A_75, %mul3A_176 : i32
      %add3A_178 = arith.constant 0 : i32
      %add3A_179 = arith.addi %add3A_177, %add3A_178 : i32
      %lt3A_180 = arith.cmpi slt, %add3A_179, %sub3A : i32
      %convert_element_type3A_181 = arith.extui %lt3A_180 : i1 to i32
      %cond3A_182 = arith.constant 0 : i32
      %cond3A_183 = arith.cmpi ne, %convert_element_type3A_181, %cond3A_182 : i32
      scf.if %cond3A_183 {
        %add3A_190 = arith.addi %mul3A_2, %add3A_179 : i32
        %mul3A_191 = arith.constant 128 : i32
        %mul3A_192 = arith.muli %mul3A_191, %add3A_190 : i32
        %min3A_193 = arith.constant 999936 : i32
        %min3A_194 = arith.minsi %mul3A_192, %min3A_193 : i32
        %multiple_of3A_195 = tpu.assume_multiple %min3A_194, 128 : i32
        %dma_wait3A_196 = arith.constant 0 : i32
        %dma_wait3A_197 = arith.constant 0 : i32
        %dma_wait3A_198 = arith.constant 0 : i32
        %dma_wait3A_199 = arith.constant 0 : i32
        %dma_wait3A_200 = tpu.memref_slice %arg4[%dma_wait3A_196, %dma_wait3A_198, %dma_wait3A_199] : memref<2x32x128xf32, #tpu.memory_space<vmem>> -> memref<1x32x128xf32, #tpu.memory_space<vmem>>
        %dma_wait3A_201 = tpu.memref_squeeze %dma_wait3A_200 : memref<1x32x128xf32, #tpu.memory_space<vmem>> -> memref<32x128xf32, #tpu.memory_space<vmem>>
        %dma_wait3A_202 = arith.constant 0 : i32
        %dma_wait3A_203 = tpu.memref_slice %arg2[%dma_wait3A_202, %multiple_of3A_195] : memref<32x1000000xf32, #tpu.memory_space<hbm>> -> memref<32x128xf32, #tpu.memory_space<hbm>>
        %dma_wait3A_204 = tpu.memref_slice %arg6[%dma_wait3A_197] : memref<2x!tpu.dma_semaphore, #tpu.memory_space<semaphore_mem>> -> memref<1x!tpu.dma_semaphore, #tpu.memory_space<semaphore_mem>>
        %dma_wait3A_205 = tpu.memref_squeeze %dma_wait3A_204 : memref<1x!tpu.dma_semaphore, #tpu.memory_space<semaphore_mem>> -> memref<!tpu.dma_semaphore, #tpu.memory_space<semaphore_mem>>
        %dma_wait3A_206 = arith.constant 0 : i32
        %dma_wait3A_207 = arith.constant 0 : i32
        %dma_wait3A_208 = tpu.memref_slice %arg4[%dma_wait3A_196, %dma_wait3A_206, %dma_wait3A_207] : memref<2x32x128xf32, #tpu.memory_space<vmem>> -> memref<1x32x128xf32, #tpu.memory_space<vmem>>
        %dma_wait3A_209 = tpu.memref_squeeze %dma_wait3A_208 : memref<1x32x128xf32, #tpu.memory_space<vmem>> -> memref<32x128xf32, #tpu.memory_space<vmem>>
        %dma_wait3A_210 = arith.constant 0 : i32
        %dma_wait3A_211 = tpu.memref_slice %arg2[%dma_wait3A_210, %multiple_of3A_195] : memref<32x1000000xf32, #tpu.memory_space<hbm>> -> memref<32x128xf32, #tpu.memory_space<hbm>>
        tpu.wait_dma2 semaphore(%dma_wait3A_205 : memref<!tpu.dma_semaphore, #tpu.memory_space<semaphore_mem>>) src(%dma_wait3A_211 : memref<32x128xf32, #tpu.memory_space<hbm>>) dst(%dma_wait3A_209 : memref<32x128xf32, #tpu.memory_space<vmem>>)
        %ge3A = arith.constant 2 : i32
        %ge3A_212 = arith.cmpi sge, %add3A_179, %ge3A : i32
        %convert_element_type3A_213 = arith.extui %ge3A_212 : i1 to i32
        %cond3A_214 = arith.constant 0 : i32
        %cond3A_215 = arith.cmpi ne, %convert_element_type3A_213, %cond3A_214 : i32
        scf.if %cond3A_215 {
          %sub3A_276 = arith.constant 2 : i32
          %sub3A_277 = arith.subi %add3A_190, %sub3A_276 : i32
          %mul3A_278 = arith.constant 128 : i32
          %mul3A_279 = arith.muli %mul3A_278, %sub3A_277 : i32
          %min3A_280 = arith.constant 999936 : i32
          %min3A_281 = arith.minsi %mul3A_279, %min3A_280 : i32
          %jit3A_282 = arith.constant 4 : i32
          %div3A_283 = arith.divsi %min3A_281, %jit3A_282 : i32
          %sign3A_284 = arith.constant 0 : i32
          %sign3A_285 = arith.cmpi sgt, %min3A_281, %sign3A_284 : i32
          %sign3A_286 = arith.extui %sign3A_285 : i1 to i32
          %sign3A_287 = arith.constant 0 : i32
          %sign3A_288 = arith.cmpi slt, %min3A_281, %sign3A_287 : i32
          %sign3A_289 = arith.extui %sign3A_288 : i1 to i32
          %sign3A_290 = arith.subi %sign3A_286, %sign3A_289 : i32
          %sign3A_291 = arith.constant 0 : i32
          %sign3A_292 = arith.cmpi sgt, %jit3A_282, %sign3A_291 : i32
          %sign3A_293 = arith.extui %sign3A_292 : i1 to i32
          %sign3A_294 = arith.constant 0 : i32
          %sign3A_295 = arith.cmpi slt, %jit3A_282, %sign3A_294 : i32
          %sign3A_296 = arith.extui %sign3A_295 : i1 to i32
          %sign3A_297 = arith.subi %sign3A_293, %sign3A_296 : i32
          %ne3A_298 = arith.cmpi ne, %sign3A_290, %sign3A_297 : i32
          %rem3A_299 = arith.remsi %min3A_281, %jit3A_282 : i32
          %ne3A_300 = arith.constant 0 : i32
          %ne3A_301 = arith.cmpi ne, %rem3A_299, %ne3A_300 : i32
          %and3A_302 = arith.andi %ne3A_298, %ne3A_301 : i1
          %sub3A_303 = arith.constant 1 : i32
          %sub3A_304 = arith.subi %div3A_283, %sub3A_303 : i32
          %select_n3A_305 = arith.select %and3A_302, %sub3A_304, %div3A_283 : i32
          %multiple_of3A_306 = tpu.assume_multiple %select_n3A_305, 32 : i32
          %dma_wait3A_307 = arith.constant 0 : i32
          %dma_wait3A_308 = arith.constant 0 : i32
          %dma_wait3A_309 = arith.constant 0 : i32
          %dma_wait3A_310 = arith.constant 0 : i32
          %dma_wait3A_311 = tpu.memref_slice %arg5[%dma_wait3A_307, %dma_wait3A_309, %dma_wait3A_310] : memref<2x32x128xf32, #tpu.memory_space<vmem>> -> memref<1x32x128xf32, #tpu.memory_space<vmem>>
          %dma_wait3A_312 = tpu.memref_squeeze %dma_wait3A_311 : memref<1x32x128xf32, #tpu.memory_space<vmem>> -> memref<32x128xf32, #tpu.memory_space<vmem>>
          %dma_wait3A_313 = arith.constant 0 : i32
          %dma_wait3A_314 = tpu.memref_slice %arg3[%multiple_of3A_306, %dma_wait3A_313] : memref<250016x128xf32, #tpu.memory_space<hbm>> -> memref<32x128xf32, #tpu.memory_space<hbm>>
          %dma_wait3A_315 = tpu.memref_slice %arg7[%dma_wait3A_308] : memref<2x!tpu.dma_semaphore, #tpu.memory_space<semaphore_mem>> -> memref<1x!tpu.dma_semaphore, #tpu.memory_space<semaphore_mem>>
          %dma_wait3A_316 = tpu.memref_squeeze %dma_wait3A_315 : memref<1x!tpu.dma_semaphore, #tpu.memory_space<semaphore_mem>> -> memref<!tpu.dma_semaphore, #tpu.memory_space<semaphore_mem>>
          %dma_wait3A_317 = arith.constant 0 : i32
          %dma_wait3A_318 = tpu.memref_slice %arg3[%multiple_of3A_306, %dma_wait3A_317] : memref<250016x128xf32, #tpu.memory_space<hbm>> -> memref<32x128xf32, #tpu.memory_space<hbm>>
          %dma_wait3A_319 = arith.constant 0 : i32
          %dma_wait3A_320 = arith.constant 0 : i32
          %dma_wait3A_321 = tpu.memref_slice %arg5[%dma_wait3A_307, %dma_wait3A_319, %dma_wait3A_320] : memref<2x32x128xf32, #tpu.memory_space<vmem>> -> memref<1x32x128xf32, #tpu.memory_space<vmem>>
          %dma_wait3A_322 = tpu.memref_squeeze %dma_wait3A_321 : memref<1x32x128xf32, #tpu.memory_space<vmem>> -> memref<32x128xf32, #tpu.memory_space<vmem>>
          tpu.wait_dma2 semaphore(%dma_wait3A_316 : memref<!tpu.dma_semaphore, #tpu.memory_space<semaphore_mem>>) src(%dma_wait3A_322 : memref<32x128xf32, #tpu.memory_space<vmem>>) dst(%dma_wait3A_318 : memref<32x128xf32, #tpu.memory_space<hbm>>)
        } else {
        }
        %scan3A = arith.constant 0 : i32
        %scan3A_216 = arith.constant 16 : i32
        %scan3A_217 = arith.addi %scan3A, %scan3A_216 : i32
        %scan3A_218 = arith.constant 1 : i32
        scf.for %scan3A_276 = %scan3A to %scan3A_217 step %scan3A_218  : i32 {
          %mul3A_277 = arith.constant 1 : i32
          %mul3A_278 = arith.muli %scan3A_276, %mul3A_277 : i32
          %add3A_279 = arith.constant 0 : i32
          %add3A_280 = arith.addi %add3A_279, %mul3A_278 : i32
          %add3A_281 = vector.broadcast %add3A_280 : i32 to vector<16xi32>
          %add3A_282 = arith.addi %iota3A, %add3A_281 : vector<16xi32>
          %and3A_283 = arith.constant 15 : i32
          %and3A_284 = vector.broadcast %and3A_283 : i32 to vector<16xi32>
          %and3A_285 = arith.andi %add3A_282, %and3A_284 : vector<16xi32>
          %add3A_286 = arith.constant 0 : i32
          %add3A_287 = vector.broadcast %add3A_286 : i32 to vector<16xi32>
          %add3A_288 = arith.addi %add3A_287, %and3A_285 : vector<16xi32>
          %parallel_loop3A = arith.constant 0 : i32
          %parallel_loop3A_289 = arith.constant 128 : i32
          %parallel_loop3A_290 = arith.constant 16 : i32
          scf.for %parallel_loop3A_291 = %parallel_loop3A to %parallel_loop3A_289 step %parallel_loop3A_290  : i32 {
            %parallel_loop3A_292 = vector.broadcast %parallel_loop3A_291 : i32 to vector<16xi32>
            %parallel_loop3A_293 = arith.addi %parallel_loop3A_292, %iota3A : vector<16xi32>
            %parallel_loop3A_294 = arith.constant 0 : i32
            %parallel_loop3A_295 = arith.constant 0 : i32
            %parallel_loop3A_296 = arith.constant 0 : i32
            %parallel_loop3A_297 = tpu.memref_slice %arg4[%parallel_loop3A_294, %parallel_loop3A_295, %parallel_loop3A_296] : memref<2x32x128xf32, #tpu.memory_space<vmem>> -> memref<1x32x128xf32, #tpu.memory_space<vmem>>
            %parallel_loop3A_298 = tpu.memref_squeeze %parallel_loop3A_297 : memref<1x32x128xf32, #tpu.memory_space<vmem>> -> memref<32x128xf32, #tpu.memory_space<vmem>>
            %parallel_loop3A_299 = tpu.vector_load_idx %parallel_loop3A_298[%add3A_288, %parallel_loop3A_293] : memref<32x128xf32, #tpu.memory_space<vmem>>[vector<16xi32>, vector<16xi32>], vector<16xf32>,
            %parallel_loop3A_300 = arith.constant 32 : i32
            %parallel_loop3A_301 = vector.broadcast %parallel_loop3A_300 : i32 to vector<16xi32>
            %parallel_loop3A_302 = arith.muli %parallel_loop3A_293, %parallel_loop3A_301 : vector<16xi32>
            %parallel_loop3A_303 = arith.addi %parallel_loop3A_302, %add3A_288 : vector<16xi32>
            %parallel_loop3A_304 = arith.constant 7 : i32
            %parallel_loop3A_305 = vector.broadcast %parallel_loop3A_304 : i32 to vector<16xi32>
            %parallel_loop3A_306 = arith.shrsi %parallel_loop3A_303, %parallel_loop3A_305 : vector<16xi32>
            %parallel_loop3A_307 = arith.constant 127 : i32
            %parallel_loop3A_308 = vector.broadcast %parallel_loop3A_307 : i32 to vector<16xi32>
            %parallel_loop3A_309 = arith.andi %parallel_loop3A_303, %parallel_loop3A_308 : vector<16xi32>
            %parallel_loop3A_310 = arith.constant 0 : i32
            %parallel_loop3A_311 = arith.constant 0 : i32
            %parallel_loop3A_312 = arith.constant 0 : i32
            %parallel_loop3A_313 = tpu.memref_slice %arg5[%parallel_loop3A_310, %parallel_loop3A_311, %parallel_loop3A_312] : memref<2x32x128xf32, #tpu.memory_space<vmem>> -> memref<1x32x128xf32, #tpu.memory_space<vmem>>
            %parallel_loop3A_314 = tpu.memref_squeeze %parallel_loop3A_313 : memref<1x32x128xf32, #tpu.memory_space<vmem>> -> memref<32x128xf32, #tpu.memory_space<vmem>>
            tpu.vector_store_idx %parallel_loop3A_314[%parallel_loop3A_306, %parallel_loop3A_309], %parallel_loop3A_299 : memref<32x128xf32, #tpu.memory_space<vmem>>[vector<16xi32>, vector<16xi32>], vector<16xf32>,
          } {sc.loop_unroll_factor = 8 : i64, sc.parallel_access}
        }
        %scan3A_219 = arith.constant 16 : i32
        %scan3A_220 = arith.constant 0 : i32
        %scan3A_221 = arith.constant 16 : i32
        %scan3A_222 = arith.addi %scan3A_220, %scan3A_221 : i32
        %scan3A_223 = arith.constant 1 : i32
        scf.for %scan3A_276 = %scan3A_220 to %scan3A_222 step %scan3A_223  : i32 {
          %mul3A_277 = arith.constant 1 : i32
          %mul3A_278 = arith.muli %scan3A_276, %mul3A_277 : i32
          %add3A_279 = arith.constant 0 : i32
          %add3A_280 = arith.addi %add3A_279, %mul3A_278 : i32
          %add3A_281 = vector.broadcast %add3A_280 : i32 to vector<16xi32>
          %add3A_282 = arith.addi %iota3A, %add3A_281 : vector<16xi32>
          %and3A_283 = arith.constant 15 : i32
          %and3A_284 = vector.broadcast %and3A_283 : i32 to vector<16xi32>
          %and3A_285 = arith.andi %add3A_282, %and3A_284 : vector<16xi32>
          %add3A_286 = arith.constant 16 : i32
          %add3A_287 = vector.broadcast %add3A_286 : i32 to vector<16xi32>
          %add3A_288 = arith.addi %add3A_287, %and3A_285 : vector<16xi32>
          %parallel_loop3A = arith.constant 0 : i32
          %parallel_loop3A_289 = arith.constant 128 : i32
          %parallel_loop3A_290 = arith.constant 16 : i32
          scf.for %parallel_loop3A_291 = %parallel_loop3A to %parallel_loop3A_289 step %parallel_loop3A_290  : i32 {
            %parallel_loop3A_292 = vector.broadcast %parallel_loop3A_291 : i32 to vector<16xi32>
            %parallel_loop3A_293 = arith.addi %parallel_loop3A_292, %iota3A : vector<16xi32>
            %parallel_loop3A_294 = arith.constant 0 : i32
            %parallel_loop3A_295 = arith.constant 0 : i32
            %parallel_loop3A_296 = arith.constant 0 : i32
            %parallel_loop3A_297 = tpu.memref_slice %arg4[%parallel_loop3A_294, %parallel_loop3A_295, %parallel_loop3A_296] : memref<2x32x128xf32, #tpu.memory_space<vmem>> -> memref<1x32x128xf32, #tpu.memory_space<vmem>>
            %parallel_loop3A_298 = tpu.memref_squeeze %parallel_loop3A_297 : memref<1x32x128xf32, #tpu.memory_space<vmem>> -> memref<32x128xf32, #tpu.memory_space<vmem>>
            %parallel_loop3A_299 = tpu.vector_load_idx %parallel_loop3A_298[%add3A_288, %parallel_loop3A_293] : memref<32x128xf32, #tpu.memory_space<vmem>>[vector<16xi32>, vector<16xi32>], vector<16xf32>,
            %parallel_loop3A_300 = arith.constant 32 : i32
            %parallel_loop3A_301 = vector.broadcast %parallel_loop3A_300 : i32 to vector<16xi32>
            %parallel_loop3A_302 = arith.muli %parallel_loop3A_293, %parallel_loop3A_301 : vector<16xi32>
            %parallel_loop3A_303 = arith.addi %parallel_loop3A_302, %add3A_288 : vector<16xi32>
            %parallel_loop3A_304 = arith.constant 7 : i32
            %parallel_loop3A_305 = vector.broadcast %parallel_loop3A_304 : i32 to vector<16xi32>
            %parallel_loop3A_306 = arith.shrsi %parallel_loop3A_303, %parallel_loop3A_305 : vector<16xi32>
            %parallel_loop3A_307 = arith.constant 127 : i32
            %parallel_loop3A_308 = vector.broadcast %parallel_loop3A_307 : i32 to vector<16xi32>
            %parallel_loop3A_309 = arith.andi %parallel_loop3A_303, %parallel_loop3A_308 : vector<16xi32>
            %parallel_loop3A_310 = arith.constant 0 : i32
            %parallel_loop3A_311 = arith.constant 0 : i32
            %parallel_loop3A_312 = arith.constant 0 : i32
            %parallel_loop3A_313 = tpu.memref_slice %arg5[%parallel_loop3A_310, %parallel_loop3A_311, %parallel_loop3A_312] : memref<2x32x128xf32, #tpu.memory_space<vmem>> -> memref<1x32x128xf32, #tpu.memory_space<vmem>>
            %parallel_loop3A_314 = tpu.memref_squeeze %parallel_loop3A_313 : memref<1x32x128xf32, #tpu.memory_space<vmem>> -> memref<32x128xf32, #tpu.memory_space<vmem>>
            tpu.vector_store_idx %parallel_loop3A_314[%parallel_loop3A_306, %parallel_loop3A_309], %parallel_loop3A_299 : memref<32x128xf32, #tpu.memory_space<vmem>>[vector<16xi32>, vector<16xi32>], vector<16xf32>,
          } {sc.loop_unroll_factor = 8 : i64, sc.parallel_access}
        }
        %scan3A_224 = arith.constant 16 : i32
        %add3A_225 = arith.constant 2 : i32
        %add3A_226 = arith.addi %add3A_179, %add3A_225 : i32
        %lt3A_227 = arith.cmpi slt, %add3A_226, %sub3A : i32
        %convert_element_type3A_228 = arith.extui %lt3A_227 : i1 to i32
        %cond3A_229 = arith.constant 0 : i32
        %cond3A_230 = arith.cmpi ne, %convert_element_type3A_228, %cond3A_229 : i32
        scf.if %cond3A_230 {
          %add3A_276 = arith.addi %mul3A_2, %add3A_226 : i32
          %mul3A_277 = arith.constant 128 : i32
          %mul3A_278 = arith.muli %mul3A_277, %add3A_276 : i32
          %min3A_279 = arith.constant 999936 : i32
          %min3A_280 = arith.minsi %mul3A_278, %min3A_279 : i32
          %multiple_of3A_281 = tpu.assume_multiple %min3A_280, 128 : i32
          %dma_start3A_282 = arith.constant 0 : i32
          %dma_start3A_283 = arith.constant 0 : i32
          %dma_start3A_284 = arith.constant 0 : i32
          %dma_start3A_285 = arith.constant 0 : i32
          %dma_start3A_286 = tpu.memref_slice %arg4[%dma_start3A_282, %dma_start3A_284, %dma_start3A_285] : memref<2x32x128xf32, #tpu.memory_space<vmem>> -> memref<1x32x128xf32, #tpu.memory_space<vmem>>
          %dma_start3A_287 = tpu.memref_squeeze %dma_start3A_286 : memref<1x32x128xf32, #tpu.memory_space<vmem>> -> memref<32x128xf32, #tpu.memory_space<vmem>>
          %dma_start3A_288 = arith.constant 0 : i32
          %dma_start3A_289 = tpu.memref_slice %arg2[%dma_start3A_288, %multiple_of3A_281] : memref<32x1000000xf32, #tpu.memory_space<hbm>> -> memref<32x128xf32, #tpu.memory_space<hbm>>
          %dma_start3A_290 = tpu.memref_slice %arg6[%dma_start3A_283] : memref<2x!tpu.dma_semaphore, #tpu.memory_space<semaphore_mem>> -> memref<1x!tpu.dma_semaphore, #tpu.memory_space<semaphore_mem>>
          %dma_start3A_291 = tpu.memref_squeeze %dma_start3A_290 : memref<1x!tpu.dma_semaphore, #tpu.memory_space<semaphore_mem>> -> memref<!tpu.dma_semaphore, #tpu.memory_space<semaphore_mem>>
          %dma_start3A_292 = arith.constant 0 : i32
          %dma_start3A_293 = arith.constant 0 : i32
          %dma_start3A_294 = tpu.memref_slice %arg4[%dma_start3A_282, %dma_start3A_292, %dma_start3A_293] : memref<2x32x128xf32, #tpu.memory_space<vmem>> -> memref<1x32x128xf32, #tpu.memory_space<vmem>>
          %dma_start3A_295 = tpu.memref_squeeze %dma_start3A_294 : memref<1x32x128xf32, #tpu.memory_space<vmem>> -> memref<32x128xf32, #tpu.memory_space<vmem>>
          %dma_start3A_296 = arith.constant 0 : i32
          %dma_start3A_297 = tpu.memref_slice %arg2[%dma_start3A_296, %multiple_of3A_281] : memref<32x1000000xf32, #tpu.memory_space<hbm>> -> memref<32x128xf32, #tpu.memory_space<hbm>>
          tpu.enqueue_dma source(%dma_start3A_297 : memref<32x128xf32, #tpu.memory_space<hbm>>) target(%dma_start3A_295 : memref<32x128xf32, #tpu.memory_space<vmem>>) target_semaphore(%dma_start3A_291 : memref<!tpu.dma_semaphore, #tpu.memory_space<semaphore_mem>>)
        } else {
        }
        %mul3A_231 = arith.constant 128 : i32
        %mul3A_232 = arith.muli %mul3A_231, %add3A_190 : i32
        %min3A_233 = arith.constant 999936 : i32
        %min3A_234 = arith.minsi %mul3A_232, %min3A_233 : i32
        %jit3A_235 = arith.constant 4 : i32
        %div3A_236 = arith.divsi %min3A_234, %jit3A_235 : i32
        %sign3A_237 = arith.constant 0 : i32
        %sign3A_238 = arith.cmpi sgt, %min3A_234, %sign3A_237 : i32
        %sign3A_239 = arith.extui %sign3A_238 : i1 to i32
        %sign3A_240 = arith.constant 0 : i32
        %sign3A_241 = arith.cmpi slt, %min3A_234, %sign3A_240 : i32
        %sign3A_242 = arith.extui %sign3A_241 : i1 to i32
        %sign3A_243 = arith.subi %sign3A_239, %sign3A_242 : i32
        %sign3A_244 = arith.constant 0 : i32
        %sign3A_245 = arith.cmpi sgt, %jit3A_235, %sign3A_244 : i32
        %sign3A_246 = arith.extui %sign3A_245 : i1 to i32
        %sign3A_247 = arith.constant 0 : i32
        %sign3A_248 = arith.cmpi slt, %jit3A_235, %sign3A_247 : i32
        %sign3A_249 = arith.extui %sign3A_248 : i1 to i32
        %sign3A_250 = arith.subi %sign3A_246, %sign3A_249 : i32
        %ne3A_251 = arith.cmpi ne, %sign3A_243, %sign3A_250 : i32
        %rem3A_252 = arith.remsi %min3A_234, %jit3A_235 : i32
        %ne3A_253 = arith.constant 0 : i32
        %ne3A_254 = arith.cmpi ne, %rem3A_252, %ne3A_253 : i32
        %and3A_255 = arith.andi %ne3A_251, %ne3A_254 : i1
        %sub3A_256 = arith.constant 1 : i32
        %sub3A_257 = arith.subi %div3A_236, %sub3A_256 : i32
        %select_n3A_258 = arith.select %and3A_255, %sub3A_257, %div3A_236 : i32
        %multiple_of3A_259 = tpu.assume_multiple %select_n3A_258, 32 : i32
        %dma_start3A_260 = arith.constant 0 : i32
        %dma_start3A_261 = arith.constant 0 : i32
        %dma_start3A_262 = arith.constant 0 : i32
        %dma_start3A_263 = arith.constant 0 : i32
        %dma_start3A_264 = tpu.memref_slice %arg5[%dma_start3A_260, %dma_start3A_262, %dma_start3A_263] : memref<2x32x128xf32, #tpu.memory_space<vmem>> -> memref<1x32x128xf32, #tpu.memory_space<vmem>>
        %dma_start3A_265 = tpu.memref_squeeze %dma_start3A_264 : memref<1x32x128xf32, #tpu.memory_space<vmem>> -> memref<32x128xf32, #tpu.memory_space<vmem>>
        %dma_start3A_266 = arith.constant 0 : i32
        %dma_start3A_267 = tpu.memref_slice %arg3[%multiple_of3A_259, %dma_start3A_266] : memref<250016x128xf32, #tpu.memory_space<hbm>> -> memref<32x128xf32, #tpu.memory_space<hbm>>
        %dma_start3A_268 = tpu.memref_slice %arg7[%dma_start3A_261] : memref<2x!tpu.dma_semaphore, #tpu.memory_space<semaphore_mem>> -> memref<1x!tpu.dma_semaphore, #tpu.memory_space<semaphore_mem>>
        %dma_start3A_269 = tpu.memref_squeeze %dma_start3A_268 : memref<1x!tpu.dma_semaphore, #tpu.memory_space<semaphore_mem>> -> memref<!tpu.dma_semaphore, #tpu.memory_space<semaphore_mem>>
        %dma_start3A_270 = arith.constant 0 : i32
        %dma_start3A_271 = tpu.memref_slice %arg3[%multiple_of3A_259, %dma_start3A_270] : memref<250016x128xf32, #tpu.memory_space<hbm>> -> memref<32x128xf32, #tpu.memory_space<hbm>>
        %dma_start3A_272 = arith.constant 0 : i32
        %dma_start3A_273 = arith.constant 0 : i32
        %dma_start3A_274 = tpu.memref_slice %arg5[%dma_start3A_260, %dma_start3A_272, %dma_start3A_273] : memref<2x32x128xf32, #tpu.memory_space<vmem>> -> memref<1x32x128xf32, #tpu.memory_space<vmem>>
        %dma_start3A_275 = tpu.memref_squeeze %dma_start3A_274 : memref<1x32x128xf32, #tpu.memory_space<vmem>> -> memref<32x128xf32, #tpu.memory_space<vmem>>
        tpu.enqueue_dma source(%dma_start3A_275 : memref<32x128xf32, #tpu.memory_space<vmem>>) target(%dma_start3A_271 : memref<32x128xf32, #tpu.memory_space<hbm>>) target_semaphore(%dma_start3A_269 : memref<!tpu.dma_semaphore, #tpu.memory_space<semaphore_mem>>)
      } else {
      }
      %add3A_184 = arith.constant 1 : i32
      %add3A_185 = arith.addi %add3A_177, %add3A_184 : i32
      %lt3A_186 = arith.cmpi slt, %add3A_185, %sub3A : i32
      %convert_element_type3A_187 = arith.extui %lt3A_186 : i1 to i32
      %cond3A_188 = arith.constant 0 : i32
      %cond3A_189 = arith.cmpi ne, %convert_element_type3A_187, %cond3A_188 : i32
      scf.if %cond3A_189 {
        %add3A_190 = arith.addi %mul3A_2, %add3A_185 : i32
        %mul3A_191 = arith.constant 128 : i32
        %mul3A_192 = arith.muli %mul3A_191, %add3A_190 : i32
        %min3A_193 = arith.constant 999936 : i32
        %min3A_194 = arith.minsi %mul3A_192, %min3A_193 : i32
        %multiple_of3A_195 = tpu.assume_multiple %min3A_194, 128 : i32
        %dma_wait3A_196 = arith.constant 1 : i32
        %dma_wait3A_197 = arith.constant 1 : i32
        %dma_wait3A_198 = arith.constant 0 : i32
        %dma_wait3A_199 = arith.constant 0 : i32
        %dma_wait3A_200 = tpu.memref_slice %arg4[%dma_wait3A_196, %dma_wait3A_198, %dma_wait3A_199] : memref<2x32x128xf32, #tpu.memory_space<vmem>> -> memref<1x32x128xf32, #tpu.memory_space<vmem>>
        %dma_wait3A_201 = tpu.memref_squeeze %dma_wait3A_200 : memref<1x32x128xf32, #tpu.memory_space<vmem>> -> memref<32x128xf32, #tpu.memory_space<vmem>>
        %dma_wait3A_202 = arith.constant 0 : i32
        %dma_wait3A_203 = tpu.memref_slice %arg2[%dma_wait3A_202, %multiple_of3A_195] : memref<32x1000000xf32, #tpu.memory_space<hbm>> -> memref<32x128xf32, #tpu.memory_space<hbm>>
        %dma_wait3A_204 = tpu.memref_slice %arg6[%dma_wait3A_197] : memref<2x!tpu.dma_semaphore, #tpu.memory_space<semaphore_mem>> -> memref<1x!tpu.dma_semaphore, #tpu.memory_space<semaphore_mem>>
        %dma_wait3A_205 = tpu.memref_squeeze %dma_wait3A_204 : memref<1x!tpu.dma_semaphore, #tpu.memory_space<semaphore_mem>> -> memref<!tpu.dma_semaphore, #tpu.memory_space<semaphore_mem>>
        %dma_wait3A_206 = arith.constant 0 : i32
        %dma_wait3A_207 = arith.constant 0 : i32
        %dma_wait3A_208 = tpu.memref_slice %arg4[%dma_wait3A_196, %dma_wait3A_206, %dma_wait3A_207] : memref<2x32x128xf32, #tpu.memory_space<vmem>> -> memref<1x32x128xf32, #tpu.memory_space<vmem>>
        %dma_wait3A_209 = tpu.memref_squeeze %dma_wait3A_208 : memref<1x32x128xf32, #tpu.memory_space<vmem>> -> memref<32x128xf32, #tpu.memory_space<vmem>>
        %dma_wait3A_210 = arith.constant 0 : i32
        %dma_wait3A_211 = tpu.memref_slice %arg2[%dma_wait3A_210, %multiple_of3A_195] : memref<32x1000000xf32, #tpu.memory_space<hbm>> -> memref<32x128xf32, #tpu.memory_space<hbm>>
        tpu.wait_dma2 semaphore(%dma_wait3A_205 : memref<!tpu.dma_semaphore, #tpu.memory_space<semaphore_mem>>) src(%dma_wait3A_211 : memref<32x128xf32, #tpu.memory_space<hbm>>) dst(%dma_wait3A_209 : memref<32x128xf32, #tpu.memory_space<vmem>>)
        %ge3A = arith.constant 2 : i32
        %ge3A_212 = arith.cmpi sge, %add3A_185, %ge3A : i32
        %convert_element_type3A_213 = arith.extui %ge3A_212 : i1 to i32
        %cond3A_214 = arith.constant 0 : i32
        %cond3A_215 = arith.cmpi ne, %convert_element_type3A_213, %cond3A_214 : i32
        scf.if %cond3A_215 {
          %sub3A_276 = arith.constant 2 : i32
          %sub3A_277 = arith.subi %add3A_190, %sub3A_276 : i32
          %mul3A_278 = arith.constant 128 : i32
          %mul3A_279 = arith.muli %mul3A_278, %sub3A_277 : i32
          %min3A_280 = arith.constant 999936 : i32
          %min3A_281 = arith.minsi %mul3A_279, %min3A_280 : i32
          %jit3A_282 = arith.constant 4 : i32
          %div3A_283 = arith.divsi %min3A_281, %jit3A_282 : i32
          %sign3A_284 = arith.constant 0 : i32
          %sign3A_285 = arith.cmpi sgt, %min3A_281, %sign3A_284 : i32
          %sign3A_286 = arith.extui %sign3A_285 : i1 to i32
          %sign3A_287 = arith.constant 0 : i32
          %sign3A_288 = arith.cmpi slt, %min3A_281, %sign3A_287 : i32
          %sign3A_289 = arith.extui %sign3A_288 : i1 to i32
          %sign3A_290 = arith.subi %sign3A_286, %sign3A_289 : i32
          %sign3A_291 = arith.constant 0 : i32
          %sign3A_292 = arith.cmpi sgt, %jit3A_282, %sign3A_291 : i32
          %sign3A_293 = arith.extui %sign3A_292 : i1 to i32
          %sign3A_294 = arith.constant 0 : i32
          %sign3A_295 = arith.cmpi slt, %jit3A_282, %sign3A_294 : i32
          %sign3A_296 = arith.extui %sign3A_295 : i1 to i32
          %sign3A_297 = arith.subi %sign3A_293, %sign3A_296 : i32
          %ne3A_298 = arith.cmpi ne, %sign3A_290, %sign3A_297 : i32
          %rem3A_299 = arith.remsi %min3A_281, %jit3A_282 : i32
          %ne3A_300 = arith.constant 0 : i32
          %ne3A_301 = arith.cmpi ne, %rem3A_299, %ne3A_300 : i32
          %and3A_302 = arith.andi %ne3A_298, %ne3A_301 : i1
          %sub3A_303 = arith.constant 1 : i32
          %sub3A_304 = arith.subi %div3A_283, %sub3A_303 : i32
          %select_n3A_305 = arith.select %and3A_302, %sub3A_304, %div3A_283 : i32
          %multiple_of3A_306 = tpu.assume_multiple %select_n3A_305, 32 : i32
          %dma_wait3A_307 = arith.constant 1 : i32
          %dma_wait3A_308 = arith.constant 1 : i32
          %dma_wait3A_309 = arith.constant 0 : i32
          %dma_wait3A_310 = arith.constant 0 : i32
          %dma_wait3A_311 = tpu.memref_slice %arg5[%dma_wait3A_307, %dma_wait3A_309, %dma_wait3A_310] : memref<2x32x128xf32, #tpu.memory_space<vmem>> -> memref<1x32x128xf32, #tpu.memory_space<vmem>>
          %dma_wait3A_312 = tpu.memref_squeeze %dma_wait3A_311 : memref<1x32x128xf32, #tpu.memory_space<vmem>> -> memref<32x128xf32, #tpu.memory_space<vmem>>
          %dma_wait3A_313 = arith.constant 0 : i32
          %dma_wait3A_314 = tpu.memref_slice %arg3[%multiple_of3A_306, %dma_wait3A_313] : memref<250016x128xf32, #tpu.memory_space<hbm>> -> memref<32x128xf32, #tpu.memory_space<hbm>>
          %dma_wait3A_315 = tpu.memref_slice %arg7[%dma_wait3A_308] : memref<2x!tpu.dma_semaphore, #tpu.memory_space<semaphore_mem>> -> memref<1x!tpu.dma_semaphore, #tpu.memory_space<semaphore_mem>>
          %dma_wait3A_316 = tpu.memref_squeeze %dma_wait3A_315 : memref<1x!tpu.dma_semaphore, #tpu.memory_space<semaphore_mem>> -> memref<!tpu.dma_semaphore, #tpu.memory_space<semaphore_mem>>
          %dma_wait3A_317 = arith.constant 0 : i32
          %dma_wait3A_318 = tpu.memref_slice %arg3[%multiple_of3A_306, %dma_wait3A_317] : memref<250016x128xf32, #tpu.memory_space<hbm>> -> memref<32x128xf32, #tpu.memory_space<hbm>>
          %dma_wait3A_319 = arith.constant 0 : i32
          %dma_wait3A_320 = arith.constant 0 : i32
          %dma_wait3A_321 = tpu.memref_slice %arg5[%dma_wait3A_307, %dma_wait3A_319, %dma_wait3A_320] : memref<2x32x128xf32, #tpu.memory_space<vmem>> -> memref<1x32x128xf32, #tpu.memory_space<vmem>>
          %dma_wait3A_322 = tpu.memref_squeeze %dma_wait3A_321 : memref<1x32x128xf32, #tpu.memory_space<vmem>> -> memref<32x128xf32, #tpu.memory_space<vmem>>
          tpu.wait_dma2 semaphore(%dma_wait3A_316 : memref<!tpu.dma_semaphore, #tpu.memory_space<semaphore_mem>>) src(%dma_wait3A_322 : memref<32x128xf32, #tpu.memory_space<vmem>>) dst(%dma_wait3A_318 : memref<32x128xf32, #tpu.memory_space<hbm>>)
        } else {
        }
        %scan3A = arith.constant 0 : i32
        %scan3A_216 = arith.constant 16 : i32
        %scan3A_217 = arith.addi %scan3A, %scan3A_216 : i32
        %scan3A_218 = arith.constant 1 : i32
        scf.for %scan3A_276 = %scan3A to %scan3A_217 step %scan3A_218  : i32 {
          %mul3A_277 = arith.constant 1 : i32
          %mul3A_278 = arith.muli %scan3A_276, %mul3A_277 : i32
          %add3A_279 = arith.constant 0 : i32
          %add3A_280 = arith.addi %add3A_279, %mul3A_278 : i32
          %add3A_281 = vector.broadcast %add3A_280 : i32 to vector<16xi32>
          %add3A_282 = arith.addi %iota3A, %add3A_281 : vector<16xi32>
          %and3A_283 = arith.constant 15 : i32
          %and3A_284 = vector.broadcast %and3A_283 : i32 to vector<16xi32>
          %and3A_285 = arith.andi %add3A_282, %and3A_284 : vector<16xi32>
          %add3A_286 = arith.constant 0 : i32
          %add3A_287 = vector.broadcast %add3A_286 : i32 to vector<16xi32>
          %add3A_288 = arith.addi %add3A_287, %and3A_285 : vector<16xi32>
          %parallel_loop3A = arith.constant 0 : i32
          %parallel_loop3A_289 = arith.constant 128 : i32
          %parallel_loop3A_290 = arith.constant 16 : i32
          scf.for %parallel_loop3A_291 = %parallel_loop3A to %parallel_loop3A_289 step %parallel_loop3A_290  : i32 {
            %parallel_loop3A_292 = vector.broadcast %parallel_loop3A_291 : i32 to vector<16xi32>
            %parallel_loop3A_293 = arith.addi %parallel_loop3A_292, %iota3A : vector<16xi32>
            %parallel_loop3A_294 = arith.constant 1 : i32
            %parallel_loop3A_295 = arith.constant 0 : i32
            %parallel_loop3A_296 = arith.constant 0 : i32
            %parallel_loop3A_297 = tpu.memref_slice %arg4[%parallel_loop3A_294, %parallel_loop3A_295, %parallel_loop3A_296] : memref<2x32x128xf32, #tpu.memory_space<vmem>> -> memref<1x32x128xf32, #tpu.memory_space<vmem>>
            %parallel_loop3A_298 = tpu.memref_squeeze %parallel_loop3A_297 : memref<1x32x128xf32, #tpu.memory_space<vmem>> -> memref<32x128xf32, #tpu.memory_space<vmem>>
            %parallel_loop3A_299 = tpu.vector_load_idx %parallel_loop3A_298[%add3A_288, %parallel_loop3A_293] : memref<32x128xf32, #tpu.memory_space<vmem>>[vector<16xi32>, vector<16xi32>], vector<16xf32>,
            %parallel_loop3A_300 = arith.constant 32 : i32
            %parallel_loop3A_301 = vector.broadcast %parallel_loop3A_300 : i32 to vector<16xi32>
            %parallel_loop3A_302 = arith.muli %parallel_loop3A_293, %parallel_loop3A_301 : vector<16xi32>
            %parallel_loop3A_303 = arith.addi %parallel_loop3A_302, %add3A_288 : vector<16xi32>
            %parallel_loop3A_304 = arith.constant 7 : i32
            %parallel_loop3A_305 = vector.broadcast %parallel_loop3A_304 : i32 to vector<16xi32>
            %parallel_loop3A_306 = arith.shrsi %parallel_loop3A_303, %parallel_loop3A_305 : vector<16xi32>
            %parallel_loop3A_307 = arith.constant 127 : i32
            %parallel_loop3A_308 = vector.broadcast %parallel_loop3A_307 : i32 to vector<16xi32>
            %parallel_loop3A_309 = arith.andi %parallel_loop3A_303, %parallel_loop3A_308 : vector<16xi32>
            %parallel_loop3A_310 = arith.constant 1 : i32
            %parallel_loop3A_311 = arith.constant 0 : i32
            %parallel_loop3A_312 = arith.constant 0 : i32
            %parallel_loop3A_313 = tpu.memref_slice %arg5[%parallel_loop3A_310, %parallel_loop3A_311, %parallel_loop3A_312] : memref<2x32x128xf32, #tpu.memory_space<vmem>> -> memref<1x32x128xf32, #tpu.memory_space<vmem>>
            %parallel_loop3A_314 = tpu.memref_squeeze %parallel_loop3A_313 : memref<1x32x128xf32, #tpu.memory_space<vmem>> -> memref<32x128xf32, #tpu.memory_space<vmem>>
            tpu.vector_store_idx %parallel_loop3A_314[%parallel_loop3A_306, %parallel_loop3A_309], %parallel_loop3A_299 : memref<32x128xf32, #tpu.memory_space<vmem>>[vector<16xi32>, vector<16xi32>], vector<16xf32>,
          } {sc.loop_unroll_factor = 8 : i64, sc.parallel_access}
        }
        %scan3A_219 = arith.constant 16 : i32
        %scan3A_220 = arith.constant 0 : i32
        %scan3A_221 = arith.constant 16 : i32
        %scan3A_222 = arith.addi %scan3A_220, %scan3A_221 : i32
        %scan3A_223 = arith.constant 1 : i32
        scf.for %scan3A_276 = %scan3A_220 to %scan3A_222 step %scan3A_223  : i32 {
          %mul3A_277 = arith.constant 1 : i32
          %mul3A_278 = arith.muli %scan3A_276, %mul3A_277 : i32
          %add3A_279 = arith.constant 0 : i32
          %add3A_280 = arith.addi %add3A_279, %mul3A_278 : i32
          %add3A_281 = vector.broadcast %add3A_280 : i32 to vector<16xi32>
          %add3A_282 = arith.addi %iota3A, %add3A_281 : vector<16xi32>
          %and3A_283 = arith.constant 15 : i32
          %and3A_284 = vector.broadcast %and3A_283 : i32 to vector<16xi32>
          %and3A_285 = arith.andi %add3A_282, %and3A_284 : vector<16xi32>
          %add3A_286 = arith.constant 16 : i32
          %add3A_287 = vector.broadcast %add3A_286 : i32 to vector<16xi32>
          %add3A_288 = arith.addi %add3A_287, %and3A_285 : vector<16xi32>
          %parallel_loop3A = arith.constant 0 : i32
          %parallel_loop3A_289 = arith.constant 128 : i32
          %parallel_loop3A_290 = arith.constant 16 : i32
          scf.for %parallel_loop3A_291 = %parallel_loop3A to %parallel_loop3A_289 step %parallel_loop3A_290  : i32 {
            %parallel_loop3A_292 = vector.broadcast %parallel_loop3A_291 : i32 to vector<16xi32>
            %parallel_loop3A_293 = arith.addi %parallel_loop3A_292, %iota3A : vector<16xi32>
            %parallel_loop3A_294 = arith.constant 1 : i32
            %parallel_loop3A_295 = arith.constant 0 : i32
            %parallel_loop3A_296 = arith.constant 0 : i32
            %parallel_loop3A_297 = tpu.memref_slice %arg4[%parallel_loop3A_294, %parallel_loop3A_295, %parallel_loop3A_296] : memref<2x32x128xf32, #tpu.memory_space<vmem>> -> memref<1x32x128xf32, #tpu.memory_space<vmem>>
            %parallel_loop3A_298 = tpu.memref_squeeze %parallel_loop3A_297 : memref<1x32x128xf32, #tpu.memory_space<vmem>> -> memref<32x128xf32, #tpu.memory_space<vmem>>
            %parallel_loop3A_299 = tpu.vector_load_idx %parallel_loop3A_298[%add3A_288, %parallel_loop3A_293] : memref<32x128xf32, #tpu.memory_space<vmem>>[vector<16xi32>, vector<16xi32>], vector<16xf32>,
            %parallel_loop3A_300 = arith.constant 32 : i32
            %parallel_loop3A_301 = vector.broadcast %parallel_loop3A_300 : i32 to vector<16xi32>
            %parallel_loop3A_302 = arith.muli %parallel_loop3A_293, %parallel_loop3A_301 : vector<16xi32>
            %parallel_loop3A_303 = arith.addi %parallel_loop3A_302, %add3A_288 : vector<16xi32>
            %parallel_loop3A_304 = arith.constant 7 : i32
            %parallel_loop3A_305 = vector.broadcast %parallel_loop3A_304 : i32 to vector<16xi32>
            %parallel_loop3A_306 = arith.shrsi %parallel_loop3A_303, %parallel_loop3A_305 : vector<16xi32>
            %parallel_loop3A_307 = arith.constant 127 : i32
            %parallel_loop3A_308 = vector.broadcast %parallel_loop3A_307 : i32 to vector<16xi32>
            %parallel_loop3A_309 = arith.andi %parallel_loop3A_303, %parallel_loop3A_308 : vector<16xi32>
            %parallel_loop3A_310 = arith.constant 1 : i32
            %parallel_loop3A_311 = arith.constant 0 : i32
            %parallel_loop3A_312 = arith.constant 0 : i32
            %parallel_loop3A_313 = tpu.memref_slice %arg5[%parallel_loop3A_310, %parallel_loop3A_311, %parallel_loop3A_312] : memref<2x32x128xf32, #tpu.memory_space<vmem>> -> memref<1x32x128xf32, #tpu.memory_space<vmem>>
            %parallel_loop3A_314 = tpu.memref_squeeze %parallel_loop3A_313 : memref<1x32x128xf32, #tpu.memory_space<vmem>> -> memref<32x128xf32, #tpu.memory_space<vmem>>
            tpu.vector_store_idx %parallel_loop3A_314[%parallel_loop3A_306, %parallel_loop3A_309], %parallel_loop3A_299 : memref<32x128xf32, #tpu.memory_space<vmem>>[vector<16xi32>, vector<16xi32>], vector<16xf32>,
          } {sc.loop_unroll_factor = 8 : i64, sc.parallel_access}
        }
        %scan3A_224 = arith.constant 16 : i32
        %add3A_225 = arith.constant 2 : i32
        %add3A_226 = arith.addi %add3A_185, %add3A_225 : i32
        %lt3A_227 = arith.cmpi slt, %add3A_226, %sub3A : i32
        %convert_element_type3A_228 = arith.extui %lt3A_227 : i1 to i32
        %cond3A_229 = arith.constant 0 : i32
        %cond3A_230 = arith.cmpi ne, %convert_element_type3A_228, %cond3A_229 : i32
        scf.if %cond3A_230 {
          %add3A_276 = arith.addi %mul3A_2, %add3A_226 : i32
          %mul3A_277 = arith.constant 128 : i32
          %mul3A_278 = arith.muli %mul3A_277, %add3A_276 : i32
          %min3A_279 = arith.constant 999936 : i32
          %min3A_280 = arith.minsi %mul3A_278, %min3A_279 : i32
          %multiple_of3A_281 = tpu.assume_multiple %min3A_280, 128 : i32
          %dma_start3A_282 = arith.constant 1 : i32
          %dma_start3A_283 = arith.constant 1 : i32
          %dma_start3A_284 = arith.constant 0 : i32
          %dma_start3A_285 = arith.constant 0 : i32
          %dma_start3A_286 = tpu.memref_slice %arg4[%dma_start3A_282, %dma_start3A_284, %dma_start3A_285] : memref<2x32x128xf32, #tpu.memory_space<vmem>> -> memref<1x32x128xf32, #tpu.memory_space<vmem>>
          %dma_start3A_287 = tpu.memref_squeeze %dma_start3A_286 : memref<1x32x128xf32, #tpu.memory_space<vmem>> -> memref<32x128xf32, #tpu.memory_space<vmem>>
          %dma_start3A_288 = arith.constant 0 : i32
          %dma_start3A_289 = tpu.memref_slice %arg2[%dma_start3A_288, %multiple_of3A_281] : memref<32x1000000xf32, #tpu.memory_space<hbm>> -> memref<32x128xf32, #tpu.memory_space<hbm>>
          %dma_start3A_290 = tpu.memref_slice %arg6[%dma_start3A_283] : memref<2x!tpu.dma_semaphore, #tpu.memory_space<semaphore_mem>> -> memref<1x!tpu.dma_semaphore, #tpu.memory_space<semaphore_mem>>
          %dma_start3A_291 = tpu.memref_squeeze %dma_start3A_290 : memref<1x!tpu.dma_semaphore, #tpu.memory_space<semaphore_mem>> -> memref<!tpu.dma_semaphore, #tpu.memory_space<semaphore_mem>>
          %dma_start3A_292 = arith.constant 0 : i32
          %dma_start3A_293 = arith.constant 0 : i32
          %dma_start3A_294 = tpu.memref_slice %arg4[%dma_start3A_282, %dma_start3A_292, %dma_start3A_293] : memref<2x32x128xf32, #tpu.memory_space<vmem>> -> memref<1x32x128xf32, #tpu.memory_space<vmem>>
          %dma_start3A_295 = tpu.memref_squeeze %dma_start3A_294 : memref<1x32x128xf32, #tpu.memory_space<vmem>> -> memref<32x128xf32, #tpu.memory_space<vmem>>
          %dma_start3A_296 = arith.constant 0 : i32
          %dma_start3A_297 = tpu.memref_slice %arg2[%dma_start3A_296, %multiple_of3A_281] : memref<32x1000000xf32, #tpu.memory_space<hbm>> -> memref<32x128xf32, #tpu.memory_space<hbm>>
          tpu.enqueue_dma source(%dma_start3A_297 : memref<32x128xf32, #tpu.memory_space<hbm>>) target(%dma_start3A_295 : memref<32x128xf32, #tpu.memory_space<vmem>>) target_semaphore(%dma_start3A_291 : memref<!tpu.dma_semaphore, #tpu.memory_space<semaphore_mem>>)
        } else {
        }
        %mul3A_231 = arith.constant 128 : i32
        %mul3A_232 = arith.muli %mul3A_231, %add3A_190 : i32
        %min3A_233 = arith.constant 999936 : i32
        %min3A_234 = arith.minsi %mul3A_232, %min3A_233 : i32
        %jit3A_235 = arith.constant 4 : i32
        %div3A_236 = arith.divsi %min3A_234, %jit3A_235 : i32
        %sign3A_237 = arith.constant 0 : i32
        %sign3A_238 = arith.cmpi sgt, %min3A_234, %sign3A_237 : i32
        %sign3A_239 = arith.extui %sign3A_238 : i1 to i32
        %sign3A_240 = arith.constant 0 : i32
        %sign3A_241 = arith.cmpi slt, %min3A_234, %sign3A_240 : i32
        %sign3A_242 = arith.extui %sign3A_241 : i1 to i32
        %sign3A_243 = arith.subi %sign3A_239, %sign3A_242 : i32
        %sign3A_244 = arith.constant 0 : i32
        %sign3A_245 = arith.cmpi sgt, %jit3A_235, %sign3A_244 : i32
        %sign3A_246 = arith.extui %sign3A_245 : i1 to i32
        %sign3A_247 = arith.constant 0 : i32
        %sign3A_248 = arith.cmpi slt, %jit3A_235, %sign3A_247 : i32
        %sign3A_249 = arith.extui %sign3A_248 : i1 to i32
        %sign3A_250 = arith.subi %sign3A_246, %sign3A_249 : i32
        %ne3A_251 = arith.cmpi ne, %sign3A_243, %sign3A_250 : i32
        %rem3A_252 = arith.remsi %min3A_234, %jit3A_235 : i32
        %ne3A_253 = arith.constant 0 : i32
        %ne3A_254 = arith.cmpi ne, %rem3A_252, %ne3A_253 : i32
        %and3A_255 = arith.andi %ne3A_251, %ne3A_254 : i1
        %sub3A_256 = arith.constant 1 : i32
        %sub3A_257 = arith.subi %div3A_236, %sub3A_256 : i32
        %select_n3A_258 = arith.select %and3A_255, %sub3A_257, %div3A_236 : i32
        %multiple_of3A_259 = tpu.assume_multiple %select_n3A_258, 32 : i32
        %dma_start3A_260 = arith.constant 1 : i32
        %dma_start3A_261 = arith.constant 1 : i32
        %dma_start3A_262 = arith.constant 0 : i32
        %dma_start3A_263 = arith.constant 0 : i32
        %dma_start3A_264 = tpu.memref_slice %arg5[%dma_start3A_260, %dma_start3A_262, %dma_start3A_263] : memref<2x32x128xf32, #tpu.memory_space<vmem>> -> memref<1x32x128xf32, #tpu.memory_space<vmem>>
        %dma_start3A_265 = tpu.memref_squeeze %dma_start3A_264 : memref<1x32x128xf32, #tpu.memory_space<vmem>> -> memref<32x128xf32, #tpu.memory_space<vmem>>
        %dma_start3A_266 = arith.constant 0 : i32
        %dma_start3A_267 = tpu.memref_slice %arg3[%multiple_of3A_259, %dma_start3A_266] : memref<250016x128xf32, #tpu.memory_space<hbm>> -> memref<32x128xf32, #tpu.memory_space<hbm>>
        %dma_start3A_268 = tpu.memref_slice %arg7[%dma_start3A_261] : memref<2x!tpu.dma_semaphore, #tpu.memory_space<semaphore_mem>> -> memref<1x!tpu.dma_semaphore, #tpu.memory_space<semaphore_mem>>
        %dma_start3A_269 = tpu.memref_squeeze %dma_start3A_268 : memref<1x!tpu.dma_semaphore, #tpu.memory_space<semaphore_mem>> -> memref<!tpu.dma_semaphore, #tpu.memory_space<semaphore_mem>>
        %dma_start3A_270 = arith.constant 0 : i32
        %dma_start3A_271 = tpu.memref_slice %arg3[%multiple_of3A_259, %dma_start3A_270] : memref<250016x128xf32, #tpu.memory_space<hbm>> -> memref<32x128xf32, #tpu.memory_space<hbm>>
        %dma_start3A_272 = arith.constant 0 : i32
        %dma_start3A_273 = arith.constant 0 : i32
        %dma_start3A_274 = tpu.memref_slice %arg5[%dma_start3A_260, %dma_start3A_272, %dma_start3A_273] : memref<2x32x128xf32, #tpu.memory_space<vmem>> -> memref<1x32x128xf32, #tpu.memory_space<vmem>>
        %dma_start3A_275 = tpu.memref_squeeze %dma_start3A_274 : memref<1x32x128xf32, #tpu.memory_space<vmem>> -> memref<32x128xf32, #tpu.memory_space<vmem>>
        tpu.enqueue_dma source(%dma_start3A_275 : memref<32x128xf32, #tpu.memory_space<vmem>>) target(%dma_start3A_271 : memref<32x128xf32, #tpu.memory_space<hbm>>) target_semaphore(%dma_start3A_269 : memref<!tpu.dma_semaphore, #tpu.memory_space<semaphore_mem>>)
      } else {
      }
    }
    %lt3A = arith.cmpi slt, %mul3A_24, %sub3A : i32
    %convert_element_type3A = arith.extui %lt3A : i1 to i32
    %cond3A = arith.constant 0 : i32
    %cond3A_85 = arith.cmpi ne, %convert_element_type3A, %cond3A : i32
    scf.if %cond3A_85 {
      %add3A_175 = arith.addi %mul3A_2, %mul3A_24 : i32
      %mul3A_176 = arith.constant 128 : i32
      %mul3A_177 = arith.muli %mul3A_176, %add3A_175 : i32
      %min3A_178 = arith.constant 999936 : i32
      %min3A_179 = arith.minsi %mul3A_177, %min3A_178 : i32
      %multiple_of3A_180 = tpu.assume_multiple %min3A_179, 128 : i32
      %dma_wait3A_181 = arith.constant 0 : i32
      %dma_wait3A_182 = arith.constant 0 : i32
      %dma_wait3A_183 = arith.constant 0 : i32
      %dma_wait3A_184 = arith.constant 0 : i32
      %dma_wait3A_185 = tpu.memref_slice %arg4[%dma_wait3A_181, %dma_wait3A_183, %dma_wait3A_184] : memref<2x32x128xf32, #tpu.memory_space<vmem>> -> memref<1x32x128xf32, #tpu.memory_space<vmem>>
      %dma_wait3A_186 = tpu.memref_squeeze %dma_wait3A_185 : memref<1x32x128xf32, #tpu.memory_space<vmem>> -> memref<32x128xf32, #tpu.memory_space<vmem>>
      %dma_wait3A_187 = arith.constant 0 : i32
      %dma_wait3A_188 = tpu.memref_slice %arg2[%dma_wait3A_187, %multiple_of3A_180] : memref<32x1000000xf32, #tpu.memory_space<hbm>> -> memref<32x128xf32, #tpu.memory_space<hbm>>
      %dma_wait3A_189 = tpu.memref_slice %arg6[%dma_wait3A_182] : memref<2x!tpu.dma_semaphore, #tpu.memory_space<semaphore_mem>> -> memref<1x!tpu.dma_semaphore, #tpu.memory_space<semaphore_mem>>
      %dma_wait3A_190 = tpu.memref_squeeze %dma_wait3A_189 : memref<1x!tpu.dma_semaphore, #tpu.memory_space<semaphore_mem>> -> memref<!tpu.dma_semaphore, #tpu.memory_space<semaphore_mem>>
      %dma_wait3A_191 = arith.constant 0 : i32
      %dma_wait3A_192 = arith.constant 0 : i32
      %dma_wait3A_193 = tpu.memref_slice %arg4[%dma_wait3A_181, %dma_wait3A_191, %dma_wait3A_192] : memref<2x32x128xf32, #tpu.memory_space<vmem>> -> memref<1x32x128xf32, #tpu.memory_space<vmem>>
      %dma_wait3A_194 = tpu.memref_squeeze %dma_wait3A_193 : memref<1x32x128xf32, #tpu.memory_space<vmem>> -> memref<32x128xf32, #tpu.memory_space<vmem>>
      %dma_wait3A_195 = arith.constant 0 : i32
      %dma_wait3A_196 = tpu.memref_slice %arg2[%dma_wait3A_195, %multiple_of3A_180] : memref<32x1000000xf32, #tpu.memory_space<hbm>> -> memref<32x128xf32, #tpu.memory_space<hbm>>
      tpu.wait_dma2 semaphore(%dma_wait3A_190 : memref<!tpu.dma_semaphore, #tpu.memory_space<semaphore_mem>>) src(%dma_wait3A_196 : memref<32x128xf32, #tpu.memory_space<hbm>>) dst(%dma_wait3A_194 : memref<32x128xf32, #tpu.memory_space<vmem>>)
      %sub3A_197 = arith.constant 2 : i32
      %sub3A_198 = arith.subi %add3A_175, %sub3A_197 : i32
      %mul3A_199 = arith.constant 128 : i32
      %mul3A_200 = arith.muli %mul3A_199, %sub3A_198 : i32
      %min3A_201 = arith.constant 999936 : i32
      %min3A_202 = arith.minsi %mul3A_200, %min3A_201 : i32
      %jit3A_203 = arith.constant 4 : i32
      %div3A_204 = arith.divsi %min3A_202, %jit3A_203 : i32
      %sign3A_205 = arith.constant 0 : i32
      %sign3A_206 = arith.cmpi sgt, %min3A_202, %sign3A_205 : i32
      %sign3A_207 = arith.extui %sign3A_206 : i1 to i32
      %sign3A_208 = arith.constant 0 : i32
      %sign3A_209 = arith.cmpi slt, %min3A_202, %sign3A_208 : i32
      %sign3A_210 = arith.extui %sign3A_209 : i1 to i32
      %sign3A_211 = arith.subi %sign3A_207, %sign3A_210 : i32
      %sign3A_212 = arith.constant 0 : i32
      %sign3A_213 = arith.cmpi sgt, %jit3A_203, %sign3A_212 : i32
      %sign3A_214 = arith.extui %sign3A_213 : i1 to i32
      %sign3A_215 = arith.constant 0 : i32
      %sign3A_216 = arith.cmpi slt, %jit3A_203, %sign3A_215 : i32
      %sign3A_217 = arith.extui %sign3A_216 : i1 to i32
      %sign3A_218 = arith.subi %sign3A_214, %sign3A_217 : i32
      %ne3A_219 = arith.cmpi ne, %sign3A_211, %sign3A_218 : i32
      %rem3A_220 = arith.remsi %min3A_202, %jit3A_203 : i32
      %ne3A_221 = arith.constant 0 : i32
      %ne3A_222 = arith.cmpi ne, %rem3A_220, %ne3A_221 : i32
      %and3A_223 = arith.andi %ne3A_219, %ne3A_222 : i1
      %sub3A_224 = arith.constant 1 : i32
      %sub3A_225 = arith.subi %div3A_204, %sub3A_224 : i32
      %select_n3A_226 = arith.select %and3A_223, %sub3A_225, %div3A_204 : i32
      %multiple_of3A_227 = tpu.assume_multiple %select_n3A_226, 32 : i32
      %dma_wait3A_228 = arith.constant 0 : i32
      %dma_wait3A_229 = arith.constant 0 : i32
      %dma_wait3A_230 = arith.constant 0 : i32
      %dma_wait3A_231 = arith.constant 0 : i32
      %dma_wait3A_232 = tpu.memref_slice %arg5[%dma_wait3A_228, %dma_wait3A_230, %dma_wait3A_231] : memref<2x32x128xf32, #tpu.memory_space<vmem>> -> memref<1x32x128xf32, #tpu.memory_space<vmem>>
      %dma_wait3A_233 = tpu.memref_squeeze %dma_wait3A_232 : memref<1x32x128xf32, #tpu.memory_space<vmem>> -> memref<32x128xf32, #tpu.memory_space<vmem>>
      %dma_wait3A_234 = arith.constant 0 : i32
      %dma_wait3A_235 = tpu.memref_slice %arg3[%multiple_of3A_227, %dma_wait3A_234] : memref<250016x128xf32, #tpu.memory_space<hbm>> -> memref<32x128xf32, #tpu.memory_space<hbm>>
      %dma_wait3A_236 = tpu.memref_slice %arg7[%dma_wait3A_229] : memref<2x!tpu.dma_semaphore, #tpu.memory_space<semaphore_mem>> -> memref<1x!tpu.dma_semaphore, #tpu.memory_space<semaphore_mem>>
      %dma_wait3A_237 = tpu.memref_squeeze %dma_wait3A_236 : memref<1x!tpu.dma_semaphore, #tpu.memory_space<semaphore_mem>> -> memref<!tpu.dma_semaphore, #tpu.memory_space<semaphore_mem>>
      %dma_wait3A_238 = arith.constant 0 : i32
      %dma_wait3A_239 = tpu.memref_slice %arg3[%multiple_of3A_227, %dma_wait3A_238] : memref<250016x128xf32, #tpu.memory_space<hbm>> -> memref<32x128xf32, #tpu.memory_space<hbm>>
      %dma_wait3A_240 = arith.constant 0 : i32
      %dma_wait3A_241 = arith.constant 0 : i32
      %dma_wait3A_242 = tpu.memref_slice %arg5[%dma_wait3A_228, %dma_wait3A_240, %dma_wait3A_241] : memref<2x32x128xf32, #tpu.memory_space<vmem>> -> memref<1x32x128xf32, #tpu.memory_space<vmem>>
      %dma_wait3A_243 = tpu.memref_squeeze %dma_wait3A_242 : memref<1x32x128xf32, #tpu.memory_space<vmem>> -> memref<32x128xf32, #tpu.memory_space<vmem>>
      tpu.wait_dma2 semaphore(%dma_wait3A_237 : memref<!tpu.dma_semaphore, #tpu.memory_space<semaphore_mem>>) src(%dma_wait3A_243 : memref<32x128xf32, #tpu.memory_space<vmem>>) dst(%dma_wait3A_239 : memref<32x128xf32, #tpu.memory_space<hbm>>)
      %scan3A = arith.constant 0 : i32
      %scan3A_244 = arith.constant 16 : i32
      %scan3A_245 = arith.addi %scan3A, %scan3A_244 : i32
      %scan3A_246 = arith.constant 1 : i32
      scf.for %scan3A_298 = %scan3A to %scan3A_245 step %scan3A_246  : i32 {
        %mul3A_299 = arith.constant 1 : i32
        %mul3A_300 = arith.muli %scan3A_298, %mul3A_299 : i32
        %add3A_301 = arith.constant 0 : i32
        %add3A_302 = arith.addi %add3A_301, %mul3A_300 : i32
        %add3A_303 = vector.broadcast %add3A_302 : i32 to vector<16xi32>
        %add3A_304 = arith.addi %iota3A, %add3A_303 : vector<16xi32>
        %and3A_305 = arith.constant 15 : i32
        %and3A_306 = vector.broadcast %and3A_305 : i32 to vector<16xi32>
        %and3A_307 = arith.andi %add3A_304, %and3A_306 : vector<16xi32>
        %add3A_308 = arith.constant 0 : i32
        %add3A_309 = vector.broadcast %add3A_308 : i32 to vector<16xi32>
        %add3A_310 = arith.addi %add3A_309, %and3A_307 : vector<16xi32>
        %parallel_loop3A = arith.constant 0 : i32
        %parallel_loop3A_311 = arith.constant 128 : i32
        %parallel_loop3A_312 = arith.constant 16 : i32
        scf.for %parallel_loop3A_313 = %parallel_loop3A to %parallel_loop3A_311 step %parallel_loop3A_312  : i32 {
          %parallel_loop3A_314 = vector.broadcast %parallel_loop3A_313 : i32 to vector<16xi32>
          %parallel_loop3A_315 = arith.addi %parallel_loop3A_314, %iota3A : vector<16xi32>
          %parallel_loop3A_316 = arith.constant 0 : i32
          %parallel_loop3A_317 = arith.constant 0 : i32
          %parallel_loop3A_318 = arith.constant 0 : i32
          %parallel_loop3A_319 = tpu.memref_slice %arg4[%parallel_loop3A_316, %parallel_loop3A_317, %parallel_loop3A_318] : memref<2x32x128xf32, #tpu.memory_space<vmem>> -> memref<1x32x128xf32, #tpu.memory_space<vmem>>
          %parallel_loop3A_320 = tpu.memref_squeeze %parallel_loop3A_319 : memref<1x32x128xf32, #tpu.memory_space<vmem>> -> memref<32x128xf32, #tpu.memory_space<vmem>>
          %parallel_loop3A_321 = tpu.vector_load_idx %parallel_loop3A_320[%add3A_310, %parallel_loop3A_315] : memref<32x128xf32, #tpu.memory_space<vmem>>[vector<16xi32>, vector<16xi32>], vector<16xf32>,
          %parallel_loop3A_322 = arith.constant 32 : i32
          %parallel_loop3A_323 = vector.broadcast %parallel_loop3A_322 : i32 to vector<16xi32>
          %parallel_loop3A_324 = arith.muli %parallel_loop3A_315, %parallel_loop3A_323 : vector<16xi32>
          %parallel_loop3A_325 = arith.addi %parallel_loop3A_324, %add3A_310 : vector<16xi32>
          %parallel_loop3A_326 = arith.constant 7 : i32
          %parallel_loop3A_327 = vector.broadcast %parallel_loop3A_326 : i32 to vector<16xi32>
          %parallel_loop3A_328 = arith.shrsi %parallel_loop3A_325, %parallel_loop3A_327 : vector<16xi32>
          %parallel_loop3A_329 = arith.constant 127 : i32
          %parallel_loop3A_330 = vector.broadcast %parallel_loop3A_329 : i32 to vector<16xi32>
          %parallel_loop3A_331 = arith.andi %parallel_loop3A_325, %parallel_loop3A_330 : vector<16xi32>
          %parallel_loop3A_332 = arith.constant 0 : i32
          %parallel_loop3A_333 = arith.constant 0 : i32
          %parallel_loop3A_334 = arith.constant 0 : i32
          %parallel_loop3A_335 = tpu.memref_slice %arg5[%parallel_loop3A_332, %parallel_loop3A_333, %parallel_loop3A_334] : memref<2x32x128xf32, #tpu.memory_space<vmem>> -> memref<1x32x128xf32, #tpu.memory_space<vmem>>
          %parallel_loop3A_336 = tpu.memref_squeeze %parallel_loop3A_335 : memref<1x32x128xf32, #tpu.memory_space<vmem>> -> memref<32x128xf32, #tpu.memory_space<vmem>>
          tpu.vector_store_idx %parallel_loop3A_336[%parallel_loop3A_328, %parallel_loop3A_331], %parallel_loop3A_321 : memref<32x128xf32, #tpu.memory_space<vmem>>[vector<16xi32>, vector<16xi32>], vector<16xf32>,
        } {sc.loop_unroll_factor = 8 : i64, sc.parallel_access}
      }
      %scan3A_247 = arith.constant 16 : i32
      %scan3A_248 = arith.constant 0 : i32
      %scan3A_249 = arith.constant 16 : i32
      %scan3A_250 = arith.addi %scan3A_248, %scan3A_249 : i32
      %scan3A_251 = arith.constant 1 : i32
      scf.for %scan3A_298 = %scan3A_248 to %scan3A_250 step %scan3A_251  : i32 {
        %mul3A_299 = arith.constant 1 : i32
        %mul3A_300 = arith.muli %scan3A_298, %mul3A_299 : i32
        %add3A_301 = arith.constant 0 : i32
        %add3A_302 = arith.addi %add3A_301, %mul3A_300 : i32
        %add3A_303 = vector.broadcast %add3A_302 : i32 to vector<16xi32>
        %add3A_304 = arith.addi %iota3A, %add3A_303 : vector<16xi32>
        %and3A_305 = arith.constant 15 : i32
        %and3A_306 = vector.broadcast %and3A_305 : i32 to vector<16xi32>
        %and3A_307 = arith.andi %add3A_304, %and3A_306 : vector<16xi32>
        %add3A_308 = arith.constant 16 : i32
        %add3A_309 = vector.broadcast %add3A_308 : i32 to vector<16xi32>
        %add3A_310 = arith.addi %add3A_309, %and3A_307 : vector<16xi32>
        %parallel_loop3A = arith.constant 0 : i32
        %parallel_loop3A_311 = arith.constant 128 : i32
        %parallel_loop3A_312 = arith.constant 16 : i32
        scf.for %parallel_loop3A_313 = %parallel_loop3A to %parallel_loop3A_311 step %parallel_loop3A_312  : i32 {
          %parallel_loop3A_314 = vector.broadcast %parallel_loop3A_313 : i32 to vector<16xi32>
          %parallel_loop3A_315 = arith.addi %parallel_loop3A_314, %iota3A : vector<16xi32>
          %parallel_loop3A_316 = arith.constant 0 : i32
          %parallel_loop3A_317 = arith.constant 0 : i32
          %parallel_loop3A_318 = arith.constant 0 : i32
          %parallel_loop3A_319 = tpu.memref_slice %arg4[%parallel_loop3A_316, %parallel_loop3A_317, %parallel_loop3A_318] : memref<2x32x128xf32, #tpu.memory_space<vmem>> -> memref<1x32x128xf32, #tpu.memory_space<vmem>>
          %parallel_loop3A_320 = tpu.memref_squeeze %parallel_loop3A_319 : memref<1x32x128xf32, #tpu.memory_space<vmem>> -> memref<32x128xf32, #tpu.memory_space<vmem>>
          %parallel_loop3A_321 = tpu.vector_load_idx %parallel_loop3A_320[%add3A_310, %parallel_loop3A_315] : memref<32x128xf32, #tpu.memory_space<vmem>>[vector<16xi32>, vector<16xi32>], vector<16xf32>,
          %parallel_loop3A_322 = arith.constant 32 : i32
          %parallel_loop3A_323 = vector.broadcast %parallel_loop3A_322 : i32 to vector<16xi32>
          %parallel_loop3A_324 = arith.muli %parallel_loop3A_315, %parallel_loop3A_323 : vector<16xi32>
          %parallel_loop3A_325 = arith.addi %parallel_loop3A_324, %add3A_310 : vector<16xi32>
          %parallel_loop3A_326 = arith.constant 7 : i32
          %parallel_loop3A_327 = vector.broadcast %parallel_loop3A_326 : i32 to vector<16xi32>
          %parallel_loop3A_328 = arith.shrsi %parallel_loop3A_325, %parallel_loop3A_327 : vector<16xi32>
          %parallel_loop3A_329 = arith.constant 127 : i32
          %parallel_loop3A_330 = vector.broadcast %parallel_loop3A_329 : i32 to vector<16xi32>
          %parallel_loop3A_331 = arith.andi %parallel_loop3A_325, %parallel_loop3A_330 : vector<16xi32>
          %parallel_loop3A_332 = arith.constant 0 : i32
          %parallel_loop3A_333 = arith.constant 0 : i32
          %parallel_loop3A_334 = arith.constant 0 : i32
          %parallel_loop3A_335 = tpu.memref_slice %arg5[%parallel_loop3A_332, %parallel_loop3A_333, %parallel_loop3A_334] : memref<2x32x128xf32, #tpu.memory_space<vmem>> -> memref<1x32x128xf32, #tpu.memory_space<vmem>>
          %parallel_loop3A_336 = tpu.memref_squeeze %parallel_loop3A_335 : memref<1x32x128xf32, #tpu.memory_space<vmem>> -> memref<32x128xf32, #tpu.memory_space<vmem>>
          tpu.vector_store_idx %parallel_loop3A_336[%parallel_loop3A_328, %parallel_loop3A_331], %parallel_loop3A_321 : memref<32x128xf32, #tpu.memory_space<vmem>>[vector<16xi32>, vector<16xi32>], vector<16xf32>,
        } {sc.loop_unroll_factor = 8 : i64, sc.parallel_access}
      }
      %scan3A_252 = arith.constant 16 : i32
      %mul3A_253 = arith.constant 128 : i32
      %mul3A_254 = arith.muli %mul3A_253, %add3A_175 : i32
      %min3A_255 = arith.constant 999936 : i32
      %min3A_256 = arith.minsi %mul3A_254, %min3A_255 : i32
      %jit3A_257 = arith.constant 4 : i32
      %div3A_258 = arith.divsi %min3A_256, %jit3A_257 : i32
      %sign3A_259 = arith.constant 0 : i32
      %sign3A_260 = arith.cmpi sgt, %min3A_256, %sign3A_259 : i32
      %sign3A_261 = arith.extui %sign3A_260 : i1 to i32
      %sign3A_262 = arith.constant 0 : i32
      %sign3A_263 = arith.cmpi slt, %min3A_256, %sign3A_262 : i32
      %sign3A_264 = arith.extui %sign3A_263 : i1 to i32
      %sign3A_265 = arith.subi %sign3A_261, %sign3A_264 : i32
      %sign3A_266 = arith.constant 0 : i32
      %sign3A_267 = arith.cmpi sgt, %jit3A_257, %sign3A_266 : i32
      %sign3A_268 = arith.extui %sign3A_267 : i1 to i32
      %sign3A_269 = arith.constant 0 : i32
      %sign3A_270 = arith.cmpi slt, %jit3A_257, %sign3A_269 : i32
      %sign3A_271 = arith.extui %sign3A_270 : i1 to i32
      %sign3A_272 = arith.subi %sign3A_268, %sign3A_271 : i32
      %ne3A_273 = arith.cmpi ne, %sign3A_265, %sign3A_272 : i32
      %rem3A_274 = arith.remsi %min3A_256, %jit3A_257 : i32
      %ne3A_275 = arith.constant 0 : i32
      %ne3A_276 = arith.cmpi ne, %rem3A_274, %ne3A_275 : i32
      %and3A_277 = arith.andi %ne3A_273, %ne3A_276 : i1
      %sub3A_278 = arith.constant 1 : i32
      %sub3A_279 = arith.subi %div3A_258, %sub3A_278 : i32
      %select_n3A_280 = arith.select %and3A_277, %sub3A_279, %div3A_258 : i32
      %multiple_of3A_281 = tpu.assume_multiple %select_n3A_280, 32 : i32
      %dma_start3A_282 = arith.constant 0 : i32
      %dma_start3A_283 = arith.constant 0 : i32
      %dma_start3A_284 = arith.constant 0 : i32
      %dma_start3A_285 = arith.constant 0 : i32
      %dma_start3A_286 = tpu.memref_slice %arg5[%dma_start3A_282, %dma_start3A_284, %dma_start3A_285] : memref<2x32x128xf32, #tpu.memory_space<vmem>> -> memref<1x32x128xf32, #tpu.memory_space<vmem>>
      %dma_start3A_287 = tpu.memref_squeeze %dma_start3A_286 : memref<1x32x128xf32, #tpu.memory_space<vmem>> -> memref<32x128xf32, #tpu.memory_space<vmem>>
      %dma_start3A_288 = arith.constant 0 : i32
      %dma_start3A_289 = tpu.memref_slice %arg3[%multiple_of3A_281, %dma_start3A_288] : memref<250016x128xf32, #tpu.memory_space<hbm>> -> memref<32x128xf32, #tpu.memory_space<hbm>>
      %dma_start3A_290 = tpu.memref_slice %arg7[%dma_start3A_283] : memref<2x!tpu.dma_semaphore, #tpu.memory_space<semaphore_mem>> -> memref<1x!tpu.dma_semaphore, #tpu.memory_space<semaphore_mem>>
      %dma_start3A_291 = tpu.memref_squeeze %dma_start3A_290 : memref<1x!tpu.dma_semaphore, #tpu.memory_space<semaphore_mem>> -> memref<!tpu.dma_semaphore, #tpu.memory_space<semaphore_mem>>
      %dma_start3A_292 = arith.constant 0 : i32
      %dma_start3A_293 = tpu.memref_slice %arg3[%multiple_of3A_281, %dma_start3A_292] : memref<250016x128xf32, #tpu.memory_space<hbm>> -> memref<32x128xf32, #tpu.memory_space<hbm>>
      %dma_start3A_294 = arith.constant 0 : i32
      %dma_start3A_295 = arith.constant 0 : i32
      %dma_start3A_296 = tpu.memref_slice %arg5[%dma_start3A_282, %dma_start3A_294, %dma_start3A_295] : memref<2x32x128xf32, #tpu.memory_space<vmem>> -> memref<1x32x128xf32, #tpu.memory_space<vmem>>
      %dma_start3A_297 = tpu.memref_squeeze %dma_start3A_296 : memref<1x32x128xf32, #tpu.memory_space<vmem>> -> memref<32x128xf32, #tpu.memory_space<vmem>>
      tpu.enqueue_dma source(%dma_start3A_297 : memref<32x128xf32, #tpu.memory_space<vmem>>) target(%dma_start3A_293 : memref<32x128xf32, #tpu.memory_space<hbm>>) target_semaphore(%dma_start3A_291 : memref<!tpu.dma_semaphore, #tpu.memory_space<semaphore_mem>>)
    } else {
    }
    %mul3A_86 = arith.constant 128 : i32
    %mul3A_87 = arith.muli %mul3A_86, %mul3A_2 : i32
    %min3A_88 = arith.constant 999936 : i32
    %min3A_89 = arith.minsi %mul3A_87, %min3A_88 : i32
    %jit3A_90 = arith.constant 4 : i32
    %div3A_91 = arith.divsi %min3A_89, %jit3A_90 : i32
    %sign3A_92 = arith.constant 0 : i32
    %sign3A_93 = arith.cmpi sgt, %min3A_89, %sign3A_92 : i32
    %sign3A_94 = arith.extui %sign3A_93 : i1 to i32
    %sign3A_95 = arith.constant 0 : i32
    %sign3A_96 = arith.cmpi slt, %min3A_89, %sign3A_95 : i32
    %sign3A_97 = arith.extui %sign3A_96 : i1 to i32
    %sign3A_98 = arith.subi %sign3A_94, %sign3A_97 : i32
    %sign3A_99 = arith.constant 0 : i32
    %sign3A_100 = arith.cmpi sgt, %jit3A_90, %sign3A_99 : i32
    %sign3A_101 = arith.extui %sign3A_100 : i1 to i32
    %sign3A_102 = arith.constant 0 : i32
    %sign3A_103 = arith.cmpi slt, %jit3A_90, %sign3A_102 : i32
    %sign3A_104 = arith.extui %sign3A_103 : i1 to i32
    %sign3A_105 = arith.subi %sign3A_101, %sign3A_104 : i32
    %ne3A_106 = arith.cmpi ne, %sign3A_98, %sign3A_105 : i32
    %rem3A_107 = arith.remsi %min3A_89, %jit3A_90 : i32
    %ne3A_108 = arith.constant 0 : i32
    %ne3A_109 = arith.cmpi ne, %rem3A_107, %ne3A_108 : i32
    %and3A_110 = arith.andi %ne3A_106, %ne3A_109 : i1
    %sub3A_111 = arith.constant 1 : i32
    %sub3A_112 = arith.subi %div3A_91, %sub3A_111 : i32
    %select_n3A_113 = arith.select %and3A_110, %sub3A_112, %div3A_91 : i32
    %multiple_of3A_114 = tpu.assume_multiple %select_n3A_113, 32 : i32
    %dma_wait3A = arith.constant 0 : i32
    %dma_wait3A_115 = arith.constant 0 : i32
    %dma_wait3A_116 = arith.constant 0 : i32
    %dma_wait3A_117 = arith.constant 0 : i32
    %dma_wait3A_118 = tpu.memref_slice %arg5[%dma_wait3A, %dma_wait3A_116, %dma_wait3A_117] : memref<2x32x128xf32, #tpu.memory_space<vmem>> -> memref<1x32x128xf32, #tpu.memory_space<vmem>>
    %dma_wait3A_119 = tpu.memref_squeeze %dma_wait3A_118 : memref<1x32x128xf32, #tpu.memory_space<vmem>> -> memref<32x128xf32, #tpu.memory_space<vmem>>
    %dma_wait3A_120 = arith.constant 0 : i32
    %dma_wait3A_121 = tpu.memref_slice %arg3[%multiple_of3A_114, %dma_wait3A_120] : memref<250016x128xf32, #tpu.memory_space<hbm>> -> memref<32x128xf32, #tpu.memory_space<hbm>>
    %dma_wait3A_122 = tpu.memref_slice %arg7[%dma_wait3A_115] : memref<2x!tpu.dma_semaphore, #tpu.memory_space<semaphore_mem>> -> memref<1x!tpu.dma_semaphore, #tpu.memory_space<semaphore_mem>>
    %dma_wait3A_123 = tpu.memref_squeeze %dma_wait3A_122 : memref<1x!tpu.dma_semaphore, #tpu.memory_space<semaphore_mem>> -> memref<!tpu.dma_semaphore, #tpu.memory_space<semaphore_mem>>
    %dma_wait3A_124 = arith.constant 0 : i32
    %dma_wait3A_125 = tpu.memref_slice %arg3[%multiple_of3A_114, %dma_wait3A_124] : memref<250016x128xf32, #tpu.memory_space<hbm>> -> memref<32x128xf32, #tpu.memory_space<hbm>>
    %dma_wait3A_126 = arith.constant 0 : i32
    %dma_wait3A_127 = arith.constant 0 : i32
    %dma_wait3A_128 = tpu.memref_slice %arg5[%dma_wait3A, %dma_wait3A_126, %dma_wait3A_127] : memref<2x32x128xf32, #tpu.memory_space<vmem>> -> memref<1x32x128xf32, #tpu.memory_space<vmem>>
    %dma_wait3A_129 = tpu.memref_squeeze %dma_wait3A_128 : memref<1x32x128xf32, #tpu.memory_space<vmem>> -> memref<32x128xf32, #tpu.memory_space<vmem>>
    tpu.wait_dma2 semaphore(%dma_wait3A_123 : memref<!tpu.dma_semaphore, #tpu.memory_space<semaphore_mem>>) src(%dma_wait3A_129 : memref<32x128xf32, #tpu.memory_space<vmem>>) dst(%dma_wait3A_125 : memref<32x128xf32, #tpu.memory_space<hbm>>)
    %mul3A_130 = arith.constant 128 : i32
    %mul3A_131 = arith.muli %mul3A_130, %mul3A_2 : i32
    %min3A_132 = arith.constant 999936 : i32
    %min3A_133 = arith.minsi %mul3A_131, %min3A_132 : i32
    %jit3A_134 = arith.constant 4 : i32
    %div3A_135 = arith.divsi %min3A_133, %jit3A_134 : i32
    %sign3A_136 = arith.constant 0 : i32
    %sign3A_137 = arith.cmpi sgt, %min3A_133, %sign3A_136 : i32
    %sign3A_138 = arith.extui %sign3A_137 : i1 to i32
    %sign3A_139 = arith.constant 0 : i32
    %sign3A_140 = arith.cmpi slt, %min3A_133, %sign3A_139 : i32
    %sign3A_141 = arith.extui %sign3A_140 : i1 to i32
    %sign3A_142 = arith.subi %sign3A_138, %sign3A_141 : i32
    %sign3A_143 = arith.constant 0 : i32
    %sign3A_144 = arith.cmpi sgt, %jit3A_134, %sign3A_143 : i32
    %sign3A_145 = arith.extui %sign3A_144 : i1 to i32
    %sign3A_146 = arith.constant 0 : i32
    %sign3A_147 = arith.cmpi slt, %jit3A_134, %sign3A_146 : i32
    %sign3A_148 = arith.extui %sign3A_147 : i1 to i32
    %sign3A_149 = arith.subi %sign3A_145, %sign3A_148 : i32
    %ne3A_150 = arith.cmpi ne, %sign3A_142, %sign3A_149 : i32
    %rem3A_151 = arith.remsi %min3A_133, %jit3A_134 : i32
    %ne3A_152 = arith.constant 0 : i32
    %ne3A_153 = arith.cmpi ne, %rem3A_151, %ne3A_152 : i32
    %and3A_154 = arith.andi %ne3A_150, %ne3A_153 : i1
    %sub3A_155 = arith.constant 1 : i32
    %sub3A_156 = arith.subi %div3A_135, %sub3A_155 : i32
    %select_n3A_157 = arith.select %and3A_154, %sub3A_156, %div3A_135 : i32
    %multiple_of3A_158 = tpu.assume_multiple %select_n3A_157, 32 : i32
    %dma_wait3A_159 = arith.constant 1 : i32
    %dma_wait3A_160 = arith.constant 1 : i32
    %dma_wait3A_161 = arith.constant 0 : i32
    %dma_wait3A_162 = arith.constant 0 : i32
    %dma_wait3A_163 = tpu.memref_slice %arg5[%dma_wait3A_159, %dma_wait3A_161, %dma_wait3A_162] : memref<2x32x128xf32, #tpu.memory_space<vmem>> -> memref<1x32x128xf32, #tpu.memory_space<vmem>>
    %dma_wait3A_164 = tpu.memref_squeeze %dma_wait3A_163 : memref<1x32x128xf32, #tpu.memory_space<vmem>> -> memref<32x128xf32, #tpu.memory_space<vmem>>
    %dma_wait3A_165 = arith.constant 0 : i32
    %dma_wait3A_166 = tpu.memref_slice %arg3[%multiple_of3A_158, %dma_wait3A_165] : memref<250016x128xf32, #tpu.memory_space<hbm>> -> memref<32x128xf32, #tpu.memory_space<hbm>>
    %dma_wait3A_167 = tpu.memref_slice %arg7[%dma_wait3A_160] : memref<2x!tpu.dma_semaphore, #tpu.memory_space<semaphore_mem>> -> memref<1x!tpu.dma_semaphore, #tpu.memory_space<semaphore_mem>>
    %dma_wait3A_168 = tpu.memref_squeeze %dma_wait3A_167 : memref<1x!tpu.dma_semaphore, #tpu.memory_space<semaphore_mem>> -> memref<!tpu.dma_semaphore, #tpu.memory_space<semaphore_mem>>
    %dma_wait3A_169 = arith.constant 0 : i32
    %dma_wait3A_170 = tpu.memref_slice %arg3[%multiple_of3A_158, %dma_wait3A_169] : memref<250016x128xf32, #tpu.memory_space<hbm>> -> memref<32x128xf32, #tpu.memory_space<hbm>>
    %dma_wait3A_171 = arith.constant 0 : i32
    %dma_wait3A_172 = arith.constant 0 : i32
    %dma_wait3A_173 = tpu.memref_slice %arg5[%dma_wait3A_159, %dma_wait3A_171, %dma_wait3A_172] : memref<2x32x128xf32, #tpu.memory_space<vmem>> -> memref<1x32x128xf32, #tpu.memory_space<vmem>>
    %dma_wait3A_174 = tpu.memref_squeeze %dma_wait3A_173 : memref<1x32x128xf32, #tpu.memory_space<vmem>> -> memref<32x128xf32, #tpu.memory_space<vmem>>
    tpu.wait_dma2 semaphore(%dma_wait3A_168 : memref<!tpu.dma_semaphore, #tpu.memory_space<semaphore_mem>>) src(%dma_wait3A_174 : memref<32x128xf32, #tpu.memory_space<vmem>>) dst(%dma_wait3A_170 : memref<32x128xf32, #tpu.memory_space<hbm>>)
    return
  }
}

</mosaic_0001>

<sc_bundles>
// kernel: _embed.11.cloned.1.call-start
scs
__scs_entry_jumppad:
0x0: {  	(pc) =	sbr.rel $0x88, $3  }
0x1: {  	(tag) =	ssettag $0x0;
	lr =	simm.s32 $0x1  }
0x2: {  	[smem:$0x3F9F] =	sst lr;
	_ =	strace $0xD0000000  }
0x3: {  	_ = 	snop  }
0x4: {  	_ = 	snop  }
0x5: {  	_ = 	snop  }
0x6: {  	_ = 	snop  }
0x7: {  	_ = 	snop  }
__scs_overlays_trampoline_lowered:
0x8: {  	[smem:$0x3FAE] =	sst s0  }
0x9: {  	[smem:$0x3FAF] =	sst s1  }
0xa: {  	[smem:$0x3FB0] =	sst s2  }
0xb: {  	[smem:$0x3FB1] =	sst s3  }
0xc: {  	[smem:$0x3FB2] =	sst s4  }
0xd: {  	[smem:$0x3FB3] =	sst s5  }
0xe: {  	[smem:$0x3FB4] =	sst s6  }
0xf: {  	[smem:$0x3FB5] =	sst s7  }
0x10: {  	[smem:$0x3FB6] =	sst s8  }
0x11: {  	[smem:$0x3FB7] =	sst s9;
	s0 =	simm.s32 @!p0 $0x0  }
0x12: {  	s1 =	sld [smem:$0x3F9D];
	s0 =	simm.s32 @p0 $0x1  }
0x13: {  	[smem:$0x3FB8] =	sst s0;
	s0 =	simm.s32 @!p1 $0x0  }
0x14: {  	s2 =	sld [smem:$0x3F9C];
	s0 =	simm.s32 @p1 $0x1  }
0x15: {  	[smem:$0x3FB9] =	sst s0;
	s0 =	simm.s32 @!p2 $0x0  }
0x16: {  	s3 =	sld [smem:$0x3FDB];
	s0 =	simm.s32 @p2 $0x1  }
0x17: {  	s4 =	simm.s32 $0x1BF5;
	[smem:$0x3FBB] =	sst s0  }
0x18: {  	s0 =	sld [smem:$0x3F9E];
	_ =	swait.ge [sflag:s4], $0x0  }
0x19: {  	s7 =	sld [smem:$0x3F9F]  }
0x1a: {  	s8 =	sadd.s32 $0xFFFFE003, lr  }
0x1b: {  	s9 =	sadd.s32 $0xFFFFFEF7, lr;
	s5 =	simm.s32 $0xFFFFFFFF;
	p2 =	slt.u32 s8, $0xFFFFF086  }
0x1c: {  	p1 =	slt.u32 s9, $0xF7A;
	s5 =	simm.s32 @!p2 $0x0  }
0x1d: {  	s5 =	simm.s32 @p1 $0x1;
	p0 =	seq.s32 s7, s2  }
0x1e: {  	s7 =	smul.u32 @!p0 $0xF7A, s2;
	p2 =	seq.s32 @!p0 s5, $0x0  }
0x1f: {  	s9 =	smul.u32 $0xF7A, s1;
	s8 =	simm.s32 @!p0 $0x1BF5;
	p2 =	por !p2, p0  }
0x20: {  	[sflag:s8] =	ssyncset.s32 @!p0 $0xFFFFF086;
	s6 =	sadd.s32 @!p0 s3, s7;
	s7 =	simm.s32 @!p0 $0x108  }
0x21: {  	s3 =	sadd.s32 s3, s9;
	s6 =	sadd.s32 @!p0 $0x88, s6;
	s7 =	simm.s32 @p2 $0x1082  }
0x22: {  	[simem:s7], [sflag:s8] =	dma.local @!p0 [hbm:s6], $0xF7A  }
0x23: {  	s9 =	sor.u32 $0xD0000000, s2;
	s6 =	simm.s32 $0x108;
	_ =	swait.ge @!p0 [sflag:s8], $0x0  }
0x24: {  	s3 =	sadd.s32 $0x88, s3;
	s6 =	simm.s32 @!p1 $0x1082;
	[sflag:s4] =	ssyncset.s32 $0xFFFFF086  }
0x25: {  	[simem:s6], [sflag:s4] =	dma.local [hbm:s3], $0xF7A  }
0x26: {  	[smem:$0x3F9F] =	sst s1;
	(tag) =	ssettag s2;
	_ =	strace s9  }
0x27: {  	s1 =	sld [smem:$0x3FAF]  }
0x28: {  	s2 =	sld [smem:$0x3FB0]  }
0x29: {  	s4 =	sld [smem:$0x3FB2]  }
0x2a: {  	p0 =	seq.s32 s5, $0x0;
	s5 =	sld [smem:$0x3FB3]  }
0x2b: {  	s6 =	sld [smem:$0x3FB4]  }
0x2c: {  	s7 =	sld [smem:$0x3FB5]  }
0x2d: {  	s3 =	simm.s32 $0x108;
	s8 =	sld [smem:$0x3FB6]  }
0x2e: {  	s3 =	simm.s32 @!p0 $0x1082;
	s9 =	sld [smem:$0x3FB7]  }
0x2f: {  	lr =	sadd.s32 s0, s3;
	s0 =	sld [smem:$0x3FAE]  }
0x30: {  	s3 =	sld [smem:$0x3FB1]  }
0x31: {  	[smem:$0x3FBA] =	sst s10  }
0x32: {  	s10 =	sld [smem:$0x3FB8];
	_ =	sdelay $0x3  }
0x33: {  	p0 =	seq.s32 s10, $0x1;
	s10 =	sld [smem:$0x3FBA];
	_ =	sdelay $0x3  }
0x34: {  	[smem:$0x3FBA] =	sst s10  }
0x35: {  	s10 =	sld [smem:$0x3FB9];
	_ =	sdelay $0x3  }
0x36: {  	p1 =	seq.s32 s10, $0x1;
	s10 =	sld [smem:$0x3FBA];
	_ =	sdelay $0x3  }
0x37: {  	[smem:$0x3FBA] =	sst s10  }
0x38: {  	s10 =	sld [smem:$0x3FBB]  }
0x39: {  	_ = 	snop;
	(pc) =	sbr.ind lr, $3  }
0x3a: {  	_ = 	snop  }
0x3b: {  	_ = 	snop  }
0x3c: {  	p2 =	seq.s32 s10, $0x1;
	s10 =	sld [smem:$0x3FBA]  }
0x3d: {  	_ =	shalt  }
0x3e: {  	_ =	shalt  }
0x3f: {  	_ =	shalt  }
0x40: {  	_ =	shalt  }
0x41: {  	_ =	shalt  }
0x42: {  	_ =	shalt  }
0x43: {  	_ =	shalt  }
0x44: {  	_ =	shalt  }
0x45: {  	_ =	shalt  }
0x46: {  	_ =	shalt  }
0x47: {  	_ =	shalt  }
0x48: {  	_ =	shalt  }
0x49: {  	_ =	shalt  }
0x4a: {  	_ =	shalt  }
0x4b: {  	_ =	shalt  }
0x4c: {  	_ =	shalt  }
0x4d: {  	_ =	shalt  }
0x4e: {  	_ =	shalt  }
0x4f: {  	_ =	shalt  }
0x50: {  	_ =	shalt  }
0x51: {  	_ =	shalt  }
0x52: {  	_ =	shalt  }
0x53: {  	_ =	shalt  }
0x54: {  	_ =	shalt  }
0x55: {  	_ =	shalt  }
0x56: {  	_ =	shalt  }
0x57: {  	_ =	shalt  }
0x58: {  	_ =	shalt  }
0x59: {  	_ =	shalt  }
0x5a: {  	_ =	shalt  }
0x5b: {  	_ =	shalt  }
0x5c: {  	_ =	shalt  }
0x5d: {  	_ =	shalt  }
0x5e: {  	_ =	shalt  }
0x5f: {  	_ =	shalt  }
0x60: {  	_ =	shalt  }
0x61: {  	_ =	shalt  }
0x62: {  	_ =	shalt  }
0x63: {  	_ =	shalt  }
0x64: {  	_ =	shalt  }
0x65: {  	_ =	shalt  }
0x66: {  	_ =	shalt  }
0x67: {  	_ =	shalt  }
0x68: {  	_ =	shalt  }
0x69: {  	_ =	shalt  }
0x6a: {  	_ =	shalt  }
0x6b: {  	_ =	shalt  }
0x6c: {  	_ =	shalt  }
0x6d: {  	_ =	shalt  }
0x6e: {  	_ =	shalt  }
0x6f: {  	_ =	shalt  }
0x70: {  	_ =	shalt  }
0x71: {  	_ =	shalt  }
0x72: {  	_ =	shalt  }
0x73: {  	_ =	shalt  }
0x74: {  	_ =	shalt  }
0x75: {  	_ =	shalt  }
0x76: {  	_ =	shalt  }
0x77: {  	_ =	shalt  }
0x78: {  	_ =	shalt  }
0x79: {  	_ =	shalt  }
0x7a: {  	_ =	shalt  }
0x7b: {  	_ =	shalt  }
0x7c: {  	_ =	shalt  }
0x7d: {  	_ =	shalt  }
0x7e: {  	_ =	shalt  }
0x7f: {  	_ =	shalt  }
0x80: {  	_ =	shalt  }
0x81: {  	_ =	shalt  }
0x82: {  	_ =	shalt  }
0x83: {  	_ =	shalt  }
0x84: {  	_ =	shalt  }
0x85: {  	_ =	shalt  }
0x86: {  	_ =	shalt  }
0x87: {  	_ =	shalt  }
.Lfunc_end0:
.L_simem_size_0:
called_computation.2_lowered:
.L_overlay_start_0:
0x88: {  	s2 =	sld [smem:$0x3FD9]  }
0x89: {  	s3 =	sld [smem:$0x3FFE];
	_ =	sdelay $0x1  }
0x8a: {  	s1 =	srdreg.scid  }
0x8b: {  	s0 =	sand.u32 $0x1, s1  }
0x8c: {  	s17 =	sshll.u32 s0, $0xA;
	s2 =	sadd.s32 s3, s2  }
0x8d: {  	s2 =	sadd.s32 s2, s17  }
0x8e: {  	[smem:$0x3FC6] =	sst s2  }
0x8f: {  	_ = 	snop  }
0x90: {  	s2 =	sld [smem:$0x3FD0];
	(tm) =	ssettm $0x1  }
0x91: {  	s18 =	sld [smem:$0x3FFB];
	_ =	sdelay $0x3  }
0x92: {  	_ =	strace s18  }
0x93: {  	s3 =	sld [smem:$0x3FFC];
	_ =	sdelay $0x3  }
0x94: {  	_ =	strace s3  }
0x95: {  	s3 =	sld [smem:$0x3FFD];
	_ =	sdelay $0x3  }
0x96: {  	_ =	strace s3  }
0x97: {  	_ =	strace $0x8FFFFFFF  }
0x98: {  	s19 =	sld [smem:$0x3FDB];
	_ =	sdelay $0x1  }
0x99: {  	s4 =	simm.s32 $_scs_section_size  }
0x9a: {  	s5 =	simm.s32 $_size__tile_overlayer_lowered;
	s6 =	simm.s32 $_tile_overlayer_lowered  }
0x9b: {  	s22 =	simm.s32 $0x1BFF;
	s21 =	sshll.u32 s6, $0x1;
	s3 =	sadd.s32 s4, s19  }
0x9c: {  	s7 =	simm.s32 $0x0;
	s20 =	sshll.u32 s5, $0x1;
	s5 =	sadd.s32 s21, s3  }
0x9d: {  	[timem:s7], [sflag:s22] =	dma.local [hbm:s5], s20  }
0x9e: {  	_ =	swait.ge [sflag:s22], s20  }
0x9f: {  	s4 =	ssub.s32 $0x0, s20;
	[sflag:s22] =	ssyncset.done $0x0  }
0xa0: {  	[sflag:s22] =	ssyncadd.s32 s4;
	_ =	sdelay $0x1  }
0xa1: {  	s23 =	simm.s32 $0x1B8B  }
0xa2: {  	_ =	swait.ge [sflag:s23], $0x1  }
0xa3: {  	[sflag:s23] =	ssyncset.done $0x0  }
0xa4: {  	s25 =	simm.s32 $0x1B8E;
	s24 =	sld [smem:$0x3FFE];
	[sflag:s23] =	ssyncadd.s32 $0xFFFFFFFF  }
0xa5: {  	s26 =	simm.s32 $execute0_lowered;
	[smem:$0x3FD2] =	sst s25  }
0xa6: {  	s5 =	sshll.u32 s26, $0x1;
	_ =	strace $0x8000004C;
	[dreg:$0x1] =	wrdreg $0xFFFFFFFF  }
0xa7: {  	s28 =	simm.s32 $_size_execute0_lowered;
	s3 =	sadd.s32 s3, s5;
	[dreg:$0x0] =	wrdreg $0x0  }
0xa8: {  	s5 =	sshll.u32 s28, $0x1;
	[dreg:$0x2] =	wrdreg s3  }
0xa9: {  	[dreg:$0x3] =	wrdreg s5  }
0xaa: {  	[dreg:$0x4] =	wrdreg $0xC0  }
0xab: {  	_ =	task [dreg:s7], $0x5FFFF  }
0xac: {  	[dreg:$0x1] =	wrdreg $0xFFFFFFFF  }
0xad: {  	[dreg:$0x0] =	wrdreg $0x60  }
0xae: {  	[dreg:$0x2] =	wrdreg s24  }
0xaf: {  	[dreg:$0x3] =	wrdreg s2  }
0xb0: {  	[dreg:$0x4] =	wrdreg $0x9  }
0xb1: {  	_ =	task.clear_ibuf [dreg:s7], $0x5FFFF;
	_ =	strace $0x9000004C  }
0xb2: {  	s29 =	simm.s32 $0x9;
	_ =	strace $0x8000004E  }
0xb3: {  	_ =	swait.ge [sflag:s29], $0x1  }
0xb4: {  	[sflag:s29] =	ssyncadd.s32 $0xFFFFFFFF  }
0xb5: {  	_ =	strace $0x9000004E  }
0xb6: {  	_ =	sfence  }
0xb7: {  	s30 =	sld [smem:$0x0];
	_ =	sdelay $0x2  }
0xb8: {  	s31 =	sshll.u32 s1, $0xD;
	s1 =	sshrl.u32 s1, $0x2  }
0xb9: {  	s3 =	sand.u32 $0x4000, s31;
	s1 =	sadd.s32 s1, s30  }
0xba: {  	s0 =	sor.u32 s3, s0;
	s1 =	sshll.u32 s1, $0x11  }
0xbb: {  	s0 =	sor.u32 s1, s0  }
0xbc: {  	s0 =	sadd.s32 $0x8F2B, s0  }
0xbd: {  	[sflag:s0] =	ssyncadd.remote.s32 $0x1  }
0xbe: {  	_ =	sfence.sel $0xFFFF  }
0xbf: {  	[dreg:$0x0] =	wrdreg $0xFFFFFFFF;
	(pc) =	sbr.abs _section_cstart, $3  }
0xc0: {  	[dreg:$0x1] =	wrdreg $0xFFFFFFFF  }
0xc1: {  	_ =	task.clear_ibuf [dreg:s7], $0x2FFFF;
	_ =	strace $0x9FFFFFFF  }
0xc2: {  	(tm) =	ssettm $0x7FFFFFFF  }
0xc3: {  	_ =	shalt  }
tec
execute0_lowered:
.L_overlay_start_1:
0x0: {  	(tag) =	ssettag $0x1  }
0x1: {  	s0 =	rddreg [dreg:$0x0]  }
0x2: {  	s15 =	rddreg [dreg:$0x1]  }
0x3: {  	s1 =	srdreg.scid;
	s2 =	stileid.u32;
	s3 =	simm.s32 $0x0  }
0x4: {  	s17 =	simm.s32 $0x4000;
	s18 =	simm.s32 $0x1;
	s19 =	simm.s32 $0x8000  }
0x5: {  	s22 =	simm.s32 $0xB000;
	s23 =	simm.s32 $0x2;
	s24 =	simm.s32 $0xC000  }
0x6: {  	s25 =	simm.s32 $0xD000;
	s26 =	simm.s32 $0xE000;
	s28 =	simm.s32 $0xF000  }
0x7: {  	s1 =	sand.u32 $0x1, s1;
	s2 =	sshll.u32 s2, $0x1;
	[smem:$0x7FF] =	sst s3  }
0x8: {  	s8 =	sadd.s32 $0x4000, s15;
	s9 =	sadd.s32 $0x8000, s15;
	s10 =	sadd.s32 $0xC000, s15  }
0x9: {  	s12 =	sadd.s32 $0x10000, s15;
	s13 =	sadd.s32 $0x14000, s15;
	s2 =	sor.u32 s1, s2  }
0xa: {  	v0 =	vlaneseq.u32;
	v10 =	vimm.s32 $0x0;
	s14 =	sadd.s32 $0x18000, s15;
	s15 =	sadd.s32 $0x1C000, s15;
	s4 =	sshll.u32 s2, $0xB  }
0xb: {  	vm0 =	vcmask $0x300;
	v1 =	vand.u32 $0x3, v0;
	v2 =	vor.u32 $0x10, v0;
	s1 =	ssub.s32 $0x2, s1;
	_ =	strace $0x8000004D;
	s0 =	sadd.s32 s4, s0  }
0xc: {  	v3 =	vor.u32 $0x20, v0;
	v4 =	vor.u32 $0x30, v0;
	v5 =	vor.u32 $0x40, v0;
	s5 =	sshrl.u32 s1, $0x1;
	s7 =	sshll.u32 s2, $0x9;
	s4 =	sadd.s32 $0x64E00, s0  }
0xd: {  	v6 =	vor.u32 $0x50, v0;
	v7 =	vor.u32 $0x60, v0;
	v1 =	vmul.u32 $0x20, v1;
	s1 =	ssub.s32 s1, s5;
	s30 =	sadd.s32 $0x74E00, s0;
	[dreg:$0x3] =	wrdreg s4  }
0xe: {  	v8 =	vor.u32 $0x70, v0;
	v9 =	vshrl.u32 v0, $0x2;
	v10 =	vsel vm0, $0xA, v10;
	s2 =	simm.s32 $0x0;
	s31 =	smax.u32 s1, $0x1;
	[dreg:$0x4] =	wrdreg s30  }
0xf: {  	v12 =	vor.u32 $0x2000, v0;
	v9 =	vmul.u32 $0x80, v9;
	v11 =	vor.u32 $0x10, v1;
	s6 =	sadd.s32 $0x84E00, s0;
	s11 =	sadd.s32 $0x94E00, s0;
	[dreg:$0x5] =	wrdreg s31  }
.LBB2_1:
0x10: {  	[dreg:$0x6] =	wrdreg s2  }
0x11: {  	s0 =	rddreg [dreg:$0x3]  }
0x12: {  	[tilespmem:s3], [sflag:$0x1] =	stream.linear.gather [hbm4b:s0+s3], $0x4000, $0x38;
	[tilespmem:$0x10000] =	vst v63  }
0x13: {  	s31 =	rddreg [dreg:$0x4];
	s0 =	simm.s32 $0x0  }
0x14: {  	[tilespmem:s17], [sflag:$0x2] =	stream.linear.gather [hbm4b:s31+s3], $0x4000, $0x38;
	[tilespmem:$0x10000] =	vst v63  }
.LBB2_2:
0x15: {  	_ =	swait.ge [sflag:s18], $0x4000  }
0x16: {  	p0 =	seq.s32 s0, $0x0;
	[sflag:s18] =	ssyncset.done $0x0  }
0x17: {  	s2 =	simm.s32 @!p0 $0x3;
	[sflag:s18] =	ssyncadd.s32 $0xFFFFC000  }
0x18: {  	_ =	swait.ge @!p0 [sflag:s2], $0x1000  }
0x19: {  	[sflag:s2] =	ssyncset.done @!p0 $0x0  }
0x1a: {  	[sflag:s2] =	ssyncadd.s32 @!p0 $0xFFFFF000  }
0x1b: {  	_ =	swait.ge @!p0 [sflag:s2], $0x1000  }
0x1c: {  	[sflag:s2] =	ssyncset.done @!p0 $0x0  }
0x1d: {  	[sflag:s2] =	ssyncadd.s32 @!p0 $0xFFFFF000  }
0x1e: {  	_ =	swait.ge @!p0 [sflag:s2], $0x1000  }
0x1f: {  	[sflag:s2] =	ssyncset.done @!p0 $0x0  }
0x20: {  	[sflag:s2] =	ssyncadd.s32 @!p0 $0xFFFFF000  }
0x21: {  	_ =	swait.ge @!p0 [sflag:s2], $0x1000  }
0x22: {  	s1 =	sshll.u32 s0, $0x11;
	[sflag:s2] =	ssyncset.done @!p0 $0x0  }
0x23: {  	s5 =	simm.s32 $0x0;
	s16 =	simm.s32 $0x0;
	[sflag:s2] =	ssyncadd.s32 @!p0 $0xFFFFF000  }
.LBB2_3:
0x24: {  	v13 =	vadd.s32 s16, v0  }
0x25: {  	v22 =	vmov s5;
	s2 =	simm.s32 $0x10;
	v14 =	vshll.u32 v13, $0x9;
	v15 =	vshll.u32 v13, $0x7  }
0x26: {  	s4 =	simm.s32 $0x20;
	s20 =	simm.s32 $0x30;
	s21 =	simm.s32 $0x70;
	v13 =	vand.u32 $0xF, v13;
	v22 =	vshrl.u32 v22, $0x7;
	v23 =	vmov s2  }
0x27: {  	s29 =	simm.s32 $0x1C;
	v24 =	vmov s4;
	v25 =	vmov s20;
	v28 =	vmov s21  }
0x28: {  	s4 =	simm.s32 $0x40;
	s20 =	simm.s32 $0x50;
	v29 =	vmov s29;
	v14 =	vand.u32 $0x1000, v14;
	v15 =	vand.u32 $0x380, v15  }
0x29: {  	s21 =	simm.s32 $0x4;
	v20 =	vor.u32 v1, v13;
	v26 =	vmov s4;
	v27 =	vmov s20  }
0x2a: {  	v22 =	vshll.u32 v22, v10;
	v23 =	vshrl.u32 v23, $0x7;
	v30 =	vmov s21  }
0x2b: {  	s4 =	simm.s32 $0x18;
	v29 =	vshll.u32 v29, $0x7;
	v24 =	vshrl.u32 v24, $0x7;
	v25 =	vshrl.u32 v25, $0x7  }
0x2c: {  	s20 =	simm.s32 $0x8;
	s21 =	simm.s32 $0xC;
	v28 =	vshrl.u32 v28, $0x7;
	v14 =	vor.u32 v14, v15;
	v31 =	vmov s4  }
0x2d: {  	v32 =	vmov s20;
	v33 =	vmov s21;
	v30 =	vshll.u32 v30, $0x7  }
0x2e: {  	v29 =	vor.u32 v9, v29;
	v26 =	vshrl.u32 v26, $0x7;
	v22 =	vbroadcast v22, $0x0  }
0x2f: {  	v23 =	vshll.u32 v23, v10;
	v27 =	vshrl.u32 v27, $0x7;
	v24 =	vshll.u32 v24, v10  }
0x30: {  	v25 =	vshll.u32 v25, v10;
	v19 =	vor.u32 v0, v14;
	v18 =	vor.u32 v2, v14  }
0x31: {  	v17 =	vor.u32 v3, v14;
	v16 =	vor.u32 v4, v14;
	v15 =	vor.u32 v5, v14  }
0x32: {  	s4 =	simm.s32 $0x0;
	s20 =	simm.s32 $0x10;
	v13 =	vor.u32 v6, v14;
	v21 =	vor.u32 v7, v14;
	v14 =	vor.u32 v8, v14  }
0x33: {  	s21 =	simm.s32 $0x14;
	v31 =	vshll.u32 v31, $0x7;
	v34 =	vmov s4;
	v35 =	vmov s20  }
0x34: {  	v36 =	vmov s21;
	v32 =	vshll.u32 v32, $0x7;
	v33 =	vshll.u32 v33, $0x7  }
0x35: {  	v30 =	vor.u32 v9, v30;
	v38 =	vor.u32 v20, v29;
	v23 =	vbroadcast v23, $0x0  }
0x36: {  	s20 =	simm.s32 $0x60;
	v24 =	vbroadcast v24, $0x0;
	v31 =	vor.u32 v9, v31;
	v34 =	vshll.u32 v34, $0x7  }
0x37: {  	v37 =	vmov s20;
	v35 =	vshll.u32 v35, $0x7;
	v31 =	vor.u32 v20, v31  }
0x38: {  	v30 =	vor.u32 v20, v30;
	v37 =	vshrl.u32 v37, $0x7;
	v34 =	vor.u32 v9, v34  }
0x39: {  	v32 =	vor.u32 v9, v32;
	v37 =	vshll.u32 v37, v10;
	v34 =	vor.u32 v20, v34  }
0x3a: {  	v33 =	vor.u32 v9, v33;
	v32 =	vor.u32 v20, v32;
	v37 =	vbroadcast v37, $0x0  }
0x3b: {  	v36 =	vshll.u32 v36, $0x7;
	v35 =	vor.u32 v9, v35;
	v33 =	vor.u32 v20, v33  }
0x3c: {  	v36 =	vor.u32 v9, v36;
	v35 =	vor.u32 v20, v35;
	v37 =	vor.u32 v37, v21;
	v29 =	vld.idx.msk [tilespmem:v31+s3+$0x0], $0xffff  }
0x3d: {  	v22 =	vor.u32 v22, v19;
	v40 =	vor.u32 v23, v18;
	v36 =	vor.u32 v20, v36;
	v39 =	vld.idx.msk [tilespmem:v30+s3+$0x0], $0xffff  }
0x3e: {  	s4 =	simm.s32 $0x80;
	v23 =	vbroadcast v25, $0x0;
	v25 =	vshll.u32 v26, v10;
	v42 =	vor.u32 v24, v17;
	v34 =	vld.idx.msk [tilespmem:v34+s3+$0x0], $0xffff  }
0x3f: {  	v26 =	vmov s4;
	v24 =	vbroadcast v25, $0x0;
	v25 =	vshll.u32 v27, v10;
	v41 =	vld.idx.msk [tilespmem:v32+s3+$0x0], $0xffff  }
0x40: {  	v44 =	vor.u32 v23, v16;
	v23 =	vbroadcast v25, $0x0;
	v25 =	vshll.u32 v28, v10;
	v43 =	vld.idx.msk [tilespmem:v33+s3+$0x0], $0xffff  }
0x41: {  	s21 =	simm.s32 $0x90;
	v27 =	vshrl.u32 v26, $0x7;
	v25 =	vbroadcast v25, $0x0;
	v31 =	vor.u32 v24, v15;
	[tilespmem:v37+s19+$0x0] =	vst.idx.msk $0xffff, v29;
	v29 =	vld.idx.msk [tilespmem:v35+s3+$0x0], $0xffff  }
0x42: {  	v28 =	vmov s21;
	v27 =	vshll.u32 v27, v10;
	v32 =	vor.u32 v23, v13;
	v30 =	vld.idx.msk [tilespmem:v36+s3+$0x0], $0xffff;
	[tilespmem:v40+s19+$0x0] =	vst.idx.msk $0xffff, v39  }
0x43: {  	s29 =	simm.s32 $0xF0;
	s20 =	simm.s32 $0xA0;
	s21 =	simm.s32 $0xB0;
	v28 =	vshrl.u32 v28, $0x7;
	v33 =	vld.idx.msk [tilespmem:v38+s3+$0x0], $0xffff;
	[tilespmem:v22+s19+$0x0] =	vst.idx.msk $0xffff, v34;
	v34 =	vor.u32 v25, v14  }
0x44: {  	v23 =	vmov s20;
	v24 =	vmov s21;
	s20 =	simm.s32 $0xC0;
	s21 =	simm.s32 $0xD0;
	[tilespmem:v42+s19+$0x0] =	vst.idx.msk $0xffff, v41;
	v22 =	vmov s29;
	s29 =	simm.s32 $0x3C  }
0x45: {  	s31 =	simm.s32 $0x38;
	s30 =	simm.s32 $0x100;
	s2 =	simm.s32 $0x24;
	v26 =	vmov s20;
	[tilespmem:v44+s19+$0x0] =	vst.idx.msk $0xffff, v43;
	v25 =	vmov s21;
	v35 =	vmov s29  }
.LBB2_4:
0x46: {  	p1 =	slt.u32 s30, $0x180;
	v36 =	vmov s2;
	s2 =	sadd.s32 $0xFFFFFFEC, s29;
	s20 =	sadd.s32 $0xFFFFFFF0, s29;
	v37 =	vmov s31;
	v35 =	vshll.u32 v35, $0x7;
	[tilespmem:v31+s19+$0x0] =	vst.idx.msk $0xffff, v29  }
0x47: {  	s31 =	sadd.s32 $0xFFFFFFE4, s29;
	v29 =	vmov s2;
	v31 =	vmov s20;
	s2 =	sadd.s32 $0xFFFFFFF4, s29;
	s20 =	sadd.s32 $0xFFFFFFF8, s29;
	v37 =	vshll.u32 v37, $0x7;
	[tilespmem:v32+s19+$0x0] =	vst.idx.msk $0xffff, v30  }
0x48: {  	v30 =	vmov s31;
	v32 =	vmov s2;
	v37 =	vor.u32 v9, v37;
	[tilespmem:v34+s19+$0x0] =	vst.idx.msk $0xffff, v33  }
0x49: {  	v30 =	vshll.u32 v30, $0x7;
	v33 =	vmov s20;
	s2 =	sadd.s32 $0x60, s4;
	s4 =	smov.u32 s30;
	v34 =	vor.u32 v20, v37  }
0x4a: {  	v36 =	vshll.u32 v36, $0x7;
	v29 =	vshll.u32 v29, $0x7;
	v37 =	vmov s2  }
0x4b: {  	v31 =	vshll.u32 v31, $0x7;
	v32 =	vshll.u32 v32, $0x7;
	v37 =	vshrl.u32 v37, $0x7  }
0x4c: {  	v30 =	vor.u32 v9, v30;
	v33 =	vshll.u32 v33, $0x7;
	v37 =	vshll.u32 v37, v10  }
0x4d: {  	v36 =	vor.u32 v9, v36;
	v29 =	vor.u32 v9, v29;
	v37 =	vbroadcast v37, $0x0  }
0x4e: {  	v31 =	vor.u32 v9, v31;
	v32 =	vor.u32 v9, v32;
	v33 =	vor.u32 v9, v33;
	v34 =	vld.idx.msk [tilespmem:v34+s3+$0x0], $0xffff  }
0x4f: {  	v35 =	vor.u32 v9, v35;
	v30 =	vor.u32 v20, v30;
	v37 =	vor.u32 v37, v21  }
0x50: {  	v36 =	vor.u32 v20, v36;
	v29 =	vor.u32 v20, v29;
	v31 =	vor.u32 v20, v31  }
0x51: {  	v35 =	vor.u32 v20, v35;
	v32 =	vor.u32 v20, v32;
	v33 =	vor.u32 v20, v33  }
0x52: {  	v23 =	vshrl.u32 v23, $0x7;
	v24 =	vshrl.u32 v24, $0x7;
	v26 =	vshrl.u32 v26, $0x7  }
0x53: {  	v27 =	vbroadcast v27, $0x0;
	v28 =	vshll.u32 v28, v10;
	v25 =	vshrl.u32 v25, $0x7  }
0x54: {  	v22 =	vshrl.u32 v22, $0x7;
	v28 =	vbroadcast v28, $0x0;
	v23 =	vshll.u32 v23, v10;
	v38 =	vld.idx.msk [tilespmem:v30+s3+$0x0], $0xffff;
	[tilespmem:v37+s19+$0x0] =	vst.idx.msk $0xffff, v34  }
0x55: {  	v24 =	vshll.u32 v24, v10;
	v27 =	vor.u32 v27, v19;
	v23 =	vbroadcast v23, $0x0;
	v34 =	vld.idx.msk [tilespmem:v36+s3+$0x0], $0xffff  }
0x56: {  	v26 =	vshll.u32 v26, v10;
	v24 =	vbroadcast v24, $0x0;
	v28 =	vor.u32 v28, v18;
	v36 =	vld.idx.msk [tilespmem:v29+s3+$0x0], $0xffff  }
0x57: {  	v25 =	vshll.u32 v25, v10;
	v37 =	vor.u32 v23, v17;
	v23 =	vbroadcast v26, $0x0;
	v39 =	vld.idx.msk [tilespmem:v31+s3+$0x0], $0xffff  }
0x58: {  	v22 =	vshll.u32 v22, v10;
	v40 =	vor.u32 v24, v16;
	v24 =	vbroadcast v25, $0x0;
	v29 =	vld.idx.msk [tilespmem:v32+s3+$0x0], $0xffff  }
.Ltmp0:
0x59: {  	v22 =	vbroadcast v22, $0x0;
	s2 =	sadd.s32 $0x10, s30;
	v25 =	vmov s30;
	v31 =	vor.u32 v23, v15;
	v30 =	vld.idx.msk [tilespmem:v33+s3+$0x0], $0xffff;
	(pc) =	sbr.rel @p1 .LBB2_4-.Ltmp0, $4  }
0x5a: {  	s20 =	sadd.s32 $0x30, s30;
	v42 =	vmov s2;
	s2 =	sadd.s32 $0x20, s30;
	v41 =	vshrl.u32 v25, $0x7;
	v32 =	vor.u32 v24, v13;
	[tilespmem:v27+s19+$0x0] =	vst.idx.msk $0xffff, v38;
	v33 =	vld.idx.msk [tilespmem:v35+s3+$0x0], $0xffff  }
0x5b: {  	s31 =	sadd.s32 $0x70, s30;
	v23 =	vmov s2;
	s2 =	sadd.s32 $0x40, s30;
	v24 =	vmov s20;
	s20 =	sadd.s32 $0x50, s30;
	[tilespmem:v28+s19+$0x0] =	vst.idx.msk $0xffff, v34;
	v34 =	vor.u32 v22, v14  }
0x5c: {  	s29 =	sadd.s32 $0x20, s29;
	v26 =	vmov s2;
	v25 =	vmov s20;
	v22 =	vmov s31;
	[tilespmem:v37+s19+$0x0] =	vst.idx.msk $0xffff, v36  }
0x5d: {  	s2 =	sadd.s32 $0xFFFFFFE8, s29;
	s30 =	sadd.s32 $0x80, s30;
	v27 =	vshll.u32 v41, v10;
	v35 =	vmov s29;
	v28 =	vshrl.u32 v42, $0x7;
	s31 =	sadd.s32 $0xFFFFFFFC, s29;
	[tilespmem:v40+s19+$0x0] =	vst.idx.msk $0xffff, v39  }
0x5e: {  	v37 =	vmov s2;
	v38 =	vmov s31;
	v35 =	vshll.u32 v35, $0x7  }
0x5f: {  	v23 =	vshrl.u32 v23, $0x7;
	v24 =	vshrl.u32 v24, $0x7;
	v26 =	vshrl.u32 v26, $0x7  }
0x60: {  	s4 =	sadd.s32 $0x60, s4;
	s21 =	sadd.s32 $0xFFFFFFF0, s29;
	v27 =	vbroadcast v27, $0x0;
	v28 =	vshll.u32 v28, v10;
	v25 =	vshrl.u32 v25, $0x7  }
0x61: {  	s20 =	sadd.s32 $0xFFFFFFE4, s29;
	s30 =	sadd.s32 $0xFFFFFFF4, s29;
	v22 =	vshrl.u32 v22, $0x7;
	v36 =	vmov s4;
	v40 =	vmov s21  }
0x62: {  	s31 =	sadd.s32 $0xFFFFFFF8, s29;
	v38 =	vshll.u32 v38, $0x7;
	v41 =	vmov s20;
	v42 =	vmov s30  }
0x63: {  	v52 =	vmov s31;
	v37 =	vshll.u32 v37, $0x7;
	v35 =	vor.u32 v9, v35  }
0x64: {  	s4 =	sadd.s32 $0xFFFFFFEC, s29;
	v28 =	vbroadcast v28, $0x0;
	v24 =	vshll.u32 v24, v10;
	v22 =	vshll.u32 v22, v10  }
0x65: {  	v36 =	vshrl.u32 v36, $0x7;
	v39 =	vmov s4;
	v38 =	vor.u32 v9, v38  }
0x66: {  	v41 =	vshll.u32 v41, $0x7;
	v40 =	vshll.u32 v40, $0x7;
	v42 =	vshll.u32 v42, $0x7  }
0x67: {  	[tilespmem:v31+s19+$0x0] =	vst.idx.msk $0xffff, v29;
	v37 =	vor.u32 v9, v37;
	v53 =	vor.u32 v20, v35;
	v22 =	vbroadcast v22, $0x0  }
0x68: {  	[tilespmem:v32+s19+$0x0] =	vst.idx.msk $0xffff, v30;
	v36 =	vshll.u32 v36, v10;
	v38 =	vor.u32 v20, v38;
	v39 =	vshll.u32 v39, $0x7  }
0x69: {  	v41 =	vor.u32 v9, v41;
	v40 =	vor.u32 v9, v40;
	v37 =	vor.u32 v20, v37  }
0x6a: {  	[tilespmem:v34+s19+$0x0] =	vst.idx.msk $0xffff, v33;
	v42 =	vor.u32 v9, v42;
	v36 =	vbroadcast v36, $0x0;
	v41 =	vor.u32 v20, v41  }
0x6b: {  	v39 =	vor.u32 v9, v39;
	v40 =	vor.u32 v20, v40;
	v42 =	vor.u32 v20, v42  }
0x6c: {  	v14 =	vor.u32 v22, v14;
	v21 =	vor.u32 v36, v21;
	v36 =	vshll.u32 v52, $0x7;
	v63 =	vld.idx.msk [tilespmem:v53+s3+$0x0], $0xffff  }
0x6d: {  	v26 =	vshll.u32 v26, v10;
	v39 =	vor.u32 v20, v39;
	v36 =	vor.u32 v9, v36;
	v54 =	vld.idx.msk [tilespmem:v38+s3+$0x0], $0xffff  }
0x6e: {  	v24 =	vbroadcast v24, $0x0;
	v18 =	vor.u32 v28, v18;
	v36 =	vor.u32 v20, v36;
	v56 =	vld.idx.msk [tilespmem:v37+s3+$0x0], $0xffff  }
0x6f: {  	v23 =	vshll.u32 v23, v10;
	v19 =	vor.u32 v27, v19;
	v58 =	vbroadcast v26, $0x0;
	v55 =	vld.idx.msk [tilespmem:v41+s3+$0x0], $0xffff  }
0x70: {  	v25 =	vshll.u32 v25, v10;
	v23 =	vbroadcast v23, $0x0;
	v16 =	vor.u32 v24, v16;
	v59 =	vld.idx.msk [tilespmem:v40+s3+$0x0], $0xffff  }
0x71: {  	v60 =	vbroadcast v25, $0x0;
	v15 =	vor.u32 v58, v15;
	v61 =	vld.idx.msk [tilespmem:v42+s3+$0x0], $0xffff;
	[tilespmem:v14+s19+$0x0] =	vst.idx.msk $0xffff, v63  }
0x72: {  	s16 =	sadd.s32 $0x1, s16;
	v17 =	vor.u32 v23, v17;
	v57 =	vld.idx.msk [tilespmem:v39+s3+$0x0], $0xffff;
	[tilespmem:v21+s19+$0x0] =	vst.idx.msk $0xffff, v54  }
0x73: {  	p1 =	sne.s32 s16, $0x10;
	v13 =	vor.u32 v60, v13;
	v62 =	vld.idx.msk [tilespmem:v36+s3+$0x0], $0xffff;
	[tilespmem:v18+s19+$0x0] =	vst.idx.msk $0xffff, v56  }
.Ltmp1:
0x74: {  	[tilespmem:v19+s19+$0x0] =	vst.idx.msk $0xffff, v55;
	(pc) =	sbr.rel @p1 .LBB2_3-.Ltmp1, $4  }
0x75: {  	[tilespmem:v16+s19+$0x0] =	vst.idx.msk $0xffff, v59  }
0x76: {  	[tilespmem:v15+s19+$0x0] =	vst.idx.msk $0xffff, v61  }
0x77: {  	[tilespmem:v17+s19+$0x0] =	vst.idx.msk $0xffff, v57  }
0x78: {  	s4 =	simm.s32 $0x0;
	[tilespmem:v13+s19+$0x0] =	vst.idx.msk $0xffff, v62  }
0x79: {  	s5 =	simm.s32 $0x0  }
.LBB2_7:
0x7a: {  	v13 =	vadd.s32 s5, v0  }
0x7b: {  	v23 =	vmov s4;
	s16 =	simm.s32 $0x20;
	v14 =	vshll.u32 v13, $0x9  }
0x7c: {  	s20 =	simm.s32 $0x30;
	s21 =	simm.s32 $0x70;
	s29 =	simm.s32 $0x1C;
	v15 =	vshll.u32 v13, $0x7;
	v20 =	vor.u32 v11, v13;
	v24 =	vmov s16  }
0x7d: {  	v25 =	vmov s20;
	s16 =	simm.s32 $0x40;
	v28 =	vmov s21;
	v29 =	vmov s29  }
0x7e: {  	s20 =	simm.s32 $0x50;
	s21 =	simm.s32 $0x4;
	v14 =	vand.u32 $0x1000, v14;
	v15 =	vand.u32 $0x380, v15;
	v26 =	vmov s16  }
0x7f: {  	v27 =	vmov s20;
	v30 =	vmov s21;
	v29 =	vshll.u32 v29, $0x7  }
0x80: {  	s16 =	simm.s32 $0x18;
	s20 =	simm.s32 $0x8;
	v24 =	vshrl.u32 v24, $0x7;
	v25 =	vshrl.u32 v25, $0x7;
	v28 =	vshrl.u32 v28, $0x7  }
0x81: {  	s21 =	simm.s32 $0xC;
	v14 =	vor.u32 v15, v14;
	v31 =	vmov s16;
	v32 =	vmov s20  }
0x82: {  	v33 =	vmov s21;
	v30 =	vshll.u32 v30, $0x7;
	v29 =	vor.u32 v9, v29  }
0x83: {  	v26 =	vshrl.u32 v26, $0x7;
	v27 =	vshrl.u32 v27, $0x7;
	v24 =	vshll.u32 v24, v10  }
0x84: {  	s16 =	simm.s32 $0x0;
	s20 =	simm.s32 $0x10;
	v25 =	vshll.u32 v25, v10;
	v22 =	vor.u32 $0x2000, v14;
	v19 =	vor.u32 v12, v14  }
0x85: {  	s21 =	simm.s32 $0x14;
	v31 =	vshll.u32 v31, $0x7;
	v34 =	vmov s16;
	v35 =	vmov s20  }
0x86: {  	v36 =	vmov s21;
	v32 =	vshll.u32 v32, $0x7;
	v33 =	vshll.u32 v33, $0x7  }
0x87: {  	v30 =	vor.u32 v9, v30;
	v38 =	vadd.s32 v20, v29;
	v18 =	vor.u32 v2, v22  }
0x88: {  	v17 =	vor.u32 v3, v22;
	v16 =	vor.u32 v4, v22;
	v15 =	vor.u32 v5, v22  }
0x89: {  	s2 =	simm.s32 $0x10;
	v13 =	vor.u32 v6, v22;
	v21 =	vor.u32 v7, v22;
	v14 =	vor.u32 v8, v22  }
0x8a: {  	s20 =	simm.s32 $0x60;
	v22 =	vshrl.u32 v23, $0x7;
	v23 =	vmov s2;
	v31 =	vor.u32 v9, v31  }
0x8b: {  	v34 =	vshll.u32 v34, $0x7;
	v37 =	vmov s20;
	v35 =	vshll.u32 v35, $0x7  }
0x8c: {  	v36 =	vshll.u32 v36, $0x7;
	v32 =	vor.u32 v9, v32;
	v33 =	vor.u32 v9, v33  }
0x8d: {  	v30 =	vadd.s32 v20, v30;
	v22 =	vshll.u32 v22, v10;
	v31 =	vadd.s32 v20, v31  }
0x8e: {  	v23 =	vshrl.u32 v23, $0x7;
	v37 =	vshrl.u32 v37, $0x7;
	v34 =	vor.u32 v9, v34  }
0x8f: {  	v35 =	vor.u32 v9, v35;
	v37 =	vshll.u32 v37, v10;
	v34 =	vadd.s32 v20, v34  }
0x90: {  	v32 =	vadd.s32 v20, v32;
	v23 =	vshll.u32 v23, v10;
	v37 =	vbroadcast v37, $0x0  }
0x91: {  	v36 =	vor.u32 v9, v36;
	v33 =	vadd.s32 v20, v33;
	v23 =	vbroadcast v23, $0x0  }
0x92: {  	v35 =	vadd.s32 v20, v35;
	v22 =	vbroadcast v22, $0x0;
	v37 =	vor.u32 v37, v21;
	v29 =	vld.idx.msk [tilespmem:v31+s3+$0x0], $0xffff  }
0x93: {  	v24 =	vbroadcast v24, $0x0;
	v36 =	vadd.s32 v20, v36;
	v39 =	vld.idx.msk [tilespmem:v30+s3+$0x0], $0xffff;
	v40 =	vor.u32 v23, v18  }
0x94: {  	v22 =	vor.u32 v22, v19;
	v23 =	vbroadcast v25, $0x0;
	v25 =	vshll.u32 v26, v10;
	v34 =	vld.idx.msk [tilespmem:v34+s3+$0x0], $0xffff  }
0x95: {  	v42 =	vor.u32 v24, v17;
	v41 =	vld.idx.msk [tilespmem:v32+s3+$0x0], $0xffff;
	v24 =	vbroadcast v25, $0x0;
	v25 =	vshll.u32 v27, v10  }
0x96: {  	s16 =	simm.s32 $0x80;
	v43 =	vld.idx.msk [tilespmem:v33+s3+$0x0], $0xffff;
	v44 =	vor.u32 v23, v16;
	v23 =	vbroadcast v25, $0x0;
	v25 =	vshll.u32 v28, v10  }
0x97: {  	s21 =	simm.s32 $0x90;
	v26 =	vmov s16;
	v31 =	vor.u32 v24, v15;
	v25 =	vbroadcast v25, $0x0;
	[tilespmem:v37+s19+$0x0] =	vst.idx.msk $0xffff, v29;
	v29 =	vld.idx.msk [tilespmem:v35+s3+$0x0], $0xffff  }
0x98: {  	v27 =	vshrl.u32 v26, $0x7;
	v28 =	vmov s21;
	s21 =	simm.s32 $0xB0;
	v30 =	vld.idx.msk [tilespmem:v36+s3+$0x0], $0xffff;
	v32 =	vor.u32 v23, v13;
	[tilespmem:v40+s19+$0x0] =	vst.idx.msk $0xffff, v39  }
0x99: {  	s29 =	simm.s32 $0xF0;
	s20 =	simm.s32 $0xA0;
	v33 =	vld.idx.msk [tilespmem:v38+s3+$0x0], $0xffff;
	v27 =	vshll.u32 v27, v10;
	v24 =	vmov s21;
	[tilespmem:v22+s19+$0x0] =	vst.idx.msk $0xffff, v34;
	v34 =	vor.u32 v25, v14  }
0x9a: {  	s21 =	simm.s32 $0xD0;
	v28 =	vshrl.u32 v28, $0x7;
	v23 =	vmov s20;
	s20 =	simm.s32 $0xC0;
	[tilespmem:v42+s19+$0x0] =	vst.idx.msk $0xffff, v41;
	v22 =	vmov s29;
	s29 =	simm.s32 $0x3C  }
0x9b: {  	s31 =	simm.s32 $0x38;
	s30 =	simm.s32 $0x100;
	s2 =	simm.s32 $0x24;
	v26 =	vmov s20;
	v25 =	vmov s21;
	[tilespmem:v44+s19+$0x0] =	vst.idx.msk $0xffff, v43;
	v35 =	vmov s29  }
.LBB2_8:
0x9c: {  	p1 =	slt.u32 s30, $0x180;
	v36 =	vmov s2;
	s2 =	sadd.s32 $0xFFFFFFEC, s29;
	s20 =	sadd.s32 $0xFFFFFFF0, s29;
	v37 =	vmov s31;
	v35 =	vshll.u32 v35, $0x7;
	[tilespmem:v31+s19+$0x0] =	vst.idx.msk $0xffff, v29  }
0x9d: {  	s31 =	sadd.s32 $0xFFFFFFE4, s29;
	v29 =	vmov s2;
	v31 =	vmov s20;
	s2 =	sadd.s32 $0xFFFFFFF4, s29;
	s20 =	sadd.s32 $0xFFFFFFF8, s29;
	v37 =	vshll.u32 v37, $0x7;
	[tilespmem:v32+s19+$0x0] =	vst.idx.msk $0xffff, v30  }
0x9e: {  	v30 =	vmov s31;
	v32 =	vmov s2;
	v37 =	vor.u32 v9, v37;
	[tilespmem:v34+s19+$0x0] =	vst.idx.msk $0xffff, v33  }
0x9f: {  	v30 =	vshll.u32 v30, $0x7;
	v33 =	vmov s20;
	s2 =	sadd.s32 $0x60, s16;
	s16 =	smov.u32 s30;
	v34 =	vadd.s32 v20, v37  }
0xa0: {  	v36 =	vshll.u32 v36, $0x7;
	v29 =	vshll.u32 v29, $0x7;
	v37 =	vmov s2  }
0xa1: {  	v31 =	vshll.u32 v31, $0x7;
	v32 =	vshll.u32 v32, $0x7;
	v37 =	vshrl.u32 v37, $0x7  }
0xa2: {  	v30 =	vor.u32 v9, v30;
	v33 =	vshll.u32 v33, $0x7;
	v37 =	vshll.u32 v37, v10  }
0xa3: {  	v36 =	vor.u32 v9, v36;
	v29 =	vor.u32 v9, v29;
	v37 =	vbroadcast v37, $0x0  }
0xa4: {  	v31 =	vor.u32 v9, v31;
	v32 =	vor.u32 v9, v32;
	v33 =	vor.u32 v9, v33;
	v34 =	vld.idx.msk [tilespmem:v34+s3+$0x0], $0xffff  }
0xa5: {  	v35 =	vor.u32 v9, v35;
	v30 =	vadd.s32 v20, v30;
	v37 =	vor.u32 v37, v21  }
0xa6: {  	v36 =	vadd.s32 v20, v36;
	v29 =	vadd.s32 v20, v29;
	v31 =	vadd.s32 v20, v31  }
0xa7: {  	v35 =	vadd.s32 v20, v35;
	v32 =	vadd.s32 v20, v32;
	v33 =	vadd.s32 v20, v33  }
0xa8: {  	v23 =	vshrl.u32 v23, $0x7;
	v24 =	vshrl.u32 v24, $0x7;
	v26 =	vshrl.u32 v26, $0x7  }
0xa9: {  	v27 =	vbroadcast v27, $0x0;
	v28 =	vshll.u32 v28, v10;
	v25 =	vshrl.u32 v25, $0x7  }
0xaa: {  	v22 =	vshrl.u32 v22, $0x7;
	v28 =	vbroadcast v28, $0x0;
	v23 =	vshll.u32 v23, v10;
	v38 =	vld.idx.msk [tilespmem:v30+s3+$0x0], $0xffff;
	[tilespmem:v37+s19+$0x0] =	vst.idx.msk $0xffff, v34  }
0xab: {  	v24 =	vshll.u32 v24, v10;
	v27 =	vor.u32 v27, v19;
	v23 =	vbroadcast v23, $0x0;
	v34 =	vld.idx.msk [tilespmem:v36+s3+$0x0], $0xffff  }
0xac: {  	v26 =	vshll.u32 v26, v10;
	v24 =	vbroadcast v24, $0x0;
	v28 =	vor.u32 v28, v18;
	v36 =	vld.idx.msk [tilespmem:v29+s3+$0x0], $0xffff  }
0xad: {  	v25 =	vshll.u32 v25, v10;
	v37 =	vor.u32 v23, v17;
	v23 =	vbroadcast v26, $0x0;
	v39 =	vld.idx.msk [tilespmem:v31+s3+$0x0], $0xffff  }
0xae: {  	v22 =	vshll.u32 v22, v10;
	v40 =	vor.u32 v24, v16;
	v24 =	vbroadcast v25, $0x0;
	v29 =	vld.idx.msk [tilespmem:v32+s3+$0x0], $0xffff  }
.Ltmp2:
0xaf: {  	v22 =	vbroadcast v22, $0x0;
	s2 =	sadd.s32 $0x10, s30;
	v25 =	vmov s30;
	v31 =	vor.u32 v23, v15;
	v30 =	vld.idx.msk [tilespmem:v33+s3+$0x0], $0xffff;
	(pc) =	sbr.rel @p1 .LBB2_8-.Ltmp2, $4  }
0xb0: {  	s20 =	sadd.s32 $0x30, s30;
	v42 =	vmov s2;
	s2 =	sadd.s32 $0x20, s30;
	v41 =	vshrl.u32 v25, $0x7;
	v32 =	vor.u32 v24, v13;
	[tilespmem:v27+s19+$0x0] =	vst.idx.msk $0xffff, v38;
	v33 =	vld.idx.msk [tilespmem:v35+s3+$0x0], $0xffff  }
0xb1: {  	s31 =	sadd.s32 $0x70, s30;
	v23 =	vmov s2;
	s2 =	sadd.s32 $0x40, s30;
	v24 =	vmov s20;
	s20 =	sadd.s32 $0x50, s30;
	[tilespmem:v28+s19+$0x0] =	vst.idx.msk $0xffff, v34;
	v34 =	vor.u32 v22, v14  }
0xb2: {  	s29 =	sadd.s32 $0x20, s29;
	v26 =	vmov s2;
	v25 =	vmov s20;
	v22 =	vmov s31;
	[tilespmem:v37+s19+$0x0] =	vst.idx.msk $0xffff, v36  }
0xb3: {  	s2 =	sadd.s32 $0xFFFFFFE8, s29;
	s30 =	sadd.s32 $0x80, s30;
	v27 =	vshll.u32 v41, v10;
	v35 =	vmov s29;
	v28 =	vshrl.u32 v42, $0x7;
	s31 =	sadd.s32 $0xFFFFFFFC, s29;
	[tilespmem:v40+s19+$0x0] =	vst.idx.msk $0xffff, v39  }
0xb4: {  	v37 =	vmov s2;
	v38 =	vmov s31;
	v35 =	vshll.u32 v35, $0x7  }
0xb5: {  	v23 =	vshrl.u32 v23, $0x7;
	v24 =	vshrl.u32 v24, $0x7;
	v26 =	vshrl.u32 v26, $0x7  }
0xb6: {  	s16 =	sadd.s32 $0x60, s16;
	s21 =	sadd.s32 $0xFFFFFFF0, s29;
	v27 =	vbroadcast v27, $0x0;
	v28 =	vshll.u32 v28, v10;
	v25 =	vshrl.u32 v25, $0x7  }
0xb7: {  	s20 =	sadd.s32 $0xFFFFFFE4, s29;
	s30 =	sadd.s32 $0xFFFFFFF4, s29;
	v22 =	vshrl.u32 v22, $0x7;
	v36 =	vmov s16;
	v40 =	vmov s21  }
0xb8: {  	s31 =	sadd.s32 $0xFFFFFFF8, s29;
	v38 =	vshll.u32 v38, $0x7;
	v41 =	vmov s20;
	v42 =	vmov s30  }
0xb9: {  	v52 =	vmov s31;
	v37 =	vshll.u32 v37, $0x7;
	v35 =	vor.u32 v9, v35  }
0xba: {  	s16 =	sadd.s32 $0xFFFFFFEC, s29;
	v28 =	vbroadcast v28, $0x0;
	v24 =	vshll.u32 v24, v10;
	v22 =	vshll.u32 v22, v10  }
0xbb: {  	v36 =	vshrl.u32 v36, $0x7;
	v39 =	vmov s16;
	v38 =	vor.u32 v9, v38  }
0xbc: {  	v41 =	vshll.u32 v41, $0x7;
	v40 =	vshll.u32 v40, $0x7;
	v42 =	vshll.u32 v42, $0x7  }
0xbd: {  	[tilespmem:v31+s19+$0x0] =	vst.idx.msk $0xffff, v29;
	v37 =	vor.u32 v9, v37;
	v53 =	vadd.s32 v20, v35;
	v22 =	vbroadcast v22, $0x0  }
0xbe: {  	[tilespmem:v32+s19+$0x0] =	vst.idx.msk $0xffff, v30;
	v36 =	vshll.u32 v36, v10;
	v38 =	vadd.s32 v20, v38;
	v39 =	vshll.u32 v39, $0x7  }
0xbf: {  	v41 =	vor.u32 v9, v41;
	v40 =	vor.u32 v9, v40;
	v37 =	vadd.s32 v20, v37  }
0xc0: {  	[tilespmem:v34+s19+$0x0] =	vst.idx.msk $0xffff, v33;
	v42 =	vor.u32 v9, v42;
	v36 =	vbroadcast v36, $0x0;
	v41 =	vadd.s32 v20, v41  }
0xc1: {  	v39 =	vor.u32 v9, v39;
	v40 =	vadd.s32 v20, v40;
	v42 =	vadd.s32 v20, v42  }
0xc2: {  	v14 =	vor.u32 v22, v14;
	v21 =	vor.u32 v36, v21;
	v36 =	vshll.u32 v52, $0x7;
	v63 =	vld.idx.msk [tilespmem:v53+s3+$0x0], $0xffff  }
0xc3: {  	v26 =	vshll.u32 v26, v10;
	v39 =	vadd.s32 v20, v39;
	v36 =	vor.u32 v9, v36;
	v54 =	vld.idx.msk [tilespmem:v38+s3+$0x0], $0xffff  }
0xc4: {  	v24 =	vbroadcast v24, $0x0;
	v18 =	vor.u32 v28, v18;
	v36 =	vadd.s32 v20, v36;
	v56 =	vld.idx.msk [tilespmem:v37+s3+$0x0], $0xffff  }
0xc5: {  	v23 =	vshll.u32 v23, v10;
	v19 =	vor.u32 v27, v19;
	v58 =	vbroadcast v26, $0x0;
	v55 =	vld.idx.msk [tilespmem:v41+s3+$0x0], $0xffff  }
0xc6: {  	v25 =	vshll.u32 v25, v10;
	v23 =	vbroadcast v23, $0x0;
	v16 =	vor.u32 v24, v16;
	v59 =	vld.idx.msk [tilespmem:v40+s3+$0x0], $0xffff  }
0xc7: {  	v60 =	vbroadcast v25, $0x0;
	v15 =	vor.u32 v58, v15;
	v61 =	vld.idx.msk [tilespmem:v42+s3+$0x0], $0xffff;
	[tilespmem:v14+s19+$0x0] =	vst.idx.msk $0xffff, v63  }
0xc8: {  	s5 =	sadd.s32 $0x1, s5;
	v17 =	vor.u32 v23, v17;
	v57 =	vld.idx.msk [tilespmem:v39+s3+$0x0], $0xffff;
	[tilespmem:v21+s19+$0x0] =	vst.idx.msk $0xffff, v54  }
0xc9: {  	p1 =	sne.s32 s5, $0x10;
	v13 =	vor.u32 v60, v13;
	v62 =	vld.idx.msk [tilespmem:v36+s3+$0x0], $0xffff;
	[tilespmem:v18+s19+$0x0] =	vst.idx.msk $0xffff, v56  }
.Ltmp3:
0xca: {  	[tilespmem:v19+s19+$0x0] =	vst.idx.msk $0xffff, v55;
	(pc) =	sbr.rel @p1 .LBB2_7-.Ltmp3, $4  }
0xcb: {  	[tilespmem:v16+s19+$0x0] =	vst.idx.msk $0xffff, v59  }
0xcc: {  	[tilespmem:v15+s19+$0x0] =	vst.idx.msk $0xffff, v61  }
0xcd: {  	[tilespmem:v17+s19+$0x0] =	vst.idx.msk $0xffff, v57  }
0xce: {  	[tilespmem:v13+s19+$0x0] =	vst.idx.msk $0xffff, v62  }
0xcf: {  	p1 =	seq.s32 s0, $0x63  }
0xd0: {  	s2 =	sadd.s32 @!p1 s1, s6;
	s4 =	simm.s32 @!p1 $0x0  }
0xd1: {  	[tilespmem:s4], [sflag:$0x1] =	stream.linear.gather @!p1 [hbm4b:s2+s4], $0x4000, $0x38;
	[tilespmem:$0x10000] =	vst v63  }
0xd2: {  	s16 =	rddreg [dreg:$0x1];
	s4 =	sor.u32 s7, s1  }
0xd3: {  	s2 =	sadd.s32 s16, s4  }
0xd4: {  	[hbm4b:s2+s3] =	stream.linear.scatter [tilespmem:s19], [sflag:$0x3], $0x1000, $0x38;
	[tilespmem:$0x10000] =	vst v63  }
0xd5: {  	s5 =	simm.s32 $0x9000;
	s20 =	sadd.s32 s4, s8  }
0xd6: {  	[hbm4b:s20+s3] =	stream.linear.scatter [tilespmem:s5], [sflag:$0x3], $0x1000, $0x38;
	[tilespmem:$0x10000] =	vst v63  }
0xd7: {  	s30 =	simm.s32 $0xA000;
	s21 =	sadd.s32 s4, s9  }
0xd8: {  	[hbm4b:s21+s3] =	stream.linear.scatter [tilespmem:s30], [sflag:$0x3], $0x1000, $0x38;
	[tilespmem:$0x10000] =	vst v63  }
0xd9: {  	s31 =	sadd.s32 s4, s10  }
0xda: {  	[hbm4b:s31+s3] =	stream.linear.scatter [tilespmem:s22], [sflag:$0x3], $0x1000, $0x38;
	[tilespmem:$0x10000] =	vst v63  }
0xdb: {  	_ =	swait.ge [sflag:s23], $0x4000  }
0xdc: {  	[sflag:s23] =	ssyncset.done $0x0  }
0xdd: {  	s2 =	simm.s32 @!p0 $0x4;
	[sflag:s23] =	ssyncadd.s32 $0xFFFFC000  }
0xde: {  	_ =	swait.ge @!p0 [sflag:s2], $0x1000  }
0xdf: {  	[sflag:s2] =	ssyncset.done @!p0 $0x0  }
0xe0: {  	[sflag:s2] =	ssyncadd.s32 @!p0 $0xFFFFF000  }
0xe1: {  	_ =	swait.ge @!p0 [sflag:s2], $0x1000  }
0xe2: {  	[sflag:s2] =	ssyncset.done @!p0 $0x0  }
0xe3: {  	[sflag:s2] =	ssyncadd.s32 @!p0 $0xFFFFF000  }
0xe4: {  	_ =	swait.ge @!p0 [sflag:s2], $0x1000  }
0xe5: {  	[sflag:s2] =	ssyncset.done @!p0 $0x0  }
0xe6: {  	[sflag:s2] =	ssyncadd.s32 @!p0 $0xFFFFF000  }
0xe7: {  	_ =	swait.ge @!p0 [sflag:s2], $0x1000  }
0xe8: {  	[sflag:s2] =	ssyncset.done @!p0 $0x0  }
0xe9: {  	s29 =	simm.s32 $0x0;
	s16 =	simm.s32 $0x0;
	[sflag:s2] =	ssyncadd.s32 @!p0 $0xFFFFF000  }
.LBB2_11:
0xea: {  	v13 =	vadd.s32 s29, v0  }
0xeb: {  	v22 =	vmov s16;
	s2 =	simm.s32 $0x10;
	v14 =	vshll.u32 v13, $0x9;
	v15 =	vshll.u32 v13, $0x7  }
0xec: {  	s5 =	simm.s32 $0x20;
	s20 =	simm.s32 $0x30;
	s21 =	simm.s32 $0x70;
	v13 =	vand.u32 $0xF, v13;
	v22 =	vshrl.u32 v22, $0x7;
	v23 =	vmov s2  }
0xed: {  	s30 =	simm.s32 $0x1C;
	v24 =	vmov s5;
	v25 =	vmov s20;
	v28 =	vmov s21  }
0xee: {  	s5 =	simm.s32 $0x40;
	s20 =	simm.s32 $0x50;
	v29 =	vmov s30;
	v14 =	vand.u32 $0x1000, v14;
	v15 =	vand.u32 $0x380, v15  }
0xef: {  	s21 =	simm.s32 $0x4;
	v20 =	vor.u32 v1, v13;
	v26 =	vmov s5;
	v27 =	vmov s20  }
0xf0: {  	v22 =	vshll.u32 v22, v10;
	v23 =	vshrl.u32 v23, $0x7;
	v30 =	vmov s21  }
0xf1: {  	s5 =	simm.s32 $0x18;
	v29 =	vshll.u32 v29, $0x7;
	v24 =	vshrl.u32 v24, $0x7;
	v25 =	vshrl.u32 v25, $0x7  }
0xf2: {  	s20 =	simm.s32 $0x8;
	s21 =	simm.s32 $0xC;
	v28 =	vshrl.u32 v28, $0x7;
	v14 =	vor.u32 v14, v15;
	v31 =	vmov s5  }
0xf3: {  	v32 =	vmov s20;
	v33 =	vmov s21;
	v30 =	vshll.u32 v30, $0x7  }
0xf4: {  	v29 =	vor.u32 v9, v29;
	v26 =	vshrl.u32 v26, $0x7;
	v22 =	vbroadcast v22, $0x0  }
0xf5: {  	v23 =	vshll.u32 v23, v10;
	v27 =	vshrl.u32 v27, $0x7;
	v24 =	vshll.u32 v24, v10  }
0xf6: {  	v25 =	vshll.u32 v25, v10;
	v19 =	vor.u32 v0, v14;
	v18 =	vor.u32 v2, v14  }
0xf7: {  	v17 =	vor.u32 v3, v14;
	v16 =	vor.u32 v4, v14;
	v15 =	vor.u32 v5, v14  }
0xf8: {  	s5 =	simm.s32 $0x0;
	s20 =	simm.s32 $0x10;
	v13 =	vor.u32 v6, v14;
	v21 =	vor.u32 v7, v14;
	v14 =	vor.u32 v8, v14  }
0xf9: {  	s21 =	simm.s32 $0x14;
	v31 =	vshll.u32 v31, $0x7;
	v34 =	vmov s5;
	v35 =	vmov s20  }
0xfa: {  	v36 =	vmov s21;
	v32 =	vshll.u32 v32, $0x7;
	v33 =	vshll.u32 v33, $0x7  }
0xfb: {  	v30 =	vor.u32 v9, v30;
	v38 =	vor.u32 v20, v29;
	v23 =	vbroadcast v23, $0x0  }
0xfc: {  	s20 =	simm.s32 $0x60;
	v24 =	vbroadcast v24, $0x0;
	v31 =	vor.u32 v9, v31;
	v34 =	vshll.u32 v34, $0x7  }
0xfd: {  	v37 =	vmov s20;
	v35 =	vshll.u32 v35, $0x7;
	v31 =	vor.u32 v20, v31  }
0xfe: {  	v30 =	vor.u32 v20, v30;
	v37 =	vshrl.u32 v37, $0x7;
	v34 =	vor.u32 v9, v34  }
0xff: {  	v32 =	vor.u32 v9, v32;
	v37 =	vshll.u32 v37, v10;
	v34 =	vor.u32 v20, v34  }
0x100: {  	v33 =	vor.u32 v9, v33;
	v32 =	vor.u32 v20, v32;
	v37 =	vbroadcast v37, $0x0  }
0x101: {  	v36 =	vshll.u32 v36, $0x7;
	v35 =	vor.u32 v9, v35;
	v33 =	vor.u32 v20, v33  }
0x102: {  	v36 =	vor.u32 v9, v36;
	v35 =	vor.u32 v20, v35;
	v37 =	vor.u32 v37, v21;
	v29 =	vld.idx.msk [tilespmem:v31+s17+$0x0], $0xffff  }
0x103: {  	v22 =	vor.u32 v22, v19;
	v40 =	vor.u32 v23, v18;
	v36 =	vor.u32 v20, v36;
	v39 =	vld.idx.msk [tilespmem:v30+s17+$0x0], $0xffff  }
0x104: {  	s5 =	simm.s32 $0x80;
	v23 =	vbroadcast v25, $0x0;
	v25 =	vshll.u32 v26, v10;
	v42 =	vor.u32 v24, v17;
	v34 =	vld.idx.msk [tilespmem:v34+s17+$0x0], $0xffff  }
0x105: {  	v26 =	vmov s5;
	v24 =	vbroadcast v25, $0x0;
	v25 =	vshll.u32 v27, v10;
	v41 =	vld.idx.msk [tilespmem:v32+s17+$0x0], $0xffff  }
0x106: {  	v44 =	vor.u32 v23, v16;
	v23 =	vbroadcast v25, $0x0;
	v25 =	vshll.u32 v28, v10;
	v43 =	vld.idx.msk [tilespmem:v33+s17+$0x0], $0xffff  }
0x107: {  	s21 =	simm.s32 $0x90;
	v27 =	vshrl.u32 v26, $0x7;
	v25 =	vbroadcast v25, $0x0;
	v31 =	vor.u32 v24, v15;
	[tilespmem:v37+s24+$0x0] =	vst.idx.msk $0xffff, v29;
	v29 =	vld.idx.msk [tilespmem:v35+s17+$0x0], $0xffff  }
0x108: {  	v28 =	vmov s21;
	v27 =	vshll.u32 v27, v10;
	v32 =	vor.u32 v23, v13;
	v30 =	vld.idx.msk [tilespmem:v36+s17+$0x0], $0xffff;
	[tilespmem:v40+s24+$0x0] =	vst.idx.msk $0xffff, v39  }
0x109: {  	s30 =	simm.s32 $0xF0;
	s20 =	simm.s32 $0xA0;
	s21 =	simm.s32 $0xB0;
	v28 =	vshrl.u32 v28, $0x7;
	v33 =	vld.idx.msk [tilespmem:v38+s17+$0x0], $0xffff;
	[tilespmem:v22+s24+$0x0] =	vst.idx.msk $0xffff, v34;
	v34 =	vor.u32 v25, v14  }
0x10a: {  	v23 =	vmov s20;
	v24 =	vmov s21;
	s20 =	simm.s32 $0xC0;
	s21 =	simm.s32 $0xD0;
	[tilespmem:v42+s24+$0x0] =	vst.idx.msk $0xffff, v41;
	v22 =	vmov s30;
	s30 =	simm.s32 $0x3C  }
0x10b: {  	s31 =	simm.s32 $0x100;
	s2 =	simm.s32 $0x38;
	v26 =	vmov s20;
	s20 =	simm.s32 $0x24;
	[tilespmem:v44+s24+$0x0] =	vst.idx.msk $0xffff, v43;
	v25 =	vmov s21;
	v35 =	vmov s30  }
.LBB2_12:
0x10c: {  	p0 =	slt.u32 s31, $0x180;
	v36 =	vmov s20;
	s20 =	sadd.s32 $0xFFFFFFEC, s30;
	s21 =	sadd.s32 $0xFFFFFFF0, s30;
	v37 =	vmov s2;
	v35 =	vshll.u32 v35, $0x7;
	[tilespmem:v31+s24+$0x0] =	vst.idx.msk $0xffff, v29  }
0x10d: {  	s2 =	sadd.s32 $0xFFFFFFE4, s30;
	v29 =	vmov s20;
	v31 =	vmov s21;
	s20 =	sadd.s32 $0xFFFFFFF4, s30;
	s21 =	sadd.s32 $0xFFFFFFF8, s30;
	v37 =	vshll.u32 v37, $0x7;
	[tilespmem:v32+s24+$0x0] =	vst.idx.msk $0xffff, v30  }
0x10e: {  	v30 =	vmov s2;
	v32 =	vmov s20;
	v37 =	vor.u32 v9, v37;
	[tilespmem:v34+s24+$0x0] =	vst.idx.msk $0xffff, v33  }
0x10f: {  	s2 =	sadd.s32 $0x60, s5;
	s5 =	smov.u32 s31;
	v30 =	vshll.u32 v30, $0x7;
	v33 =	vmov s21;
	v34 =	vor.u32 v20, v37  }
0x110: {  	v36 =	vshll.u32 v36, $0x7;
	v29 =	vshll.u32 v29, $0x7;
	v37 =	vmov s2  }
0x111: {  	v31 =	vshll.u32 v31, $0x7;
	v32 =	vshll.u32 v32, $0x7;
	v37 =	vshrl.u32 v37, $0x7  }
0x112: {  	v30 =	vor.u32 v9, v30;
	v33 =	vshll.u32 v33, $0x7;
	v37 =	vshll.u32 v37, v10  }
0x113: {  	v36 =	vor.u32 v9, v36;
	v29 =	vor.u32 v9, v29;
	v37 =	vbroadcast v37, $0x0  }
0x114: {  	v31 =	vor.u32 v9, v31;
	v32 =	vor.u32 v9, v32;
	v33 =	vor.u32 v9, v33;
	v34 =	vld.idx.msk [tilespmem:v34+s17+$0x0], $0xffff  }
0x115: {  	v35 =	vor.u32 v9, v35;
	v30 =	vor.u32 v20, v30;
	v37 =	vor.u32 v37, v21  }
0x116: {  	v36 =	vor.u32 v20, v36;
	v29 =	vor.u32 v20, v29;
	v31 =	vor.u32 v20, v31  }
0x117: {  	v35 =	vor.u32 v20, v35;
	v32 =	vor.u32 v20, v32;
	v33 =	vor.u32 v20, v33  }
0x118: {  	v23 =	vshrl.u32 v23, $0x7;
	v24 =	vshrl.u32 v24, $0x7;
	v26 =	vshrl.u32 v26, $0x7  }
0x119: {  	v27 =	vbroadcast v27, $0x0;
	v28 =	vshll.u32 v28, v10;
	v25 =	vshrl.u32 v25, $0x7  }
0x11a: {  	v22 =	vshrl.u32 v22, $0x7;
	v28 =	vbroadcast v28, $0x0;
	v23 =	vshll.u32 v23, v10;
	v38 =	vld.idx.msk [tilespmem:v30+s17+$0x0], $0xffff;
	[tilespmem:v37+s24+$0x0] =	vst.idx.msk $0xffff, v34  }
0x11b: {  	v24 =	vshll.u32 v24, v10;
	v27 =	vor.u32 v27, v19;
	v23 =	vbroadcast v23, $0x0;
	v34 =	vld.idx.msk [tilespmem:v36+s17+$0x0], $0xffff  }
0x11c: {  	v26 =	vshll.u32 v26, v10;
	v24 =	vbroadcast v24, $0x0;
	v28 =	vor.u32 v28, v18;
	v36 =	vld.idx.msk [tilespmem:v29+s17+$0x0], $0xffff  }
0x11d: {  	v25 =	vshll.u32 v25, v10;
	v37 =	vor.u32 v23, v17;
	v23 =	vbroadcast v26, $0x0;
	v39 =	vld.idx.msk [tilespmem:v31+s17+$0x0], $0xffff  }
0x11e: {  	v22 =	vshll.u32 v22, v10;
	v40 =	vor.u32 v24, v16;
	v24 =	vbroadcast v25, $0x0;
	v29 =	vld.idx.msk [tilespmem:v32+s17+$0x0], $0xffff  }
.Ltmp4:
0x11f: {  	v22 =	vbroadcast v22, $0x0;
	s2 =	sadd.s32 $0x10, s31;
	v25 =	vmov s31;
	v31 =	vor.u32 v23, v15;
	v30 =	vld.idx.msk [tilespmem:v33+s17+$0x0], $0xffff;
	(pc) =	sbr.rel @p0 .LBB2_12-.Ltmp4, $4  }
0x120: {  	s20 =	sadd.s32 $0x30, s31;
	v42 =	vmov s2;
	s2 =	sadd.s32 $0x20, s31;
	v41 =	vshrl.u32 v25, $0x7;
	v32 =	vor.u32 v24, v13;
	[tilespmem:v27+s24+$0x0] =	vst.idx.msk $0xffff, v38;
	v33 =	vld.idx.msk [tilespmem:v35+s17+$0x0], $0xffff  }
0x121: {  	s21 =	sadd.s32 $0x70, s31;
	v23 =	vmov s2;
	s2 =	sadd.s32 $0x40, s31;
	v24 =	vmov s20;
	s20 =	sadd.s32 $0x50, s31;
	[tilespmem:v28+s24+$0x0] =	vst.idx.msk $0xffff, v34;
	v34 =	vor.u32 v22, v14  }
0x122: {  	s30 =	sadd.s32 $0x20, s30;
	v26 =	vmov s2;
	v25 =	vmov s20;
	v22 =	vmov s21;
	[tilespmem:v37+s24+$0x0] =	vst.idx.msk $0xffff, v36  }
0x123: {  	s2 =	sadd.s32 $0xFFFFFFFC, s30;
	s31 =	sadd.s32 $0x80, s31;
	s20 =	sadd.s32 $0xFFFFFFE8, s30;
	v27 =	vshll.u32 v41, v10;
	v35 =	vmov s30;
	v28 =	vshrl.u32 v42, $0x7;
	[tilespmem:v40+s24+$0x0] =	vst.idx.msk $0xffff, v39  }
0x124: {  	v37 =	vmov s20;
	v38 =	vmov s2;
	v35 =	vshll.u32 v35, $0x7  }
0x125: {  	v23 =	vshrl.u32 v23, $0x7;
	v24 =	vshrl.u32 v24, $0x7;
	v26 =	vshrl.u32 v26, $0x7  }
0x126: {  	s5 =	sadd.s32 $0x60, s5;
	s20 =	sadd.s32 $0xFFFFFFEC, s30;
	v27 =	vbroadcast v27, $0x0;
	v28 =	vshll.u32 v28, v10;
	v25 =	vshrl.u32 v25, $0x7  }
0x127: {  	s21 =	sadd.s32 $0xFFFFFFF0, s30;
	s31 =	sadd.s32 $0xFFFFFFE4, s30;
	v22 =	vshrl.u32 v22, $0x7;
	v36 =	vmov s5;
	v39 =	vmov s20  }
0x128: {  	v40 =	vmov s21;
	v38 =	vshll.u32 v38, $0x7;
	v41 =	vmov s31  }
0x129: {  	v37 =	vshll.u32 v37, $0x7;
	v35 =	vor.u32 v9, v35;
	v28 =	vbroadcast v28, $0x0  }
0x12a: {  	s21 =	sadd.s32 $0xFFFFFFF4, s30;
	v23 =	vshll.u32 v23, v10;
	v22 =	vshll.u32 v22, v10;
	v36 =	vshrl.u32 v36, $0x7  }
0x12b: {  	s31 =	sadd.s32 $0xFFFFFFF8, s30;
	v42 =	vmov s21;
	v38 =	vor.u32 v9, v38;
	v41 =	vshll.u32 v41, $0x7  }
0x12c: {  	v52 =	vmov s31;
	v39 =	vshll.u32 v39, $0x7;
	v40 =	vshll.u32 v40, $0x7  }
0x12d: {  	[tilespmem:v31+s24+$0x0] =	vst.idx.msk $0xffff, v29;
	v37 =	vor.u32 v9, v37;
	v53 =	vor.u32 v20, v35;
	v22 =	vbroadcast v22, $0x0  }
0x12e: {  	[tilespmem:v32+s24+$0x0] =	vst.idx.msk $0xffff, v30;
	v36 =	vshll.u32 v36, v10;
	v38 =	vor.u32 v20, v38;
	v42 =	vshll.u32 v42, $0x7  }
0x12f: {  	v41 =	vor.u32 v9, v41;
	v39 =	vor.u32 v9, v39;
	v37 =	vor.u32 v20, v37  }
0x130: {  	[tilespmem:v34+s24+$0x0] =	vst.idx.msk $0xffff, v33;
	v40 =	vor.u32 v9, v40;
	v36 =	vbroadcast v36, $0x0;
	v41 =	vor.u32 v20, v41  }
0x131: {  	v42 =	vor.u32 v9, v42;
	v39 =	vor.u32 v20, v39;
	v40 =	vor.u32 v20, v40  }
0x132: {  	v14 =	vor.u32 v22, v14;
	v21 =	vor.u32 v36, v21;
	v36 =	vshll.u32 v52, $0x7;
	v63 =	vld.idx.msk [tilespmem:v53+s17+$0x0], $0xffff  }
0x133: {  	v24 =	vshll.u32 v24, v10;
	v42 =	vor.u32 v20, v42;
	v36 =	vor.u32 v9, v36;
	v54 =	vld.idx.msk [tilespmem:v38+s17+$0x0], $0xffff  }
0x134: {  	v23 =	vbroadcast v23, $0x0;
	v18 =	vor.u32 v28, v18;
	v36 =	vor.u32 v20, v36;
	v56 =	vld.idx.msk [tilespmem:v37+s17+$0x0], $0xffff  }
0x135: {  	v26 =	vshll.u32 v26, v10;
	v19 =	vor.u32 v27, v19;
	v24 =	vbroadcast v24, $0x0;
	v55 =	vld.idx.msk [tilespmem:v41+s17+$0x0], $0xffff  }
0x136: {  	v25 =	vshll.u32 v25, v10;
	v58 =	vbroadcast v26, $0x0;
	v17 =	vor.u32 v23, v17;
	v57 =	vld.idx.msk [tilespmem:v39+s17+$0x0], $0xffff  }
0x137: {  	v60 =	vbroadcast v25, $0x0;
	v16 =	vor.u32 v24, v16;
	v59 =	vld.idx.msk [tilespmem:v40+s17+$0x0], $0xffff;
	[tilespmem:v14+s24+$0x0] =	vst.idx.msk $0xffff, v63  }
0x138: {  	s29 =	sadd.s32 $0x1, s29;
	v15 =	vor.u32 v58, v15;
	v61 =	vld.idx.msk [tilespmem:v42+s17+$0x0], $0xffff;
	[tilespmem:v21+s24+$0x0] =	vst.idx.msk $0xffff, v54  }
0x139: {  	p0 =	sne.s32 s29, $0x10;
	v13 =	vor.u32 v60, v13;
	v62 =	vld.idx.msk [tilespmem:v36+s17+$0x0], $0xffff;
	[tilespmem:v18+s24+$0x0] =	vst.idx.msk $0xffff, v56  }
.Ltmp5:
0x13a: {  	[tilespmem:v19+s24+$0x0] =	vst.idx.msk $0xffff, v55;
	(pc) =	sbr.rel @p0 .LBB2_11-.Ltmp5, $4  }
0x13b: {  	[tilespmem:v17+s24+$0x0] =	vst.idx.msk $0xffff, v57  }
0x13c: {  	[tilespmem:v16+s24+$0x0] =	vst.idx.msk $0xffff, v59  }
0x13d: {  	[tilespmem:v15+s24+$0x0] =	vst.idx.msk $0xffff, v61  }
0x13e: {  	s5 =	simm.s32 $0x0;
	[tilespmem:v13+s24+$0x0] =	vst.idx.msk $0xffff, v62  }
0x13f: {  	s16 =	simm.s32 $0x0  }
.LBB2_15:
0x140: {  	v13 =	vadd.s32 s16, v0  }
0x141: {  	v23 =	vmov s5;
	s20 =	simm.s32 $0x20;
	s21 =	simm.s32 $0x30;
	v14 =	vshll.u32 v13, $0x9;
	v15 =	vshll.u32 v13, $0x7  }
0x142: {  	s29 =	simm.s32 $0x1C;
	v20 =	vor.u32 v11, v13;
	v24 =	vmov s20;
	v25 =	vmov s21  }
0x143: {  	s20 =	simm.s32 $0x50;
	s21 =	simm.s32 $0x70;
	v29 =	vmov s29;
	v14 =	vand.u32 $0x1000, v14;
	v15 =	vand.u32 $0x380, v15  }
0x144: {  	v27 =	vmov s20;
	v28 =	vmov s21;
	v29 =	vshll.u32 v29, $0x7  }
0x145: {  	s21 =	simm.s32 $0x4;
	s20 =	simm.s32 $0x18;
	v24 =	vshrl.u32 v24, $0x7;
	v25 =	vshrl.u32 v25, $0x7;
	v14 =	vor.u32 v15, v14  }
0x146: {  	v30 =	vmov s21;
	v31 =	vmov s20;
	v29 =	vor.u32 v9, v29  }
0x147: {  	v27 =	vshrl.u32 v27, $0x7;
	v24 =	vshll.u32 v24, v10;
	v28 =	vshrl.u32 v28, $0x7  }
0x148: {  	s21 =	simm.s32 $0xC;
	s20 =	simm.s32 $0x0;
	v25 =	vshll.u32 v25, v10;
	v22 =	vor.u32 $0x2000, v14;
	v19 =	vor.u32 v12, v14  }
0x149: {  	v33 =	vmov s21;
	v31 =	vshll.u32 v31, $0x7;
	v34 =	vmov s20  }
0x14a: {  	v30 =	vshll.u32 v30, $0x7;
	v38 =	vadd.s32 v20, v29;
	v24 =	vbroadcast v24, $0x0  }
0x14b: {  	v18 =	vor.u32 v2, v22;
	v17 =	vor.u32 v3, v22;
	v16 =	vor.u32 v4, v22  }
0x14c: {  	s2 =	simm.s32 $0x10;
	v15 =	vor.u32 v5, v22;
	v13 =	vor.u32 v6, v22;
	v21 =	vor.u32 v7, v22  }
0x14d: {  	s21 =	simm.s32 $0x14;
	v14 =	vor.u32 v8, v22;
	v22 =	vshrl.u32 v23, $0x7;
	v23 =	vmov s2  }
0x14e: {  	s20 =	simm.s32 $0x60;
	v31 =	vor.u32 v9, v31;
	v34 =	vshll.u32 v34, $0x7;
	v36 =	vmov s21  }
0x14f: {  	s2 =	simm.s32 $0x40;
	v37 =	vmov s20;
	v33 =	vshll.u32 v33, $0x7;
	v30 =	vor.u32 v9, v30  }
0x150: {  	v26 =	vmov s2;
	v22 =	vshll.u32 v22, v10;
	v23 =	vshrl.u32 v23, $0x7  }
0x151: {  	v31 =	vadd.s32 v20, v31;
	v37 =	vshrl.u32 v37, $0x7;
	v34 =	vor.u32 v9, v34  }
0x152: {  	s2 =	simm.s32 $0x8;
	v36 =	vshll.u32 v36, $0x7;
	v33 =	vor.u32 v9, v33;
	v30 =	vadd.s32 v20, v30  }
0x153: {  	v32 =	vmov s2;
	v37 =	vshll.u32 v37, v10;
	v36 =	vor.u32 v9, v36  }
0x154: {  	s2 =	simm.s32 $0x10;
	v34 =	vadd.s32 v20, v34;
	v33 =	vadd.s32 v20, v33;
	v26 =	vshrl.u32 v26, $0x7  }
0x155: {  	v23 =	vshll.u32 v23, v10;
	v35 =	vmov s2;
	v32 =	vshll.u32 v32, $0x7  }
0x156: {  	v37 =	vbroadcast v37, $0x0;
	v35 =	vshll.u32 v35, $0x7;
	v32 =	vor.u32 v9, v32  }
0x157: {  	v23 =	vbroadcast v23, $0x0;
	v35 =	vor.u32 v9, v35;
	v32 =	vadd.s32 v20, v32  }
0x158: {  	v22 =	vbroadcast v22, $0x0;
	v37 =	vor.u32 v37, v21;
	v35 =	vadd.s32 v20, v35;
	v29 =	vld.idx.msk [tilespmem:v31+s17+$0x0], $0xffff  }
0x159: {  	v36 =	vadd.s32 v20, v36;
	v40 =	vor.u32 v23, v18;
	v23 =	vbroadcast v25, $0x0;
	v39 =	vld.idx.msk [tilespmem:v30+s17+$0x0], $0xffff  }
0x15a: {  	v42 =	vor.u32 v24, v17;
	v22 =	vor.u32 v22, v19;
	v25 =	vshll.u32 v26, v10;
	v34 =	vld.idx.msk [tilespmem:v34+s17+$0x0], $0xffff  }
0x15b: {  	v24 =	vbroadcast v25, $0x0;
	v25 =	vshll.u32 v27, v10;
	v43 =	vld.idx.msk [tilespmem:v33+s17+$0x0], $0xffff;
	v44 =	vor.u32 v23, v16  }
0x15c: {  	s29 =	simm.s32 $0x80;
	v23 =	vbroadcast v25, $0x0;
	v25 =	vshll.u32 v28, v10;
	v41 =	vld.idx.msk [tilespmem:v32+s17+$0x0], $0xffff  }
0x15d: {  	s2 =	simm.s32 $0xC0;
	v26 =	vmov s29;
	v31 =	vor.u32 v24, v15;
	v25 =	vbroadcast v25, $0x0;
	[tilespmem:v37+s24+$0x0] =	vst.idx.msk $0xffff, v29;
	v29 =	vld.idx.msk [tilespmem:v35+s17+$0x0], $0xffff  }
0x15e: {  	s21 =	simm.s32 $0x90;
	v27 =	vshrl.u32 v26, $0x7;
	v26 =	vmov s2;
	v30 =	vld.idx.msk [tilespmem:v36+s17+$0x0], $0xffff;
	v32 =	vor.u32 v23, v13;
	[tilespmem:v40+s24+$0x0] =	vst.idx.msk $0xffff, v39  }
0x15f: {  	s20 =	simm.s32 $0xA0;
	v28 =	vmov s21;
	s21 =	simm.s32 $0xB0;
	v33 =	vld.idx.msk [tilespmem:v38+s17+$0x0], $0xffff;
	v27 =	vshll.u32 v27, v10;
	[tilespmem:v22+s24+$0x0] =	vst.idx.msk $0xffff, v34;
	v34 =	vor.u32 v25, v14  }
0x160: {  	s30 =	simm.s32 $0x3C;
	v24 =	vmov s21;
	s21 =	simm.s32 $0xF0;
	v28 =	vshrl.u32 v28, $0x7;
	v23 =	vmov s20;
	s20 =	simm.s32 $0xD0;
	[tilespmem:v44+s24+$0x0] =	vst.idx.msk $0xffff, v43  }
0x161: {  	s31 =	simm.s32 $0x100;
	s2 =	simm.s32 $0x38;
	v35 =	vmov s30;
	v25 =	vmov s20;
	v22 =	vmov s21;
	s20 =	simm.s32 $0x24;
	[tilespmem:v42+s24+$0x0] =	vst.idx.msk $0xffff, v41  }
.LBB2_16:
0x162: {  	p0 =	slt.u32 s31, $0x180;
	v36 =	vmov s20;
	s20 =	sadd.s32 $0xFFFFFFEC, s30;
	s21 =	sadd.s32 $0xFFFFFFF0, s30;
	v37 =	vmov s2;
	v35 =	vshll.u32 v35, $0x7;
	[tilespmem:v31+s24+$0x0] =	vst.idx.msk $0xffff, v29  }
0x163: {  	s2 =	sadd.s32 $0xFFFFFFE4, s30;
	v29 =	vmov s20;
	v31 =	vmov s21;
	s20 =	sadd.s32 $0xFFFFFFF4, s30;
	s21 =	sadd.s32 $0xFFFFFFF8, s30;
	v37 =	vshll.u32 v37, $0x7;
	[tilespmem:v32+s24+$0x0] =	vst.idx.msk $0xffff, v30  }
0x164: {  	v30 =	vmov s2;
	v32 =	vmov s20;
	v37 =	vor.u32 v9, v37;
	[tilespmem:v34+s24+$0x0] =	vst.idx.msk $0xffff, v33  }
0x165: {  	s2 =	sadd.s32 $0x60, s29;
	s29 =	smov.u32 s31;
	v30 =	vshll.u32 v30, $0x7;
	v33 =	vmov s21;
	v34 =	vadd.s32 v20, v37  }
0x166: {  	v36 =	vshll.u32 v36, $0x7;
	v29 =	vshll.u32 v29, $0x7;
	v37 =	vmov s2  }
0x167: {  	v31 =	vshll.u32 v31, $0x7;
	v32 =	vshll.u32 v32, $0x7;
	v37 =	vshrl.u32 v37, $0x7  }
0x168: {  	v30 =	vor.u32 v9, v30;
	v33 =	vshll.u32 v33, $0x7;
	v37 =	vshll.u32 v37, v10  }
0x169: {  	v36 =	vor.u32 v9, v36;
	v29 =	vor.u32 v9, v29;
	v37 =	vbroadcast v37, $0x0  }
0x16a: {  	v31 =	vor.u32 v9, v31;
	v32 =	vor.u32 v9, v32;
	v33 =	vor.u32 v9, v33;
	v34 =	vld.idx.msk [tilespmem:v34+s17+$0x0], $0xffff  }
0x16b: {  	v35 =	vor.u32 v9, v35;
	v30 =	vadd.s32 v20, v30;
	v37 =	vor.u32 v37, v21  }
0x16c: {  	v36 =	vadd.s32 v20, v36;
	v29 =	vadd.s32 v20, v29;
	v31 =	vadd.s32 v20, v31  }
0x16d: {  	v35 =	vadd.s32 v20, v35;
	v32 =	vadd.s32 v20, v32;
	v33 =	vadd.s32 v20, v33  }
0x16e: {  	v23 =	vshrl.u32 v23, $0x7;
	v24 =	vshrl.u32 v24, $0x7;
	v26 =	vshrl.u32 v26, $0x7  }
0x16f: {  	v27 =	vbroadcast v27, $0x0;
	v28 =	vshll.u32 v28, v10;
	v25 =	vshrl.u32 v25, $0x7  }
0x170: {  	v22 =	vshrl.u32 v22, $0x7;
	v28 =	vbroadcast v28, $0x0;
	v23 =	vshll.u32 v23, v10;
	v38 =	vld.idx.msk [tilespmem:v30+s17+$0x0], $0xffff;
	[tilespmem:v37+s24+$0x0] =	vst.idx.msk $0xffff, v34  }
0x171: {  	v24 =	vshll.u32 v24, v10;
	v27 =	vor.u32 v27, v19;
	v23 =	vbroadcast v23, $0x0;
	v34 =	vld.idx.msk [tilespmem:v36+s17+$0x0], $0xffff  }
0x172: {  	v26 =	vshll.u32 v26, v10;
	v24 =	vbroadcast v24, $0x0;
	v28 =	vor.u32 v28, v18;
	v36 =	vld.idx.msk [tilespmem:v29+s17+$0x0], $0xffff  }
0x173: {  	v25 =	vshll.u32 v25, v10;
	v37 =	vor.u32 v23, v17;
	v23 =	vbroadcast v26, $0x0;
	v39 =	vld.idx.msk [tilespmem:v31+s17+$0x0], $0xffff  }
0x174: {  	v22 =	vshll.u32 v22, v10;
	v40 =	vor.u32 v24, v16;
	v24 =	vbroadcast v25, $0x0;
	v29 =	vld.idx.msk [tilespmem:v32+s17+$0x0], $0xffff  }
.Ltmp6:
0x175: {  	v22 =	vbroadcast v22, $0x0;
	s2 =	sadd.s32 $0x10, s31;
	v25 =	vmov s31;
	v31 =	vor.u32 v23, v15;
	v30 =	vld.idx.msk [tilespmem:v33+s17+$0x0], $0xffff;
	(pc) =	sbr.rel @p0 .LBB2_16-.Ltmp6, $4  }
0x176: {  	s20 =	sadd.s32 $0x30, s31;
	v42 =	vmov s2;
	s2 =	sadd.s32 $0x20, s31;
	v41 =	vshrl.u32 v25, $0x7;
	v32 =	vor.u32 v24, v13;
	[tilespmem:v27+s24+$0x0] =	vst.idx.msk $0xffff, v38;
	v33 =	vld.idx.msk [tilespmem:v35+s17+$0x0], $0xffff  }
0x177: {  	s21 =	sadd.s32 $0x70, s31;
	v23 =	vmov s2;
	s2 =	sadd.s32 $0x40, s31;
	v24 =	vmov s20;
	s20 =	sadd.s32 $0x50, s31;
	[tilespmem:v28+s24+$0x0] =	vst.idx.msk $0xffff, v34;
	v34 =	vor.u32 v22, v14  }
0x178: {  	s30 =	sadd.s32 $0x20, s30;
	v26 =	vmov s2;
	v25 =	vmov s20;
	v22 =	vmov s21;
	[tilespmem:v37+s24+$0x0] =	vst.idx.msk $0xffff, v36  }
0x179: {  	s2 =	sadd.s32 $0xFFFFFFFC, s30;
	s31 =	sadd.s32 $0x80, s31;
	s20 =	sadd.s32 $0xFFFFFFE8, s30;
	v27 =	vshll.u32 v41, v10;
	v35 =	vmov s30;
	v28 =	vshrl.u32 v42, $0x7;
	[tilespmem:v40+s24+$0x0] =	vst.idx.msk $0xffff, v39  }
0x17a: {  	v37 =	vmov s20;
	v38 =	vmov s2;
	v35 =	vshll.u32 v35, $0x7  }
0x17b: {  	v23 =	vshrl.u32 v23, $0x7;
	v24 =	vshrl.u32 v24, $0x7;
	v26 =	vshrl.u32 v26, $0x7  }
0x17c: {  	s21 =	sadd.s32 $0x60, s29;
	s29 =	sadd.s32 $0xFFFFFFF0, s30;
	v27 =	vbroadcast v27, $0x0;
	v28 =	vshll.u32 v28, v10;
	v25 =	vshrl.u32 v25, $0x7  }
0x17d: {  	s31 =	sadd.s32 $0xFFFFFFE4, s30;
	v22 =	vshrl.u32 v22, $0x7;
	v36 =	vmov s21;
	v40 =	vmov s29  }
0x17e: {  	v38 =	vshll.u32 v38, $0x7;
	v41 =	vmov s31;
	v37 =	vshll.u32 v37, $0x7  }
0x17f: {  	s21 =	sadd.s32 $0xFFFFFFEC, s30;
	v35 =	vor.u32 v9, v35;
	v28 =	vbroadcast v28, $0x0;
	v23 =	vshll.u32 v23, v10  }
0x180: {  	s29 =	sadd.s32 $0xFFFFFFF4, s30;
	v22 =	vshll.u32 v22, v10;
	v36 =	vshrl.u32 v36, $0x7;
	v39 =	vmov s21  }
0x181: {  	s31 =	sadd.s32 $0xFFFFFFF8, s30;
	v42 =	vmov s29;
	v38 =	vor.u32 v9, v38;
	v41 =	vshll.u32 v41, $0x7  }
0x182: {  	v52 =	vmov s31;
	v40 =	vshll.u32 v40, $0x7;
	v37 =	vor.u32 v9, v37  }
0x183: {  	[tilespmem:v31+s24+$0x0] =	vst.idx.msk $0xffff, v29;
	v53 =	vadd.s32 v20, v35;
	v22 =	vbroadcast v22, $0x0;
	v36 =	vshll.u32 v36, v10  }
0x184: {  	[tilespmem:v32+s24+$0x0] =	vst.idx.msk $0xffff, v30;
	v38 =	vadd.s32 v20, v38;
	v39 =	vshll.u32 v39, $0x7;
	v42 =	vshll.u32 v42, $0x7  }
0x185: {  	v41 =	vor.u32 v9, v41;
	v40 =	vor.u32 v9, v40;
	v37 =	vadd.s32 v20, v37  }
0x186: {  	[tilespmem:v34+s24+$0x0] =	vst.idx.msk $0xffff, v33;
	v36 =	vbroadcast v36, $0x0;
	v39 =	vor.u32 v9, v39;
	v41 =	vadd.s32 v20, v41  }
0x187: {  	v42 =	vor.u32 v9, v42;
	v40 =	vadd.s32 v20, v40;
	v14 =	vor.u32 v22, v14  }
0x188: {  	v39 =	vadd.s32 v20, v39;
	v21 =	vor.u32 v36, v21;
	v36 =	vshll.u32 v52, $0x7;
	v63 =	vld.idx.msk [tilespmem:v53+s17+$0x0], $0xffff  }
0x189: {  	v24 =	vshll.u32 v24, v10;
	v42 =	vadd.s32 v20, v42;
	v36 =	vor.u32 v9, v36;
	v54 =	vld.idx.msk [tilespmem:v38+s17+$0x0], $0xffff  }
0x18a: {  	v24 =	vbroadcast v24, $0x0;
	v18 =	vor.u32 v28, v18;
	v36 =	vadd.s32 v20, v36;
	v56 =	vld.idx.msk [tilespmem:v37+s17+$0x0], $0xffff  }
0x18b: {  	v26 =	vshll.u32 v26, v10;
	v19 =	vor.u32 v27, v19;
	v23 =	vbroadcast v23, $0x0;
	v55 =	vld.idx.msk [tilespmem:v41+s17+$0x0], $0xffff  }
0x18c: {  	v25 =	vshll.u32 v25, v10;
	v58 =	vbroadcast v26, $0x0;
	v16 =	vor.u32 v24, v16;
	v59 =	vld.idx.msk [tilespmem:v40+s17+$0x0], $0xffff  }
0x18d: {  	v60 =	vbroadcast v25, $0x0;
	v17 =	vor.u32 v23, v17;
	v57 =	vld.idx.msk [tilespmem:v39+s17+$0x0], $0xffff;
	[tilespmem:v14+s24+$0x0] =	vst.idx.msk $0xffff, v63  }
0x18e: {  	s16 =	sadd.s32 $0x1, s16;
	v15 =	vor.u32 v58, v15;
	v61 =	vld.idx.msk [tilespmem:v42+s17+$0x0], $0xffff;
	[tilespmem:v21+s24+$0x0] =	vst.idx.msk $0xffff, v54  }
0x18f: {  	p0 =	sne.s32 s16, $0x10;
	v13 =	vor.u32 v60, v13;
	v62 =	vld.idx.msk [tilespmem:v36+s17+$0x0], $0xffff;
	[tilespmem:v18+s24+$0x0] =	vst.idx.msk $0xffff, v56  }
.Ltmp7:
0x190: {  	[tilespmem:v19+s24+$0x0] =	vst.idx.msk $0xffff, v55;
	(pc) =	sbr.rel @p0 .LBB2_15-.Ltmp7, $4  }
0x191: {  	[tilespmem:v16+s24+$0x0] =	vst.idx.msk $0xffff, v59  }
0x192: {  	[tilespmem:v17+s24+$0x0] =	vst.idx.msk $0xffff, v57  }
0x193: {  	[tilespmem:v15+s24+$0x0] =	vst.idx.msk $0xffff, v61  }
0x194: {  	[tilespmem:v13+s24+$0x0] =	vst.idx.msk $0xffff, v62  }
0x195: {  	s1 =	sadd.s32 @!p1 s1, s11;
	s2 =	simm.s32 @!p1 $0x0;
	s5 =	simm.s32 @!p1 $0x4000  }
0x196: {  	[tilespmem:s5], [sflag:$0x2] =	stream.linear.gather @!p1 [hbm4b:s1+s2], $0x4000, $0x38;
	[tilespmem:$0x10000] =	vst v63  }
0x197: {  	s21 =	sadd.s32 s4, s12;
	s0 =	sadd.s32 $0x1, s0  }
0x198: {  	[hbm4b:s21+s3] =	stream.linear.scatter [tilespmem:s24], [sflag:$0x4], $0x1000, $0x38;
	[tilespmem:$0x10000] =	vst v63  }
0x199: {  	s29 =	sadd.s32 s4, s13;
	p0 =	sne.s32 s0, $0x64  }
0x19a: {  	[hbm4b:s29+s3] =	stream.linear.scatter [tilespmem:s25], [sflag:$0x4], $0x1000, $0x38;
	[tilespmem:$0x10000] =	vst v63  }
.Ltmp8:
0x19b: {  	_ = 	snop;
	(pc) =	sbr.rel @p0 .LBB2_2-.Ltmp8, $4  }
0x19c: {  	s30 =	sadd.s32 s4, s14  }
0x19d: {  	[hbm4b:s30+s3] =	stream.linear.scatter [tilespmem:s26], [sflag:$0x4], $0x1000, $0x38;
	[tilespmem:$0x10000] =	vst v63  }
0x19e: {  	s31 =	sadd.s32 s4, s15  }
0x19f: {  	[hbm4b:s31+s3] =	stream.linear.scatter [tilespmem:s28], [sflag:$0x4], $0x1000, $0x38;
	[tilespmem:$0x10000] =	vst v63  }
0x1a0: {  	s0 =	simm.s32 $0x3  }
0x1a1: {  	_ =	swait.ge [sflag:s0], $0x1000  }
0x1a2: {  	[sflag:s0] =	ssyncset.done $0x0  }
0x1a3: {  	[sflag:s0] =	ssyncadd.s32 $0xFFFFF000  }
0x1a4: {  	_ =	swait.ge [sflag:s0], $0x1000  }
0x1a5: {  	[sflag:s0] =	ssyncset.done $0x0  }
0x1a6: {  	[sflag:s0] =	ssyncadd.s32 $0xFFFFF000  }
0x1a7: {  	_ =	swait.ge [sflag:s0], $0x1000  }
0x1a8: {  	[sflag:s0] =	ssyncset.done $0x0  }
0x1a9: {  	[sflag:s0] =	ssyncadd.s32 $0xFFFFF000  }
0x1aa: {  	_ =	swait.ge [sflag:s0], $0x1000  }
0x1ab: {  	[sflag:s0] =	ssyncset.done $0x0  }
0x1ac: {  	s1 =	simm.s32 $0x4;
	[sflag:s0] =	ssyncadd.s32 $0xFFFFF000  }
0x1ad: {  	_ =	swait.ge [sflag:s1], $0x1000  }
0x1ae: {  	[sflag:s1] =	ssyncset.done $0x0  }
0x1af: {  	[sflag:s1] =	ssyncadd.s32 $0xFFFFF000  }
0x1b0: {  	_ =	swait.ge [sflag:s1], $0x1000  }
0x1b1: {  	[sflag:s1] =	ssyncset.done $0x0  }
0x1b2: {  	[sflag:s1] =	ssyncadd.s32 $0xFFFFF000  }
0x1b3: {  	_ =	swait.ge [sflag:s1], $0x1000  }
0x1b4: {  	[sflag:s1] =	ssyncset.done $0x0  }
0x1b5: {  	[sflag:s1] =	ssyncadd.s32 $0xFFFFF000  }
0x1b6: {  	_ =	swait.ge [sflag:s1], $0x1000  }
0x1b7: {  	s2 =	rddreg [dreg:$0x6]  }
0x1b8: {  	s31 =	rddreg [dreg:$0x5];
	s2 =	sadd.s32 $0x1, s2  }
0x1b9: {  	p0 =	sne.s32 s2, s31  }
.Ltmp9:
0x1ba: {  	_ = 	snop;
	(pc) =	sbr.rel @p0 .LBB2_1-.Ltmp9, $3  }
0x1bb: {  	_ =	sdelay $0x1  }
0x1bc: {  	[sflag:s1] =	ssyncset.done $0x0  }
0x1bd: {  	[sflag:s1] =	ssyncadd.s32 $0xFFFFF000  }
0x1be: {  	_ =	sfence.sel $0x180000  }
0x1bf: {  	[bflag:$0x0] =	sbarrier.arrive $0xFFFF  }
0x1c0: {  	_ =	strace $0x9000004D  }
0x1c1: {  	s0 =	stileid.u32;
	[bflag:$0x2] =	sbarrier.arrive $0xFFFF  }
0x1c2: {  	p0 =	sne.s32 s0, $0x0;
	s0 =	rddreg [dreg:$0x2]  }
0x1c3: {  	s0 =	sadd.s32 @!p0 $0x100000, s0  }
0x1c4: {  	[sflag:s0] =	ssyncadd.tile.s32 @!p0 $0x1;
	_ =	shalt  }
.Lfunc_end2:
_tile_overlayer_lowered:
.L_overlay_start_2:
0x1c5: {  	(tag) =	ssettag $0x2  }
0x1c6: {  	s0 =	rddreg [dreg:$0x0];
	s2 =	stileid.u32  }
0x1c7: {  	s1 =	rddreg [dreg:$0x1];
	p0 =	sne.s32 s2, $0x0  }
0x1c8: {  	s3 =	rddreg [dreg:$0x2];
	[bflag:$0x3] =	sbarrier.arrive $0xFFFF;
	s2 =	simm.s32 @!p0 $0x1C05  }
0x1c9: {  	[timem:s3], [sflag:s2] =	dma.local @!p0 [hbm:s0], s1  }
0x1ca: {  	s0 =	simm.s32 @!p0 $0x5  }
0x1cb: {  	_ =	swait.ge @!p0 [sflag:s0], s1  }
0x1cc: {  	s1 =	ssub.s32 @!p0 $0x0, s1;
	[sflag:s0] =	ssyncset.done @!p0 $0x0  }
0x1cd: {  	[sflag:s0] =	ssyncadd.s32 @!p0 s1  }
0x1ce: {  	[bflag:$0x3] =	sbarrier.arrive $0xFFFF  }
0x1cf: {  	_ =	shalt  }

// kernel: _embed.5.cloned.1.call-start
scs
__scs_entry_jumppad:
0x0: {  	(pc) =	sbr.rel $0x88, $3  }
0x1: {  	(tag) =	ssettag $0x0;
	lr =	simm.s32 $0x1  }
0x2: {  	[smem:$0x3F9F] =	sst lr;
	_ =	strace $0xD0000000  }
0x3: {  	_ = 	snop  }
0x4: {  	_ = 	snop  }
0x5: {  	_ = 	snop  }
0x6: {  	_ = 	snop  }
0x7: {  	_ = 	snop  }
__scs_overlays_trampoline_lowered:
0x8: {  	[smem:$0x3FAE] =	sst s0  }
0x9: {  	[smem:$0x3FAF] =	sst s1  }
0xa: {  	[smem:$0x3FB0] =	sst s2  }
0xb: {  	[smem:$0x3FB1] =	sst s3  }
0xc: {  	[smem:$0x3FB2] =	sst s4  }
0xd: {  	[smem:$0x3FB3] =	sst s5  }
0xe: {  	[smem:$0x3FB4] =	sst s6  }
0xf: {  	[smem:$0x3FB5] =	sst s7  }
0x10: {  	[smem:$0x3FB6] =	sst s8  }
0x11: {  	[smem:$0x3FB7] =	sst s9;
	s0 =	simm.s32 @!p0 $0x0  }
0x12: {  	s1 =	sld [smem:$0x3F9D];
	s0 =	simm.s32 @p0 $0x1  }
0x13: {  	[smem:$0x3FB8] =	sst s0;
	s0 =	simm.s32 @!p1 $0x0  }
0x14: {  	s2 =	sld [smem:$0x3F9C];
	s0 =	simm.s32 @p1 $0x1  }
0x15: {  	[smem:$0x3FB9] =	sst s0;
	s0 =	simm.s32 @!p2 $0x0  }
0x16: {  	s3 =	sld [smem:$0x3FDB];
	s0 =	simm.s32 @p2 $0x1  }
0x17: {  	s4 =	simm.s32 $0x1BF5;
	[smem:$0x3FBB] =	sst s0  }
0x18: {  	s0 =	sld [smem:$0x3F9E];
	_ =	swait.ge [sflag:s4], $0x0  }
0x19: {  	s7 =	sld [smem:$0x3F9F]  }
0x1a: {  	s8 =	sadd.s32 $0xFFFFE003, lr  }
0x1b: {  	s9 =	sadd.s32 $0xFFFFFEF7, lr;
	s5 =	simm.s32 $0xFFFFFFFF;
	p2 =	slt.u32 s8, $0xFFFFF086  }
0x1c: {  	p1 =	slt.u32 s9, $0xF7A;
	s5 =	simm.s32 @!p2 $0x0  }
0x1d: {  	s5 =	simm.s32 @p1 $0x1;
	p0 =	seq.s32 s7, s2  }
0x1e: {  	s7 =	smul.u32 @!p0 $0xF7A, s2;
	p2 =	seq.s32 @!p0 s5, $0x0  }
0x1f: {  	s9 =	smul.u32 $0xF7A, s1;
	s8 =	simm.s32 @!p0 $0x1BF5;
	p2 =	por !p2, p0  }
0x20: {  	[sflag:s8] =	ssyncset.s32 @!p0 $0xFFFFF086;
	s6 =	sadd.s32 @!p0 s3, s7;
	s7 =	simm.s32 @!p0 $0x108  }
0x21: {  	s3 =	sadd.s32 s3, s9;
	s6 =	sadd.s32 @!p0 $0x88, s6;
	s7 =	simm.s32 @p2 $0x1082  }
0x22: {  	[simem:s7], [sflag:s8] =	dma.local @!p0 [hbm:s6], $0xF7A  }
0x23: {  	s9 =	sor.u32 $0xD0000000, s2;
	s6 =	simm.s32 $0x108;
	_ =	swait.ge @!p0 [sflag:s8], $0x0  }
0x24: {  	s3 =	sadd.s32 $0x88, s3;
	s6 =	simm.s32 @!p1 $0x1082;
	[sflag:s4] =	ssyncset.s32 $0xFFFFF086  }
0x25: {  	[simem:s6], [sflag:s4] =	dma.local [hbm:s3], $0xF7A  }
0x26: {  	[smem:$0x3F9F] =	sst s1;
	(tag) =	ssettag s2;
	_ =	strace s9  }
0x27: {  	s1 =	sld [smem:$0x3FAF]  }
0x28: {  	s2 =	sld [smem:$0x3FB0]  }
0x29: {  	s4 =	sld [smem:$0x3FB2]  }
0x2a: {  	p0 =	seq.s32 s5, $0x0;
	s5 =	sld [smem:$0x3FB3]  }
0x2b: {  	s6 =	sld [smem:$0x3FB4]  }
0x2c: {  	s7 =	sld [smem:$0x3FB5]  }
0x2d: {  	s3 =	simm.s32 $0x108;
	s8 =	sld [smem:$0x3FB6]  }
0x2e: {  	s3 =	simm.s32 @!p0 $0x1082;
	s9 =	sld [smem:$0x3FB7]  }
0x2f: {  	lr =	sadd.s32 s0, s3;
	s0 =	sld [smem:$0x3FAE]  }
0x30: {  	s3 =	sld [smem:$0x3FB1]  }
0x31: {  	[smem:$0x3FBA] =	sst s10  }
0x32: {  	s10 =	sld [smem:$0x3FB8];
	_ =	sdelay $0x3  }
0x33: {  	p0 =	seq.s32 s10, $0x1;
	s10 =	sld [smem:$0x3FBA];
	_ =	sdelay $0x3  }
0x34: {  	[smem:$0x3FBA] =	sst s10  }
0x35: {  	s10 =	sld [smem:$0x3FB9];
	_ =	sdelay $0x3  }
0x36: {  	p1 =	seq.s32 s10, $0x1;
	s10 =	sld [smem:$0x3FBA];
	_ =	sdelay $0x3  }
0x37: {  	[smem:$0x3FBA] =	sst s10  }
0x38: {  	s10 =	sld [smem:$0x3FBB]  }
0x39: {  	_ = 	snop;
	(pc) =	sbr.ind lr, $3  }
0x3a: {  	_ = 	snop  }
0x3b: {  	_ = 	snop  }
0x3c: {  	p2 =	seq.s32 s10, $0x1;
	s10 =	sld [smem:$0x3FBA]  }
0x3d: {  	_ =	shalt  }
0x3e: {  	_ =	shalt  }
0x3f: {  	_ =	shalt  }
0x40: {  	_ =	shalt  }
0x41: {  	_ =	shalt  }
0x42: {  	_ =	shalt  }
0x43: {  	_ =	shalt  }
0x44: {  	_ =	shalt  }
0x45: {  	_ =	shalt  }
0x46: {  	_ =	shalt  }
0x47: {  	_ =	shalt  }
0x48: {  	_ =	shalt  }
0x49: {  	_ =	shalt  }
0x4a: {  	_ =	shalt  }
0x4b: {  	_ =	shalt  }
0x4c: {  	_ =	shalt  }
0x4d: {  	_ =	shalt  }
0x4e: {  	_ =	shalt  }
0x4f: {  	_ =	shalt  }
0x50: {  	_ =	shalt  }
0x51: {  	_ =	shalt  }
0x52: {  	_ =	shalt  }
0x53: {  	_ =	shalt  }
0x54: {  	_ =	shalt  }
0x55: {  	_ =	shalt  }
0x56: {  	_ =	shalt  }
0x57: {  	_ =	shalt  }
0x58: {  	_ =	shalt  }
0x59: {  	_ =	shalt  }
0x5a: {  	_ =	shalt  }
0x5b: {  	_ =	shalt  }
0x5c: {  	_ =	shalt  }
0x5d: {  	_ =	shalt  }
0x5e: {  	_ =	shalt  }
0x5f: {  	_ =	shalt  }
0x60: {  	_ =	shalt  }
0x61: {  	_ =	shalt  }
0x62: {  	_ =	shalt  }
0x63: {  	_ =	shalt  }
0x64: {  	_ =	shalt  }
0x65: {  	_ =	shalt  }
0x66: {  	_ =	shalt  }
0x67: {  	_ =	shalt  }
0x68: {  	_ =	shalt  }
0x69: {  	_ =	shalt  }
0x6a: {  	_ =	shalt  }
0x6b: {  	_ =	shalt  }
0x6c: {  	_ =	shalt  }
0x6d: {  	_ =	shalt  }
0x6e: {  	_ =	shalt  }
0x6f: {  	_ =	shalt  }
0x70: {  	_ =	shalt  }
0x71: {  	_ =	shalt  }
0x72: {  	_ =	shalt  }
0x73: {  	_ =	shalt  }
0x74: {  	_ =	shalt  }
0x75: {  	_ =	shalt  }
0x76: {  	_ =	shalt  }
0x77: {  	_ =	shalt  }
0x78: {  	_ =	shalt  }
0x79: {  	_ =	shalt  }
0x7a: {  	_ =	shalt  }
0x7b: {  	_ =	shalt  }
0x7c: {  	_ =	shalt  }
0x7d: {  	_ =	shalt  }
0x7e: {  	_ =	shalt  }
0x7f: {  	_ =	shalt  }
0x80: {  	_ =	shalt  }
0x81: {  	_ =	shalt  }
0x82: {  	_ =	shalt  }
0x83: {  	_ =	shalt  }
0x84: {  	_ =	shalt  }
0x85: {  	_ =	shalt  }
0x86: {  	_ =	shalt  }
0x87: {  	_ =	shalt  }
.Lfunc_end0:
.L_simem_size_0:
called_computation_lowered:
.L_overlay_start_0:
0x88: {  	s2 =	sld [smem:$0x3FD9]  }
0x89: {  	s3 =	sld [smem:$0x3FFE];
	_ =	sdelay $0x1  }
0x8a: {  	s1 =	srdreg.scid  }
0x8b: {  	s0 =	sand.u32 $0x1, s1  }
0x8c: {  	s18 =	sshll.u32 s0, $0xA;
	s2 =	sadd.s32 s3, s2  }
0x8d: {  	s2 =	sadd.s32 s2, s18  }
0x8e: {  	[smem:$0x3FC6] =	sst s2  }
0x8f: {  	_ = 	snop  }
0x90: {  	s2 =	sld [smem:$0x3FC8]  }
0x91: {  	s19 =	sld [smem:$0x3FD0];
	(tm) =	ssettm $0x1  }
0x92: {  	s4 =	sld [smem:$0x3FFB];
	_ =	sdelay $0x3  }
0x93: {  	_ =	strace s4  }
0x94: {  	s4 =	sld [smem:$0x3FFC];
	_ =	sdelay $0x3  }
0x95: {  	_ =	strace s4  }
0x96: {  	s4 =	sld [smem:$0x3FFD];
	_ =	sdelay $0x3  }
0x97: {  	_ =	strace s4  }
0x98: {  	_ =	strace $0x8FFFFFFF  }
0x99: {  	s20 =	sld [smem:$0x3FDB];
	_ =	sdelay $0x1  }
0x9a: {  	s5 =	simm.s32 $_scs_section_size  }
0x9b: {  	s6 =	simm.s32 $_size__tile_overlayer_lowered;
	s7 =	simm.s32 $_tile_overlayer_lowered  }
0x9c: {  	s23 =	simm.s32 $0x1BFF;
	s22 =	sshll.u32 s7, $0x1;
	s4 =	sadd.s32 s5, s20  }
0x9d: {  	s8 =	simm.s32 $0x0;
	s21 =	sshll.u32 s6, $0x1;
	s6 =	sadd.s32 s22, s4  }
0x9e: {  	[timem:s8], [sflag:s23] =	dma.local [hbm:s6], s21  }
0x9f: {  	_ =	swait.ge [sflag:s23], s21  }
0xa0: {  	s5 =	ssub.s32 $0x0, s21;
	[sflag:s23] =	ssyncset.done $0x0  }
0xa1: {  	[sflag:s23] =	ssyncadd.s32 s5;
	_ =	sdelay $0x1  }
0xa2: {  	s24 =	simm.s32 $0x1B8B  }
0xa3: {  	_ =	swait.ge [sflag:s24], $0x1  }
0xa4: {  	[sflag:s24] =	ssyncset.done $0x0  }
0xa5: {  	s25 =	simm.s32 $0x1B8E;
	[sflag:s24] =	ssyncadd.s32 $0xFFFFFFFF  }
0xa6: {  	s26 =	simm.s32 $execute0_lowered;
	[smem:$0x3FD2] =	sst s25  }
0xa7: {  	s5 =	sshll.u32 s26, $0x1;
	_ =	strace $0x80000046;
	[dreg:$0x1] =	wrdreg $0xFFFFFFFF  }
0xa8: {  	s28 =	simm.s32 $_size_execute0_lowered;
	s4 =	sadd.s32 s4, s5;
	[dreg:$0x0] =	wrdreg $0x0  }
0xa9: {  	s5 =	sshll.u32 s28, $0x1;
	[dreg:$0x2] =	wrdreg s4  }
0xaa: {  	[dreg:$0x3] =	wrdreg s5  }
0xab: {  	[dreg:$0x4] =	wrdreg $0xC0  }
0xac: {  	_ =	task [dreg:s8], $0x5FFFF  }
0xad: {  	[dreg:$0x1] =	wrdreg $0xFFFFFFFF  }
0xae: {  	[dreg:$0x0] =	wrdreg $0x60  }
0xaf: {  	[dreg:$0x2] =	wrdreg s2  }
0xb0: {  	[dreg:$0x3] =	wrdreg s19  }
0xb1: {  	[dreg:$0x4] =	wrdreg $0x9  }
0xb2: {  	_ =	task.clear_ibuf [dreg:s8], $0x5FFFF;
	_ =	strace $0x90000046  }
0xb3: {  	s29 =	simm.s32 $0x9;
	_ =	strace $0x80000048  }
0xb4: {  	_ =	swait.ge [sflag:s29], $0x1  }
0xb5: {  	[sflag:s29] =	ssyncadd.s32 $0xFFFFFFFF  }
0xb6: {  	_ =	strace $0x90000048  }
0xb7: {  	_ =	sfence  }
0xb8: {  	s30 =	sld [smem:$0x0];
	_ =	sdelay $0x2  }
0xb9: {  	s31 =	sshll.u32 s1, $0xD;
	s1 =	sshrl.u32 s1, $0x2  }
0xba: {  	s3 =	sand.u32 $0x4000, s31;
	s1 =	sadd.s32 s1, s30  }
0xbb: {  	s0 =	sor.u32 s3, s0;
	s1 =	sshll.u32 s1, $0x11  }
0xbc: {  	s0 =	sor.u32 s1, s0  }
0xbd: {  	s0 =	sadd.s32 $0x8F2B, s0  }
0xbe: {  	[sflag:s0] =	ssyncadd.remote.s32 $0x1  }
0xbf: {  	_ =	sfence.sel $0xFFFF  }
0xc0: {  	[dreg:$0x0] =	wrdreg $0xFFFFFFFF;
	(pc) =	sbr.abs _section_cstart, $3  }
0xc1: {  	[dreg:$0x1] =	wrdreg $0xFFFFFFFF  }
0xc2: {  	_ =	task.clear_ibuf [dreg:s8], $0x2FFFF;
	_ =	strace $0x9FFFFFFF  }
0xc3: {  	(tm) =	ssettm $0x7FFFFFFF  }
tec
execute0_lowered:
.L_overlay_start_1:
0x0: {  	(tag) =	ssettag $0x1  }
0x1: {  	s1 =	srdreg.scid  }
0x2: {  	s0 =	stileid.u32;
	s2 =	rddreg [dreg:$0x0]  }
0x3: {  	s5 =	simm.s32 $0x1;
	s7 =	sand.u32 $0x1, s1;
	s23 =	sshll.u32 s0, $0x1  }
0x4: {  	s10 =	simm.s32 $0x1;
	s14 =	simm.s32 $0x400;
	s8 =	sor.u32 s7, s23  }
0x5: {  	s15 =	simm.s32 $0x1000;
	s16 =	simm.s32 $0x2000;
	s1 =	smul.u32 $0xF5, s8  }
0x6: {  	s17 =	simm.s32 $0x2;
	s18 =	simm.s32 $0x3000;
	s20 =	simm.s32 $0x4  }
0x7: {  	s21 =	simm.s32 $0x0;
	s7 =	ssub.s32 $0x2, s7;
	s3 =	smin.u32 s1, $0x1D90  }
0x8: {  	s26 =	sshrl.u32 s7, $0x1;
	s29 =	smul.u32 $0x7A80, s8;
	s4 =	sadd.s32 $0xF5, s3  }
0x9: {  	s12 =	ssub.s32 s7, s26;
	s3 =	ssub.s32 s4, s1;
	p0 =	sne.s32 s4, s1  }
0xa: {  	s7 =	simm.s32 $0x1;
	s6 =	sshra.s32 s3, $0x1F;
	s5 =	simm.s32 @!p0 $0x0  }
0xb: {  	s9 =	sand.u32 $0x8000, s3;
	s24 =	sand.u32 $0x1, s3;
	s5 =	sor.u32 s5, s6  }
0xc: {  	v0 =	vlaneseq.u32;
	s9 =	sshrl.u32 s9, $0xF;
	p1 =	seq.s32 s24, $0x1;
	p6 =	sne.s32 s5, $0x1  }
0xd: {  	v1 =	vmul.u32 $0x20, v0;
	s4 =	rddreg [dreg:$0x1];
	s25 =	sadd.s32 s9, s3;
	p0 =	por !p6, !p1  }
0xe: {  	v2 =	vor.u32 $0x10, v0;
	v4 =	vor.u32 $0x20, v0;
	v6 =	vor.u32 $0x30, v0;
	s6 =	simm.s32 $0x0;
	s9 =	sshll.u32 s25, $0x10;
	p0 =	por !p0, !p0  }
0xf: {  	v8 =	vor.u32 $0x40, v0;
	v10 =	vor.u32 $0x50, v0;
	v12 =	vor.u32 $0x60, v0;
	s5 =	rddreg [dreg:$0x2];
	s9 =	sshra.s32 s9, $0x11;
	s10 =	simm.s32 @!p0 $0x0  }
0x10: {  	v14 =	vor.u32 $0x70, v0;
	v16 =	vor.u32 $0x800, v0;
	v18 =	vor.u32 $0x810, v0;
	s12 =	smax.u32 s12, $0x1;
	[smem:$0x7FF] =	sst s6;
	s13 =	ssub.s32 s9, s10  }
0x11: {  	v20 =	vor.u32 $0x820, v0;
	v22 =	vor.u32 $0x830, v0;
	v24 =	vor.u32 $0x840, v0;
	_ =	strace $0x80000047;
	s19 =	sshll.u32 s13, $0x1;
	s10 =	sshrl.u32 s13, $0x1F  }
0x12: {  	v26 =	vor.u32 $0x850, v0;
	v28 =	vor.u32 $0x860, v0;
	v30 =	vor.u32 $0x870, v0;
	s9 =	sadd.s32 s2, s29;
	s11 =	sadd.s32 s1, s19;
	s28 =	sor.u32 s19, s10  }
.Ltmp0:
0x13: {  	v3 =	vor.u32 $0x200, v1;
	v5 =	vor.u32 $0x400, v1;
	v7 =	vor.u32 $0x600, v1;
	s10 =	sshll.u32 s11, $0x7;
	s30 =	sadd.s32 $0x1, s28;
	(pc) =	sbr.rel .LBB2_1-.Ltmp0, $4  }
0x14: {  	v9 =	vor.u32 $0x800, v1;
	v11 =	vor.u32 $0xA00, v1;
	v13 =	vor.u32 $0xC00, v1;
	p1 =	sge.s32 s19, s3;
	p0 =	slt.s32 s10, $0xF4200;
	s8 =	sshra.s32 s30, $0x1  }
0x15: {  	v15 =	vor.u32 $0xE00, v1;
	v17 =	vor.u32 $0x10, v1;
	v19 =	vor.u32 $0x210, v1;
	s19 =	simm.s32 $0x3;
	s10 =	simm.s32 @!p0 $0xF4200;
	p0 =	sgt.s32 s8, $0x1  }
0x16: {  	v21 =	vor.u32 $0x410, v1;
	v23 =	vor.u32 $0x610, v1;
	v25 =	vor.u32 $0x810, v1;
	s31 =	sshll.u32 s10, $0x2;
	s10 =	sadd.s32 $0x80, s9;
	s8 =	simm.s32 @!p0 $0x1  }
0x17: {  	v27 =	vor.u32 $0xA10, v1;
	v29 =	vor.u32 $0xC10, v1;
	v31 =	vor.u32 $0xE10, v1;
	p0 =	slt.s32 s13, $0x1;
	s13 =	simm.s32 $0x7A1400;
	s11 =	sadd.s32 s4, s31  }
.LBB2_21:
0x18: {  	s21 =	sadd.s32 $0x1, s21  }
0x19: {  	_ =	swait.ge [sflag:s19], $0x1000;
	p2 =	sne.s32 s21, s12  }
.Ltmp1:
0x1a: {  	[sflag:s19] =	ssyncset.done $0x0;
	(pc) =	sbr.rel @!p2 .LBB2_22-.Ltmp1, $4  }
0x1b: {  	[sflag:s19] =	ssyncadd.s32 $0xFFFFF000  }
0x1c: {  	_ =	swait.ge [sflag:s20], $0x1000  }
0x1d: {  	[sflag:s20] =	ssyncset.done $0x0  }
0x1e: {  	[sflag:s20] =	ssyncadd.s32 $0xFFFFF000  }
.LBB2_1:
.Ltmp2:
0x1f: {  	(pc) =	sbr.rel @!p0 .LBB2_2-.Ltmp2, $4  }
0x20: {  	_ = 	snop  }
0x21: {  	[tilespmem:s6], [sflag:$0x1] =	stream.strided.gather [hbm4b:s9+s14], $0x1000, s13, s14, $0x38;
	[tilespmem:$0x4000] =	vst v63  }
0x22: {  	s22 =	simm.s32 $0x0  }
0x23: {  	[tilespmem:s15], [sflag:$0x2] =	stream.strided.gather [hbm4b:s10+s14], $0x1000, s13, s14, $0x38;
	[tilespmem:$0x4000] =	vst v63  }
.LBB2_15:
.Ltmp3:
0x24: {  	(pc) =	sbr.rel @p1 .LBB2_21-.Ltmp3, $1  }
0x25: {  	_ =	sdelay $0x3  }
0x26: {  	s23 =	simm.s32 $0x0  }
0x27: {  	v32 =	vadd.s32 s23, v0  }
0x28: {  	v37 =	vand.u32 $0xF, v32  }
0x29: {  	_ =	swait.ge [sflag:s7], $0x1000;
	v32 =	vshll.u32 v37, $0x7  }
0x2a: {  	[sflag:s7] =	ssyncset.done $0x0;
	v34 =	vor.u32 v0, v32  }
0x2b: {  	[sflag:s7] =	ssyncadd.s32 $0xFFFFF000;
	v35 =	vor.u32 v14, v32  }
0x2c: {  	_ =	swait.ge [sflag:s19], $0x1000;
	v41 =	vor.u32 v2, v32  }
0x2d: {  	s22 =	simm.s32 $0x1;
	[sflag:s19] =	ssyncset.done $0x0;
	v44 =	vor.u32 v12, v32  }
0x2e: {  	v40 =	vadd.s32 s22, v0;
	v47 =	vor.u32 v8, v32;
	[sflag:s19] =	ssyncadd.s32 $0xFFFFF000  }
0x2f: {  	v40 =	vand.u32 $0xF, v40;
	v33 =	vor.u32 v7, v37;
	v48 =	vor.u32 v6, v32;
	v45 =	vld.idx.msk [tilespmem:v34+s23+$0x0], $0xffff  }
0x30: {  	v39 =	vor.u32 v13, v37;
	v54 =	vor.u32 v1, v37;
	v50 =	vor.u32 v15, v37;
	v42 =	vld.idx.msk [tilespmem:v35+s23+$0x0], $0xffff  }
0x31: {  	v49 =	vshll.u32 v40, $0x7;
	v51 =	vor.u32 v3, v37;
	v38 =	vor.u32 v10, v32;
	v43 =	vld.idx.msk [tilespmem:v41+s23+$0x0], $0xffff  }
0x32: {  	v36 =	vor.u32 v4, v32;
	v32 =	vor.u32 v11, v37;
	v52 =	vor.u32 v0, v49;
	v46 =	vld.idx.msk [tilespmem:v44+s23+$0x0], $0xffff  }
0x33: {  	v53 =	vor.u32 v14, v49;
	v34 =	vor.u32 v5, v37;
	v35 =	vor.u32 v9, v37;
	v47 =	vld.idx.msk [tilespmem:v47+s23+$0x0], $0xffff  }
0x34: {  	s24 =	simm.s32 $0x2;
	v41 =	vor.u32 v2, v49;
	v44 =	vor.u32 v4, v49;
	v37 =	vor.u32 v6, v49;
	v48 =	vld.idx.msk [tilespmem:v48+s23+$0x0], $0xffff  }
.LBB2_17:
0x35: {  	v55 =	vor.u32 v8, v49  }
0x36: {  	p2 =	sne.s32 s24, $0xF;
	[tilespmem:v54+s16+$0x0] =	vst.idx.msk $0xffff, v45;
	v56 =	vld.idx.msk [tilespmem:v38+s23+$0x0], $0xffff;
	v38 =	vor.u32 v10, v49;
	v57 =	vmov v34;
	v58 =	vmov v40;
	s25 =	smov.u32 s24;
	s24 =	sadd.s32 $0x1, s24  }
0x37: {  	v60 =	vor.u32 v12, v49;
	v59 =	vor.u32 v7, v58;
	v61 =	vld.idx.msk [tilespmem:v36+s23+$0x0], $0xffff;
	[tilespmem:v50+s16+$0x0] =	vst.idx.msk $0xffff, v42  }
0x38: {  	v34 =	vor.u32 v5, v58;
	v62 =	vor.u32 v11, v58;
	v36 =	vmov v44;
	[tilespmem:v51+s16+$0x0] =	vst.idx.msk $0xffff, v43  }
0x39: {  	v40 =	vor.u32 v9, v58;
	v45 =	vld.idx.msk [tilespmem:v52+s23+$0x0], $0xffff;
	[tilespmem:v39+s16+$0x0] =	vst.idx.msk $0xffff, v46;
	v39 =	vor.u32 v13, v58  }
.Ltmp4:
0x3a: {  	v54 =	vor.u32 v1, v58;
	v43 =	vadd.s32 s25, v0;
	v42 =	vld.idx.msk [tilespmem:v53+s23+$0x0], $0xffff;
	[tilespmem:v35+s16+$0x0] =	vst.idx.msk $0xffff, v47;
	v35 =	vmov v40;
	(pc) =	sbr.rel @p2 .LBB2_17-.Ltmp4, $4  }
0x3b: {  	v50 =	vor.u32 v15, v58;
	v40 =	vand.u32 $0xF, v43;
	v43 =	vld.idx.msk [tilespmem:v41+s23+$0x0], $0xffff;
	[tilespmem:v33+s16+$0x0] =	vst.idx.msk $0xffff, v48;
	v33 =	vmov v59  }
0x3c: {  	v51 =	vor.u32 v3, v58;
	v49 =	vshll.u32 v40, $0x7;
	v46 =	vld.idx.msk [tilespmem:v60+s23+$0x0], $0xffff;
	[tilespmem:v32+s16+$0x0] =	vst.idx.msk $0xffff, v56;
	v32 =	vmov v62  }
0x3d: {  	v52 =	vor.u32 v0, v49;
	v41 =	vor.u32 v2, v49;
	v47 =	vld.idx.msk [tilespmem:v55+s23+$0x0], $0xffff;
	[tilespmem:v57+s16+$0x0] =	vst.idx.msk $0xffff, v61  }
0x3e: {  	v44 =	vor.u32 v4, v49;
	v53 =	vor.u32 v14, v49;
	v48 =	vld.idx.msk [tilespmem:v37+s23+$0x0], $0xffff;
	v37 =	vor.u32 v6, v49  }
0x3f: {  	_ =	sdelay $0x3  }
0x40: {  	[tilespmem:v54+s16+$0x0] =	vst.idx.msk $0xffff, v45  }
0x41: {  	v38 =	vld.idx.msk [tilespmem:v38+s23+$0x0], $0xffff;
	v61 =	vor.u32 v12, v49;
	[tilespmem:v50+s16+$0x0] =	vst.idx.msk $0xffff, v42  }
0x42: {  	v62 =	vor.u32 v8, v49;
	v36 =	vld.idx.msk [tilespmem:v36+s23+$0x0], $0xffff;
	[tilespmem:v51+s16+$0x0] =	vst.idx.msk $0xffff, v43  }
0x43: {  	v63 =	vld.idx.msk [tilespmem:v52+s23+$0x0], $0xffff;
	v52 =	vor.u32 v1, v40;
	[tilespmem:v39+s16+$0x0] =	vst.idx.msk $0xffff, v46  }
0x44: {  	v54 =	vor.u32 v10, v49;
	v56 =	vor.u32 v15, v40;
	v55 =	vld.idx.msk [tilespmem:v53+s23+$0x0], $0xffff;
	[tilespmem:v35+s16+$0x0] =	vst.idx.msk $0xffff, v47  }
0x45: {  	v57 =	vor.u32 v3, v40;
	v41 =	vld.idx.msk [tilespmem:v41+s23+$0x0], $0xffff;
	[tilespmem:v33+s16+$0x0] =	vst.idx.msk $0xffff, v48  }
0x46: {  	v58 =	vor.u32 v13, v40;
	v45 =	vld.idx.msk [tilespmem:v61+s23+$0x0], $0xffff;
	[tilespmem:v32+s16+$0x0] =	vst.idx.msk $0xffff, v38  }
0x47: {  	v59 =	vor.u32 v9, v40;
	v60 =	vld.idx.msk [tilespmem:v62+s23+$0x0], $0xffff;
	[tilespmem:v34+s16+$0x0] =	vst.idx.msk $0xffff, v36  }
0x48: {  	v61 =	vor.u32 v7, v40;
	v62 =	vld.idx.msk [tilespmem:v37+s23+$0x0], $0xffff;
	[tilespmem:v52+s16+$0x0] =	vst.idx.msk $0xffff, v63  }
0x49: {  	v42 =	vadd.s32 s23, v0;
	v63 =	vor.u32 v11, v40;
	v46 =	vld.idx.msk [tilespmem:v54+s23+$0x0], $0xffff;
	[tilespmem:v56+s16+$0x0] =	vst.idx.msk $0xffff, v55  }
0x4a: {  	v50 =	vshll.u32 v42, $0x7;
	v48 =	vor.u32 v5, v40;
	v49 =	vld.idx.msk [tilespmem:v44+s23+$0x0], $0xffff;
	[tilespmem:v57+s16+$0x0] =	vst.idx.msk $0xffff, v41  }
0x4b: {  	v51 =	vor.u32 v16, v50;
	[tilespmem:v58+s16+$0x0] =	vst.idx.msk $0xffff, v45  }
0x4c: {  	v52 =	vor.u32 v18, v50;
	[tilespmem:v59+s16+$0x0] =	vst.idx.msk $0xffff, v60  }
0x4d: {  	v53 =	vor.u32 v20, v50;
	[tilespmem:v61+s16+$0x0] =	vst.idx.msk $0xffff, v62  }
0x4e: {  	v54 =	vor.u32 v22, v50;
	[tilespmem:v63+s16+$0x0] =	vst.idx.msk $0xffff, v46  }
0x4f: {  	v55 =	vor.u32 v24, v50;
	[tilespmem:v48+s16+$0x0] =	vst.idx.msk $0xffff, v49  }
0x50: {  	v39 =	vor.u32 v26, v50;
	v38 =	vor.u32 v17, v42;
	v37 =	vld.idx.msk [tilespmem:v51+s6+$0x0], $0xffff  }
0x51: {  	v56 =	vor.u32 v19, v42;
	v57 =	vor.u32 v28, v50;
	v40 =	vld.idx.msk [tilespmem:v52+s6+$0x0], $0xffff  }
0x52: {  	v32 =	vadd.s32 s22, v0;
	v59 =	vor.u32 v21, v42;
	v60 =	vor.u32 v30, v50;
	v58 =	vld.idx.msk [tilespmem:v53+s6+$0x0], $0xffff  }
0x53: {  	v33 =	vshll.u32 v32, $0x7;
	v61 =	vor.u32 v23, v42;
	v49 =	vld.idx.msk [tilespmem:v54+s6+$0x0], $0xffff  }
0x54: {  	v62 =	vor.u32 v16, v33;
	v63 =	vor.u32 v25, v42;
	v51 =	vld.idx.msk [tilespmem:v55+s6+$0x0], $0xffff  }
0x55: {  	v44 =	vor.u32 v18, v33;
	v34 =	vld.idx.msk [tilespmem:v39+s6+$0x0], $0xffff;
	[tilespmem:v38+s16+$0x0] =	vst.idx.msk $0xffff, v37;
	v38 =	vor.u32 v27, v42  }
0x56: {  	v45 =	vor.u32 v20, v33;
	v35 =	vld.idx.msk [tilespmem:v57+s6+$0x0], $0xffff;
	v39 =	vor.u32 v29, v42;
	[tilespmem:v56+s16+$0x0] =	vst.idx.msk $0xffff, v40  }
0x57: {  	v41 =	vor.u32 v31, v42;
	v36 =	vld.idx.msk [tilespmem:v60+s6+$0x0], $0xffff;
	[tilespmem:v59+s16+$0x0] =	vst.idx.msk $0xffff, v58;
	v40 =	vor.u32 v22, v33  }
0x58: {  	[tilespmem:v61+s16+$0x0] =	vst.idx.msk $0xffff, v49;
	v42 =	vor.u32 v24, v33  }
0x59: {  	s22 =	simm.s32 $0x2;
	v43 =	vor.u32 v26, v33;
	[tilespmem:v63+s16+$0x0] =	vst.idx.msk $0xffff, v51;
	v37 =	vld.idx.msk [tilespmem:v62+s6+$0x0], $0xffff  }
.LBB2_19:
0x5a: {  	p2 =	sne.s32 s22, $0xF;
	v46 =	vor.u32 v17, v32;
	v47 =	vld.idx.msk [tilespmem:v44+s6+$0x0], $0xffff;
	v48 =	vor.u32 v28, v33;
	[tilespmem:v38+s16+$0x0] =	vst.idx.msk $0xffff, v34  }
0x5b: {  	v49 =	vor.u32 v19, v32;
	v51 =	vor.u32 v30, v33;
	v50 =	vld.idx.msk [tilespmem:v45+s6+$0x0], $0xffff;
	[tilespmem:v39+s16+$0x0] =	vst.idx.msk $0xffff, v35  }
0x5c: {  	v52 =	vadd.s32 s22, v0;
	v53 =	vor.u32 v21, v32;
	v54 =	vld.idx.msk [tilespmem:v40+s6+$0x0], $0xffff;
	[tilespmem:v41+s16+$0x0] =	vst.idx.msk $0xffff, v36  }
0x5d: {  	v55 =	vor.u32 v23, v32;
	v33 =	vshll.u32 v52, $0x7;
	v56 =	vld.idx.msk [tilespmem:v42+s6+$0x0], $0xffff  }
0x5e: {  	v58 =	vor.u32 v25, v32;
	v57 =	vor.u32 v16, v33;
	v34 =	vld.idx.msk [tilespmem:v43+s6+$0x0], $0xffff  }
.Ltmp5:
0x5f: {  	v38 =	vor.u32 v27, v32;
	v44 =	vor.u32 v18, v33;
	[tilespmem:v46+s16+$0x0] =	vst.idx.msk $0xffff, v37;
	v35 =	vld.idx.msk [tilespmem:v48+s6+$0x0], $0xffff;
	(pc) =	sbr.rel @p2 .LBB2_19-.Ltmp5, $4  }
0x60: {  	v39 =	vor.u32 v29, v32;
	v45 =	vor.u32 v20, v33;
	[tilespmem:v49+s16+$0x0] =	vst.idx.msk $0xffff, v47;
	v36 =	vld.idx.msk [tilespmem:v51+s6+$0x0], $0xffff  }
0x61: {  	v40 =	vor.u32 v22, v33;
	v41 =	vor.u32 v31, v32;
	v32 =	vmov v52;
	[tilespmem:v53+s16+$0x0] =	vst.idx.msk $0xffff, v50  }
0x62: {  	v42 =	vor.u32 v24, v33;
	[tilespmem:v55+s16+$0x0] =	vst.idx.msk $0xffff, v54  }
0x63: {  	s22 =	sadd.s32 $0x1, s22;
	v43 =	vor.u32 v26, v33;
	v37 =	vld.idx.msk [tilespmem:v57+s6+$0x0], $0xffff;
	[tilespmem:v58+s16+$0x0] =	vst.idx.msk $0xffff, v56  }
0x64: {  	_ =	sdelay $0x2  }
0x65: {  	v46 =	vor.u32 v17, v32  }
0x66: {  	v44 =	vld.idx.msk [tilespmem:v44+s6+$0x0], $0xffff;
	v47 =	vor.u32 v28, v33;
	v48 =	vor.u32 v19, v32  }
0x67: {  	[tilespmem:v38+s16+$0x0] =	vst.idx.msk $0xffff, v34;
	v52 =	vld.idx.msk [tilespmem:v45+s6+$0x0], $0xffff;
	v53 =	vor.u32 v30, v33;
	v54 =	vor.u32 v21, v32  }
0x68: {  	[tilespmem:v39+s16+$0x0] =	vst.idx.msk $0xffff, v35;
	v55 =	vld.idx.msk [tilespmem:v40+s6+$0x0], $0xffff;
	v56 =	vor.u32 v23, v32  }
0x69: {  	v57 =	vld.idx.msk [tilespmem:v42+s6+$0x0], $0xffff;
	v58 =	vor.u32 v25, v32;
	[tilespmem:v41+s16+$0x0] =	vst.idx.msk $0xffff, v36  }
0x6a: {  	v60 =	vor.u32 v27, v32;
	v59 =	vld.idx.msk [tilespmem:v43+s6+$0x0], $0xffff;
	[tilespmem:v46+s16+$0x0] =	vst.idx.msk $0xffff, v37  }
0x6b: {  	v62 =	vor.u32 v29, v32;
	v61 =	vld.idx.msk [tilespmem:v47+s6+$0x0], $0xffff;
	[tilespmem:v48+s16+$0x0] =	vst.idx.msk $0xffff, v44  }
0x6c: {  	v63 =	vor.u32 v31, v32;
	v33 =	vld.idx.msk [tilespmem:v53+s6+$0x0], $0xffff;
	[tilespmem:v54+s16+$0x0] =	vst.idx.msk $0xffff, v52  }
0x6d: {  	[tilespmem:v56+s16+$0x0] =	vst.idx.msk $0xffff, v55  }
.Ltmp6:
0x6e: {  	[tilespmem:v58+s16+$0x0] =	vst.idx.msk $0xffff, v57;
	(pc) =	sbr.rel .LBB2_21-.Ltmp6, $4  }
0x6f: {  	[tilespmem:v60+s16+$0x0] =	vst.idx.msk $0xffff, v59  }
0x70: {  	[tilespmem:v62+s16+$0x0] =	vst.idx.msk $0xffff, v61  }
0x71: {  	[tilespmem:v63+s16+$0x0] =	vst.idx.msk $0xffff, v33  }
0x72: {  	[hbm4b:s11+s6] =	stream.linear.scatter [tilespmem:s16], [sflag:$0x3], $0x1000, $0x38;
	[tilespmem:$0x4000] =	vst v63  }
.LBB2_14:
0x73: {  	s22 =	sadd.s32 $0x1, s22  }
0x74: {  	p2 =	sne.s32 s22, s8  }
.Ltmp7:
0x75: {  	_ = 	snop;
	(pc) =	sbr.rel @!p2 .LBB2_15-.Ltmp7, $1  }
0x76: {  	_ =	sdelay $0x3  }
.LBB2_2:
0x77: {  	s23 =	sshll.u32 s22, $0x1  }
0x78: {  	p2 =	sge.s32 s23, s3  }
.Ltmp8:
0x79: {  	_ = 	snop;
	(pc) =	sbr.rel @p2 .LBB2_8-.Ltmp8, $1  }
0x7a: {  	_ =	sdelay $0x3  }
0x7b: {  	s26 =	simm.s32 $0x0  }
0x7c: {  	v32 =	vadd.s32 s26, v0  }
0x7d: {  	v39 =	vand.u32 $0xF, v32  }
0x7e: {  	_ =	swait.ge [sflag:s7], $0x1000;
	v32 =	vshll.u32 v39, $0x7  }
0x7f: {  	p2 =	seq.s32 s22, $0x0;
	[sflag:s7] =	ssyncset.done $0x0;
	v34 =	vor.u32 v0, v32  }
0x80: {  	s24 =	simm.s32 @!p2 $0x3;
	[sflag:s7] =	ssyncadd.s32 $0xFFFFF000;
	v36 =	vor.u32 v14, v32  }
0x81: {  	_ =	swait.ge @!p2 [sflag:s24], $0x1000;
	v42 =	vor.u32 v2, v32  }
0x82: {  	s25 =	simm.s32 $0x1;
	[sflag:s24] =	ssyncset.done @!p2 $0x0;
	v45 =	vor.u32 v12, v32  }
0x83: {  	v40 =	vadd.s32 s25, v0;
	v47 =	vor.u32 v8, v32;
	[sflag:s24] =	ssyncadd.s32 @!p2 $0xFFFFF000  }
0x84: {  	v40 =	vand.u32 $0xF, v40;
	v33 =	vor.u32 v7, v39;
	v48 =	vor.u32 v6, v32;
	v43 =	vld.idx.msk [tilespmem:v34+s26+$0x0], $0xffff  }
0x85: {  	v38 =	vor.u32 v13, v39;
	v53 =	vor.u32 v1, v39;
	v50 =	vor.u32 v15, v39;
	v41 =	vld.idx.msk [tilespmem:v36+s26+$0x0], $0xffff  }
0x86: {  	s31 =	sadd.s32 s1, s23;
	v49 =	vshll.u32 v40, $0x7;
	v51 =	vor.u32 v3, v39;
	v37 =	vor.u32 v10, v32;
	v44 =	vld.idx.msk [tilespmem:v42+s26+$0x0], $0xffff  }
0x87: {  	v35 =	vor.u32 v4, v32;
	v32 =	vor.u32 v11, v39;
	v52 =	vor.u32 v0, v49;
	s24 =	sshll.u32 s31, $0x7;
	v46 =	vld.idx.msk [tilespmem:v45+s26+$0x0], $0xffff  }
0x88: {  	v54 =	vor.u32 v14, v49;
	p2 =	slt.s32 s24, $0xF4200;
	v34 =	vor.u32 v5, v39;
	v36 =	vor.u32 v9, v39;
	v47 =	vld.idx.msk [tilespmem:v47+s26+$0x0], $0xffff  }
0x89: {  	s28 =	simm.s32 $0x2;
	s24 =	simm.s32 @!p2 $0xF4200;
	v42 =	vor.u32 v2, v49;
	v45 =	vor.u32 v4, v49;
	v39 =	vor.u32 v6, v49;
	v48 =	vld.idx.msk [tilespmem:v48+s26+$0x0], $0xffff  }
.LBB2_4:
0x8a: {  	v55 =	vor.u32 v8, v49  }
0x8b: {  	p2 =	sne.s32 s28, $0xF;
	[tilespmem:v53+s16+$0x0] =	vst.idx.msk $0xffff, v43;
	v56 =	vld.idx.msk [tilespmem:v37+s26+$0x0], $0xffff;
	v37 =	vor.u32 v10, v49;
	v57 =	vmov v34;
	v58 =	vmov v40;
	s29 =	smov.u32 s28;
	s28 =	sadd.s32 $0x1, s28  }
0x8c: {  	v60 =	vor.u32 v12, v49;
	v59 =	vor.u32 v7, v58;
	v61 =	vld.idx.msk [tilespmem:v35+s26+$0x0], $0xffff;
	[tilespmem:v50+s16+$0x0] =	vst.idx.msk $0xffff, v41  }
0x8d: {  	v34 =	vor.u32 v5, v58;
	v62 =	vor.u32 v11, v58;
	v35 =	vmov v45;
	[tilespmem:v51+s16+$0x0] =	vst.idx.msk $0xffff, v44  }
0x8e: {  	v40 =	vor.u32 v9, v58;
	v43 =	vld.idx.msk [tilespmem:v52+s26+$0x0], $0xffff;
	[tilespmem:v38+s16+$0x0] =	vst.idx.msk $0xffff, v46;
	v38 =	vor.u32 v13, v58  }
.Ltmp9:
0x8f: {  	v53 =	vor.u32 v1, v58;
	v44 =	vadd.s32 s29, v0;
	v41 =	vld.idx.msk [tilespmem:v54+s26+$0x0], $0xffff;
	[tilespmem:v36+s16+$0x0] =	vst.idx.msk $0xffff, v47;
	v36 =	vmov v40;
	(pc) =	sbr.rel @p2 .LBB2_4-.Ltmp9, $4  }
0x90: {  	v50 =	vor.u32 v15, v58;
	v40 =	vand.u32 $0xF, v44;
	v44 =	vld.idx.msk [tilespmem:v42+s26+$0x0], $0xffff;
	[tilespmem:v33+s16+$0x0] =	vst.idx.msk $0xffff, v48;
	v33 =	vmov v59  }
0x91: {  	v51 =	vor.u32 v3, v58;
	v49 =	vshll.u32 v40, $0x7;
	v46 =	vld.idx.msk [tilespmem:v60+s26+$0x0], $0xffff;
	[tilespmem:v32+s16+$0x0] =	vst.idx.msk $0xffff, v56;
	v32 =	vmov v62  }
0x92: {  	v52 =	vor.u32 v0, v49;
	v42 =	vor.u32 v2, v49;
	v47 =	vld.idx.msk [tilespmem:v55+s26+$0x0], $0xffff;
	[tilespmem:v57+s16+$0x0] =	vst.idx.msk $0xffff, v61  }
0x93: {  	v45 =	vor.u32 v4, v49;
	v54 =	vor.u32 v14, v49;
	v48 =	vld.idx.msk [tilespmem:v39+s26+$0x0], $0xffff;
	v39 =	vor.u32 v6, v49  }
0x94: {  	_ =	sdelay $0x3  }
0x95: {  	[tilespmem:v53+s16+$0x0] =	vst.idx.msk $0xffff, v43  }
0x96: {  	v37 =	vld.idx.msk [tilespmem:v37+s26+$0x0], $0xffff;
	v61 =	vor.u32 v12, v49;
	[tilespmem:v50+s16+$0x0] =	vst.idx.msk $0xffff, v41  }
0x97: {  	v62 =	vor.u32 v8, v49;
	v35 =	vld.idx.msk [tilespmem:v35+s26+$0x0], $0xffff;
	[tilespmem:v51+s16+$0x0] =	vst.idx.msk $0xffff, v44  }
0x98: {  	v63 =	vld.idx.msk [tilespmem:v52+s26+$0x0], $0xffff;
	v52 =	vor.u32 v1, v40;
	[tilespmem:v38+s16+$0x0] =	vst.idx.msk $0xffff, v46  }
0x99: {  	v53 =	vor.u32 v10, v49;
	v56 =	vor.u32 v15, v40;
	v55 =	vld.idx.msk [tilespmem:v54+s26+$0x0], $0xffff;
	[tilespmem:v36+s16+$0x0] =	vst.idx.msk $0xffff, v47  }
0x9a: {  	v57 =	vor.u32 v3, v40;
	v42 =	vld.idx.msk [tilespmem:v42+s26+$0x0], $0xffff;
	[tilespmem:v33+s16+$0x0] =	vst.idx.msk $0xffff, v48  }
0x9b: {  	v58 =	vor.u32 v13, v40;
	v43 =	vld.idx.msk [tilespmem:v61+s26+$0x0], $0xffff;
	[tilespmem:v32+s16+$0x0] =	vst.idx.msk $0xffff, v37  }
0x9c: {  	v59 =	vor.u32 v9, v40;
	v60 =	vld.idx.msk [tilespmem:v62+s26+$0x0], $0xffff;
	[tilespmem:v34+s16+$0x0] =	vst.idx.msk $0xffff, v35  }
0x9d: {  	v61 =	vor.u32 v7, v40;
	v62 =	vld.idx.msk [tilespmem:v39+s26+$0x0], $0xffff;
	[tilespmem:v52+s16+$0x0] =	vst.idx.msk $0xffff, v63  }
0x9e: {  	v36 =	vadd.s32 s26, v0;
	v63 =	vor.u32 v11, v40;
	v46 =	vld.idx.msk [tilespmem:v53+s26+$0x0], $0xffff;
	[tilespmem:v56+s16+$0x0] =	vst.idx.msk $0xffff, v55  }
0x9f: {  	v48 =	vor.u32 v5, v40;
	v50 =	vshll.u32 v36, $0x7;
	v49 =	vld.idx.msk [tilespmem:v45+s26+$0x0], $0xffff;
	[tilespmem:v57+s16+$0x0] =	vst.idx.msk $0xffff, v42  }
0xa0: {  	v51 =	vor.u32 v16, v50;
	[tilespmem:v58+s16+$0x0] =	vst.idx.msk $0xffff, v43  }
0xa1: {  	v52 =	vor.u32 v18, v50;
	[tilespmem:v59+s16+$0x0] =	vst.idx.msk $0xffff, v60  }
0xa2: {  	v53 =	vor.u32 v20, v50;
	[tilespmem:v61+s16+$0x0] =	vst.idx.msk $0xffff, v62  }
0xa3: {  	v54 =	vor.u32 v22, v50;
	[tilespmem:v63+s16+$0x0] =	vst.idx.msk $0xffff, v46  }
0xa4: {  	v55 =	vor.u32 v24, v50;
	[tilespmem:v48+s16+$0x0] =	vst.idx.msk $0xffff, v49  }
0xa5: {  	v39 =	vor.u32 v17, v36;
	v40 =	vor.u32 v26, v50;
	v38 =	vld.idx.msk [tilespmem:v51+s6+$0x0], $0xffff  }
0xa6: {  	v56 =	vor.u32 v19, v36;
	v57 =	vor.u32 v28, v50;
	v41 =	vld.idx.msk [tilespmem:v52+s6+$0x0], $0xffff  }
0xa7: {  	v32 =	vadd.s32 s25, v0;
	v59 =	vor.u32 v21, v36;
	v60 =	vor.u32 v30, v50;
	v58 =	vld.idx.msk [tilespmem:v53+s6+$0x0], $0xffff  }
0xa8: {  	v33 =	vshll.u32 v32, $0x7;
	v61 =	vor.u32 v23, v36;
	v49 =	vld.idx.msk [tilespmem:v54+s6+$0x0], $0xffff  }
0xa9: {  	v62 =	vor.u32 v16, v33;
	v63 =	vor.u32 v25, v36;
	v51 =	vld.idx.msk [tilespmem:v55+s6+$0x0], $0xffff  }
0xaa: {  	v44 =	vor.u32 v18, v33;
	v34 =	vld.idx.msk [tilespmem:v40+s6+$0x0], $0xffff;
	[tilespmem:v39+s16+$0x0] =	vst.idx.msk $0xffff, v38;
	v38 =	vor.u32 v27, v36  }
0xab: {  	v45 =	vor.u32 v20, v33;
	v35 =	vld.idx.msk [tilespmem:v57+s6+$0x0], $0xffff;
	[tilespmem:v56+s16+$0x0] =	vst.idx.msk $0xffff, v41;
	v39 =	vor.u32 v29, v36  }
0xac: {  	v42 =	vor.u32 v31, v36;
	v37 =	vld.idx.msk [tilespmem:v60+s6+$0x0], $0xffff;
	[tilespmem:v59+s16+$0x0] =	vst.idx.msk $0xffff, v58;
	v41 =	vor.u32 v22, v33  }
0xad: {  	v43 =	vor.u32 v24, v33;
	[tilespmem:v61+s16+$0x0] =	vst.idx.msk $0xffff, v49  }
0xae: {  	s25 =	simm.s32 $0x2;
	v40 =	vor.u32 v26, v33;
	[tilespmem:v63+s16+$0x0] =	vst.idx.msk $0xffff, v51;
	v36 =	vld.idx.msk [tilespmem:v62+s6+$0x0], $0xffff  }
.LBB2_6:
0xaf: {  	p2 =	sne.s32 s25, $0xF;
	v46 =	vor.u32 v17, v32;
	v47 =	vld.idx.msk [tilespmem:v44+s6+$0x0], $0xffff;
	v48 =	vor.u32 v28, v33;
	[tilespmem:v38+s16+$0x0] =	vst.idx.msk $0xffff, v34  }
0xb0: {  	v49 =	vor.u32 v19, v32;
	v51 =	vor.u32 v30, v33;
	v50 =	vld.idx.msk [tilespmem:v45+s6+$0x0], $0xffff;
	[tilespmem:v39+s16+$0x0] =	vst.idx.msk $0xffff, v35  }
0xb1: {  	v52 =	vadd.s32 s25, v0;
	v53 =	vor.u32 v21, v32;
	v54 =	vld.idx.msk [tilespmem:v41+s6+$0x0], $0xffff;
	[tilespmem:v42+s16+$0x0] =	vst.idx.msk $0xffff, v37  }
0xb2: {  	v55 =	vor.u32 v23, v32;
	v33 =	vshll.u32 v52, $0x7;
	v56 =	vld.idx.msk [tilespmem:v43+s6+$0x0], $0xffff  }
0xb3: {  	v58 =	vor.u32 v25, v32;
	v57 =	vor.u32 v16, v33;
	v34 =	vld.idx.msk [tilespmem:v40+s6+$0x0], $0xffff  }
.Ltmp10:
0xb4: {  	v38 =	vor.u32 v27, v32;
	v44 =	vor.u32 v18, v33;
	[tilespmem:v46+s16+$0x0] =	vst.idx.msk $0xffff, v36;
	v35 =	vld.idx.msk [tilespmem:v48+s6+$0x0], $0xffff;
	(pc) =	sbr.rel @p2 .LBB2_6-.Ltmp10, $4  }
0xb5: {  	v39 =	vor.u32 v29, v32;
	v45 =	vor.u32 v20, v33;
	[tilespmem:v49+s16+$0x0] =	vst.idx.msk $0xffff, v47;
	v37 =	vld.idx.msk [tilespmem:v51+s6+$0x0], $0xffff  }
0xb6: {  	v41 =	vor.u32 v22, v33;
	v42 =	vor.u32 v31, v32;
	v32 =	vmov v52;
	[tilespmem:v53+s16+$0x0] =	vst.idx.msk $0xffff, v50  }
0xb7: {  	v43 =	vor.u32 v24, v33;
	[tilespmem:v55+s16+$0x0] =	vst.idx.msk $0xffff, v54  }
0xb8: {  	s25 =	sadd.s32 $0x1, s25;
	v40 =	vor.u32 v26, v33;
	v36 =	vld.idx.msk [tilespmem:v57+s6+$0x0], $0xffff;
	[tilespmem:v58+s16+$0x0] =	vst.idx.msk $0xffff, v56  }
0xb9: {  	_ =	sdelay $0x2  }
0xba: {  	v46 =	vor.u32 v17, v32  }
0xbb: {  	v44 =	vld.idx.msk [tilespmem:v44+s6+$0x0], $0xffff;
	v47 =	vor.u32 v28, v33;
	v48 =	vor.u32 v19, v32  }
0xbc: {  	[tilespmem:v38+s16+$0x0] =	vst.idx.msk $0xffff, v34;
	v53 =	vld.idx.msk [tilespmem:v45+s6+$0x0], $0xffff;
	v54 =	vor.u32 v30, v33;
	v55 =	vor.u32 v21, v32  }
0xbd: {  	[tilespmem:v39+s16+$0x0] =	vst.idx.msk $0xffff, v35;
	v56 =	vld.idx.msk [tilespmem:v41+s6+$0x0], $0xffff;
	v57 =	vor.u32 v23, v32  }
0xbe: {  	v58 =	vld.idx.msk [tilespmem:v43+s6+$0x0], $0xffff;
	v59 =	vor.u32 v25, v32;
	[tilespmem:v42+s16+$0x0] =	vst.idx.msk $0xffff, v37  }
0xbf: {  	s25 =	sadd.s32 $0x2, s23;
	v60 =	vor.u32 v27, v32;
	v40 =	vld.idx.msk [tilespmem:v40+s6+$0x0], $0xffff;
	[tilespmem:v46+s16+$0x0] =	vst.idx.msk $0xffff, v36  }
0xc0: {  	v62 =	vor.u32 v29, v32;
	p2 =	sge.s32 s25, s3;
	v61 =	vld.idx.msk [tilespmem:v47+s6+$0x0], $0xffff;
	[tilespmem:v48+s16+$0x0] =	vst.idx.msk $0xffff, v44  }
0xc1: {  	v63 =	vor.u32 v31, v32;
	s25 =	sadd.s32 @!p2 s1, s25;
	v33 =	vld.idx.msk [tilespmem:v54+s6+$0x0], $0xffff;
	[tilespmem:v55+s16+$0x0] =	vst.idx.msk $0xffff, v53  }
0xc2: {  	s25 =	sshll.u32 @!p2 s25, $0x7;
	[tilespmem:v57+s16+$0x0] =	vst.idx.msk $0xffff, v56  }
0xc3: {  	p3 =	slt.s32 @!p2 s25, $0xF4200;
	[tilespmem:v59+s16+$0x0] =	vst.idx.msk $0xffff, v58  }
0xc4: {  	p3 =	por !p3, p2;
	[tilespmem:v60+s16+$0x0] =	vst.idx.msk $0xffff, v40  }
0xc5: {  	s24 =	sshll.u32 s24, $0x2;
	s26 =	simm.s32 @!p2 $0x400;
	s25 =	simm.s32 @p3 $0xF4200;
	[tilespmem:v62+s16+$0x0] =	vst.idx.msk $0xffff, v61  }
0xc6: {  	s28 =	simm.s32 @!p2 $0x7A1400;
	s29 =	simm.s32 @!p2 $0x0;
	s25 =	sadd.s32 @!p2 s2, s25;
	[tilespmem:v63+s16+$0x0] =	vst.idx.msk $0xffff, v33  }
0xc7: {  	[tilespmem:s29], [sflag:$0x1] =	stream.strided.gather @!p2 [hbm4b:s25+s26], $0x1000, s28, s26, $0x38;
	[tilespmem:$0x4000] =	vst v63  }
0xc8: {  	s24 =	sadd.s32 s4, s24  }
0xc9: {  	[hbm4b:s24+s6] =	stream.linear.scatter [tilespmem:s16], [sflag:$0x3], $0x1000, $0x38;
	[tilespmem:$0x4000] =	vst v63  }
.LBB2_8:
0xca: {  	s24 =	sor.u32 $0x1, s23  }
0xcb: {  	p2 =	sge.s32 s24, s3  }
.Ltmp11:
0xcc: {  	_ = 	snop;
	(pc) =	sbr.rel @p2 .LBB2_14-.Ltmp11, $1  }
0xcd: {  	_ =	sdelay $0x3  }
0xce: {  	s26 =	simm.s32 $0x0  }
0xcf: {  	v32 =	vadd.s32 s26, v0  }
0xd0: {  	v39 =	vand.u32 $0xF, v32  }
0xd1: {  	_ =	swait.ge [sflag:s17], $0x1000;
	v32 =	vshll.u32 v39, $0x7  }
0xd2: {  	p2 =	seq.s32 s22, $0x0;
	[sflag:s17] =	ssyncset.done $0x0;
	v34 =	vor.u32 v0, v32  }
0xd3: {  	s25 =	simm.s32 @!p2 $0x4;
	[sflag:s17] =	ssyncadd.s32 $0xFFFFF000;
	v36 =	vor.u32 v14, v32  }
0xd4: {  	_ =	swait.ge @!p2 [sflag:s25], $0x1000;
	v42 =	vor.u32 v2, v32  }
0xd5: {  	[sflag:s25] =	ssyncset.done @!p2 $0x0;
	v45 =	vor.u32 v12, v32  }
0xd6: {  	v33 =	vor.u32 v7, v39;
	v47 =	vor.u32 v8, v32;
	[sflag:s25] =	ssyncadd.s32 @!p2 $0xFFFFF000  }
0xd7: {  	v38 =	vor.u32 v13, v39;
	v53 =	vor.u32 v1, v39;
	v48 =	vor.u32 v6, v32;
	s25 =	simm.s32 $0x1;
	v43 =	vld.idx.msk [tilespmem:v34+s15+$0x0], $0xffff  }
0xd8: {  	v50 =	vor.u32 v15, v39;
	v51 =	vor.u32 v3, v39;
	v40 =	vadd.s32 s25, v0;
	v41 =	vld.idx.msk [tilespmem:v36+s15+$0x0], $0xffff  }
0xd9: {  	s24 =	sadd.s32 s1, s24;
	v35 =	vor.u32 v4, v32;
	v37 =	vor.u32 v10, v32;
	v40 =	vand.u32 $0xF, v40;
	v44 =	vld.idx.msk [tilespmem:v42+s15+$0x0], $0xffff  }
0xda: {  	s24 =	sshll.u32 s24, $0x7;
	v32 =	vor.u32 v11, v39;
	v49 =	vshll.u32 v40, $0x7;
	v34 =	vor.u32 v5, v39;
	v46 =	vld.idx.msk [tilespmem:v45+s15+$0x0], $0xffff  }
0xdb: {  	p2 =	slt.s32 s24, $0xF4200;
	v36 =	vor.u32 v9, v39;
	v52 =	vor.u32 v0, v49;
	v42 =	vor.u32 v2, v49;
	v47 =	vld.idx.msk [tilespmem:v47+s15+$0x0], $0xffff  }
0xdc: {  	s28 =	simm.s32 $0x2;
	s24 =	simm.s32 @!p2 $0xF4200;
	v45 =	vor.u32 v4, v49;
	v39 =	vor.u32 v6, v49;
	v54 =	vor.u32 v14, v49;
	v48 =	vld.idx.msk [tilespmem:v48+s15+$0x0], $0xffff  }
.LBB2_10:
0xdd: {  	v55 =	vor.u32 v8, v49  }
0xde: {  	p2 =	sne.s32 s28, $0xF;
	[tilespmem:v53+s18+$0x0] =	vst.idx.msk $0xffff, v43;
	v56 =	vld.idx.msk [tilespmem:v37+s15+$0x0], $0xffff;
	v37 =	vor.u32 v10, v49;
	v57 =	vmov v34;
	v58 =	vmov v40;
	s29 =	smov.u32 s28;
	s28 =	sadd.s32 $0x1, s28  }
0xdf: {  	v60 =	vor.u32 v12, v49;
	v59 =	vor.u32 v7, v58;
	v61 =	vld.idx.msk [tilespmem:v35+s15+$0x0], $0xffff;
	[tilespmem:v50+s18+$0x0] =	vst.idx.msk $0xffff, v41  }
0xe0: {  	v34 =	vor.u32 v5, v58;
	v62 =	vor.u32 v11, v58;
	v35 =	vmov v45;
	[tilespmem:v51+s18+$0x0] =	vst.idx.msk $0xffff, v44  }
0xe1: {  	v40 =	vor.u32 v9, v58;
	v43 =	vld.idx.msk [tilespmem:v52+s15+$0x0], $0xffff;
	[tilespmem:v38+s18+$0x0] =	vst.idx.msk $0xffff, v46;
	v38 =	vor.u32 v13, v58  }
.Ltmp12:
0xe2: {  	v53 =	vor.u32 v1, v58;
	v44 =	vadd.s32 s29, v0;
	v41 =	vld.idx.msk [tilespmem:v54+s15+$0x0], $0xffff;
	[tilespmem:v36+s18+$0x0] =	vst.idx.msk $0xffff, v47;
	v36 =	vmov v40;
	(pc) =	sbr.rel @p2 .LBB2_10-.Ltmp12, $4  }
0xe3: {  	v50 =	vor.u32 v15, v58;
	v40 =	vand.u32 $0xF, v44;
	v44 =	vld.idx.msk [tilespmem:v42+s15+$0x0], $0xffff;
	[tilespmem:v33+s18+$0x0] =	vst.idx.msk $0xffff, v48;
	v33 =	vmov v59  }
0xe4: {  	v51 =	vor.u32 v3, v58;
	v49 =	vshll.u32 v40, $0x7;
	v46 =	vld.idx.msk [tilespmem:v60+s15+$0x0], $0xffff;
	[tilespmem:v32+s18+$0x0] =	vst.idx.msk $0xffff, v56;
	v32 =	vmov v62  }
0xe5: {  	v52 =	vor.u32 v0, v49;
	v42 =	vor.u32 v2, v49;
	v47 =	vld.idx.msk [tilespmem:v55+s15+$0x0], $0xffff;
	[tilespmem:v57+s18+$0x0] =	vst.idx.msk $0xffff, v61  }
0xe6: {  	v45 =	vor.u32 v4, v49;
	v54 =	vor.u32 v14, v49;
	v48 =	vld.idx.msk [tilespmem:v39+s15+$0x0], $0xffff;
	v39 =	vor.u32 v6, v49  }
0xe7: {  	_ =	sdelay $0x3  }
0xe8: {  	[tilespmem:v53+s18+$0x0] =	vst.idx.msk $0xffff, v43  }
0xe9: {  	v37 =	vld.idx.msk [tilespmem:v37+s15+$0x0], $0xffff;
	v61 =	vor.u32 v12, v49;
	[tilespmem:v50+s18+$0x0] =	vst.idx.msk $0xffff, v41  }
0xea: {  	v62 =	vor.u32 v8, v49;
	v35 =	vld.idx.msk [tilespmem:v35+s15+$0x0], $0xffff;
	[tilespmem:v51+s18+$0x0] =	vst.idx.msk $0xffff, v44  }
0xeb: {  	v63 =	vld.idx.msk [tilespmem:v52+s15+$0x0], $0xffff;
	v52 =	vor.u32 v1, v40;
	[tilespmem:v38+s18+$0x0] =	vst.idx.msk $0xffff, v46  }
0xec: {  	v53 =	vor.u32 v10, v49;
	v56 =	vor.u32 v15, v40;
	v55 =	vld.idx.msk [tilespmem:v54+s15+$0x0], $0xffff;
	[tilespmem:v36+s18+$0x0] =	vst.idx.msk $0xffff, v47  }
0xed: {  	v57 =	vor.u32 v3, v40;
	v42 =	vld.idx.msk [tilespmem:v42+s15+$0x0], $0xffff;
	[tilespmem:v33+s18+$0x0] =	vst.idx.msk $0xffff, v48  }
0xee: {  	v58 =	vor.u32 v13, v40;
	v43 =	vld.idx.msk [tilespmem:v61+s15+$0x0], $0xffff;
	[tilespmem:v32+s18+$0x0] =	vst.idx.msk $0xffff, v37  }
0xef: {  	v59 =	vor.u32 v9, v40;
	v60 =	vld.idx.msk [tilespmem:v62+s15+$0x0], $0xffff;
	[tilespmem:v34+s18+$0x0] =	vst.idx.msk $0xffff, v35  }
0xf0: {  	v61 =	vor.u32 v7, v40;
	v62 =	vld.idx.msk [tilespmem:v39+s15+$0x0], $0xffff;
	[tilespmem:v52+s18+$0x0] =	vst.idx.msk $0xffff, v63  }
0xf1: {  	v36 =	vadd.s32 s26, v0;
	v63 =	vor.u32 v11, v40;
	v46 =	vld.idx.msk [tilespmem:v53+s15+$0x0], $0xffff;
	[tilespmem:v56+s18+$0x0] =	vst.idx.msk $0xffff, v55  }
0xf2: {  	v48 =	vor.u32 v5, v40;
	v50 =	vshll.u32 v36, $0x7;
	v49 =	vld.idx.msk [tilespmem:v45+s15+$0x0], $0xffff;
	[tilespmem:v57+s18+$0x0] =	vst.idx.msk $0xffff, v42  }
0xf3: {  	v51 =	vor.u32 v16, v50;
	[tilespmem:v58+s18+$0x0] =	vst.idx.msk $0xffff, v43  }
0xf4: {  	v52 =	vor.u32 v18, v50;
	[tilespmem:v59+s18+$0x0] =	vst.idx.msk $0xffff, v60  }
0xf5: {  	v53 =	vor.u32 v20, v50;
	[tilespmem:v61+s18+$0x0] =	vst.idx.msk $0xffff, v62  }
0xf6: {  	v54 =	vor.u32 v22, v50;
	[tilespmem:v63+s18+$0x0] =	vst.idx.msk $0xffff, v46  }
0xf7: {  	v55 =	vor.u32 v24, v50;
	[tilespmem:v48+s18+$0x0] =	vst.idx.msk $0xffff, v49  }
0xf8: {  	v39 =	vor.u32 v17, v36;
	v40 =	vor.u32 v26, v50;
	v38 =	vld.idx.msk [tilespmem:v51+s15+$0x0], $0xffff  }
0xf9: {  	v56 =	vor.u32 v19, v36;
	v57 =	vor.u32 v28, v50;
	v41 =	vld.idx.msk [tilespmem:v52+s15+$0x0], $0xffff  }
0xfa: {  	v32 =	vadd.s32 s25, v0;
	v59 =	vor.u32 v21, v36;
	v60 =	vor.u32 v30, v50;
	v58 =	vld.idx.msk [tilespmem:v53+s15+$0x0], $0xffff  }
0xfb: {  	v33 =	vshll.u32 v32, $0x7;
	v61 =	vor.u32 v23, v36;
	v49 =	vld.idx.msk [tilespmem:v54+s15+$0x0], $0xffff  }
0xfc: {  	v62 =	vor.u32 v16, v33;
	v63 =	vor.u32 v25, v36;
	v51 =	vld.idx.msk [tilespmem:v55+s15+$0x0], $0xffff  }
0xfd: {  	v44 =	vor.u32 v18, v33;
	v34 =	vld.idx.msk [tilespmem:v40+s15+$0x0], $0xffff;
	[tilespmem:v39+s18+$0x0] =	vst.idx.msk $0xffff, v38;
	v38 =	vor.u32 v27, v36  }
0xfe: {  	v45 =	vor.u32 v20, v33;
	v35 =	vld.idx.msk [tilespmem:v57+s15+$0x0], $0xffff;
	[tilespmem:v56+s18+$0x0] =	vst.idx.msk $0xffff, v41;
	v39 =	vor.u32 v29, v36  }
0xff: {  	v42 =	vor.u32 v31, v36;
	v37 =	vld.idx.msk [tilespmem:v60+s15+$0x0], $0xffff;
	[tilespmem:v59+s18+$0x0] =	vst.idx.msk $0xffff, v58;
	v41 =	vor.u32 v22, v33  }
0x100: {  	v43 =	vor.u32 v24, v33;
	[tilespmem:v61+s18+$0x0] =	vst.idx.msk $0xffff, v49  }
0x101: {  	s25 =	simm.s32 $0x2;
	v40 =	vor.u32 v26, v33;
	[tilespmem:v63+s18+$0x0] =	vst.idx.msk $0xffff, v51;
	v36 =	vld.idx.msk [tilespmem:v62+s15+$0x0], $0xffff  }
.LBB2_12:
0x102: {  	p2 =	sne.s32 s25, $0xF;
	v46 =	vor.u32 v17, v32;
	v47 =	vld.idx.msk [tilespmem:v44+s15+$0x0], $0xffff;
	v48 =	vor.u32 v28, v33;
	[tilespmem:v38+s18+$0x0] =	vst.idx.msk $0xffff, v34  }
0x103: {  	v49 =	vor.u32 v19, v32;
	v51 =	vor.u32 v30, v33;
	v50 =	vld.idx.msk [tilespmem:v45+s15+$0x0], $0xffff;
	[tilespmem:v39+s18+$0x0] =	vst.idx.msk $0xffff, v35  }
0x104: {  	v52 =	vadd.s32 s25, v0;
	v53 =	vor.u32 v21, v32;
	v54 =	vld.idx.msk [tilespmem:v41+s15+$0x0], $0xffff;
	[tilespmem:v42+s18+$0x0] =	vst.idx.msk $0xffff, v37  }
0x105: {  	v55 =	vor.u32 v23, v32;
	v33 =	vshll.u32 v52, $0x7;
	v56 =	vld.idx.msk [tilespmem:v43+s15+$0x0], $0xffff  }
0x106: {  	v58 =	vor.u32 v25, v32;
	v57 =	vor.u32 v16, v33;
	v34 =	vld.idx.msk [tilespmem:v40+s15+$0x0], $0xffff  }
.Ltmp13:
0x107: {  	v38 =	vor.u32 v27, v32;
	v44 =	vor.u32 v18, v33;
	[tilespmem:v46+s18+$0x0] =	vst.idx.msk $0xffff, v36;
	v35 =	vld.idx.msk [tilespmem:v48+s15+$0x0], $0xffff;
	(pc) =	sbr.rel @p2 .LBB2_12-.Ltmp13, $4  }
0x108: {  	v39 =	vor.u32 v29, v32;
	v45 =	vor.u32 v20, v33;
	[tilespmem:v49+s18+$0x0] =	vst.idx.msk $0xffff, v47;
	v37 =	vld.idx.msk [tilespmem:v51+s15+$0x0], $0xffff  }
0x109: {  	v41 =	vor.u32 v22, v33;
	v42 =	vor.u32 v31, v32;
	v32 =	vmov v52;
	[tilespmem:v53+s18+$0x0] =	vst.idx.msk $0xffff, v50  }
0x10a: {  	v43 =	vor.u32 v24, v33;
	[tilespmem:v55+s18+$0x0] =	vst.idx.msk $0xffff, v54  }
0x10b: {  	s25 =	sadd.s32 $0x1, s25;
	v40 =	vor.u32 v26, v33;
	v36 =	vld.idx.msk [tilespmem:v57+s15+$0x0], $0xffff;
	[tilespmem:v58+s18+$0x0] =	vst.idx.msk $0xffff, v56  }
0x10c: {  	_ =	sdelay $0x2  }
0x10d: {  	v46 =	vor.u32 v17, v32  }
0x10e: {  	v44 =	vld.idx.msk [tilespmem:v44+s15+$0x0], $0xffff;
	v47 =	vor.u32 v28, v33;
	v48 =	vor.u32 v19, v32  }
0x10f: {  	[tilespmem:v38+s18+$0x0] =	vst.idx.msk $0xffff, v34;
	v53 =	vld.idx.msk [tilespmem:v45+s15+$0x0], $0xffff;
	v54 =	vor.u32 v30, v33;
	v55 =	vor.u32 v21, v32  }
0x110: {  	[tilespmem:v39+s18+$0x0] =	vst.idx.msk $0xffff, v35;
	v56 =	vld.idx.msk [tilespmem:v41+s15+$0x0], $0xffff;
	v57 =	vor.u32 v23, v32  }
0x111: {  	v58 =	vld.idx.msk [tilespmem:v43+s15+$0x0], $0xffff;
	v59 =	vor.u32 v25, v32;
	[tilespmem:v42+s18+$0x0] =	vst.idx.msk $0xffff, v37  }
0x112: {  	s23 =	sadd.s32 $0x3, s23;
	v60 =	vor.u32 v27, v32;
	v40 =	vld.idx.msk [tilespmem:v40+s15+$0x0], $0xffff;
	[tilespmem:v46+s18+$0x0] =	vst.idx.msk $0xffff, v36  }
0x113: {  	v62 =	vor.u32 v29, v32;
	p2 =	sge.s32 s23, s3;
	v61 =	vld.idx.msk [tilespmem:v47+s15+$0x0], $0xffff;
	[tilespmem:v48+s18+$0x0] =	vst.idx.msk $0xffff, v44  }
0x114: {  	v63 =	vor.u32 v31, v32;
	s23 =	sadd.s32 @!p2 s1, s23;
	v33 =	vld.idx.msk [tilespmem:v54+s15+$0x0], $0xffff;
	[tilespmem:v55+s18+$0x0] =	vst.idx.msk $0xffff, v53  }
0x115: {  	s23 =	sshll.u32 @!p2 s23, $0x7;
	[tilespmem:v57+s18+$0x0] =	vst.idx.msk $0xffff, v56  }
0x116: {  	p3 =	slt.s32 @!p2 s23, $0xF4200;
	[tilespmem:v59+s18+$0x0] =	vst.idx.msk $0xffff, v58  }
0x117: {  	s31 =	sshll.u32 s24, $0x2;
	p3 =	por !p3, p2;
	[tilespmem:v60+s18+$0x0] =	vst.idx.msk $0xffff, v40  }
.Ltmp14:
0x118: {  	s25 =	simm.s32 @!p2 $0x400;
	s23 =	simm.s32 @p3 $0xF4200;
	[tilespmem:v62+s18+$0x0] =	vst.idx.msk $0xffff, v61;
	(pc) =	sbr.rel .LBB2_14-.Ltmp14, $4  }
0x119: {  	s26 =	simm.s32 @!p2 $0x7A1400;
	s28 =	simm.s32 @!p2 $0x1000;
	s23 =	sadd.s32 @!p2 s2, s23;
	[tilespmem:v63+s18+$0x0] =	vst.idx.msk $0xffff, v33  }
0x11a: {  	[tilespmem:s28], [sflag:$0x2] =	stream.strided.gather @!p2 [hbm4b:s23+s25], $0x1000, s26, s25, $0x38;
	[tilespmem:$0x4000] =	vst v63  }
0x11b: {  	s23 =	sadd.s32 s4, s31  }
0x11c: {  	[hbm4b:s23+s6] =	stream.linear.scatter [tilespmem:s18], [sflag:$0x4], $0x1000, $0x38;
	[tilespmem:$0x4000] =	vst v63  }
.LBB2_22:
0x11d: {  	_ =	sfence.sel $0x180000  }
0x11e: {  	[bflag:$0x0] =	sbarrier.arrive $0xFFFF  }
0x11f: {  	p0 =	sne.s32 s0, $0x0;
	_ =	strace $0x90000047  }
0x120: {  	s0 =	sadd.s32 @!p0 $0x100000, s5;
	[bflag:$0x2] =	sbarrier.arrive $0xFFFF  }
0x121: {  	[sflag:s0] =	ssyncadd.tile.s32 @!p0 $0x1;
	_ =	shalt  }
.Lfunc_end2:
_tile_overlayer_lowered:
.L_overlay_start_2:
0x122: {  	(tag) =	ssettag $0x2  }
0x123: {  	s0 =	rddreg [dreg:$0x0];
	s2 =	stileid.u32  }
0x124: {  	s1 =	rddreg [dreg:$0x1];
	p0 =	sne.s32 s2, $0x0  }
0x125: {  	s3 =	rddreg [dreg:$0x2];
	[bflag:$0x3] =	sbarrier.arrive $0xFFFF;
	s2 =	simm.s32 @!p0 $0x1C05  }
0x126: {  	[timem:s3], [sflag:s2] =	dma.local @!p0 [hbm:s0], s1  }
0x127: {  	s0 =	simm.s32 @!p0 $0x5  }
0x128: {  	_ =	swait.ge @!p0 [sflag:s0], s1  }
0x129: {  	s1 =	ssub.s32 @!p0 $0x0, s1;
	[sflag:s0] =	ssyncset.done @!p0 $0x0  }
0x12a: {  	[sflag:s0] =	ssyncadd.s32 @!p0 s1  }
0x12b: {  	[bflag:$0x3] =	sbarrier.arrive $0xFFFF  }
0x12c: {  	_ =	shalt  }

// kernel: _embed.8.cloned.1.call-start
scs
__scs_entry_jumppad:
0x0: {  	(pc) =	sbr.rel $0x88, $3  }
0x1: {  	(tag) =	ssettag $0x0;
	lr =	simm.s32 $0x1  }
0x2: {  	[smem:$0x3F9F] =	sst lr;
	_ =	strace $0xD0000000  }
0x3: {  	_ = 	snop  }
0x4: {  	_ = 	snop  }
0x5: {  	_ = 	snop  }
0x6: {  	_ = 	snop  }
0x7: {  	_ = 	snop  }
__scs_overlays_trampoline_lowered:
0x8: {  	[smem:$0x3FAE] =	sst s0  }
0x9: {  	[smem:$0x3FAF] =	sst s1  }
0xa: {  	[smem:$0x3FB0] =	sst s2  }
0xb: {  	[smem:$0x3FB1] =	sst s3  }
0xc: {  	[smem:$0x3FB2] =	sst s4  }
0xd: {  	[smem:$0x3FB3] =	sst s5  }
0xe: {  	[smem:$0x3FB4] =	sst s6  }
0xf: {  	[smem:$0x3FB5] =	sst s7  }
0x10: {  	[smem:$0x3FB6] =	sst s8  }
0x11: {  	[smem:$0x3FB7] =	sst s9;
	s0 =	simm.s32 @!p0 $0x0  }
0x12: {  	s1 =	sld [smem:$0x3F9D];
	s0 =	simm.s32 @p0 $0x1  }
0x13: {  	[smem:$0x3FB8] =	sst s0;
	s0 =	simm.s32 @!p1 $0x0  }
0x14: {  	s2 =	sld [smem:$0x3F9C];
	s0 =	simm.s32 @p1 $0x1  }
0x15: {  	[smem:$0x3FB9] =	sst s0;
	s0 =	simm.s32 @!p2 $0x0  }
0x16: {  	s3 =	sld [smem:$0x3FDB];
	s0 =	simm.s32 @p2 $0x1  }
0x17: {  	s4 =	simm.s32 $0x1BF5;
	[smem:$0x3FBB] =	sst s0  }
0x18: {  	s0 =	sld [smem:$0x3F9E];
	_ =	swait.ge [sflag:s4], $0x0  }
0x19: {  	s7 =	sld [smem:$0x3F9F]  }
0x1a: {  	s8 =	sadd.s32 $0xFFFFE003, lr  }
0x1b: {  	s9 =	sadd.s32 $0xFFFFFEF7, lr;
	s5 =	simm.s32 $0xFFFFFFFF;
	p2 =	slt.u32 s8, $0xFFFFF086  }
0x1c: {  	p1 =	slt.u32 s9, $0xF7A;
	s5 =	simm.s32 @!p2 $0x0  }
0x1d: {  	s5 =	simm.s32 @p1 $0x1;
	p0 =	seq.s32 s7, s2  }
0x1e: {  	s7 =	smul.u32 @!p0 $0xF7A, s2;
	p2 =	seq.s32 @!p0 s5, $0x0  }
0x1f: {  	s9 =	smul.u32 $0xF7A, s1;
	s8 =	simm.s32 @!p0 $0x1BF5;
	p2 =	por !p2, p0  }
0x20: {  	[sflag:s8] =	ssyncset.s32 @!p0 $0xFFFFF086;
	s6 =	sadd.s32 @!p0 s3, s7;
	s7 =	simm.s32 @!p0 $0x108  }
0x21: {  	s3 =	sadd.s32 s3, s9;
	s6 =	sadd.s32 @!p0 $0x88, s6;
	s7 =	simm.s32 @p2 $0x1082  }
0x22: {  	[simem:s7], [sflag:s8] =	dma.local @!p0 [hbm:s6], $0xF7A  }
0x23: {  	s9 =	sor.u32 $0xD0000000, s2;
	s6 =	simm.s32 $0x108;
	_ =	swait.ge @!p0 [sflag:s8], $0x0  }
0x24: {  	s3 =	sadd.s32 $0x88, s3;
	s6 =	simm.s32 @!p1 $0x1082;
	[sflag:s4] =	ssyncset.s32 $0xFFFFF086  }
0x25: {  	[simem:s6], [sflag:s4] =	dma.local [hbm:s3], $0xF7A  }
0x26: {  	[smem:$0x3F9F] =	sst s1;
	(tag) =	ssettag s2;
	_ =	strace s9  }
0x27: {  	s1 =	sld [smem:$0x3FAF]  }
0x28: {  	s2 =	sld [smem:$0x3FB0]  }
0x29: {  	s4 =	sld [smem:$0x3FB2]  }
0x2a: {  	p0 =	seq.s32 s5, $0x0;
	s5 =	sld [smem:$0x3FB3]  }
0x2b: {  	s6 =	sld [smem:$0x3FB4]  }
0x2c: {  	s7 =	sld [smem:$0x3FB5]  }
0x2d: {  	s3 =	simm.s32 $0x108;
	s8 =	sld [smem:$0x3FB6]  }
0x2e: {  	s3 =	simm.s32 @!p0 $0x1082;
	s9 =	sld [smem:$0x3FB7]  }
0x2f: {  	lr =	sadd.s32 s0, s3;
	s0 =	sld [smem:$0x3FAE]  }
0x30: {  	s3 =	sld [smem:$0x3FB1]  }
0x31: {  	[smem:$0x3FBA] =	sst s10  }
0x32: {  	s10 =	sld [smem:$0x3FB8];
	_ =	sdelay $0x3  }
0x33: {  	p0 =	seq.s32 s10, $0x1;
	s10 =	sld [smem:$0x3FBA];
	_ =	sdelay $0x3  }
0x34: {  	[smem:$0x3FBA] =	sst s10  }
0x35: {  	s10 =	sld [smem:$0x3FB9];
	_ =	sdelay $0x3  }
0x36: {  	p1 =	seq.s32 s10, $0x1;
	s10 =	sld [smem:$0x3FBA];
	_ =	sdelay $0x3  }
0x37: {  	[smem:$0x3FBA] =	sst s10  }
0x38: {  	s10 =	sld [smem:$0x3FBB]  }
0x39: {  	_ = 	snop;
	(pc) =	sbr.ind lr, $3  }
0x3a: {  	_ = 	snop  }
0x3b: {  	_ = 	snop  }
0x3c: {  	p2 =	seq.s32 s10, $0x1;
	s10 =	sld [smem:$0x3FBA]  }
0x3d: {  	_ =	shalt  }
0x3e: {  	_ =	shalt  }
0x3f: {  	_ =	shalt  }
0x40: {  	_ =	shalt  }
0x41: {  	_ =	shalt  }
0x42: {  	_ =	shalt  }
0x43: {  	_ =	shalt  }
0x44: {  	_ =	shalt  }
0x45: {  	_ =	shalt  }
0x46: {  	_ =	shalt  }
0x47: {  	_ =	shalt  }
0x48: {  	_ =	shalt  }
0x49: {  	_ =	shalt  }
0x4a: {  	_ =	shalt  }
0x4b: {  	_ =	shalt  }
0x4c: {  	_ =	shalt  }
0x4d: {  	_ =	shalt  }
0x4e: {  	_ =	shalt  }
0x4f: {  	_ =	shalt  }
0x50: {  	_ =	shalt  }
0x51: {  	_ =	shalt  }
0x52: {  	_ =	shalt  }
0x53: {  	_ =	shalt  }
0x54: {  	_ =	shalt  }
0x55: {  	_ =	shalt  }
0x56: {  	_ =	shalt  }
0x57: {  	_ =	shalt  }
0x58: {  	_ =	shalt  }
0x59: {  	_ =	shalt  }
0x5a: {  	_ =	shalt  }
0x5b: {  	_ =	shalt  }
0x5c: {  	_ =	shalt  }
0x5d: {  	_ =	shalt  }
0x5e: {  	_ =	shalt  }
0x5f: {  	_ =	shalt  }
0x60: {  	_ =	shalt  }
0x61: {  	_ =	shalt  }
0x62: {  	_ =	shalt  }
0x63: {  	_ =	shalt  }
0x64: {  	_ =	shalt  }
0x65: {  	_ =	shalt  }
0x66: {  	_ =	shalt  }
0x67: {  	_ =	shalt  }
0x68: {  	_ =	shalt  }
0x69: {  	_ =	shalt  }
0x6a: {  	_ =	shalt  }
0x6b: {  	_ =	shalt  }
0x6c: {  	_ =	shalt  }
0x6d: {  	_ =	shalt  }
0x6e: {  	_ =	shalt  }
0x6f: {  	_ =	shalt  }
0x70: {  	_ =	shalt  }
0x71: {  	_ =	shalt  }
0x72: {  	_ =	shalt  }
0x73: {  	_ =	shalt  }
0x74: {  	_ =	shalt  }
0x75: {  	_ =	shalt  }
0x76: {  	_ =	shalt  }
0x77: {  	_ =	shalt  }
0x78: {  	_ =	shalt  }
0x79: {  	_ =	shalt  }
0x7a: {  	_ =	shalt  }
0x7b: {  	_ =	shalt  }
0x7c: {  	_ =	shalt  }
0x7d: {  	_ =	shalt  }
0x7e: {  	_ =	shalt  }
0x7f: {  	_ =	shalt  }
0x80: {  	_ =	shalt  }
0x81: {  	_ =	shalt  }
0x82: {  	_ =	shalt  }
0x83: {  	_ =	shalt  }
0x84: {  	_ =	shalt  }
0x85: {  	_ =	shalt  }
0x86: {  	_ =	shalt  }
0x87: {  	_ =	shalt  }
.Lfunc_end0:
.L_simem_size_0:
called_computation.1_lowered:
.L_overlay_start_0:
0x88: {  	s2 =	sld [smem:$0x3FD9]  }
0x89: {  	s3 =	sld [smem:$0x3FFE];
	_ =	sdelay $0x1  }
0x8a: {  	s1 =	srdreg.scid  }
0x8b: {  	s0 =	sand.u32 $0x1, s1  }
0x8c: {  	s17 =	sshll.u32 s0, $0xA;
	s2 =	sadd.s32 s3, s2  }
0x8d: {  	s2 =	sadd.s32 s2, s17  }
0x8e: {  	[smem:$0x3FC6] =	sst s2  }
0x8f: {  	_ = 	snop  }
0x90: {  	s2 =	sld [smem:$0x3FD0];
	(tm) =	ssettm $0x1  }
0x91: {  	s18 =	sld [smem:$0x3FFB];
	_ =	sdelay $0x3  }
0x92: {  	_ =	strace s18  }
0x93: {  	s3 =	sld [smem:$0x3FFC];
	_ =	sdelay $0x3  }
0x94: {  	_ =	strace s3  }
0x95: {  	s3 =	sld [smem:$0x3FFD];
	_ =	sdelay $0x3  }
0x96: {  	_ =	strace s3  }
0x97: {  	_ =	strace $0x8FFFFFFF  }
0x98: {  	s19 =	sld [smem:$0x3FDB];
	_ =	sdelay $0x1  }
0x99: {  	s4 =	simm.s32 $_scs_section_size  }
0x9a: {  	s5 =	simm.s32 $_size__tile_overlayer_lowered;
	s6 =	simm.s32 $_tile_overlayer_lowered  }
0x9b: {  	s22 =	simm.s32 $0x1BFF;
	s21 =	sshll.u32 s6, $0x1;
	s3 =	sadd.s32 s4, s19  }
0x9c: {  	s7 =	simm.s32 $0x0;
	s20 =	sshll.u32 s5, $0x1;
	s5 =	sadd.s32 s21, s3  }
0x9d: {  	[timem:s7], [sflag:s22] =	dma.local [hbm:s5], s20  }
0x9e: {  	_ =	swait.ge [sflag:s22], s20  }
0x9f: {  	s4 =	ssub.s32 $0x0, s20;
	[sflag:s22] =	ssyncset.done $0x0  }
0xa0: {  	[sflag:s22] =	ssyncadd.s32 s4;
	_ =	sdelay $0x1  }
0xa1: {  	s23 =	simm.s32 $0x1B8B  }
0xa2: {  	_ =	swait.ge [sflag:s23], $0x1  }
0xa3: {  	[sflag:s23] =	ssyncset.done $0x0  }
0xa4: {  	s25 =	simm.s32 $0x1B8E;
	s24 =	sld [smem:$0x3FFE];
	[sflag:s23] =	ssyncadd.s32 $0xFFFFFFFF  }
0xa5: {  	s26 =	simm.s32 $execute0_lowered;
	[smem:$0x3FD2] =	sst s25  }
0xa6: {  	s5 =	sshll.u32 s26, $0x1;
	_ =	strace $0x80000049;
	[dreg:$0x1] =	wrdreg $0xFFFFFFFF  }
0xa7: {  	s28 =	simm.s32 $_size_execute0_lowered;
	s3 =	sadd.s32 s3, s5;
	[dreg:$0x0] =	wrdreg $0x0  }
0xa8: {  	s5 =	sshll.u32 s28, $0x1;
	[dreg:$0x2] =	wrdreg s3  }
0xa9: {  	[dreg:$0x3] =	wrdreg s5  }
0xaa: {  	[dreg:$0x4] =	wrdreg $0xC0  }
0xab: {  	_ =	task [dreg:s7], $0x5FFFF  }
0xac: {  	[dreg:$0x1] =	wrdreg $0xFFFFFFFF  }
0xad: {  	[dreg:$0x0] =	wrdreg $0x60  }
0xae: {  	[dreg:$0x2] =	wrdreg s24  }
0xaf: {  	[dreg:$0x3] =	wrdreg s2  }
0xb0: {  	[dreg:$0x4] =	wrdreg $0x9  }
0xb1: {  	_ =	task.clear_ibuf [dreg:s7], $0x5FFFF;
	_ =	strace $0x90000049  }
0xb2: {  	s29 =	simm.s32 $0x9;
	_ =	strace $0x8000004B  }
0xb3: {  	_ =	swait.ge [sflag:s29], $0x1  }
0xb4: {  	[sflag:s29] =	ssyncadd.s32 $0xFFFFFFFF  }
0xb5: {  	_ =	strace $0x9000004B  }
0xb6: {  	_ =	sfence  }
0xb7: {  	s30 =	sld [smem:$0x0];
	_ =	sdelay $0x2  }
0xb8: {  	s31 =	sshll.u32 s1, $0xD;
	s1 =	sshrl.u32 s1, $0x2  }
0xb9: {  	s3 =	sand.u32 $0x4000, s31;
	s1 =	sadd.s32 s1, s30  }
0xba: {  	s0 =	sor.u32 s3, s0;
	s1 =	sshll.u32 s1, $0x11  }
0xbb: {  	s0 =	sor.u32 s1, s0  }
0xbc: {  	s0 =	sadd.s32 $0x8F2B, s0  }
0xbd: {  	[sflag:s0] =	ssyncadd.remote.s32 $0x1  }
0xbe: {  	_ =	sfence.sel $0xFFFF  }
0xbf: {  	[dreg:$0x0] =	wrdreg $0xFFFFFFFF;
	(pc) =	sbr.abs _section_cstart, $3  }
0xc0: {  	[dreg:$0x1] =	wrdreg $0xFFFFFFFF  }
0xc1: {  	_ =	task.clear_ibuf [dreg:s7], $0x2FFFF;
	_ =	strace $0x9FFFFFFF  }
0xc2: {  	(tm) =	ssettm $0x7FFFFFFF  }
0xc3: {  	_ =	shalt  }
tec
execute0_lowered:
.L_overlay_start_1:
0x0: {  	(tag) =	ssettag $0x1  }
0x1: {  	s0 =	rddreg [dreg:$0x0];
	s1 =	srdreg.scid  }
0x2: {  	s11 =	stileid.u32;
	s2 =	rddreg [dreg:$0x1];
	s3 =	simm.s32 $0x0  }
0x3: {  	s16 =	simm.s32 $0x200;
	s28 =	simm.s32 $0x5;
	s7 =	smul.u32 $0x640000, s11  }
0x4: {  	s29 =	simm.s32 $0x6;
	s30 =	simm.s32 $0x7;
	s9 =	smul.u32 $0x32000, s11  }
0x5: {  	s31 =	simm.s32 $0x8;
	s1 =	sand.u32 $0x1, s1;
	s21 =	smul.u32 $0x190, s11  }
0x6: {  	s4 =	sshll.u32 s11, $0x1;
	[smem:$0x7FF] =	sst s3;
	s18 =	smul.u32 $0x320000, s1  }
0x7: {  	s6 =	sadd.s32 $0xE00, s0;
	s0 =	sadd.s32 $0x64E00, s0;
	s19 =	smul.u32 $0x19000, s1  }
0x8: {  	s4 =	sor.u32 s1, s4;
	s8 =	ssub.s32 $0x2, s1;
	s1 =	smul.u32 $0xC8, s1  }
0x9: {  	s5 =	smul.u32 $0x19000, s4;
	s4 =	sshll.u32 s4, $0xC;
	s10 =	sshrl.u32 s8, $0x1  }
0xa: {  	_ =	strace $0x8000004A;
	s4 =	sand.u32 $0x3000, s4;
	s8 =	ssub.s32 s8, s10  }
0xb: {  	s1 =	sadd.s32 s1, s21;
	s21 =	simm.s32 $0x2;
	s5 =	sand.u32 $0x3FC000, s5  }
0xc: {  	s8 =	smax.u32 s8, $0x1;
	s1 =	sshll.u32 s1, $0x6;
	s4 =	sor.u32 s4, s5  }
0xd: {  	[dreg:$0x7] =	wrdreg s8;
	s5 =	sadd.s32 s18, s7;
	s1 =	sadd.s32 s1, s6  }
0xe: {  	s18 =	simm.s32 $0x600;
	s7 =	simm.s32 $0x0;
	s4 =	sshrl.u32 s4, $0x3  }
0xf: {  	s5 =	sshrl.u32 s5, $0x3;
	s24 =	sadd.s32 $0x1C0, s1;
	s25 =	sadd.s32 $0x180, s1  }
0x10: {  	s26 =	sadd.s32 $0x100, s1;
	s1 =	simm.s32 $0x9;
	[dreg:$0x8] =	wrdreg s24  }
0x11: {  	s12 =	sadd.s32 s6, s4;
	s4 =	sadd.s32 s19, s9;
	[dreg:$0x9] =	wrdreg s25  }
0x12: {  	s9 =	sadd.s32 s5, s0;
	[dreg:$0xa] =	wrdreg s26;
	s24 =	simm.s32 $0x8800  }
0x13: {  	s25 =	simm.s32 $0x4;
	s26 =	simm.s32 $0xC800;
	s5 =	simm.s32 $0xB  }
0x14: {  	s6 =	simm.s32 $0xC;
	s20 =	sadd.s32 $0x40, s12;
	[dreg:$0x3] =	wrdreg s12  }
.Ltmp0:
0x15: {  	s22 =	sadd.s32 $0x80, s12;
	[dreg:$0x4] =	wrdreg s20;
	(pc) =	sbr.rel .LBB2_1-.Ltmp0, $4  }
0x16: {  	s23 =	sadd.s32 $0xC0, s12;
	s4 =	sshll.u32 s4, $0x2;
	[dreg:$0x5] =	wrdreg s22  }
0x17: {  	[dreg:$0x6] =	wrdreg s23;
	s0 =	sadd.s32 s4, s0;
	s20 =	simm.s32 $0x800  }
0x18: {  	s22 =	simm.s32 $0x4800;
	s23 =	simm.s32 $0x3;
	s10 =	sadd.s32 $0x1800, s0  }
0x19: {  	s11 =	sadd.s32 $0x1000, s0;
	s12 =	sadd.s32 $0x800, s0;
	s0 =	simm.s32 $0xA  }
.LBB2_4:
0x1a: {  	_ =	swait.ge [sflag:s1], $0x4000  }
0x1b: {  	[sflag:s1] =	ssyncset.done $0x0  }
0x1c: {  	[sflag:s1] =	ssyncadd.s32 $0xFFFFC000  }
0x1d: {  	_ =	swait.ge [sflag:s0], $0x4000  }
0x1e: {  	[sflag:s0] =	ssyncset.done $0x0  }
0x1f: {  	[sflag:s0] =	ssyncadd.s32 $0xFFFFC000  }
0x20: {  	_ =	swait.ge [sflag:s5], $0x4000  }
0x21: {  	[sflag:s5] =	ssyncset.done $0x0  }
0x22: {  	[sflag:s5] =	ssyncadd.s32 $0xFFFFC000  }
0x23: {  	_ =	swait.ge [sflag:s6], $0x4000  }
0x24: {  	s7 =	sadd.s32 $0x1, s7;
	s4 =	rddreg [dreg:$0x7]  }
0x25: {  	p0 =	sne.s32 s7, s4  }
.Ltmp1:
0x26: {  	_ = 	snop;
	(pc) =	sbr.rel @!p0 .LBB2_5-.Ltmp1, $3  }
0x27: {  	_ =	sdelay $0x1  }
0x28: {  	[sflag:s6] =	ssyncset.done $0x0  }
0x29: {  	[sflag:s6] =	ssyncadd.s32 $0xFFFFC000  }
.LBB2_1:
0x2a: {  	s4 =	rddreg [dreg:$0x3]  }
0x2b: {  	[tilespmem:s3], [sflag:$0x1] =	stream.linear.gather [hbm4b:s4+s3], $0x200, $0x38;
	[tilespmem:$0x10800] =	vst v63  }
0x2c: {  	s14 =	rddreg [dreg:$0x4]  }
0x2d: {  	[tilespmem:s16], [sflag:$0x2] =	stream.linear.gather [hbm4b:s14+s3], $0x200, $0x38;
	[tilespmem:$0x10800] =	vst v63  }
0x2e: {  	s15 =	rddreg [dreg:$0x5];
	s8 =	simm.s32 $0x400  }
0x2f: {  	[tilespmem:s8], [sflag:$0x3] =	stream.linear.gather [hbm4b:s15+s3], $0x200, $0x38;
	[tilespmem:$0x10800] =	vst v63  }
0x30: {  	s17 =	rddreg [dreg:$0x6];
	s19 =	simm.s32 $0x1  }
0x31: {  	[tilespmem:s18], [sflag:$0x4] =	stream.linear.gather [hbm4b:s17+s3], $0x200, $0x38;
	[tilespmem:$0x10800] =	vst v63  }
0x32: {  	_ =	swait.ge [sflag:s19], $0x200  }
0x33: {  	[sflag:s19] =	ssyncset.done $0x0  }
0x34: {  	[sflag:s19] =	ssyncadd.s32 $0xFFFFFE00  }
0x35: {  	[tilespmem:s20], [sflag:$0x5] =	stream.indirect.gather [hbm4b:s2+s16], $0x20, s3, s16, $0xb8;
	[tilespmem:$0x10800] =	vst v63  }
0x36: {  	_ =	swait.ge [sflag:s21], $0x200  }
0x37: {  	[sflag:s21] =	ssyncset.done $0x0  }
0x38: {  	[sflag:s21] =	ssyncadd.s32 $0xFFFFFE00  }
0x39: {  	[tilespmem:s22], [sflag:$0x6] =	stream.indirect.gather [hbm4b:s2+s16], $0x20, s16, s16, $0xb8;
	[tilespmem:$0x10800] =	vst v63  }
0x3a: {  	_ =	swait.ge [sflag:s23], $0x200  }
0x3b: {  	[sflag:s23] =	ssyncset.done $0x0  }
0x3c: {  	[sflag:s23] =	ssyncadd.s32 $0xFFFFFE00  }
0x3d: {  	[tilespmem:s24], [sflag:$0x7] =	stream.indirect.gather [hbm4b:s2+s16], $0x20, s8, s16, $0xb8;
	[tilespmem:$0x10800] =	vst v63  }
0x3e: {  	_ =	swait.ge [sflag:s25], $0x200  }
0x3f: {  	s15 =	rddreg [dreg:$0xa]  }
0x40: {  	[sflag:s25] =	ssyncset.done $0x0;
	s14 =	rddreg [dreg:$0x9]  }
0x41: {  	s17 =	simm.s32 $0x0;
	s13 =	rddreg [dreg:$0x8];
	[sflag:s25] =	ssyncadd.s32 $0xFFFFFE00  }
0x42: {  	[tilespmem:s26], [sflag:$0x8] =	stream.indirect.gather [hbm4b:s2+s16], $0x20, s18, s16, $0xb8;
	[tilespmem:$0x10800] =	vst v63  }
.LBB2_2:
0x43: {  	_ =	swait.ge [sflag:s28], $0x4000  }
0x44: {  	[sflag:s28] =	ssyncset.done $0x0  }
0x45: {  	s4 =	sadd.s32 s17, s9;
	p0 =	seq.s32 s17, $0x62000;
	[sflag:s28] =	ssyncadd.s32 $0xFFFFC000  }
0x46: {  	[hbm4b:s4+s3] =	stream.linear.scatter [tilespmem:s20], [sflag:$0x9], $0x4000, $0x38;
	[tilespmem:$0x10800] =	vst v63  }
0x47: {  	s8 =	simm.s32 @!p0 $0x1;
	s4 =	simm.s32 @!p0 $0x0  }
0x48: {  	[tilespmem:s4], [sflag:$0x1] =	stream.linear.gather @!p0 [hbm4b:s15+s4], $0x200, $0x38;
	[tilespmem:$0x10800] =	vst v63  }
0x49: {  	_ =	swait.ge @!p0 [sflag:s8], $0x200  }
0x4a: {  	[sflag:s8] =	ssyncset.done @!p0 $0x0  }
0x4b: {  	[sflag:s8] =	ssyncadd.s32 @!p0 $0xFFFFFE00;
	s8 =	simm.s32 @!p0 $0x9  }
0x4c: {  	_ =	swait.ge @!p0 [sflag:s8], $0x4000  }
0x4d: {  	[sflag:s8] =	ssyncset.done @!p0 $0x0  }
0x4e: {  	s19 =	simm.s32 @!p0 $0x800;
	[sflag:s8] =	ssyncadd.s32 @!p0 $0xFFFFC000;
	s8 =	simm.s32 @!p0 $0x200  }
0x4f: {  	[tilespmem:s19], [sflag:$0x5] =	stream.indirect.gather @!p0 [hbm4b:s2+s8], $0x20, s4, s8, $0xb8;
	[tilespmem:$0x10800] =	vst v63  }
0x50: {  	_ =	swait.ge [sflag:s29], $0x4000  }
0x51: {  	[sflag:s29] =	ssyncset.done $0x0  }
0x52: {  	s19 =	sadd.s32 s17, s12;
	[sflag:s29] =	ssyncadd.s32 $0xFFFFC000  }
0x53: {  	[hbm4b:s19+s3] =	stream.linear.scatter [tilespmem:s22], [sflag:$0xA], $0x4000, $0x38;
	[tilespmem:$0x10800] =	vst v63  }
0x54: {  	s19 =	sadd.s32 @!p0 $0xFFFFFF80, s13  }
0x55: {  	[tilespmem:s8], [sflag:$0x2] =	stream.linear.gather @!p0 [hbm4b:s19+s4], $0x200, $0x38;
	[tilespmem:$0x10800] =	vst v63  }
0x56: {  	s19 =	simm.s32 @!p0 $0x2  }
0x57: {  	_ =	swait.ge @!p0 [sflag:s19], $0x200  }
0x58: {  	[sflag:s19] =	ssyncset.done @!p0 $0x0  }
0x59: {  	[sflag:s19] =	ssyncadd.s32 @!p0 $0xFFFFFE00;
	s19 =	simm.s32 @!p0 $0xA  }
0x5a: {  	_ =	swait.ge @!p0 [sflag:s19], $0x4000  }
0x5b: {  	[sflag:s19] =	ssyncset.done @!p0 $0x0  }
0x5c: {  	[sflag:s19] =	ssyncadd.s32 @!p0 $0xFFFFC000;
	s19 =	simm.s32 @!p0 $0x4800  }
0x5d: {  	[tilespmem:s19], [sflag:$0x6] =	stream.indirect.gather @!p0 [hbm4b:s2+s8], $0x20, s8, s8, $0xb8;
	[tilespmem:$0x10800] =	vst v63  }
0x5e: {  	_ =	swait.ge [sflag:s30], $0x4000  }
0x5f: {  	[sflag:s30] =	ssyncset.done $0x0  }
0x60: {  	s19 =	sadd.s32 s17, s11;
	[sflag:s30] =	ssyncadd.s32 $0xFFFFC000  }
0x61: {  	[hbm4b:s19+s3] =	stream.linear.scatter [tilespmem:s24], [sflag:$0xB], $0x4000, $0x38;
	[tilespmem:$0x10800] =	vst v63  }
0x62: {  	s19 =	simm.s32 @!p0 $0x400  }
0x63: {  	[tilespmem:s19], [sflag:$0x3] =	stream.linear.gather @!p0 [hbm4b:s14+s4], $0x200, $0x38;
	[tilespmem:$0x10800] =	vst v63  }
0x64: {  	s4 =	simm.s32 @!p0 $0x3  }
0x65: {  	_ =	swait.ge @!p0 [sflag:s4], $0x200  }
0x66: {  	[sflag:s4] =	ssyncset.done @!p0 $0x0  }
0x67: {  	[sflag:s4] =	ssyncadd.s32 @!p0 $0xFFFFFE00;
	s4 =	simm.s32 @!p0 $0xB  }
0x68: {  	_ =	swait.ge @!p0 [sflag:s4], $0x4000  }
0x69: {  	[sflag:s4] =	ssyncset.done @!p0 $0x0  }
0x6a: {  	[sflag:s4] =	ssyncadd.s32 @!p0 $0xFFFFC000;
	s4 =	simm.s32 @!p0 $0x8800  }
0x6b: {  	[tilespmem:s4], [sflag:$0x7] =	stream.indirect.gather @!p0 [hbm4b:s2+s8], $0x20, s19, s8, $0xb8;
	[tilespmem:$0x10800] =	vst v63  }
.Ltmp2:
0x6c: {  	_ = 	snop;
	(pc) =	sbr.rel @p0 .LBB2_4-.Ltmp2, $4  }
0x6d: {  	_ =	swait.ge [sflag:s31], $0x4000  }
0x6e: {  	[sflag:s31] =	ssyncset.done $0x0  }
0x6f: {  	s19 =	sadd.s32 s17, s10;
	[sflag:s31] =	ssyncadd.s32 $0xFFFFC000  }
0x70: {  	[hbm4b:s19+s3] =	stream.linear.scatter [tilespmem:s26], [sflag:$0xC], $0x4000, $0x38;
	[tilespmem:$0x10800] =	vst v63  }
0x71: {  	[tilespmem:s18], [sflag:$0x4] =	stream.linear.gather [hbm4b:s13+s3], $0x200, $0x38;
	[tilespmem:$0x10800] =	vst v63  }
0x72: {  	_ =	swait.ge [sflag:s25], $0x200  }
0x73: {  	[sflag:s25] =	ssyncset.done $0x0  }
.Ltmp3:
0x74: {  	[sflag:s25] =	ssyncadd.s32 $0xFFFFFE00;
	(pc) =	sbr.rel .LBB2_2-.Ltmp3, $4  }
0x75: {  	_ =	swait.ge [sflag:s6], $0x4000  }
0x76: {  	s17 =	sadd.s32 $0x2000, s17;
	s13 =	sadd.s32 $0x100, s13;
	[sflag:s6] =	ssyncset.done $0x0  }
0x77: {  	s14 =	sadd.s32 $0x100, s14;
	s15 =	sadd.s32 $0x100, s15;
	[sflag:s6] =	ssyncadd.s32 $0xFFFFC000  }
0x78: {  	[tilespmem:s26], [sflag:$0x8] =	stream.indirect.gather [hbm4b:s2+s16], $0x20, s18, s16, $0xb8;
	[tilespmem:$0x10800] =	vst v63  }
.LBB2_5:
0x79: {  	_ =	sfence.sel $0x180000  }
0x7a: {  	[bflag:$0x0] =	sbarrier.arrive $0xFFFF  }
0x7b: {  	_ =	strace $0x9000004A  }
0x7c: {  	s0 =	stileid.u32;
	[bflag:$0x2] =	sbarrier.arrive $0xFFFF  }
0x7d: {  	p0 =	sne.s32 s0, $0x0;
	s0 =	rddreg [dreg:$0x2]  }
0x7e: {  	s0 =	sadd.s32 @!p0 $0x100000, s0  }
0x7f: {  	[sflag:s0] =	ssyncadd.tile.s32 @!p0 $0x1;
	_ =	shalt  }
.Lfunc_end2:
_tile_overlayer_lowered:
.L_overlay_start_2:
0x80: {  	(tag) =	ssettag $0x2  }
0x81: {  	s0 =	rddreg [dreg:$0x0];
	s2 =	stileid.u32  }
0x82: {  	s1 =	rddreg [dreg:$0x1];
	p0 =	sne.s32 s2, $0x0  }
0x83: {  	s3 =	rddreg [dreg:$0x2];
	[bflag:$0x3] =	sbarrier.arrive $0xFFFF;
	s2 =	simm.s32 @!p0 $0x1C0D  }
0x84: {  	[timem:s3], [sflag:s2] =	dma.local @!p0 [hbm:s0], s1  }
0x85: {  	s0 =	simm.s32 @!p0 $0xD  }
0x86: {  	_ =	swait.ge @!p0 [sflag:s0], s1  }
0x87: {  	s1 =	ssub.s32 @!p0 $0x0, s1;
	[sflag:s0] =	ssyncset.done @!p0 $0x0  }
0x88: {  	[sflag:s0] =	ssyncadd.s32 @!p0 s1  }
0x89: {  	[bflag:$0x3] =	sbarrier.arrive $0xFFFF  }
0x8a: {  	_ =	shalt  }

</sc_bundles>
